<compile_context>
chip_gen: v7x
topology: tpu7x:2x2x1
jax: 0.10.2.dev20260603
libtpu: 0.0.44.dev20260713+nightly
codegen_flags: <defaults>
</compile_context>

<pallas_src>
import functools
import jax
import jax.numpy as jnp
from jax import lax
from jax.experimental import pallas as pl
from jax.experimental.pallas import tpu as pltpu
from jax.experimental.pallas import tpu_sc as plsc

B = 4
N = 20736
WPB = 8
CHUNK = N // WPB
STEPS = CHUNK // 16
NPICK = 300
PPAD = 304
PBLK = PPAD // 16
TOPK = 32
NGT = 10
IOU_THR = 0.5

_f32 = jnp.float32
_i32 = jnp.int32

Y1O, X1O, Y2O, X2O, ARO = (k * CHUNK for k in range(5))


def _kernel_body(anch_hbm, delt_hbm, lab_hbm, gt_hbm, roi_hbm, gti_hbm,
                 av, dv, bd, sc, cand, stage, gtv,
                 picks, merged, gtid, roi_st, gti_st, shared):
    c = lax.axis_index("c")
    s = lax.axis_index("s")
    b = 2 * c + s // WPB
    part = s % WPB
    gbase = (s // WPB) * WPB
    obase = 8 - gbase
    is_leader = part == 0
    lane = lax.iota(_i32, 16)

    def _bcast(v, j):
        return v[jnp.full((16,), j, _i32)]

    def _hmax(v):
        for off in (8, 4, 2, 1):
            v = jnp.maximum(v, v[lane ^ off])
        return v

    def _hmin(v):
        for off in (8, 4, 2, 1):
            v = jnp.minimum(v, v[lane ^ off])
        return v

    def _lexmax(v, j, l):
        for off in (8, 4, 2, 1):
            pv = v[lane ^ off]
            pj = j[lane ^ off]
            pL = l[lane ^ off]
            take = (pv > v) | ((pv == v) & (pj < j))
            v = jnp.where(take, pv, v)
            j = jnp.where(take, pj, j)
            l = jnp.where(take, pL, l)
        return v, j, l

    for k in range(4):
        pltpu.sync_copy(
            anch_hbm.at[pl.ds((b * 4 + k) * N + part * CHUNK, CHUNK)],
            av.at[k])
        pltpu.sync_copy(
            delt_hbm.at[pl.ds((b * 4 + k) * N + part * CHUNK, CHUNK)],
            dv.at[k])
    pltpu.sync_copy(lab_hbm.at[pl.ds(b * N + part * CHUNK, CHUNK)], sc)

    @pl.when(is_leader)
    def _():
        pltpu.sync_copy(gt_hbm.at[pl.ds(b * 64, 64)], gtv)

    def dec(t):
        sl = pl.ds(t * 16, 16)
        a0 = av[0, sl]; a1 = av[1, sl]; a2 = av[2, sl]; a3 = av[3, sl]
        d0 = dv[0, sl]; d1 = dv[1, sl]; d2 = dv[2, sl]; d3 = dv[3, sl]
        aw = a3 - a1
        ah = a2 - a0
        acx = a1 + 0.5 * aw
        acy = a0 + 0.5 * ah
        bw = jnp.exp(d3) * aw
        bh = jnp.exp(d2) * ah
        bcx = d1 * aw + acx
        bcy = d0 * ah + acy
        y1 = bcy - 0.5 * bh
        x1 = bcx - 0.5 * bw
        y2 = bh + y1
        x2 = bw + x1
        bd[pl.ds(Y1O + t * 16, 16)] = y1
        bd[pl.ds(X1O + t * 16, 16)] = x1
        bd[pl.ds(Y2O + t * 16, 16)] = y2
        bd[pl.ds(X2O + t * 16, 16)] = x2
        bd[pl.ds(ARO + t * 16, 16)] = (
            jnp.maximum(y2 - y1, 0.0) * jnp.maximum(x2 - x1, 0.0))

    plsc.parallel_loop(0, STEPS, 1, unroll=4)(dec)

    ninf = jnp.full((16,), -jnp.inf, _f32)
    zero_i = jnp.zeros((16,), _i32)
    top2_0 = (ninf, zero_i, ninf, zero_i)

    def _top2_step(t, carry, s1):
        v1, j1, v2, j2 = carry
        jvv = t * 16 + lane
        u1 = s1 > v1
        u2 = (s1 > v2) & (~u1)
        nv2 = jnp.where(u1, v1, jnp.where(u2, s1, v2))
        nj2 = jnp.where(u1, j1, jnp.where(u2, jvv, j2))
        nv1 = jnp.where(u1, s1, v1)
        nj1 = jnp.where(u1, jvv, j1)
        return nv1, nj1, nv2, nj2

    def am0(t, carry):
        return _top2_step(t, carry, sc[pl.ds(t * 16, 16)])

    top2 = plsc.parallel_loop(0, STEPS, 1, unroll=4, carry=top2_0)(am0)

    def cond(carry):
        return carry[2] == 1

    def round_body(carry):
        i, r, _, v1, j1, v2, j2 = carry
        actives = i < NPICK
        activev = zero_i + i < NPICK

        c1v, c1j, _ = _lexmax(v1, j1, lane)
        winm = (v1 == c1v) & (j1 == c1j)
        c2v, c2j, _ = _lexmax(jnp.where(winm, v2, v1),
                              jnp.where(winm, j2, j1), lane)

        jboth = jnp.where(lane < 8, c1j, c2j)
        row = plsc.load_gather(
            bd, [jboth + CHUNK * jnp.clip((lane & 7) - 2, 0, 4)])
        row = jnp.where(lane == 0, c1v, row)
        row = jnp.where(lane == 1, (part * CHUNK + c1j).astype(_f32), row)
        row = jnp.where(lane == 7, i.astype(_f32), row)
        row = jnp.where(lane == 8, c2v, row)
        row = jnp.where(lane == 9, (part * CHUNK + c2j).astype(_f32), row)
        cand[...] = row
        p = r % 2
        pltpu.sync_copy(cand, shared.at[pl.ds(p * 256 + s * 16, 16)])
        plsc.subcore_barrier()
        pltpu.sync_copy(shared.at[pl.ds(p * 256, 256)], stage)

        base = gbase * 16 + (lane & 7) * 16 + (lane >> 3) * 8
        sv = plsc.load_gather(stage, [base])
        jv = plsc.load_gather(stage, [base + 1]).astype(_i32)
        y1v = plsc.load_gather(stage, [base + 2])
        x1v = plsc.load_gather(stage, [base + 3])
        y2v = plsc.load_gather(stage, [base + 4])
        x2v = plsc.load_gather(stage, [base + 5])
        avv = plsc.load_gather(stage, [base + 6])

        w1v, w1j, w1l = _lexmax(sv, jv, lane)
        w1y1 = y1v[w1l]; w1x1 = x1v[w1l]
        w1y2 = y2v[w1l]; w1x2 = x2v[w1l]
        w1a = avv[w1l]
        valid1 = (w1v > 0.0) & activev
        w1y1d = jnp.where(valid1, w1y1, 2.0)
        w1x1d = jnp.where(valid1, w1x1, 2.0)
        w1y2d = jnp.where(valid1, w1y2, -2.0)
        w1x2d = jnp.where(valid1, w1x2, -2.0)

        yy1 = jnp.maximum(w1y1d, y1v)
        xx1 = jnp.maximum(w1x1d, x1v)
        yy2 = jnp.minimum(w1y2d, y2v)
        xx2 = jnp.minimum(w1x2d, x2v)
        inter = jnp.maximum(yy2 - yy1, 0.0) * jnp.maximum(xx2 - xx1, 0.0)
        dead = (inter > IOU_THR * jnp.maximum(avv + w1a - inter, 1e-8)) \
            | (jv == w1j)

        w2v, w2j, w2l = _lexmax(jnp.where(dead, -jnp.inf, sv), jv, lane)
        w2y1 = y1v[w2l]; w2x1 = x1v[w2l]
        w2y2 = y2v[w2l]; w2x2 = x2v[w2l]
        w2a = avv[w2l]
        di = jnp.where(dead, 1, 0)
        pairdead = _hmax(di & di[lane ^ 8])
        ok2v = (pairdead == 0) & (zero_i + i + 1 < NPICK) & activev
        ok2s = jnp.where(ok2v, 1, 0)[0] == 1
        valid2 = (w2v > 0.0) & ok2v
        w2y1d = jnp.where(valid2, w2y1, 2.0)
        w2x1d = jnp.where(valid2, w2x1, 2.0)
        w2y2d = jnp.where(valid2, w2y2, -2.0)
        w2x2d = jnp.where(valid2, w2x2, -2.0)

        neg1 = jnp.full((16,), -1.0, _f32)
        own1 = (w1j >= part * CHUNK) & (w1j < (part + 1) * CHUNK) & activev
        plsc.store_scatter(sc, [jnp.clip(w1j - part * CHUNK, 0, CHUNK - 1)],
                           neg1, mask=own1 & (lane == 0))
        own2 = (w2j >= part * CHUNK) & (w2j < (part + 1) * CHUNK) & ok2v
        plsc.store_scatter(sc, [jnp.clip(w2j - part * CHUNK, 0, CHUNK - 1)],
                           neg1, mask=own2 & (lane == 0))

        @pl.when(is_leader)
        def _():
            px1 = jnp.where(lane == 2, w1y1, 0.0)
            px1 = jnp.where(lane == 3, w1x1, px1)
            px1 = jnp.where(lane == 4, w1y2, px1)
            px1 = jnp.where(lane == 5, w1x2, px1)
            px1 = jnp.where(valid1, px1, 0.0)
            pidx = PPAD * jnp.clip(lane - 2, 0, 3)
            lmask = (lane >= 2) & (lane < 6)
            plsc.store_scatter(picks, [i + pidx], px1,
                               mask=lmask & activev)
            px2 = jnp.where(lane == 2, w2y1, 0.0)
            px2 = jnp.where(lane == 3, w2x1, px2)
            px2 = jnp.where(lane == 4, w2y2, px2)
            px2 = jnp.where(lane == 5, w2x2, px2)
            px2 = jnp.where(valid2, px2, 0.0)
            plsc.store_scatter(picks, [i + 1 + pidx], px2,
                               mask=lmask & ok2v)

        def fs(t, carry):
            y1c = bd[pl.ds(Y1O + t * 16, 16)]
            x1c = bd[pl.ds(X1O + t * 16, 16)]
            y2c = bd[pl.ds(Y2O + t * 16, 16)]
            x2c = bd[pl.ds(X2O + t * 16, 16)]
            ac = bd[pl.ds(ARO + t * 16, 16)]
            s0 = sc[pl.ds(t * 16, 16)]
            i1 = (jnp.maximum(jnp.minimum(w1y2d, y2c)
                              - jnp.maximum(w1y1d, y1c), 0.0)
                  * jnp.maximum(jnp.minimum(w1x2d, x2c)
                                - jnp.maximum(w1x1d, x1c), 0.0))
            i2 = (jnp.maximum(jnp.minimum(w2y2d, y2c)
                              - jnp.maximum(w2y1d, y1c), 0.0)
                  * jnp.maximum(jnp.minimum(w2x2d, x2c)
                                - jnp.maximum(w2x1d, x1c), 0.0))
            supp = (i1 > IOU_THR * jnp.maximum(ac + w1a - i1, 1e-8)) \
                | (i2 > IOU_THR * jnp.maximum(ac + w2a - i2, 1e-8))
            s1 = jnp.where(supp, -1.0, s0)
            sc[pl.ds(t * 16, 16)] = s1
            return _top2_step(t, carry, s1)

        nt = plsc.parallel_loop(0, STEPS, 1, unroll=16, carry=top2_0)(fs)

        orow = stage[pl.ds(obase * 16, 16)]
        conts = (i < NPICK) | (orow[7] < float(NPICK))
        ni = jnp.where(actives, i + 1 + jnp.where(ok2s, 1, 0), i)
        return (ni, r + 1, jnp.where(conts, _i32(1), _i32(0)),
                nt[0], nt[1], nt[2], nt[3])

    lax.while_loop(cond, round_body,
                   (_i32(0), _i32(0), _i32(1),
                    top2[0], top2[1], top2[2], top2[3]))

    carry0 = (ninf, zero_i)

    @pl.when(is_leader)
    def _():
        gr_y1 = gtv[pl.ds(0, 16)]
        gr_x1 = gtv[pl.ds(16, 16)]
        gr_y2 = gtv[pl.ds(32, 16)]
        gr_x2 = gtv[pl.ds(48, 16)]

        def pc(tb, _):
            sl = pl.ds(tb * 16, 16)
            p0 = jnp.clip(picks[pl.ds(0 * PPAD + tb * 16, 16)], 0.0, 1.0)
            p1 = jnp.clip(picks[pl.ds(1 * PPAD + tb * 16, 16)], 0.0, 1.0)
            p2 = jnp.clip(picks[pl.ds(2 * PPAD + tb * 16, 16)], 0.0, 1.0)
            p3 = jnp.clip(picks[pl.ds(3 * PPAD + tb * 16, 16)], 0.0, 1.0)
            pa = jnp.maximum(p2 - p0, 0.0) * jnp.maximum(p3 - p1, 0.0)
            mg = jnp.full((16,), -1.0, _f32)
            gi = jnp.zeros((16,), _i32)
            for g in range(NGT):
                gy1 = _bcast(gr_y1, g); gx1 = _bcast(gr_x1, g)
                gy2 = _bcast(gr_y2, g); gx2 = _bcast(gr_x2, g)
                gar = (jnp.maximum(gy2 - gy1, 0.0)
                       * jnp.maximum(gx2 - gx1, 0.0))
                yy1 = jnp.maximum(p0, gy1)
                xx1 = jnp.maximum(p1, gx1)
                yy2 = jnp.minimum(p2, gy2)
                xx2 = jnp.minimum(p3, gx2)
                inter = (jnp.maximum(yy2 - yy1, 0.0)
                         * jnp.maximum(xx2 - xx1, 0.0))
                iou = inter / jnp.maximum(pa + gar - inter, 1e-8)
                upd = iou > mg
                mg = jnp.where(upd, iou, mg)
                gi = jnp.where(upd, _i32(g), gi)
            jv = tb * 16 + lane
            mg = jnp.where(jv < NPICK, mg, -2.0)
            merged[sl] = mg
            gtid[sl] = gi
            return 0

        lax.fori_loop(0, PBLK, pc, 0)

        def ext(k, _):
            def am(t, carry):
                mv, mj = carry
                v = merged[pl.ds(t * 16, 16)]
                jv = t * 16 + lane
                upd = v > mv
                return jnp.where(upd, v, mv), jnp.where(upd, jv, mj)

            mv, mj = lax.fori_loop(0, PBLK, am, carry0)
            m = _hmax(mv)
            jsel = _hmin(jnp.where(mv == m, mj, _i32(1 << 30)))
            coords = plsc.load_gather(
                picks, [jsel + PPAD * jnp.minimum(lane, 3)])
            coords = jnp.clip(coords, 0.0, 1.0)
            plsc.store_scatter(roi_st, [4 * k + lane], coords, mask=lane < 4)
            gsel = plsc.load_gather(gtid, [jsel])
            plsc.store_scatter(gti_st, [jnp.zeros((16,), _i32) + k], gsel,
                               mask=lane == 0)
            plsc.store_scatter(merged, [jsel],
                               jnp.full((16,), -3.0, _f32), mask=lane == 0)
            return 0

        lax.fori_loop(0, TOPK, ext, 0)
        pltpu.sync_copy(roi_st, roi_hbm.at[pl.ds(b * TOPK * 4, TOPK * 4)])
        pltpu.sync_copy(gti_st, gti_hbm.at[pl.ds(b * TOPK, TOPK)])


_nms_call = pl.kernel(
    _kernel_body,
    out_type=(jax.ShapeDtypeStruct((B * TOPK * 4,), _f32),
              jax.ShapeDtypeStruct((B * TOPK,), _i32)),
    mesh=plsc.VectorSubcoreMesh(core_axis_name="c", subcore_axis_name="s"),
    compiler_params=pltpu.CompilerParams(needs_layout_passes=False,
                                         use_tc_tiling_on_sc=False),
    scratch_types=[
        pltpu.VMEM((4, CHUNK), _f32),
        pltpu.VMEM((4, CHUNK), _f32),
        pltpu.VMEM((5 * CHUNK,), _f32),
        pltpu.VMEM((CHUNK,), _f32),
        pltpu.VMEM((16,), _f32),
        pltpu.VMEM((256,), _f32),
        pltpu.VMEM((64,), _f32),
        pltpu.VMEM((4 * PPAD,), _f32),
        pltpu.VMEM((PPAD,), _f32),
        pltpu.VMEM((PPAD,), _i32),
        pltpu.VMEM((TOPK * 4,), _f32),
        pltpu.VMEM((TOPK,), _i32),
        pltpu.VMEM_SHARED((2 * 16 * 16,), _f32),
    ],
)


@jax.jit
def kernel(rpn_bbox_deltas, rpn_labels, anchors, gt_boxes):
    anch_t = anchors.transpose(0, 2, 1).reshape(-1)
    delt_t = rpn_bbox_deltas.reshape(B, N, 4).transpose(0, 2, 1).reshape(-1)
    lab = rpn_labels.reshape(-1)
    gt_t = jnp.pad(gt_boxes.transpose(0, 2, 1),
                   ((0, 0), (0, 0), (0, 16 - NGT))).reshape(-1)
    roi_pos, gt_idx = _nms_call(anch_t, delt_t, lab, gt_t)
    roi = jnp.concatenate(
        [roi_pos.reshape(B, TOPK, 4), jnp.zeros((B, 128 - TOPK, 4), _f32)],
        axis=1)
    return lax.stop_gradient(roi), lax.stop_gradient(gt_idx.reshape(B, TOPK))

# --- scband reference (transcript-rebuilt; emitter-appended) ---
"""Pipeline reference for scband-ro-ibbox-62440234549453 (READ-ONLY COPY).

The authoritative reference and input builder live on the scoring server;
editing this copy changes nothing except your own understanding.
"""

import jax, jax.numpy as jnp
import numpy as np

TOTAL_POS = 32
TOTAL_NEG = 96
NMS_TOPN = 300
IOU_THRESHOLD = 0.5


def get_bboxes_from_deltas(anchors, deltas):
    all_anc_width = anchors[..., 3] - anchors[..., 1]
    all_anc_height = anchors[..., 2] - anchors[..., 0]
    all_anc_ctr_x = anchors[..., 1] + 0.5 * all_anc_width
    all_anc_ctr_y = anchors[..., 0] + 0.5 * all_anc_height
    all_bbox_width = jnp.exp(deltas[..., 3]) * all_anc_width
    all_bbox_height = jnp.exp(deltas[..., 2]) * all_anc_height
    all_bbox_ctr_x = (deltas[..., 1] * all_anc_width) + all_anc_ctr_x
    all_bbox_ctr_y = (deltas[..., 0] * all_anc_height) + all_anc_ctr_y
    y1 = all_bbox_ctr_y - (0.5 * all_bbox_height)
    x1 = all_bbox_ctr_x - (0.5 * all_bbox_width)
    y2 = all_bbox_height + y1
    x2 = all_bbox_width + x1
    return jnp.stack([y1, x1, y2, x2], axis=-1)


def iou_one_vs_all(box, boxes):
    areas = jnp.maximum(boxes[:, 2] - boxes[:, 0], 0.0) * jnp.maximum(boxes[:, 3] - boxes[:, 1], 0.0)
    barea = jnp.maximum(box[2] - box[0], 0.0) * jnp.maximum(box[3] - box[1], 0.0)
    y1 = jnp.maximum(box[0], boxes[:, 0])
    x1 = jnp.maximum(box[1], boxes[:, 1])
    y2 = jnp.minimum(box[2], boxes[:, 2])
    x2 = jnp.minimum(box[3], boxes[:, 3])
    inter = jnp.maximum(y2 - y1, 0.0) * jnp.maximum(x2 - x1, 0.0)
    return inter / jnp.maximum(areas + barea - inter, 1e-8)


def pairwise_iou(boxes_a, boxes_b):
    area_a = jnp.maximum(boxes_a[:, 2] - boxes_a[:, 0], 0.0) * jnp.maximum(boxes_a[:, 3] - boxes_a[:, 1], 0.0)
    area_b = jnp.maximum(boxes_b[:, 2] - boxes_b[:, 0], 0.0) * jnp.maximum(boxes_b[:, 3] - boxes_b[:, 1], 0.0)
    y1 = jnp.maximum(boxes_a[:, None, 0], boxes_b[None, :, 0])
    x1 = jnp.maximum(boxes_a[:, None, 1], boxes_b[None, :, 1])
    y2 = jnp.minimum(boxes_a[:, None, 2], boxes_b[None, :, 2])
    x2 = jnp.minimum(boxes_a[:, None, 3], boxes_b[None, :, 3])
    inter = jnp.maximum(y2 - y1, 0.0) * jnp.maximum(x2 - x1, 0.0)
    union = area_a[:, None] + area_b[None, :] - inter
    return inter / jnp.maximum(union, 1e-8)


def nms_single(boxes, scores):
    # boxes: [N,4], scores: [N] -> [NMS_TOPN, 4] (greedy class-agnostic NMS, iou_thr=0.5, clipped to [0,1])
    def body(i, carry):
        scores_c, out_boxes = carry
        idx = jnp.argmax(scores_c)
        valid = scores_c[idx] > 0.0
        box = boxes[idx]
        out_boxes = out_boxes.at[i].set(jnp.where(valid, box, jnp.zeros((4,), jnp.float32)))
        ious = iou_one_vs_all(box, boxes)
        suppress = (ious > IOU_THRESHOLD) & valid
        scores_c = jnp.where(suppress, -1.0, scores_c)
        scores_c = scores_c.at[idx].set(-1.0)
        return (scores_c, out_boxes)

    out_boxes = jnp.zeros((NMS_TOPN, 4), jnp.float32)
    _, out_boxes = jax.lax.fori_loop(0, NMS_TOPN, body, (scores, out_boxes))
    return jnp.clip(out_boxes, 0.0, 1.0)


def selected_indices_single(nms_bboxes, gt_boxes):
    iou_map = pairwise_iou(nms_bboxes, gt_boxes)  # [NMS_TOPN, n_gt]
    max_indices_each_gt = jnp.argmax(iou_map, axis=1).astype(jnp.int32)
    merged_iou = jnp.max(iou_map, axis=1)
    sorted_idx = jnp.argsort(-merged_iou).astype(jnp.int32)
    pos_bbox_indices = sorted_idx[:TOTAL_POS]
    gt_box_indices = max_indices_each_gt[pos_bbox_indices]
    return pos_bbox_indices, gt_box_indices


def setup_inputs(seed: int = 0) -> dict:
    key = jax.random.key(seed)
    k1, k2, k3, k4 = jax.random.split(key, 4)
    rpn_bbox_deltas = jax.random.normal(k1, (4, 48, 48, 36), dtype=jnp.float32)
    rpn_labels = jax.random.uniform(k2, (4, 48, 48, 9), dtype=jnp.float32)
    anchors = jax.random.uniform(k3, (4, 20736, 4), dtype=jnp.float32)
    gt_boxes = jax.random.uniform(k4, (4, 10, 4), dtype=jnp.float32)
    return {"rpn_bbox_deltas": rpn_bbox_deltas, "rpn_labels": rpn_labels, "anchors": anchors, "gt_boxes": gt_boxes}


def reference(rpn_bbox_deltas, rpn_labels, anchors, gt_boxes):
    batch_size = anchors.shape[0]
    total_anchors = anchors.shape[1]
    deltas = rpn_bbox_deltas.reshape(batch_size, total_anchors, 4)
    labels = rpn_labels.reshape(batch_size, total_anchors)
    rpn_bboxes = get_bboxes_from_deltas(anchors, deltas)
    nms_bboxes = jax.vmap(nms_single)(rpn_bboxes, labels)
    pos_idx, gt_box_indices = jax.vmap(selected_indices_single)(nms_bboxes, gt_boxes)
    pos_roi_bboxes = jnp.take_along_axis(nms_bboxes, pos_idx[:, :, None], axis=1)
    neg_roi_bboxes = jnp.zeros((batch_size, TOTAL_NEG, 4), jnp.float32)
    roi_bboxes = jnp.concatenate([pos_roi_bboxes, neg_roi_bboxes], axis=1)
    return (jax.lax.stop_gradient(roi_bboxes), jax.lax.stop_gradient(gt_box_indices))

if __name__ == "__main__":
    import jax
    _d = setup_inputs()
    print(jax.jit(kernel)(*tuple(_d.values())))

</pallas_src>

<mosaic_0001>
#map = affine_map<(d0, d1) -> (0)>
module attributes {stable_mosaic.version = 14 : i64} {
  func.func @_kernel_body(%arg0: i32, %arg1: i32, %arg2: memref<331776xf32, #tpu.memory_space<hbm>>, %arg3: memref<331776xf32, #tpu.memory_space<hbm>>, %arg4: memref<82944xf32, #tpu.memory_space<hbm>>, %arg5: memref<256xf32, #tpu.memory_space<hbm>>, %arg6: memref<512xf32, #tpu.memory_space<hbm>>, %arg7: memref<128xi32, #tpu.memory_space<hbm>>, %arg8: memref<4x2592xf32, #tpu.memory_space<vmem>>, %arg9: memref<4x2592xf32, #tpu.memory_space<vmem>>, %arg10: memref<12960xf32, #tpu.memory_space<vmem>>, %arg11: memref<2592xf32, #tpu.memory_space<vmem>>, %arg12: memref<16xf32, #tpu.memory_space<vmem>>, %arg13: memref<256xf32, #tpu.memory_space<vmem>>, %arg14: memref<64xf32, #tpu.memory_space<vmem>>, %arg15: memref<1216xf32, #tpu.memory_space<vmem>>, %arg16: memref<304xf32, #tpu.memory_space<vmem>>, %arg17: memref<304xi32, #tpu.memory_space<vmem>>, %arg18: memref<128xf32, #tpu.memory_space<vmem>>, %arg19: memref<32xi32, #tpu.memory_space<vmem>>, %arg20: memref<512xf32, #tpu.memory_space<vmem_shared>>) attributes {dimension_semantics = [#tpu.dimension_semantics<core_parallel>, #tpu.dimension_semantics<subcore_parallel>], iteration_bounds = array<i64: 2, 16>, scalar_prefetch = 0 : i64, scratch_operands = 13 : i64, tpu.core_type = #tpu.core_type<sc_vector_subcore>, window_params = [{transform_indices = #map}, {transform_indices = #map}, {transform_indices = #map}, {transform_indices = #map}, {transform_indices = #map}, {transform_indices = #map}]} {
    %mul3A = arith.constant 2 : i32
    %mul3A_0 = arith.muli %mul3A, %arg0 : i32
    %jit3A = arith.constant 8 : i32
    %div3A = arith.divsi %arg1, %jit3A : i32
    %sign3A = arith.constant 0 : i32
    %sign3A_1 = arith.cmpi sgt, %arg1, %sign3A : i32
    %sign3A_2 = arith.extui %sign3A_1 : i1 to i32
    %sign3A_3 = arith.constant 0 : i32
    %sign3A_4 = arith.cmpi slt, %arg1, %sign3A_3 : i32
    %sign3A_5 = arith.extui %sign3A_4 : i1 to i32
    %sign3A_6 = arith.subi %sign3A_2, %sign3A_5 : i32
    %sign3A_7 = arith.constant 0 : i32
    %sign3A_8 = arith.cmpi sgt, %jit3A, %sign3A_7 : i32
    %sign3A_9 = arith.extui %sign3A_8 : i1 to i32
    %sign3A_10 = arith.constant 0 : i32
    %sign3A_11 = arith.cmpi slt, %jit3A, %sign3A_10 : i32
    %sign3A_12 = arith.extui %sign3A_11 : i1 to i32
    %sign3A_13 = arith.subi %sign3A_9, %sign3A_12 : i32
    %ne3A = arith.cmpi ne, %sign3A_6, %sign3A_13 : i32
    %rem3A = arith.remsi %arg1, %jit3A : i32
    %ne3A_14 = arith.constant 0 : i32
    %ne3A_15 = arith.cmpi ne, %rem3A, %ne3A_14 : i32
    %and3A = arith.andi %ne3A, %ne3A_15 : i1
    %sub3A = arith.constant 1 : i32
    %sub3A_16 = arith.subi %div3A, %sub3A : i32
    %select_n3A = arith.select %and3A, %sub3A_16, %div3A : i32
    %add3A = arith.addi %mul3A_0, %select_n3A : i32
    %jit3A_17 = arith.constant 8 : i32
    %eq3A = arith.constant 0 : i32
    %eq3A_18 = arith.cmpi eq, %jit3A_17, %eq3A : i32
    %jit3A_19 = arith.constant 1 : i32
    %select_n3A_20 = arith.select %eq3A_18, %jit3A_19, %jit3A_17 : i32
    %rem3A_21 = arith.remsi %arg1, %select_n3A_20 : i32
    %ne3A_22 = arith.constant 0 : i32
    %ne3A_23 = arith.cmpi ne, %rem3A_21, %ne3A_22 : i32
    %lt3A = arith.constant 0 : i32
    %lt3A_24 = arith.cmpi slt, %rem3A_21, %lt3A : i32
    %lt3A_25 = arith.constant 0 : i32
    %lt3A_26 = arith.cmpi slt, %select_n3A_20, %lt3A_25 : i32
    %ne3A_27 = arith.xori %lt3A_24, %lt3A_26 : i1
    %and3A_28 = arith.andi %ne3A_27, %ne3A_23 : i1
    %add3A_29 = arith.addi %rem3A_21, %select_n3A_20 : i32
    %select_n3A_30 = arith.select %and3A_28, %add3A_29, %rem3A_21 : i32
    %jit3A_31 = arith.constant 8 : i32
    %div3A_32 = arith.divsi %arg1, %jit3A_31 : i32
    %sign3A_33 = arith.constant 0 : i32
    %sign3A_34 = arith.cmpi sgt, %arg1, %sign3A_33 : i32
    %sign3A_35 = arith.extui %sign3A_34 : i1 to i32
    %sign3A_36 = arith.constant 0 : i32
    %sign3A_37 = arith.cmpi slt, %arg1, %sign3A_36 : i32
    %sign3A_38 = arith.extui %sign3A_37 : i1 to i32
    %sign3A_39 = arith.subi %sign3A_35, %sign3A_38 : i32
    %sign3A_40 = arith.constant 0 : i32
    %sign3A_41 = arith.cmpi sgt, %jit3A_31, %sign3A_40 : i32
    %sign3A_42 = arith.extui %sign3A_41 : i1 to i32
    %sign3A_43 = arith.constant 0 : i32
    %sign3A_44 = arith.cmpi slt, %jit3A_31, %sign3A_43 : i32
    %sign3A_45 = arith.extui %sign3A_44 : i1 to i32
    %sign3A_46 = arith.subi %sign3A_42, %sign3A_45 : i32
    %ne3A_47 = arith.cmpi ne, %sign3A_39, %sign3A_46 : i32
    %rem3A_48 = arith.remsi %arg1, %jit3A_31 : i32
    %ne3A_49 = arith.constant 0 : i32
    %ne3A_50 = arith.cmpi ne, %rem3A_48, %ne3A_49 : i32
    %and3A_51 = arith.andi %ne3A_47, %ne3A_50 : i1
    %sub3A_52 = arith.constant 1 : i32
    %sub3A_53 = arith.subi %div3A_32, %sub3A_52 : i32
    %select_n3A_54 = arith.select %and3A_51, %sub3A_53, %div3A_32 : i32
    %mul3A_55 = arith.constant 8 : i32
    %mul3A_56 = arith.muli %select_n3A_54, %mul3A_55 : i32
    %sub3A_57 = arith.constant 8 : i32
    %sub3A_58 = arith.subi %sub3A_57, %mul3A_56 : i32
    %eq3A_59 = arith.constant 0 : i32
    %eq3A_60 = arith.cmpi eq, %select_n3A_30, %eq3A_59 : i32
    %iota3A = tpu.iota {dimensions = array<i32: 0>} : vector<16xi32>
    %mul3A_61 = arith.constant 4 : i32
    %mul3A_62 = arith.muli %add3A, %mul3A_61 : i32
    %add3A_63 = arith.constant 0 : i32
    %add3A_64 = arith.addi %mul3A_62, %add3A_63 : i32
    %mul3A_65 = arith.constant 20736 : i32
    %mul3A_66 = arith.muli %add3A_64, %mul3A_65 : i32
    %mul3A_67 = arith.constant 2592 : i32
    %mul3A_68 = arith.muli %select_n3A_30, %mul3A_67 : i32
    %add3A_69 = arith.addi %mul3A_66, %mul3A_68 : i32
    %run_scoped3A = arith.constant 0 : i32
    "tpu.region"() ({
      %run_scoped3A_161 = tpu.sem_alloc : memref<!tpu.dma_semaphore, #tpu.memory_space<semaphore_mem>>
      %dma_start3A = arith.constant 0 : i32
      %dma_start3A_162 = tpu.memref_slice %arg8[%run_scoped3A, %dma_start3A] : memref<4x2592xf32, #tpu.memory_space<vmem>> -> memref<1x2592xf32, #tpu.memory_space<vmem>>
      %dma_start3A_163 = tpu.memref_squeeze %dma_start3A_162 : memref<1x2592xf32, #tpu.memory_space<vmem>> -> memref<2592xf32, #tpu.memory_space<vmem>>
      %dma_start3A_164 = tpu.memref_slice %arg2[%add3A_69] : memref<331776xf32, #tpu.memory_space<hbm>> -> memref<2592xf32, #tpu.memory_space<hbm>>
      %dma_start3A_165 = arith.constant 0 : i32
      %dma_start3A_166 = tpu.memref_slice %arg8[%run_scoped3A, %dma_start3A_165] : memref<4x2592xf32, #tpu.memory_space<vmem>> -> memref<1x2592xf32, #tpu.memory_space<vmem>>
      %dma_start3A_167 = tpu.memref_squeeze %dma_start3A_166 : memref<1x2592xf32, #tpu.memory_space<vmem>> -> memref<2592xf32, #tpu.memory_space<vmem>>
      %dma_start3A_168 = tpu.memref_slice %arg2[%add3A_69] : memref<331776xf32, #tpu.memory_space<hbm>> -> memref<2592xf32, #tpu.memory_space<hbm>>
      tpu.enqueue_dma source(%dma_start3A_168 : memref<2592xf32, #tpu.memory_space<hbm>>) target(%dma_start3A_167 : memref<2592xf32, #tpu.memory_space<vmem>>) target_semaphore(%run_scoped3A_161 : memref<!tpu.dma_semaphore, #tpu.memory_space<semaphore_mem>>)
      %dma_wait3A = arith.constant 0 : i32
      %dma_wait3A_169 = tpu.memref_slice %arg8[%run_scoped3A, %dma_wait3A] : memref<4x2592xf32, #tpu.memory_space<vmem>> -> memref<1x2592xf32, #tpu.memory_space<vmem>>
      %dma_wait3A_170 = tpu.memref_squeeze %dma_wait3A_169 : memref<1x2592xf32, #tpu.memory_space<vmem>> -> memref<2592xf32, #tpu.memory_space<vmem>>
      %dma_wait3A_171 = tpu.memref_slice %arg2[%add3A_69] : memref<331776xf32, #tpu.memory_space<hbm>> -> memref<2592xf32, #tpu.memory_space<hbm>>
      %dma_wait3A_172 = arith.constant 0 : i32
      %dma_wait3A_173 = tpu.memref_slice %arg8[%run_scoped3A, %dma_wait3A_172] : memref<4x2592xf32, #tpu.memory_space<vmem>> -> memref<1x2592xf32, #tpu.memory_space<vmem>>
      %dma_wait3A_174 = tpu.memref_squeeze %dma_wait3A_173 : memref<1x2592xf32, #tpu.memory_space<vmem>> -> memref<2592xf32, #tpu.memory_space<vmem>>
      %dma_wait3A_175 = tpu.memref_slice %arg2[%add3A_69] : memref<331776xf32, #tpu.memory_space<hbm>> -> memref<2592xf32, #tpu.memory_space<hbm>>
      tpu.wait_dma2 semaphore(%run_scoped3A_161 : memref<!tpu.dma_semaphore, #tpu.memory_space<semaphore_mem>>) src(%dma_wait3A_175 : memref<2592xf32, #tpu.memory_space<hbm>>) dst(%dma_wait3A_174 : memref<2592xf32, #tpu.memory_space<vmem>>)
      tpu.yield
    }) : () -> ()
    %mul3A_70 = arith.constant 4 : i32
    %mul3A_71 = arith.muli %add3A, %mul3A_70 : i32
    %add3A_72 = arith.constant 0 : i32
    %add3A_73 = arith.addi %mul3A_71, %add3A_72 : i32
    %mul3A_74 = arith.constant 20736 : i32
    %mul3A_75 = arith.muli %add3A_73, %mul3A_74 : i32
    %mul3A_76 = arith.constant 2592 : i32
    %mul3A_77 = arith.muli %select_n3A_30, %mul3A_76 : i32
    %add3A_78 = arith.addi %mul3A_75, %mul3A_77 : i32
    %run_scoped3A_79 = arith.constant 0 : i32
    "tpu.region"() ({
      %run_scoped3A_161 = tpu.sem_alloc : memref<!tpu.dma_semaphore, #tpu.memory_space<semaphore_mem>>
      %dma_start3A = arith.constant 0 : i32
      %dma_start3A_162 = tpu.memref_slice %arg9[%run_scoped3A_79, %dma_start3A] : memref<4x2592xf32, #tpu.memory_space<vmem>> -> memref<1x2592xf32, #tpu.memory_space<vmem>>
      %dma_start3A_163 = tpu.memref_squeeze %dma_start3A_162 : memref<1x2592xf32, #tpu.memory_space<vmem>> -> memref<2592xf32, #tpu.memory_space<vmem>>
      %dma_start3A_164 = tpu.memref_slice %arg3[%add3A_78] : memref<331776xf32, #tpu.memory_space<hbm>> -> memref<2592xf32, #tpu.memory_space<hbm>>
      %dma_start3A_165 = arith.constant 0 : i32
      %dma_start3A_166 = tpu.memref_slice %arg9[%run_scoped3A_79, %dma_start3A_165] : memref<4x2592xf32, #tpu.memory_space<vmem>> -> memref<1x2592xf32, #tpu.memory_space<vmem>>
      %dma_start3A_167 = tpu.memref_squeeze %dma_start3A_166 : memref<1x2592xf32, #tpu.memory_space<vmem>> -> memref<2592xf32, #tpu.memory_space<vmem>>
      %dma_start3A_168 = tpu.memref_slice %arg3[%add3A_78] : memref<331776xf32, #tpu.memory_space<hbm>> -> memref<2592xf32, #tpu.memory_space<hbm>>
      tpu.enqueue_dma source(%dma_start3A_168 : memref<2592xf32, #tpu.memory_space<hbm>>) target(%dma_start3A_167 : memref<2592xf32, #tpu.memory_space<vmem>>) target_semaphore(%run_scoped3A_161 : memref<!tpu.dma_semaphore, #tpu.memory_space<semaphore_mem>>)
      %dma_wait3A = arith.constant 0 : i32
      %dma_wait3A_169 = tpu.memref_slice %arg9[%run_scoped3A_79, %dma_wait3A] : memref<4x2592xf32, #tpu.memory_space<vmem>> -> memref<1x2592xf32, #tpu.memory_space<vmem>>
      %dma_wait3A_170 = tpu.memref_squeeze %dma_wait3A_169 : memref<1x2592xf32, #tpu.memory_space<vmem>> -> memref<2592xf32, #tpu.memory_space<vmem>>
      %dma_wait3A_171 = tpu.memref_slice %arg3[%add3A_78] : memref<331776xf32, #tpu.memory_space<hbm>> -> memref<2592xf32, #tpu.memory_space<hbm>>
      %dma_wait3A_172 = arith.constant 0 : i32
      %dma_wait3A_173 = tpu.memref_slice %arg9[%run_scoped3A_79, %dma_wait3A_172] : memref<4x2592xf32, #tpu.memory_space<vmem>> -> memref<1x2592xf32, #tpu.memory_space<vmem>>
      %dma_wait3A_174 = tpu.memref_squeeze %dma_wait3A_173 : memref<1x2592xf32, #tpu.memory_space<vmem>> -> memref<2592xf32, #tpu.memory_space<vmem>>
      %dma_wait3A_175 = tpu.memref_slice %arg3[%add3A_78] : memref<331776xf32, #tpu.memory_space<hbm>> -> memref<2592xf32, #tpu.memory_space<hbm>>
      tpu.wait_dma2 semaphore(%run_scoped3A_161 : memref<!tpu.dma_semaphore, #tpu.memory_space<semaphore_mem>>) src(%dma_wait3A_175 : memref<2592xf32, #tpu.memory_space<hbm>>) dst(%dma_wait3A_174 : memref<2592xf32, #tpu.memory_space<vmem>>)
      tpu.yield
    }) : () -> ()
    %mul3A_80 = arith.constant 4 : i32
    %mul3A_81 = arith.muli %add3A, %mul3A_80 : i32
    %add3A_82 = arith.constant 1 : i32
    %add3A_83 = arith.addi %mul3A_81, %add3A_82 : i32
    %mul3A_84 = arith.constant 20736 : i32
    %mul3A_85 = arith.muli %add3A_83, %mul3A_84 : i32
    %mul3A_86 = arith.constant 2592 : i32
    %mul3A_87 = arith.muli %select_n3A_30, %mul3A_86 : i32
    %add3A_88 = arith.addi %mul3A_85, %mul3A_87 : i32
    %run_scoped3A_89 = arith.constant 1 : i32
    "tpu.region"() ({
      %run_scoped3A_161 = tpu.sem_alloc : memref<!tpu.dma_semaphore, #tpu.memory_space<semaphore_mem>>
      %dma_start3A = arith.constant 0 : i32
      %dma_start3A_162 = tpu.memref_slice %arg8[%run_scoped3A_89, %dma_start3A] : memref<4x2592xf32, #tpu.memory_space<vmem>> -> memref<1x2592xf32, #tpu.memory_space<vmem>>
      %dma_start3A_163 = tpu.memref_squeeze %dma_start3A_162 : memref<1x2592xf32, #tpu.memory_space<vmem>> -> memref<2592xf32, #tpu.memory_space<vmem>>
      %dma_start3A_164 = tpu.memref_slice %arg2[%add3A_88] : memref<331776xf32, #tpu.memory_space<hbm>> -> memref<2592xf32, #tpu.memory_space<hbm>>
      %dma_start3A_165 = arith.constant 0 : i32
      %dma_start3A_166 = tpu.memref_slice %arg8[%run_scoped3A_89, %dma_start3A_165] : memref<4x2592xf32, #tpu.memory_space<vmem>> -> memref<1x2592xf32, #tpu.memory_space<vmem>>
      %dma_start3A_167 = tpu.memref_squeeze %dma_start3A_166 : memref<1x2592xf32, #tpu.memory_space<vmem>> -> memref<2592xf32, #tpu.memory_space<vmem>>
      %dma_start3A_168 = tpu.memref_slice %arg2[%add3A_88] : memref<331776xf32, #tpu.memory_space<hbm>> -> memref<2592xf32, #tpu.memory_space<hbm>>
      tpu.enqueue_dma source(%dma_start3A_168 : memref<2592xf32, #tpu.memory_space<hbm>>) target(%dma_start3A_167 : memref<2592xf32, #tpu.memory_space<vmem>>) target_semaphore(%run_scoped3A_161 : memref<!tpu.dma_semaphore, #tpu.memory_space<semaphore_mem>>)
      %dma_wait3A = arith.constant 0 : i32
      %dma_wait3A_169 = tpu.memref_slice %arg8[%run_scoped3A_89, %dma_wait3A] : memref<4x2592xf32, #tpu.memory_space<vmem>> -> memref<1x2592xf32, #tpu.memory_space<vmem>>
      %dma_wait3A_170 = tpu.memref_squeeze %dma_wait3A_169 : memref<1x2592xf32, #tpu.memory_space<vmem>> -> memref<2592xf32, #tpu.memory_space<vmem>>
      %dma_wait3A_171 = tpu.memref_slice %arg2[%add3A_88] : memref<331776xf32, #tpu.memory_space<hbm>> -> memref<2592xf32, #tpu.memory_space<hbm>>
      %dma_wait3A_172 = arith.constant 0 : i32
      %dma_wait3A_173 = tpu.memref_slice %arg8[%run_scoped3A_89, %dma_wait3A_172] : memref<4x2592xf32, #tpu.memory_space<vmem>> -> memref<1x2592xf32, #tpu.memory_space<vmem>>
      %dma_wait3A_174 = tpu.memref_squeeze %dma_wait3A_173 : memref<1x2592xf32, #tpu.memory_space<vmem>> -> memref<2592xf32, #tpu.memory_space<vmem>>
      %dma_wait3A_175 = tpu.memref_slice %arg2[%add3A_88] : memref<331776xf32, #tpu.memory_space<hbm>> -> memref<2592xf32, #tpu.memory_space<hbm>>
      tpu.wait_dma2 semaphore(%run_scoped3A_161 : memref<!tpu.dma_semaphore, #tpu.memory_space<semaphore_mem>>) src(%dma_wait3A_175 : memref<2592xf32, #tpu.memory_space<hbm>>) dst(%dma_wait3A_174 : memref<2592xf32, #tpu.memory_space<vmem>>)
      tpu.yield
    }) : () -> ()
    %mul3A_90 = arith.constant 4 : i32
    %mul3A_91 = arith.muli %add3A, %mul3A_90 : i32
    %add3A_92 = arith.constant 1 : i32
    %add3A_93 = arith.addi %mul3A_91, %add3A_92 : i32
    %mul3A_94 = arith.constant 20736 : i32
    %mul3A_95 = arith.muli %add3A_93, %mul3A_94 : i32
    %mul3A_96 = arith.constant 2592 : i32
    %mul3A_97 = arith.muli %select_n3A_30, %mul3A_96 : i32
    %add3A_98 = arith.addi %mul3A_95, %mul3A_97 : i32
    %run_scoped3A_99 = arith.constant 1 : i32
    "tpu.region"() ({
      %run_scoped3A_161 = tpu.sem_alloc : memref<!tpu.dma_semaphore, #tpu.memory_space<semaphore_mem>>
      %dma_start3A = arith.constant 0 : i32
      %dma_start3A_162 = tpu.memref_slice %arg9[%run_scoped3A_99, %dma_start3A] : memref<4x2592xf32, #tpu.memory_space<vmem>> -> memref<1x2592xf32, #tpu.memory_space<vmem>>
      %dma_start3A_163 = tpu.memref_squeeze %dma_start3A_162 : memref<1x2592xf32, #tpu.memory_space<vmem>> -> memref<2592xf32, #tpu.memory_space<vmem>>
      %dma_start3A_164 = tpu.memref_slice %arg3[%add3A_98] : memref<331776xf32, #tpu.memory_space<hbm>> -> memref<2592xf32, #tpu.memory_space<hbm>>
      %dma_start3A_165 = arith.constant 0 : i32
      %dma_start3A_166 = tpu.memref_slice %arg9[%run_scoped3A_99, %dma_start3A_165] : memref<4x2592xf32, #tpu.memory_space<vmem>> -> memref<1x2592xf32, #tpu.memory_space<vmem>>
      %dma_start3A_167 = tpu.memref_squeeze %dma_start3A_166 : memref<1x2592xf32, #tpu.memory_space<vmem>> -> memref<2592xf32, #tpu.memory_space<vmem>>
      %dma_start3A_168 = tpu.memref_slice %arg3[%add3A_98] : memref<331776xf32, #tpu.memory_space<hbm>> -> memref<2592xf32, #tpu.memory_space<hbm>>
      tpu.enqueue_dma source(%dma_start3A_168 : memref<2592xf32, #tpu.memory_space<hbm>>) target(%dma_start3A_167 : memref<2592xf32, #tpu.memory_space<vmem>>) target_semaphore(%run_scoped3A_161 : memref<!tpu.dma_semaphore, #tpu.memory_space<semaphore_mem>>)
      %dma_wait3A = arith.constant 0 : i32
      %dma_wait3A_169 = tpu.memref_slice %arg9[%run_scoped3A_99, %dma_wait3A] : memref<4x2592xf32, #tpu.memory_space<vmem>> -> memref<1x2592xf32, #tpu.memory_space<vmem>>
      %dma_wait3A_170 = tpu.memref_squeeze %dma_wait3A_169 : memref<1x2592xf32, #tpu.memory_space<vmem>> -> memref<2592xf32, #tpu.memory_space<vmem>>
      %dma_wait3A_171 = tpu.memref_slice %arg3[%add3A_98] : memref<331776xf32, #tpu.memory_space<hbm>> -> memref<2592xf32, #tpu.memory_space<hbm>>
      %dma_wait3A_172 = arith.constant 0 : i32
      %dma_wait3A_173 = tpu.memref_slice %arg9[%run_scoped3A_99, %dma_wait3A_172] : memref<4x2592xf32, #tpu.memory_space<vmem>> -> memref<1x2592xf32, #tpu.memory_space<vmem>>
      %dma_wait3A_174 = tpu.memref_squeeze %dma_wait3A_173 : memref<1x2592xf32, #tpu.memory_space<vmem>> -> memref<2592xf32, #tpu.memory_space<vmem>>
      %dma_wait3A_175 = tpu.memref_slice %arg3[%add3A_98] : memref<331776xf32, #tpu.memory_space<hbm>> -> memref<2592xf32, #tpu.memory_space<hbm>>
      tpu.wait_dma2 semaphore(%run_scoped3A_161 : memref<!tpu.dma_semaphore, #tpu.memory_space<semaphore_mem>>) src(%dma_wait3A_175 : memref<2592xf32, #tpu.memory_space<hbm>>) dst(%dma_wait3A_174 : memref<2592xf32, #tpu.memory_space<vmem>>)
      tpu.yield
    }) : () -> ()
    %mul3A_100 = arith.constant 4 : i32
    %mul3A_101 = arith.muli %add3A, %mul3A_100 : i32
    %add3A_102 = arith.constant 2 : i32
    %add3A_103 = arith.addi %mul3A_101, %add3A_102 : i32
    %mul3A_104 = arith.constant 20736 : i32
    %mul3A_105 = arith.muli %add3A_103, %mul3A_104 : i32
    %mul3A_106 = arith.constant 2592 : i32
    %mul3A_107 = arith.muli %select_n3A_30, %mul3A_106 : i32
    %add3A_108 = arith.addi %mul3A_105, %mul3A_107 : i32
    %run_scoped3A_109 = arith.constant 2 : i32
    "tpu.region"() ({
      %run_scoped3A_161 = tpu.sem_alloc : memref<!tpu.dma_semaphore, #tpu.memory_space<semaphore_mem>>
      %dma_start3A = arith.constant 0 : i32
      %dma_start3A_162 = tpu.memref_slice %arg8[%run_scoped3A_109, %dma_start3A] : memref<4x2592xf32, #tpu.memory_space<vmem>> -> memref<1x2592xf32, #tpu.memory_space<vmem>>
      %dma_start3A_163 = tpu.memref_squeeze %dma_start3A_162 : memref<1x2592xf32, #tpu.memory_space<vmem>> -> memref<2592xf32, #tpu.memory_space<vmem>>
      %dma_start3A_164 = tpu.memref_slice %arg2[%add3A_108] : memref<331776xf32, #tpu.memory_space<hbm>> -> memref<2592xf32, #tpu.memory_space<hbm>>
      %dma_start3A_165 = arith.constant 0 : i32
      %dma_start3A_166 = tpu.memref_slice %arg8[%run_scoped3A_109, %dma_start3A_165] : memref<4x2592xf32, #tpu.memory_space<vmem>> -> memref<1x2592xf32, #tpu.memory_space<vmem>>
      %dma_start3A_167 = tpu.memref_squeeze %dma_start3A_166 : memref<1x2592xf32, #tpu.memory_space<vmem>> -> memref<2592xf32, #tpu.memory_space<vmem>>
      %dma_start3A_168 = tpu.memref_slice %arg2[%add3A_108] : memref<331776xf32, #tpu.memory_space<hbm>> -> memref<2592xf32, #tpu.memory_space<hbm>>
      tpu.enqueue_dma source(%dma_start3A_168 : memref<2592xf32, #tpu.memory_space<hbm>>) target(%dma_start3A_167 : memref<2592xf32, #tpu.memory_space<vmem>>) target_semaphore(%run_scoped3A_161 : memref<!tpu.dma_semaphore, #tpu.memory_space<semaphore_mem>>)
      %dma_wait3A = arith.constant 0 : i32
      %dma_wait3A_169 = tpu.memref_slice %arg8[%run_scoped3A_109, %dma_wait3A] : memref<4x2592xf32, #tpu.memory_space<vmem>> -> memref<1x2592xf32, #tpu.memory_space<vmem>>
      %dma_wait3A_170 = tpu.memref_squeeze %dma_wait3A_169 : memref<1x2592xf32, #tpu.memory_space<vmem>> -> memref<2592xf32, #tpu.memory_space<vmem>>
      %dma_wait3A_171 = tpu.memref_slice %arg2[%add3A_108] : memref<331776xf32, #tpu.memory_space<hbm>> -> memref<2592xf32, #tpu.memory_space<hbm>>
      %dma_wait3A_172 = arith.constant 0 : i32
      %dma_wait3A_173 = tpu.memref_slice %arg8[%run_scoped3A_109, %dma_wait3A_172] : memref<4x2592xf32, #tpu.memory_space<vmem>> -> memref<1x2592xf32, #tpu.memory_space<vmem>>
      %dma_wait3A_174 = tpu.memref_squeeze %dma_wait3A_173 : memref<1x2592xf32, #tpu.memory_space<vmem>> -> memref<2592xf32, #tpu.memory_space<vmem>>
      %dma_wait3A_175 = tpu.memref_slice %arg2[%add3A_108] : memref<331776xf32, #tpu.memory_space<hbm>> -> memref<2592xf32, #tpu.memory_space<hbm>>
      tpu.wait_dma2 semaphore(%run_scoped3A_161 : memref<!tpu.dma_semaphore, #tpu.memory_space<semaphore_mem>>) src(%dma_wait3A_175 : memref<2592xf32, #tpu.memory_space<hbm>>) dst(%dma_wait3A_174 : memref<2592xf32, #tpu.memory_space<vmem>>)
      tpu.yield
    }) : () -> ()
    %mul3A_110 = arith.constant 4 : i32
    %mul3A_111 = arith.muli %add3A, %mul3A_110 : i32
    %add3A_112 = arith.constant 2 : i32
    %add3A_113 = arith.addi %mul3A_111, %add3A_112 : i32
    %mul3A_114 = arith.constant 20736 : i32
    %mul3A_115 = arith.muli %add3A_113, %mul3A_114 : i32
    %mul3A_116 = arith.constant 2592 : i32
    %mul3A_117 = arith.muli %select_n3A_30, %mul3A_116 : i32
    %add3A_118 = arith.addi %mul3A_115, %mul3A_117 : i32
    %run_scoped3A_119 = arith.constant 2 : i32
    "tpu.region"() ({
      %run_scoped3A_161 = tpu.sem_alloc : memref<!tpu.dma_semaphore, #tpu.memory_space<semaphore_mem>>
      %dma_start3A = arith.constant 0 : i32
      %dma_start3A_162 = tpu.memref_slice %arg9[%run_scoped3A_119, %dma_start3A] : memref<4x2592xf32, #tpu.memory_space<vmem>> -> memref<1x2592xf32, #tpu.memory_space<vmem>>
      %dma_start3A_163 = tpu.memref_squeeze %dma_start3A_162 : memref<1x2592xf32, #tpu.memory_space<vmem>> -> memref<2592xf32, #tpu.memory_space<vmem>>
      %dma_start3A_164 = tpu.memref_slice %arg3[%add3A_118] : memref<331776xf32, #tpu.memory_space<hbm>> -> memref<2592xf32, #tpu.memory_space<hbm>>
      %dma_start3A_165 = arith.constant 0 : i32
      %dma_start3A_166 = tpu.memref_slice %arg9[%run_scoped3A_119, %dma_start3A_165] : memref<4x2592xf32, #tpu.memory_space<vmem>> -> memref<1x2592xf32, #tpu.memory_space<vmem>>
      %dma_start3A_167 = tpu.memref_squeeze %dma_start3A_166 : memref<1x2592xf32, #tpu.memory_space<vmem>> -> memref<2592xf32, #tpu.memory_space<vmem>>
      %dma_start3A_168 = tpu.memref_slice %arg3[%add3A_118] : memref<331776xf32, #tpu.memory_space<hbm>> -> memref<2592xf32, #tpu.memory_space<hbm>>
      tpu.enqueue_dma source(%dma_start3A_168 : memref<2592xf32, #tpu.memory_space<hbm>>) target(%dma_start3A_167 : memref<2592xf32, #tpu.memory_space<vmem>>) target_semaphore(%run_scoped3A_161 : memref<!tpu.dma_semaphore, #tpu.memory_space<semaphore_mem>>)
      %dma_wait3A = arith.constant 0 : i32
      %dma_wait3A_169 = tpu.memref_slice %arg9[%run_scoped3A_119, %dma_wait3A] : memref<4x2592xf32, #tpu.memory_space<vmem>> -> memref<1x2592xf32, #tpu.memory_space<vmem>>
      %dma_wait3A_170 = tpu.memref_squeeze %dma_wait3A_169 : memref<1x2592xf32, #tpu.memory_space<vmem>> -> memref<2592xf32, #tpu.memory_space<vmem>>
      %dma_wait3A_171 = tpu.memref_slice %arg3[%add3A_118] : memref<331776xf32, #tpu.memory_space<hbm>> -> memref<2592xf32, #tpu.memory_space<hbm>>
      %dma_wait3A_172 = arith.constant 0 : i32
      %dma_wait3A_173 = tpu.memref_slice %arg9[%run_scoped3A_119, %dma_wait3A_172] : memref<4x2592xf32, #tpu.memory_space<vmem>> -> memref<1x2592xf32, #tpu.memory_space<vmem>>
      %dma_wait3A_174 = tpu.memref_squeeze %dma_wait3A_173 : memref<1x2592xf32, #tpu.memory_space<vmem>> -> memref<2592xf32, #tpu.memory_space<vmem>>
      %dma_wait3A_175 = tpu.memref_slice %arg3[%add3A_118] : memref<331776xf32, #tpu.memory_space<hbm>> -> memref<2592xf32, #tpu.memory_space<hbm>>
      tpu.wait_dma2 semaphore(%run_scoped3A_161 : memref<!tpu.dma_semaphore, #tpu.memory_space<semaphore_mem>>) src(%dma_wait3A_175 : memref<2592xf32, #tpu.memory_space<hbm>>) dst(%dma_wait3A_174 : memref<2592xf32, #tpu.memory_space<vmem>>)
      tpu.yield
    }) : () -> ()
    %mul3A_120 = arith.constant 4 : i32
    %mul3A_121 = arith.muli %add3A, %mul3A_120 : i32
    %add3A_122 = arith.constant 3 : i32
    %add3A_123 = arith.addi %mul3A_121, %add3A_122 : i32
    %mul3A_124 = arith.constant 20736 : i32
    %mul3A_125 = arith.muli %add3A_123, %mul3A_124 : i32
    %mul3A_126 = arith.constant 2592 : i32
    %mul3A_127 = arith.muli %select_n3A_30, %mul3A_126 : i32
    %add3A_128 = arith.addi %mul3A_125, %mul3A_127 : i32
    %run_scoped3A_129 = arith.constant 3 : i32
    "tpu.region"() ({
      %run_scoped3A_161 = tpu.sem_alloc : memref<!tpu.dma_semaphore, #tpu.memory_space<semaphore_mem>>
      %dma_start3A = arith.constant 0 : i32
      %dma_start3A_162 = tpu.memref_slice %arg8[%run_scoped3A_129, %dma_start3A] : memref<4x2592xf32, #tpu.memory_space<vmem>> -> memref<1x2592xf32, #tpu.memory_space<vmem>>
      %dma_start3A_163 = tpu.memref_squeeze %dma_start3A_162 : memref<1x2592xf32, #tpu.memory_space<vmem>> -> memref<2592xf32, #tpu.memory_space<vmem>>
      %dma_start3A_164 = tpu.memref_slice %arg2[%add3A_128] : memref<331776xf32, #tpu.memory_space<hbm>> -> memref<2592xf32, #tpu.memory_space<hbm>>
      %dma_start3A_165 = arith.constant 0 : i32
      %dma_start3A_166 = tpu.memref_slice %arg8[%run_scoped3A_129, %dma_start3A_165] : memref<4x2592xf32, #tpu.memory_space<vmem>> -> memref<1x2592xf32, #tpu.memory_space<vmem>>
      %dma_start3A_167 = tpu.memref_squeeze %dma_start3A_166 : memref<1x2592xf32, #tpu.memory_space<vmem>> -> memref<2592xf32, #tpu.memory_space<vmem>>
      %dma_start3A_168 = tpu.memref_slice %arg2[%add3A_128] : memref<331776xf32, #tpu.memory_space<hbm>> -> memref<2592xf32, #tpu.memory_space<hbm>>
      tpu.enqueue_dma source(%dma_start3A_168 : memref<2592xf32, #tpu.memory_space<hbm>>) target(%dma_start3A_167 : memref<2592xf32, #tpu.memory_space<vmem>>) target_semaphore(%run_scoped3A_161 : memref<!tpu.dma_semaphore, #tpu.memory_space<semaphore_mem>>)
      %dma_wait3A = arith.constant 0 : i32
      %dma_wait3A_169 = tpu.memref_slice %arg8[%run_scoped3A_129, %dma_wait3A] : memref<4x2592xf32, #tpu.memory_space<vmem>> -> memref<1x2592xf32, #tpu.memory_space<vmem>>
      %dma_wait3A_170 = tpu.memref_squeeze %dma_wait3A_169 : memref<1x2592xf32, #tpu.memory_space<vmem>> -> memref<2592xf32, #tpu.memory_space<vmem>>
      %dma_wait3A_171 = tpu.memref_slice %arg2[%add3A_128] : memref<331776xf32, #tpu.memory_space<hbm>> -> memref<2592xf32, #tpu.memory_space<hbm>>
      %dma_wait3A_172 = arith.constant 0 : i32
      %dma_wait3A_173 = tpu.memref_slice %arg8[%run_scoped3A_129, %dma_wait3A_172] : memref<4x2592xf32, #tpu.memory_space<vmem>> -> memref<1x2592xf32, #tpu.memory_space<vmem>>
      %dma_wait3A_174 = tpu.memref_squeeze %dma_wait3A_173 : memref<1x2592xf32, #tpu.memory_space<vmem>> -> memref<2592xf32, #tpu.memory_space<vmem>>
      %dma_wait3A_175 = tpu.memref_slice %arg2[%add3A_128] : memref<331776xf32, #tpu.memory_space<hbm>> -> memref<2592xf32, #tpu.memory_space<hbm>>
      tpu.wait_dma2 semaphore(%run_scoped3A_161 : memref<!tpu.dma_semaphore, #tpu.memory_space<semaphore_mem>>) src(%dma_wait3A_175 : memref<2592xf32, #tpu.memory_space<hbm>>) dst(%dma_wait3A_174 : memref<2592xf32, #tpu.memory_space<vmem>>)
      tpu.yield
    }) : () -> ()
    %mul3A_130 = arith.constant 4 : i32
    %mul3A_131 = arith.muli %add3A, %mul3A_130 : i32
    %add3A_132 = arith.constant 3 : i32
    %add3A_133 = arith.addi %mul3A_131, %add3A_132 : i32
    %mul3A_134 = arith.constant 20736 : i32
    %mul3A_135 = arith.muli %add3A_133, %mul3A_134 : i32
    %mul3A_136 = arith.constant 2592 : i32
    %mul3A_137 = arith.muli %select_n3A_30, %mul3A_136 : i32
    %add3A_138 = arith.addi %mul3A_135, %mul3A_137 : i32
    %run_scoped3A_139 = arith.constant 3 : i32
    "tpu.region"() ({
      %run_scoped3A_161 = tpu.sem_alloc : memref<!tpu.dma_semaphore, #tpu.memory_space<semaphore_mem>>
      %dma_start3A = arith.constant 0 : i32
      %dma_start3A_162 = tpu.memref_slice %arg9[%run_scoped3A_139, %dma_start3A] : memref<4x2592xf32, #tpu.memory_space<vmem>> -> memref<1x2592xf32, #tpu.memory_space<vmem>>
      %dma_start3A_163 = tpu.memref_squeeze %dma_start3A_162 : memref<1x2592xf32, #tpu.memory_space<vmem>> -> memref<2592xf32, #tpu.memory_space<vmem>>
      %dma_start3A_164 = tpu.memref_slice %arg3[%add3A_138] : memref<331776xf32, #tpu.memory_space<hbm>> -> memref<2592xf32, #tpu.memory_space<hbm>>
      %dma_start3A_165 = arith.constant 0 : i32
      %dma_start3A_166 = tpu.memref_slice %arg9[%run_scoped3A_139, %dma_start3A_165] : memref<4x2592xf32, #tpu.memory_space<vmem>> -> memref<1x2592xf32, #tpu.memory_space<vmem>>
      %dma_start3A_167 = tpu.memref_squeeze %dma_start3A_166 : memref<1x2592xf32, #tpu.memory_space<vmem>> -> memref<2592xf32, #tpu.memory_space<vmem>>
      %dma_start3A_168 = tpu.memref_slice %arg3[%add3A_138] : memref<331776xf32, #tpu.memory_space<hbm>> -> memref<2592xf32, #tpu.memory_space<hbm>>
      tpu.enqueue_dma source(%dma_start3A_168 : memref<2592xf32, #tpu.memory_space<hbm>>) target(%dma_start3A_167 : memref<2592xf32, #tpu.memory_space<vmem>>) target_semaphore(%run_scoped3A_161 : memref<!tpu.dma_semaphore, #tpu.memory_space<semaphore_mem>>)
      %dma_wait3A = arith.constant 0 : i32
      %dma_wait3A_169 = tpu.memref_slice %arg9[%run_scoped3A_139, %dma_wait3A] : memref<4x2592xf32, #tpu.memory_space<vmem>> -> memref<1x2592xf32, #tpu.memory_space<vmem>>
      %dma_wait3A_170 = tpu.memref_squeeze %dma_wait3A_169 : memref<1x2592xf32, #tpu.memory_space<vmem>> -> memref<2592xf32, #tpu.memory_space<vmem>>
      %dma_wait3A_171 = tpu.memref_slice %arg3[%add3A_138] : memref<331776xf32, #tpu.memory_space<hbm>> -> memref<2592xf32, #tpu.memory_space<hbm>>
      %dma_wait3A_172 = arith.constant 0 : i32
      %dma_wait3A_173 = tpu.memref_slice %arg9[%run_scoped3A_139, %dma_wait3A_172] : memref<4x2592xf32, #tpu.memory_space<vmem>> -> memref<1x2592xf32, #tpu.memory_space<vmem>>
      %dma_wait3A_174 = tpu.memref_squeeze %dma_wait3A_173 : memref<1x2592xf32, #tpu.memory_space<vmem>> -> memref<2592xf32, #tpu.memory_space<vmem>>
      %dma_wait3A_175 = tpu.memref_slice %arg3[%add3A_138] : memref<331776xf32, #tpu.memory_space<hbm>> -> memref<2592xf32, #tpu.memory_space<hbm>>
      tpu.wait_dma2 semaphore(%run_scoped3A_161 : memref<!tpu.dma_semaphore, #tpu.memory_space<semaphore_mem>>) src(%dma_wait3A_175 : memref<2592xf32, #tpu.memory_space<hbm>>) dst(%dma_wait3A_174 : memref<2592xf32, #tpu.memory_space<vmem>>)
      tpu.yield
    }) : () -> ()
    %mul3A_140 = arith.constant 20736 : i32
    %mul3A_141 = arith.muli %add3A, %mul3A_140 : i32
    %mul3A_142 = arith.constant 2592 : i32
    %mul3A_143 = arith.muli %select_n3A_30, %mul3A_142 : i32
    %add3A_144 = arith.addi %mul3A_141, %mul3A_143 : i32
    "tpu.region"() ({
      %run_scoped3A_161 = tpu.sem_alloc : memref<!tpu.dma_semaphore, #tpu.memory_space<semaphore_mem>>
      %dma_start3A = tpu.memref_slice %arg4[%add3A_144] : memref<82944xf32, #tpu.memory_space<hbm>> -> memref<2592xf32, #tpu.memory_space<hbm>>
      %dma_start3A_162 = tpu.memref_slice %arg4[%add3A_144] : memref<82944xf32, #tpu.memory_space<hbm>> -> memref<2592xf32, #tpu.memory_space<hbm>>
      tpu.enqueue_dma source(%dma_start3A_162 : memref<2592xf32, #tpu.memory_space<hbm>>) target(%arg11 : memref<2592xf32, #tpu.memory_space<vmem>>) target_semaphore(%run_scoped3A_161 : memref<!tpu.dma_semaphore, #tpu.memory_space<semaphore_mem>>)
      %dma_wait3A = tpu.memref_slice %arg4[%add3A_144] : memref<82944xf32, #tpu.memory_space<hbm>> -> memref<2592xf32, #tpu.memory_space<hbm>>
      %dma_wait3A_163 = tpu.memref_slice %arg4[%add3A_144] : memref<82944xf32, #tpu.memory_space<hbm>> -> memref<2592xf32, #tpu.memory_space<hbm>>
      tpu.wait_dma2 semaphore(%run_scoped3A_161 : memref<!tpu.dma_semaphore, #tpu.memory_space<semaphore_mem>>) src(%dma_wait3A_163 : memref<2592xf32, #tpu.memory_space<hbm>>) dst(%arg11 : memref<2592xf32, #tpu.memory_space<vmem>>)
      tpu.yield
    }) : () -> ()
    %convert_element_type3A = arith.extui %eq3A_60 : i1 to i32
    %cond3A = arith.constant 0 : i32
    %cond3A_145 = arith.cmpi ne, %convert_element_type3A, %cond3A : i32
    scf.if %cond3A_145 {
      %mul3A_161 = arith.constant 64 : i32
      %mul3A_162 = arith.muli %add3A, %mul3A_161 : i32
      "tpu.region"() ({
        %run_scoped3A_163 = tpu.sem_alloc : memref<!tpu.dma_semaphore, #tpu.memory_space<semaphore_mem>>
        %dma_start3A = tpu.memref_slice %arg5[%mul3A_162] : memref<256xf32, #tpu.memory_space<hbm>> -> memref<64xf32, #tpu.memory_space<hbm>>
        %dma_start3A_164 = tpu.memref_slice %arg5[%mul3A_162] : memref<256xf32, #tpu.memory_space<hbm>> -> memref<64xf32, #tpu.memory_space<hbm>>
        tpu.enqueue_dma source(%dma_start3A_164 : memref<64xf32, #tpu.memory_space<hbm>>) target(%arg14 : memref<64xf32, #tpu.memory_space<vmem>>) target_semaphore(%run_scoped3A_163 : memref<!tpu.dma_semaphore, #tpu.memory_space<semaphore_mem>>)
        %dma_wait3A = tpu.memref_slice %arg5[%mul3A_162] : memref<256xf32, #tpu.memory_space<hbm>> -> memref<64xf32, #tpu.memory_space<hbm>>
        %dma_wait3A_165 = tpu.memref_slice %arg5[%mul3A_162] : memref<256xf32, #tpu.memory_space<hbm>> -> memref<64xf32, #tpu.memory_space<hbm>>
        tpu.wait_dma2 semaphore(%run_scoped3A_163 : memref<!tpu.dma_semaphore, #tpu.memory_space<semaphore_mem>>) src(%dma_wait3A_165 : memref<64xf32, #tpu.memory_space<hbm>>) dst(%arg14 : memref<64xf32, #tpu.memory_space<vmem>>)
        tpu.yield
      }) : () -> ()
    } else {
    }
    %parallel_loop3A = arith.constant 0 : i32
    %parallel_loop3A_146 = arith.constant 162 : i32
    %parallel_loop3A_147 = arith.constant 1 : i32
    scf.for %parallel_loop3A_161 = %parallel_loop3A to %parallel_loop3A_146 step %parallel_loop3A_147  : i32 {
      %parallel_loop3A_162 = arith.constant 16 : i32
      %parallel_loop3A_163 = arith.muli %parallel_loop3A_161, %parallel_loop3A_162 : i32
      %parallel_loop3A_164 = arith.constant 0 : i32
      %parallel_loop3A_165 = arith.index_cast %parallel_loop3A_164 : i32 to index
      %parallel_loop3A_166 = arith.index_cast %parallel_loop3A_163 : i32 to index
      %parallel_loop3A_167 = tpu.vector_load %arg8[%parallel_loop3A_165, %parallel_loop3A_166] {strides = array<i32>} : memref<4x2592xf32, #tpu.memory_space<vmem>>, vector<16xf32>,
      %parallel_loop3A_168 = arith.constant 1 : i32
      %parallel_loop3A_169 = arith.index_cast %parallel_loop3A_168 : i32 to index
      %parallel_loop3A_170 = arith.index_cast %parallel_loop3A_163 : i32 to index
      %parallel_loop3A_171 = tpu.vector_load %arg8[%parallel_loop3A_169, %parallel_loop3A_170] {strides = array<i32>} : memref<4x2592xf32, #tpu.memory_space<vmem>>, vector<16xf32>,
      %parallel_loop3A_172 = arith.constant 2 : i32
      %parallel_loop3A_173 = arith.index_cast %parallel_loop3A_172 : i32 to index
      %parallel_loop3A_174 = arith.index_cast %parallel_loop3A_163 : i32 to index
      %parallel_loop3A_175 = tpu.vector_load %arg8[%parallel_loop3A_173, %parallel_loop3A_174] {strides = array<i32>} : memref<4x2592xf32, #tpu.memory_space<vmem>>, vector<16xf32>,
      %parallel_loop3A_176 = arith.constant 3 : i32
      %parallel_loop3A_177 = arith.index_cast %parallel_loop3A_176 : i32 to index
      %parallel_loop3A_178 = arith.index_cast %parallel_loop3A_163 : i32 to index
      %parallel_loop3A_179 = tpu.vector_load %arg8[%parallel_loop3A_177, %parallel_loop3A_178] {strides = array<i32>} : memref<4x2592xf32, #tpu.memory_space<vmem>>, vector<16xf32>,
      %parallel_loop3A_180 = arith.constant 0 : i32
      %parallel_loop3A_181 = arith.index_cast %parallel_loop3A_180 : i32 to index
      %parallel_loop3A_182 = arith.index_cast %parallel_loop3A_163 : i32 to index
      %parallel_loop3A_183 = tpu.vector_load %arg9[%parallel_loop3A_181, %parallel_loop3A_182] {strides = array<i32>} : memref<4x2592xf32, #tpu.memory_space<vmem>>, vector<16xf32>,
      %parallel_loop3A_184 = arith.constant 1 : i32
      %parallel_loop3A_185 = arith.index_cast %parallel_loop3A_184 : i32 to index
      %parallel_loop3A_186 = arith.index_cast %parallel_loop3A_163 : i32 to index
      %parallel_loop3A_187 = tpu.vector_load %arg9[%parallel_loop3A_185, %parallel_loop3A_186] {strides = array<i32>} : memref<4x2592xf32, #tpu.memory_space<vmem>>, vector<16xf32>,
      %parallel_loop3A_188 = arith.constant 2 : i32
      %parallel_loop3A_189 = arith.index_cast %parallel_loop3A_188 : i32 to index
      %parallel_loop3A_190 = arith.index_cast %parallel_loop3A_163 : i32 to index
      %parallel_loop3A_191 = tpu.vector_load %arg9[%parallel_loop3A_189, %parallel_loop3A_190] {strides = array<i32>} : memref<4x2592xf32, #tpu.memory_space<vmem>>, vector<16xf32>,
      %parallel_loop3A_192 = arith.constant 3 : i32
      %parallel_loop3A_193 = arith.index_cast %parallel_loop3A_192 : i32 to index
      %parallel_loop3A_194 = arith.index_cast %parallel_loop3A_163 : i32 to index
      %parallel_loop3A_195 = tpu.vector_load %arg9[%parallel_loop3A_193, %parallel_loop3A_194] {strides = array<i32>} : memref<4x2592xf32, #tpu.memory_space<vmem>>, vector<16xf32>,
      %parallel_loop3A_196 = arith.subf %parallel_loop3A_179, %parallel_loop3A_171 : vector<16xf32>
      %parallel_loop3A_197 = arith.subf %parallel_loop3A_175, %parallel_loop3A_167 : vector<16xf32>
      %parallel_loop3A_198 = arith.constant 5.000000e-01 : f32
      %parallel_loop3A_199 = vector.broadcast %parallel_loop3A_198 : f32 to vector<16xf32>
      %parallel_loop3A_200 = arith.mulf %parallel_loop3A_199, %parallel_loop3A_196 : vector<16xf32>
      %parallel_loop3A_201 = arith.addf %parallel_loop3A_171, %parallel_loop3A_200 : vector<16xf32>
      %parallel_loop3A_202 = arith.constant 5.000000e-01 : f32
      %parallel_loop3A_203 = vector.broadcast %parallel_loop3A_202 : f32 to vector<16xf32>
      %parallel_loop3A_204 = arith.mulf %parallel_loop3A_203, %parallel_loop3A_197 : vector<16xf32>
      %parallel_loop3A_205 = arith.addf %parallel_loop3A_167, %parallel_loop3A_204 : vector<16xf32>
      %parallel_loop3A_206 = math.exp %parallel_loop3A_195 : vector<16xf32>
      %parallel_loop3A_207 = arith.mulf %parallel_loop3A_206, %parallel_loop3A_196 : vector<16xf32>
      %parallel_loop3A_208 = math.exp %parallel_loop3A_191 : vector<16xf32>
      %parallel_loop3A_209 = arith.mulf %parallel_loop3A_208, %parallel_loop3A_197 : vector<16xf32>
      %parallel_loop3A_210 = arith.mulf %parallel_loop3A_187, %parallel_loop3A_196 : vector<16xf32>
      %parallel_loop3A_211 = arith.addf %parallel_loop3A_210, %parallel_loop3A_201 : vector<16xf32>
      %parallel_loop3A_212 = arith.mulf %parallel_loop3A_183, %parallel_loop3A_197 : vector<16xf32>
      %parallel_loop3A_213 = arith.addf %parallel_loop3A_212, %parallel_loop3A_205 : vector<16xf32>
      %parallel_loop3A_214 = arith.constant 5.000000e-01 : f32
      %parallel_loop3A_215 = vector.broadcast %parallel_loop3A_214 : f32 to vector<16xf32>
      %parallel_loop3A_216 = arith.mulf %parallel_loop3A_215, %parallel_loop3A_209 : vector<16xf32>
      %parallel_loop3A_217 = arith.subf %parallel_loop3A_213, %parallel_loop3A_216 : vector<16xf32>
      %parallel_loop3A_218 = arith.constant 5.000000e-01 : f32
      %parallel_loop3A_219 = vector.broadcast %parallel_loop3A_218 : f32 to vector<16xf32>
      %parallel_loop3A_220 = arith.mulf %parallel_loop3A_219, %parallel_loop3A_207 : vector<16xf32>
      %parallel_loop3A_221 = arith.subf %parallel_loop3A_211, %parallel_loop3A_220 : vector<16xf32>
      %parallel_loop3A_222 = arith.addf %parallel_loop3A_209, %parallel_loop3A_217 : vector<16xf32>
      %parallel_loop3A_223 = arith.addf %parallel_loop3A_207, %parallel_loop3A_221 : vector<16xf32>
      %parallel_loop3A_224 = arith.constant 16 : i32
      %parallel_loop3A_225 = arith.muli %parallel_loop3A_161, %parallel_loop3A_224 : i32
      %parallel_loop3A_226 = arith.constant 0 : i32
      %parallel_loop3A_227 = arith.addi %parallel_loop3A_226, %parallel_loop3A_225 : i32
      %parallel_loop3A_228 = arith.index_cast %parallel_loop3A_227 : i32 to index
      %parallel_loop3A_229 = tpu.vector_load %arg10[%parallel_loop3A_228] {strides = array<i32>} : memref<12960xf32, #tpu.memory_space<vmem>>, vector<16xf32>,
      tpu.vector_store %arg10[%parallel_loop3A_228], %parallel_loop3A_217 {strides = array<i32>} : memref<12960xf32, #tpu.memory_space<vmem>>, vector<16xf32>,
      %parallel_loop3A_230 = arith.constant 16 : i32
      %parallel_loop3A_231 = arith.muli %parallel_loop3A_161, %parallel_loop3A_230 : i32
      %parallel_loop3A_232 = arith.constant 2592 : i32
      %parallel_loop3A_233 = arith.addi %parallel_loop3A_232, %parallel_loop3A_231 : i32
      %parallel_loop3A_234 = arith.index_cast %parallel_loop3A_233 : i32 to index
      %parallel_loop3A_235 = tpu.vector_load %arg10[%parallel_loop3A_234] {strides = array<i32>} : memref<12960xf32, #tpu.memory_space<vmem>>, vector<16xf32>,
      tpu.vector_store %arg10[%parallel_loop3A_234], %parallel_loop3A_221 {strides = array<i32>} : memref<12960xf32, #tpu.memory_space<vmem>>, vector<16xf32>,
      %parallel_loop3A_236 = arith.constant 16 : i32
      %parallel_loop3A_237 = arith.muli %parallel_loop3A_161, %parallel_loop3A_236 : i32
      %parallel_loop3A_238 = arith.constant 5184 : i32
      %parallel_loop3A_239 = arith.addi %parallel_loop3A_238, %parallel_loop3A_237 : i32
      %parallel_loop3A_240 = arith.index_cast %parallel_loop3A_239 : i32 to index
      %parallel_loop3A_241 = tpu.vector_load %arg10[%parallel_loop3A_240] {strides = array<i32>} : memref<12960xf32, #tpu.memory_space<vmem>>, vector<16xf32>,
      tpu.vector_store %arg10[%parallel_loop3A_240], %parallel_loop3A_222 {strides = array<i32>} : memref<12960xf32, #tpu.memory_space<vmem>>, vector<16xf32>,
      %parallel_loop3A_242 = arith.constant 16 : i32
      %parallel_loop3A_243 = arith.muli %parallel_loop3A_161, %parallel_loop3A_242 : i32
      %parallel_loop3A_244 = arith.constant 7776 : i32
      %parallel_loop3A_245 = arith.addi %parallel_loop3A_244, %parallel_loop3A_243 : i32
      %parallel_loop3A_246 = arith.index_cast %parallel_loop3A_245 : i32 to index
      %parallel_loop3A_247 = tpu.vector_load %arg10[%parallel_loop3A_246] {strides = array<i32>} : memref<12960xf32, #tpu.memory_space<vmem>>, vector<16xf32>,
      tpu.vector_store %arg10[%parallel_loop3A_246], %parallel_loop3A_223 {strides = array<i32>} : memref<12960xf32, #tpu.memory_space<vmem>>, vector<16xf32>,
      %parallel_loop3A_248 = arith.subf %parallel_loop3A_222, %parallel_loop3A_217 : vector<16xf32>
      %parallel_loop3A_249 = arith.constant 0.000000e+00 : f32
      %parallel_loop3A_250 = vector.broadcast %parallel_loop3A_249 : f32 to vector<16xf32>
      %parallel_loop3A_251 = arith.maximumf %parallel_loop3A_248, %parallel_loop3A_250 : vector<16xf32>
      %parallel_loop3A_252 = arith.subf %parallel_loop3A_223, %parallel_loop3A_221 : vector<16xf32>
      %parallel_loop3A_253 = arith.constant 0.000000e+00 : f32
      %parallel_loop3A_254 = vector.broadcast %parallel_loop3A_253 : f32 to vector<16xf32>
      %parallel_loop3A_255 = arith.maximumf %parallel_loop3A_252, %parallel_loop3A_254 : vector<16xf32>
      %parallel_loop3A_256 = arith.mulf %parallel_loop3A_251, %parallel_loop3A_255 : vector<16xf32>
      %parallel_loop3A_257 = arith.constant 16 : i32
      %parallel_loop3A_258 = arith.muli %parallel_loop3A_161, %parallel_loop3A_257 : i32
      %parallel_loop3A_259 = arith.constant 10368 : i32
      %parallel_loop3A_260 = arith.addi %parallel_loop3A_259, %parallel_loop3A_258 : i32
      %parallel_loop3A_261 = arith.index_cast %parallel_loop3A_260 : i32 to index
      %parallel_loop3A_262 = tpu.vector_load %arg10[%parallel_loop3A_261] {strides = array<i32>} : memref<12960xf32, #tpu.memory_space<vmem>>, vector<16xf32>,
      tpu.vector_store %arg10[%parallel_loop3A_261], %parallel_loop3A_256 {strides = array<i32>} : memref<12960xf32, #tpu.memory_space<vmem>>, vector<16xf32>,
    } {sc.loop_unroll_factor = 4 : i64, sc.parallel_access}
    %broadcast_in_dim3A = arith.constant 0xFF800000 : f32
    %broadcast_in_dim3A_148 = vector.broadcast %broadcast_in_dim3A : f32 to vector<16xf32>
    %broadcast_in_dim3A_149 = arith.constant 0 : i32
    %broadcast_in_dim3A_150 = vector.broadcast %broadcast_in_dim3A_149 : i32 to vector<16xi32>
    %parallel_loop3A_151 = arith.constant 0 : i32
    %parallel_loop3A_152 = arith.constant 162 : i32
    %parallel_loop3A_153 = arith.constant 1 : i32
    %parallel_loop3A_154:4 = scf.for %parallel_loop3A_161 = %parallel_loop3A_151 to %parallel_loop3A_152 step %parallel_loop3A_153 iter_args(%parallel_loop3A_162 = %broadcast_in_dim3A_148, %parallel_loop3A_163 = %broadcast_in_dim3A_150, %parallel_loop3A_164 = %broadcast_in_dim3A_148, %parallel_loop3A_165 = %broadcast_in_dim3A_150) -> (vector<16xf32>, vector<16xi32>, vector<16xf32>, vector<16xi32>)  : i32 {
      %parallel_loop3A_166 = arith.constant 16 : i32
      %parallel_loop3A_167 = arith.muli %parallel_loop3A_161, %parallel_loop3A_166 : i32
      %parallel_loop3A_168 = arith.index_cast %parallel_loop3A_167 : i32 to index
      %parallel_loop3A_169 = tpu.vector_load %arg11[%parallel_loop3A_168] {strides = array<i32>} : memref<2592xf32, #tpu.memory_space<vmem>>, vector<16xf32>,
      %parallel_loop3A_170 = arith.constant 16 : i32
      %parallel_loop3A_171 = arith.muli %parallel_loop3A_161, %parallel_loop3A_170 : i32
      %parallel_loop3A_172 = vector.broadcast %parallel_loop3A_171 : i32 to vector<16xi32>
      %parallel_loop3A_173 = arith.addi %parallel_loop3A_172, %iota3A : vector<16xi32>
      %parallel_loop3A_174 = arith.cmpf ogt, %parallel_loop3A_169, %parallel_loop3A_162 : vector<16xf32>
      %parallel_loop3A_175 = arith.cmpf ogt, %parallel_loop3A_169, %parallel_loop3A_164 : vector<16xf32>
      %parallel_loop3A_176 = arith.constant dense<true> : vector<16xi1>
      %parallel_loop3A_177 = arith.xori %parallel_loop3A_174, %parallel_loop3A_176 : vector<16xi1>
      %parallel_loop3A_178 = arith.andi %parallel_loop3A_175, %parallel_loop3A_177 : vector<16xi1>
      %parallel_loop3A_179 = arith.select %parallel_loop3A_178, %parallel_loop3A_169, %parallel_loop3A_164 : vector<16xi1>, vector<16xf32>
      %parallel_loop3A_180 = arith.select %parallel_loop3A_174, %parallel_loop3A_162, %parallel_loop3A_179 : vector<16xi1>, vector<16xf32>
      %parallel_loop3A_181 = arith.select %parallel_loop3A_178, %parallel_loop3A_173, %parallel_loop3A_165 : vector<16xi1>, vector<16xi32>
      %parallel_loop3A_182 = arith.select %parallel_loop3A_174, %parallel_loop3A_163, %parallel_loop3A_181 : vector<16xi1>, vector<16xi32>
      %parallel_loop3A_183 = arith.select %parallel_loop3A_174, %parallel_loop3A_169, %parallel_loop3A_162 : vector<16xi1>, vector<16xf32>
      %parallel_loop3A_184 = arith.select %parallel_loop3A_174, %parallel_loop3A_173, %parallel_loop3A_163 : vector<16xi1>, vector<16xi32>
      scf.yield %parallel_loop3A_183, %parallel_loop3A_184, %parallel_loop3A_180, %parallel_loop3A_182 : vector<16xf32>, vector<16xi32>, vector<16xf32>, vector<16xi32>
    } {sc.loop_unroll_factor = 4 : i64, sc.parallel_access}
    %while3A = arith.constant 0 : i32
    %while3A_155 = arith.constant 0 : i32
    %while3A_156 = arith.constant 1 : i32
    %while3A_157:7 = scf.while (%while3A_161 = %while3A, %while3A_162 = %while3A_155, %while3A_163 = %while3A_156, %while3A_164 = %parallel_loop3A_154#0, %while3A_165 = %parallel_loop3A_154#1, %while3A_166 = %parallel_loop3A_154#2, %while3A_167 = %parallel_loop3A_154#3) : (i32, i32, i32, vector<16xf32>, vector<16xi32>, vector<16xf32>, vector<16xi32>) -> (i32, i32, i32, vector<16xf32>, vector<16xi32>, vector<16xf32>, vector<16xi32>) {
      %eq3A_168 = arith.constant 1 : i32
      %eq3A_169 = arith.cmpi eq, %while3A_163, %eq3A_168 : i32
      scf.condition(%eq3A_169) %while3A_161, %while3A_162, %while3A_163, %while3A_164, %while3A_165, %while3A_166, %while3A_167 : i32, i32, i32, vector<16xf32>, vector<16xi32>, vector<16xf32>, vector<16xi32>
    } do {
    ^bb0(%while3A_161: i32, %while3A_162: i32, %while3A_163: i32, %while3A_164: vector<16xf32>, %while3A_165: vector<16xi32>, %while3A_166: vector<16xf32>, %while3A_167: vector<16xi32>):
      %lt3A_168 = arith.constant 300 : i32
      %lt3A_169 = arith.cmpi slt, %while3A_161, %lt3A_168 : i32
      %add3A_170 = vector.broadcast %while3A_161 : i32 to vector<16xi32>
      %add3A_171 = arith.addi %broadcast_in_dim3A_150, %add3A_170 : vector<16xi32>
      %lt3A_172 = arith.constant 300 : i32
      %lt3A_173 = vector.broadcast %lt3A_172 : i32 to vector<16xi32>
      %lt3A_174 = arith.cmpi slt, %add3A_171, %lt3A_173 : vector<16xi32>
      %xor3A = arith.constant 8 : i32
      %xor3A_175 = vector.broadcast %xor3A : i32 to vector<16xi32>
      %xor3A_176 = arith.xori %iota3A, %xor3A_175 : vector<16xi32>
      %lt3A_177 = arith.constant 0 : i32
      %lt3A_178 = vector.broadcast %lt3A_177 : i32 to vector<16xi32>
      %lt3A_179 = arith.cmpi slt, %xor3A_176, %lt3A_178 : vector<16xi32>
      %add3A_180 = arith.constant 16 : i32
      %add3A_181 = vector.broadcast %add3A_180 : i32 to vector<16xi32>
      %add3A_182 = arith.addi %xor3A_176, %add3A_181 : vector<16xi32>
      %select_n3A_183 = arith.select %lt3A_179, %add3A_182, %xor3A_176 : vector<16xi1>, vector<16xi32>
      %broadcast_in_dim3A_184 = vector.shape_cast %select_n3A_183 : vector<16xi32> to vector<16x1xi32>
      %gather3A = vector.shape_cast %broadcast_in_dim3A_184 : vector<16x1xi32> to vector<16xi32>
      %gather3A_185 = tpu.dynamic_gather %while3A_164[%gather3A] in [0] : vector<16xf32>, vector<16xi32> -> vector<16xf32>
      %xor3A_186 = arith.constant 8 : i32
      %xor3A_187 = vector.broadcast %xor3A_186 : i32 to vector<16xi32>
      %xor3A_188 = arith.xori %iota3A, %xor3A_187 : vector<16xi32>
      %lt3A_189 = arith.constant 0 : i32
      %lt3A_190 = vector.broadcast %lt3A_189 : i32 to vector<16xi32>
      %lt3A_191 = arith.cmpi slt, %xor3A_188, %lt3A_190 : vector<16xi32>
      %add3A_192 = arith.constant 16 : i32
      %add3A_193 = vector.broadcast %add3A_192 : i32 to vector<16xi32>
      %add3A_194 = arith.addi %xor3A_188, %add3A_193 : vector<16xi32>
      %select_n3A_195 = arith.select %lt3A_191, %add3A_194, %xor3A_188 : vector<16xi1>, vector<16xi32>
      %broadcast_in_dim3A_196 = vector.shape_cast %select_n3A_195 : vector<16xi32> to vector<16x1xi32>
      %gather3A_197 = vector.shape_cast %broadcast_in_dim3A_196 : vector<16x1xi32> to vector<16xi32>
      %gather3A_198 = tpu.dynamic_gather %while3A_165[%gather3A_197] in [0] : vector<16xi32>, vector<16xi32> -> vector<16xi32>
      %xor3A_199 = arith.constant 8 : i32
      %xor3A_200 = vector.broadcast %xor3A_199 : i32 to vector<16xi32>
      %xor3A_201 = arith.xori %iota3A, %xor3A_200 : vector<16xi32>
      %lt3A_202 = arith.constant 0 : i32
      %lt3A_203 = vector.broadcast %lt3A_202 : i32 to vector<16xi32>
      %lt3A_204 = arith.cmpi slt, %xor3A_201, %lt3A_203 : vector<16xi32>
      %add3A_205 = arith.constant 16 : i32
      %add3A_206 = vector.broadcast %add3A_205 : i32 to vector<16xi32>
      %add3A_207 = arith.addi %xor3A_201, %add3A_206 : vector<16xi32>
      %select_n3A_208 = arith.select %lt3A_204, %add3A_207, %xor3A_201 : vector<16xi1>, vector<16xi32>
      %broadcast_in_dim3A_209 = vector.shape_cast %select_n3A_208 : vector<16xi32> to vector<16x1xi32>
      %gather3A_210 = vector.shape_cast %broadcast_in_dim3A_209 : vector<16x1xi32> to vector<16xi32>
      %gather3A_211 = tpu.dynamic_gather %iota3A[%gather3A_210] in [0] : vector<16xi32>, vector<16xi32> -> vector<16xi32>
      %gt3A = arith.cmpf ogt, %gather3A_185, %while3A_164 : vector<16xf32>
      %eq3A_212 = arith.cmpf oeq, %gather3A_185, %while3A_164 : vector<16xf32>
      %lt3A_213 = arith.cmpi slt, %gather3A_198, %while3A_165 : vector<16xi32>
      %and3A_214 = arith.andi %eq3A_212, %lt3A_213 : vector<16xi1>
      %or3A = arith.ori %gt3A, %and3A_214 : vector<16xi1>
      %select_n3A_215 = arith.select %or3A, %gather3A_185, %while3A_164 : vector<16xi1>, vector<16xf32>
      %select_n3A_216 = arith.select %or3A, %gather3A_198, %while3A_165 : vector<16xi1>, vector<16xi32>
      %select_n3A_217 = arith.select %or3A, %gather3A_211, %iota3A : vector<16xi1>, vector<16xi32>
      %xor3A_218 = arith.constant 4 : i32
      %xor3A_219 = vector.broadcast %xor3A_218 : i32 to vector<16xi32>
      %xor3A_220 = arith.xori %iota3A, %xor3A_219 : vector<16xi32>
      %lt3A_221 = arith.constant 0 : i32
      %lt3A_222 = vector.broadcast %lt3A_221 : i32 to vector<16xi32>
      %lt3A_223 = arith.cmpi slt, %xor3A_220, %lt3A_222 : vector<16xi32>
      %add3A_224 = arith.constant 16 : i32
      %add3A_225 = vector.broadcast %add3A_224 : i32 to vector<16xi32>
      %add3A_226 = arith.addi %xor3A_220, %add3A_225 : vector<16xi32>
      %select_n3A_227 = arith.select %lt3A_223, %add3A_226, %xor3A_220 : vector<16xi1>, vector<16xi32>
      %broadcast_in_dim3A_228 = vector.shape_cast %select_n3A_227 : vector<16xi32> to vector<16x1xi32>
      %gather3A_229 = vector.shape_cast %broadcast_in_dim3A_228 : vector<16x1xi32> to vector<16xi32>
      %gather3A_230 = tpu.dynamic_gather %select_n3A_215[%gather3A_229] in [0] : vector<16xf32>, vector<16xi32> -> vector<16xf32>
      %xor3A_231 = arith.constant 4 : i32
      %xor3A_232 = vector.broadcast %xor3A_231 : i32 to vector<16xi32>
      %xor3A_233 = arith.xori %iota3A, %xor3A_232 : vector<16xi32>
      %lt3A_234 = arith.constant 0 : i32
      %lt3A_235 = vector.broadcast %lt3A_234 : i32 to vector<16xi32>
      %lt3A_236 = arith.cmpi slt, %xor3A_233, %lt3A_235 : vector<16xi32>
      %add3A_237 = arith.constant 16 : i32
      %add3A_238 = vector.broadcast %add3A_237 : i32 to vector<16xi32>
      %add3A_239 = arith.addi %xor3A_233, %add3A_238 : vector<16xi32>
      %select_n3A_240 = arith.select %lt3A_236, %add3A_239, %xor3A_233 : vector<16xi1>, vector<16xi32>
      %broadcast_in_dim3A_241 = vector.shape_cast %select_n3A_240 : vector<16xi32> to vector<16x1xi32>
      %gather3A_242 = vector.shape_cast %broadcast_in_dim3A_241 : vector<16x1xi32> to vector<16xi32>
      %gather3A_243 = tpu.dynamic_gather %select_n3A_216[%gather3A_242] in [0] : vector<16xi32>, vector<16xi32> -> vector<16xi32>
      %xor3A_244 = arith.constant 4 : i32
      %xor3A_245 = vector.broadcast %xor3A_244 : i32 to vector<16xi32>
      %xor3A_246 = arith.xori %iota3A, %xor3A_245 : vector<16xi32>
      %lt3A_247 = arith.constant 0 : i32
      %lt3A_248 = vector.broadcast %lt3A_247 : i32 to vector<16xi32>
      %lt3A_249 = arith.cmpi slt, %xor3A_246, %lt3A_248 : vector<16xi32>
      %add3A_250 = arith.constant 16 : i32
      %add3A_251 = vector.broadcast %add3A_250 : i32 to vector<16xi32>
      %add3A_252 = arith.addi %xor3A_246, %add3A_251 : vector<16xi32>
      %select_n3A_253 = arith.select %lt3A_249, %add3A_252, %xor3A_246 : vector<16xi1>, vector<16xi32>
      %broadcast_in_dim3A_254 = vector.shape_cast %select_n3A_253 : vector<16xi32> to vector<16x1xi32>
      %gather3A_255 = vector.shape_cast %broadcast_in_dim3A_254 : vector<16x1xi32> to vector<16xi32>
      %gather3A_256 = tpu.dynamic_gather %select_n3A_217[%gather3A_255] in [0] : vector<16xi32>, vector<16xi32> -> vector<16xi32>
      %gt3A_257 = arith.cmpf ogt, %gather3A_230, %select_n3A_215 : vector<16xf32>
      %eq3A_258 = arith.cmpf oeq, %gather3A_230, %select_n3A_215 : vector<16xf32>
      %lt3A_259 = arith.cmpi slt, %gather3A_243, %select_n3A_216 : vector<16xi32>
      %and3A_260 = arith.andi %eq3A_258, %lt3A_259 : vector<16xi1>
      %or3A_261 = arith.ori %gt3A_257, %and3A_260 : vector<16xi1>
      %select_n3A_262 = arith.select %or3A_261, %gather3A_230, %select_n3A_215 : vector<16xi1>, vector<16xf32>
      %select_n3A_263 = arith.select %or3A_261, %gather3A_243, %select_n3A_216 : vector<16xi1>, vector<16xi32>
      %select_n3A_264 = arith.select %or3A_261, %gather3A_256, %select_n3A_217 : vector<16xi1>, vector<16xi32>
      %xor3A_265 = arith.constant 2 : i32
      %xor3A_266 = vector.broadcast %xor3A_265 : i32 to vector<16xi32>
      %xor3A_267 = arith.xori %iota3A, %xor3A_266 : vector<16xi32>
      %lt3A_268 = arith.constant 0 : i32
      %lt3A_269 = vector.broadcast %lt3A_268 : i32 to vector<16xi32>
      %lt3A_270 = arith.cmpi slt, %xor3A_267, %lt3A_269 : vector<16xi32>
      %add3A_271 = arith.constant 16 : i32
      %add3A_272 = vector.broadcast %add3A_271 : i32 to vector<16xi32>
      %add3A_273 = arith.addi %xor3A_267, %add3A_272 : vector<16xi32>
      %select_n3A_274 = arith.select %lt3A_270, %add3A_273, %xor3A_267 : vector<16xi1>, vector<16xi32>
      %broadcast_in_dim3A_275 = vector.shape_cast %select_n3A_274 : vector<16xi32> to vector<16x1xi32>
      %gather3A_276 = vector.shape_cast %broadcast_in_dim3A_275 : vector<16x1xi32> to vector<16xi32>
      %gather3A_277 = tpu.dynamic_gather %select_n3A_262[%gather3A_276] in [0] : vector<16xf32>, vector<16xi32> -> vector<16xf32>
      %xor3A_278 = arith.constant 2 : i32
      %xor3A_279 = vector.broadcast %xor3A_278 : i32 to vector<16xi32>
      %xor3A_280 = arith.xori %iota3A, %xor3A_279 : vector<16xi32>
      %lt3A_281 = arith.constant 0 : i32
      %lt3A_282 = vector.broadcast %lt3A_281 : i32 to vector<16xi32>
      %lt3A_283 = arith.cmpi slt, %xor3A_280, %lt3A_282 : vector<16xi32>
      %add3A_284 = arith.constant 16 : i32
      %add3A_285 = vector.broadcast %add3A_284 : i32 to vector<16xi32>
      %add3A_286 = arith.addi %xor3A_280, %add3A_285 : vector<16xi32>
      %select_n3A_287 = arith.select %lt3A_283, %add3A_286, %xor3A_280 : vector<16xi1>, vector<16xi32>
      %broadcast_in_dim3A_288 = vector.shape_cast %select_n3A_287 : vector<16xi32> to vector<16x1xi32>
      %gather3A_289 = vector.shape_cast %broadcast_in_dim3A_288 : vector<16x1xi32> to vector<16xi32>
      %gather3A_290 = tpu.dynamic_gather %select_n3A_263[%gather3A_289] in [0] : vector<16xi32>, vector<16xi32> -> vector<16xi32>
      %xor3A_291 = arith.constant 2 : i32
      %xor3A_292 = vector.broadcast %xor3A_291 : i32 to vector<16xi32>
      %xor3A_293 = arith.xori %iota3A, %xor3A_292 : vector<16xi32>
      %lt3A_294 = arith.constant 0 : i32
      %lt3A_295 = vector.broadcast %lt3A_294 : i32 to vector<16xi32>
      %lt3A_296 = arith.cmpi slt, %xor3A_293, %lt3A_295 : vector<16xi32>
      %add3A_297 = arith.constant 16 : i32
      %add3A_298 = vector.broadcast %add3A_297 : i32 to vector<16xi32>
      %add3A_299 = arith.addi %xor3A_293, %add3A_298 : vector<16xi32>
      %select_n3A_300 = arith.select %lt3A_296, %add3A_299, %xor3A_293 : vector<16xi1>, vector<16xi32>
      %broadcast_in_dim3A_301 = vector.shape_cast %select_n3A_300 : vector<16xi32> to vector<16x1xi32>
      %gather3A_302 = vector.shape_cast %broadcast_in_dim3A_301 : vector<16x1xi32> to vector<16xi32>
      %gather3A_303 = tpu.dynamic_gather %select_n3A_264[%gather3A_302] in [0] : vector<16xi32>, vector<16xi32> -> vector<16xi32>
      %gt3A_304 = arith.cmpf ogt, %gather3A_277, %select_n3A_262 : vector<16xf32>
      %eq3A_305 = arith.cmpf oeq, %gather3A_277, %select_n3A_262 : vector<16xf32>
      %lt3A_306 = arith.cmpi slt, %gather3A_290, %select_n3A_263 : vector<16xi32>
      %and3A_307 = arith.andi %eq3A_305, %lt3A_306 : vector<16xi1>
      %or3A_308 = arith.ori %gt3A_304, %and3A_307 : vector<16xi1>
      %select_n3A_309 = arith.select %or3A_308, %gather3A_277, %select_n3A_262 : vector<16xi1>, vector<16xf32>
      %select_n3A_310 = arith.select %or3A_308, %gather3A_290, %select_n3A_263 : vector<16xi1>, vector<16xi32>
      %select_n3A_311 = arith.select %or3A_308, %gather3A_303, %select_n3A_264 : vector<16xi1>, vector<16xi32>
      %xor3A_312 = arith.constant 1 : i32
      %xor3A_313 = vector.broadcast %xor3A_312 : i32 to vector<16xi32>
      %xor3A_314 = arith.xori %iota3A, %xor3A_313 : vector<16xi32>
      %lt3A_315 = arith.constant 0 : i32
      %lt3A_316 = vector.broadcast %lt3A_315 : i32 to vector<16xi32>
      %lt3A_317 = arith.cmpi slt, %xor3A_314, %lt3A_316 : vector<16xi32>
      %add3A_318 = arith.constant 16 : i32
      %add3A_319 = vector.broadcast %add3A_318 : i32 to vector<16xi32>
      %add3A_320 = arith.addi %xor3A_314, %add3A_319 : vector<16xi32>
      %select_n3A_321 = arith.select %lt3A_317, %add3A_320, %xor3A_314 : vector<16xi1>, vector<16xi32>
      %broadcast_in_dim3A_322 = vector.shape_cast %select_n3A_321 : vector<16xi32> to vector<16x1xi32>
      %gather3A_323 = vector.shape_cast %broadcast_in_dim3A_322 : vector<16x1xi32> to vector<16xi32>
      %gather3A_324 = tpu.dynamic_gather %select_n3A_309[%gather3A_323] in [0] : vector<16xf32>, vector<16xi32> -> vector<16xf32>
      %xor3A_325 = arith.constant 1 : i32
      %xor3A_326 = vector.broadcast %xor3A_325 : i32 to vector<16xi32>
      %xor3A_327 = arith.xori %iota3A, %xor3A_326 : vector<16xi32>
      %lt3A_328 = arith.constant 0 : i32
      %lt3A_329 = vector.broadcast %lt3A_328 : i32 to vector<16xi32>
      %lt3A_330 = arith.cmpi slt, %xor3A_327, %lt3A_329 : vector<16xi32>
      %add3A_331 = arith.constant 16 : i32
      %add3A_332 = vector.broadcast %add3A_331 : i32 to vector<16xi32>
      %add3A_333 = arith.addi %xor3A_327, %add3A_332 : vector<16xi32>
      %select_n3A_334 = arith.select %lt3A_330, %add3A_333, %xor3A_327 : vector<16xi1>, vector<16xi32>
      %broadcast_in_dim3A_335 = vector.shape_cast %select_n3A_334 : vector<16xi32> to vector<16x1xi32>
      %gather3A_336 = vector.shape_cast %broadcast_in_dim3A_335 : vector<16x1xi32> to vector<16xi32>
      %gather3A_337 = tpu.dynamic_gather %select_n3A_310[%gather3A_336] in [0] : vector<16xi32>, vector<16xi32> -> vector<16xi32>
      %xor3A_338 = arith.constant 1 : i32
      %xor3A_339 = vector.broadcast %xor3A_338 : i32 to vector<16xi32>
      %xor3A_340 = arith.xori %iota3A, %xor3A_339 : vector<16xi32>
      %lt3A_341 = arith.constant 0 : i32
      %lt3A_342 = vector.broadcast %lt3A_341 : i32 to vector<16xi32>
      %lt3A_343 = arith.cmpi slt, %xor3A_340, %lt3A_342 : vector<16xi32>
      %add3A_344 = arith.constant 16 : i32
      %add3A_345 = vector.broadcast %add3A_344 : i32 to vector<16xi32>
      %add3A_346 = arith.addi %xor3A_340, %add3A_345 : vector<16xi32>
      %select_n3A_347 = arith.select %lt3A_343, %add3A_346, %xor3A_340 : vector<16xi1>, vector<16xi32>
      %broadcast_in_dim3A_348 = vector.shape_cast %select_n3A_347 : vector<16xi32> to vector<16x1xi32>
      %gather3A_349 = vector.shape_cast %broadcast_in_dim3A_348 : vector<16x1xi32> to vector<16xi32>
      %gather3A_350 = tpu.dynamic_gather %select_n3A_311[%gather3A_349] in [0] : vector<16xi32>, vector<16xi32> -> vector<16xi32>
      %gt3A_351 = arith.cmpf ogt, %gather3A_324, %select_n3A_309 : vector<16xf32>
      %eq3A_352 = arith.cmpf oeq, %gather3A_324, %select_n3A_309 : vector<16xf32>
      %lt3A_353 = arith.cmpi slt, %gather3A_337, %select_n3A_310 : vector<16xi32>
      %and3A_354 = arith.andi %eq3A_352, %lt3A_353 : vector<16xi1>
      %or3A_355 = arith.ori %gt3A_351, %and3A_354 : vector<16xi1>
      %select_n3A_356 = arith.select %or3A_355, %gather3A_324, %select_n3A_309 : vector<16xi1>, vector<16xf32>
      %select_n3A_357 = arith.select %or3A_355, %gather3A_337, %select_n3A_310 : vector<16xi1>, vector<16xi32>
      %select_n3A_358 = arith.select %or3A_355, %gather3A_350, %select_n3A_311 : vector<16xi1>, vector<16xi32>
      %eq3A_359 = arith.cmpf oeq, %while3A_164, %select_n3A_356 : vector<16xf32>
      %eq3A_360 = arith.cmpi eq, %while3A_165, %select_n3A_357 : vector<16xi32>
      %and3A_361 = arith.andi %eq3A_359, %eq3A_360 : vector<16xi1>
      %select_n3A_362 = arith.select %and3A_361, %while3A_166, %while3A_164 : vector<16xi1>, vector<16xf32>
      %select_n3A_363 = arith.select %and3A_361, %while3A_167, %while3A_165 : vector<16xi1>, vector<16xi32>
      %xor3A_364 = arith.constant 8 : i32
      %xor3A_365 = vector.broadcast %xor3A_364 : i32 to vector<16xi32>
      %xor3A_366 = arith.xori %iota3A, %xor3A_365 : vector<16xi32>
      %lt3A_367 = arith.constant 0 : i32
      %lt3A_368 = vector.broadcast %lt3A_367 : i32 to vector<16xi32>
      %lt3A_369 = arith.cmpi slt, %xor3A_366, %lt3A_368 : vector<16xi32>
      %add3A_370 = arith.constant 16 : i32
      %add3A_371 = vector.broadcast %add3A_370 : i32 to vector<16xi32>
      %add3A_372 = arith.addi %xor3A_366, %add3A_371 : vector<16xi32>
      %select_n3A_373 = arith.select %lt3A_369, %add3A_372, %xor3A_366 : vector<16xi1>, vector<16xi32>
      %broadcast_in_dim3A_374 = vector.shape_cast %select_n3A_373 : vector<16xi32> to vector<16x1xi32>
      %gather3A_375 = vector.shape_cast %broadcast_in_dim3A_374 : vector<16x1xi32> to vector<16xi32>
      %gather3A_376 = tpu.dynamic_gather %select_n3A_362[%gather3A_375] in [0] : vector<16xf32>, vector<16xi32> -> vector<16xf32>
      %xor3A_377 = arith.constant 8 : i32
      %xor3A_378 = vector.broadcast %xor3A_377 : i32 to vector<16xi32>
      %xor3A_379 = arith.xori %iota3A, %xor3A_378 : vector<16xi32>
      %lt3A_380 = arith.constant 0 : i32
      %lt3A_381 = vector.broadcast %lt3A_380 : i32 to vector<16xi32>
      %lt3A_382 = arith.cmpi slt, %xor3A_379, %lt3A_381 : vector<16xi32>
      %add3A_383 = arith.constant 16 : i32
      %add3A_384 = vector.broadcast %add3A_383 : i32 to vector<16xi32>
      %add3A_385 = arith.addi %xor3A_379, %add3A_384 : vector<16xi32>
      %select_n3A_386 = arith.select %lt3A_382, %add3A_385, %xor3A_379 : vector<16xi1>, vector<16xi32>
      %broadcast_in_dim3A_387 = vector.shape_cast %select_n3A_386 : vector<16xi32> to vector<16x1xi32>
      %gather3A_388 = vector.shape_cast %broadcast_in_dim3A_387 : vector<16x1xi32> to vector<16xi32>
      %gather3A_389 = tpu.dynamic_gather %select_n3A_363[%gather3A_388] in [0] : vector<16xi32>, vector<16xi32> -> vector<16xi32>
      %xor3A_390 = arith.constant 8 : i32
      %xor3A_391 = vector.broadcast %xor3A_390 : i32 to vector<16xi32>
      %xor3A_392 = arith.xori %iota3A, %xor3A_391 : vector<16xi32>
      %lt3A_393 = arith.constant 0 : i32
      %lt3A_394 = vector.broadcast %lt3A_393 : i32 to vector<16xi32>
      %lt3A_395 = arith.cmpi slt, %xor3A_392, %lt3A_394 : vector<16xi32>
      %add3A_396 = arith.constant 16 : i32
      %add3A_397 = vector.broadcast %add3A_396 : i32 to vector<16xi32>
      %add3A_398 = arith.addi %xor3A_392, %add3A_397 : vector<16xi32>
      %select_n3A_399 = arith.select %lt3A_395, %add3A_398, %xor3A_392 : vector<16xi1>, vector<16xi32>
      %broadcast_in_dim3A_400 = vector.shape_cast %select_n3A_399 : vector<16xi32> to vector<16x1xi32>
      %gather3A_401 = vector.shape_cast %broadcast_in_dim3A_400 : vector<16x1xi32> to vector<16xi32>
      %gather3A_402 = tpu.dynamic_gather %iota3A[%gather3A_401] in [0] : vector<16xi32>, vector<16xi32> -> vector<16xi32>
      %gt3A_403 = arith.cmpf ogt, %gather3A_376, %select_n3A_362 : vector<16xf32>
      %eq3A_404 = arith.cmpf oeq, %gather3A_376, %select_n3A_362 : vector<16xf32>
      %lt3A_405 = arith.cmpi slt, %gather3A_389, %select_n3A_363 : vector<16xi32>
      %and3A_406 = arith.andi %eq3A_404, %lt3A_405 : vector<16xi1>
      %or3A_407 = arith.ori %gt3A_403, %and3A_406 : vector<16xi1>
      %select_n3A_408 = arith.select %or3A_407, %gather3A_376, %select_n3A_362 : vector<16xi1>, vector<16xf32>
      %select_n3A_409 = arith.select %or3A_407, %gather3A_389, %select_n3A_363 : vector<16xi1>, vector<16xi32>
      %select_n3A_410 = arith.select %or3A_407, %gather3A_402, %iota3A : vector<16xi1>, vector<16xi32>
      %xor3A_411 = arith.constant 4 : i32
      %xor3A_412 = vector.broadcast %xor3A_411 : i32 to vector<16xi32>
      %xor3A_413 = arith.xori %iota3A, %xor3A_412 : vector<16xi32>
      %lt3A_414 = arith.constant 0 : i32
      %lt3A_415 = vector.broadcast %lt3A_414 : i32 to vector<16xi32>
      %lt3A_416 = arith.cmpi slt, %xor3A_413, %lt3A_415 : vector<16xi32>
      %add3A_417 = arith.constant 16 : i32
      %add3A_418 = vector.broadcast %add3A_417 : i32 to vector<16xi32>
      %add3A_419 = arith.addi %xor3A_413, %add3A_418 : vector<16xi32>
      %select_n3A_420 = arith.select %lt3A_416, %add3A_419, %xor3A_413 : vector<16xi1>, vector<16xi32>
      %broadcast_in_dim3A_421 = vector.shape_cast %select_n3A_420 : vector<16xi32> to vector<16x1xi32>
      %gather3A_422 = vector.shape_cast %broadcast_in_dim3A_421 : vector<16x1xi32> to vector<16xi32>
      %gather3A_423 = tpu.dynamic_gather %select_n3A_408[%gather3A_422] in [0] : vector<16xf32>, vector<16xi32> -> vector<16xf32>
      %xor3A_424 = arith.constant 4 : i32
      %xor3A_425 = vector.broadcast %xor3A_424 : i32 to vector<16xi32>
      %xor3A_426 = arith.xori %iota3A, %xor3A_425 : vector<16xi32>
      %lt3A_427 = arith.constant 0 : i32
      %lt3A_428 = vector.broadcast %lt3A_427 : i32 to vector<16xi32>
      %lt3A_429 = arith.cmpi slt, %xor3A_426, %lt3A_428 : vector<16xi32>
      %add3A_430 = arith.constant 16 : i32
      %add3A_431 = vector.broadcast %add3A_430 : i32 to vector<16xi32>
      %add3A_432 = arith.addi %xor3A_426, %add3A_431 : vector<16xi32>
      %select_n3A_433 = arith.select %lt3A_429, %add3A_432, %xor3A_426 : vector<16xi1>, vector<16xi32>
      %broadcast_in_dim3A_434 = vector.shape_cast %select_n3A_433 : vector<16xi32> to vector<16x1xi32>
      %gather3A_435 = vector.shape_cast %broadcast_in_dim3A_434 : vector<16x1xi32> to vector<16xi32>
      %gather3A_436 = tpu.dynamic_gather %select_n3A_409[%gather3A_435] in [0] : vector<16xi32>, vector<16xi32> -> vector<16xi32>
      %xor3A_437 = arith.constant 4 : i32
      %xor3A_438 = vector.broadcast %xor3A_437 : i32 to vector<16xi32>
      %xor3A_439 = arith.xori %iota3A, %xor3A_438 : vector<16xi32>
      %lt3A_440 = arith.constant 0 : i32
      %lt3A_441 = vector.broadcast %lt3A_440 : i32 to vector<16xi32>
      %lt3A_442 = arith.cmpi slt, %xor3A_439, %lt3A_441 : vector<16xi32>
      %add3A_443 = arith.constant 16 : i32
      %add3A_444 = vector.broadcast %add3A_443 : i32 to vector<16xi32>
      %add3A_445 = arith.addi %xor3A_439, %add3A_444 : vector<16xi32>
      %select_n3A_446 = arith.select %lt3A_442, %add3A_445, %xor3A_439 : vector<16xi1>, vector<16xi32>
      %broadcast_in_dim3A_447 = vector.shape_cast %select_n3A_446 : vector<16xi32> to vector<16x1xi32>
      %gather3A_448 = vector.shape_cast %broadcast_in_dim3A_447 : vector<16x1xi32> to vector<16xi32>
      %gather3A_449 = tpu.dynamic_gather %select_n3A_410[%gather3A_448] in [0] : vector<16xi32>, vector<16xi32> -> vector<16xi32>
      %gt3A_450 = arith.cmpf ogt, %gather3A_423, %select_n3A_408 : vector<16xf32>
      %eq3A_451 = arith.cmpf oeq, %gather3A_423, %select_n3A_408 : vector<16xf32>
      %lt3A_452 = arith.cmpi slt, %gather3A_436, %select_n3A_409 : vector<16xi32>
      %and3A_453 = arith.andi %eq3A_451, %lt3A_452 : vector<16xi1>
      %or3A_454 = arith.ori %gt3A_450, %and3A_453 : vector<16xi1>
      %select_n3A_455 = arith.select %or3A_454, %gather3A_423, %select_n3A_408 : vector<16xi1>, vector<16xf32>
      %select_n3A_456 = arith.select %or3A_454, %gather3A_436, %select_n3A_409 : vector<16xi1>, vector<16xi32>
      %select_n3A_457 = arith.select %or3A_454, %gather3A_449, %select_n3A_410 : vector<16xi1>, vector<16xi32>
      %xor3A_458 = arith.constant 2 : i32
      %xor3A_459 = vector.broadcast %xor3A_458 : i32 to vector<16xi32>
      %xor3A_460 = arith.xori %iota3A, %xor3A_459 : vector<16xi32>
      %lt3A_461 = arith.constant 0 : i32
      %lt3A_462 = vector.broadcast %lt3A_461 : i32 to vector<16xi32>
      %lt3A_463 = arith.cmpi slt, %xor3A_460, %lt3A_462 : vector<16xi32>
      %add3A_464 = arith.constant 16 : i32
      %add3A_465 = vector.broadcast %add3A_464 : i32 to vector<16xi32>
      %add3A_466 = arith.addi %xor3A_460, %add3A_465 : vector<16xi32>
      %select_n3A_467 = arith.select %lt3A_463, %add3A_466, %xor3A_460 : vector<16xi1>, vector<16xi32>
      %broadcast_in_dim3A_468 = vector.shape_cast %select_n3A_467 : vector<16xi32> to vector<16x1xi32>
      %gather3A_469 = vector.shape_cast %broadcast_in_dim3A_468 : vector<16x1xi32> to vector<16xi32>
      %gather3A_470 = tpu.dynamic_gather %select_n3A_455[%gather3A_469] in [0] : vector<16xf32>, vector<16xi32> -> vector<16xf32>
      %xor3A_471 = arith.constant 2 : i32
      %xor3A_472 = vector.broadcast %xor3A_471 : i32 to vector<16xi32>
      %xor3A_473 = arith.xori %iota3A, %xor3A_472 : vector<16xi32>
      %lt3A_474 = arith.constant 0 : i32
      %lt3A_475 = vector.broadcast %lt3A_474 : i32 to vector<16xi32>
      %lt3A_476 = arith.cmpi slt, %xor3A_473, %lt3A_475 : vector<16xi32>
      %add3A_477 = arith.constant 16 : i32
      %add3A_478 = vector.broadcast %add3A_477 : i32 to vector<16xi32>
      %add3A_479 = arith.addi %xor3A_473, %add3A_478 : vector<16xi32>
      %select_n3A_480 = arith.select %lt3A_476, %add3A_479, %xor3A_473 : vector<16xi1>, vector<16xi32>
      %broadcast_in_dim3A_481 = vector.shape_cast %select_n3A_480 : vector<16xi32> to vector<16x1xi32>
      %gather3A_482 = vector.shape_cast %broadcast_in_dim3A_481 : vector<16x1xi32> to vector<16xi32>
      %gather3A_483 = tpu.dynamic_gather %select_n3A_456[%gather3A_482] in [0] : vector<16xi32>, vector<16xi32> -> vector<16xi32>
      %xor3A_484 = arith.constant 2 : i32
      %xor3A_485 = vector.broadcast %xor3A_484 : i32 to vector<16xi32>
      %xor3A_486 = arith.xori %iota3A, %xor3A_485 : vector<16xi32>
      %lt3A_487 = arith.constant 0 : i32
      %lt3A_488 = vector.broadcast %lt3A_487 : i32 to vector<16xi32>
      %lt3A_489 = arith.cmpi slt, %xor3A_486, %lt3A_488 : vector<16xi32>
      %add3A_490 = arith.constant 16 : i32
      %add3A_491 = vector.broadcast %add3A_490 : i32 to vector<16xi32>
      %add3A_492 = arith.addi %xor3A_486, %add3A_491 : vector<16xi32>
      %select_n3A_493 = arith.select %lt3A_489, %add3A_492, %xor3A_486 : vector<16xi1>, vector<16xi32>
      %broadcast_in_dim3A_494 = vector.shape_cast %select_n3A_493 : vector<16xi32> to vector<16x1xi32>
      %gather3A_495 = vector.shape_cast %broadcast_in_dim3A_494 : vector<16x1xi32> to vector<16xi32>
      %gather3A_496 = tpu.dynamic_gather %select_n3A_457[%gather3A_495] in [0] : vector<16xi32>, vector<16xi32> -> vector<16xi32>
      %gt3A_497 = arith.cmpf ogt, %gather3A_470, %select_n3A_455 : vector<16xf32>
      %eq3A_498 = arith.cmpf oeq, %gather3A_470, %select_n3A_455 : vector<16xf32>
      %lt3A_499 = arith.cmpi slt, %gather3A_483, %select_n3A_456 : vector<16xi32>
      %and3A_500 = arith.andi %eq3A_498, %lt3A_499 : vector<16xi1>
      %or3A_501 = arith.ori %gt3A_497, %and3A_500 : vector<16xi1>
      %select_n3A_502 = arith.select %or3A_501, %gather3A_470, %select_n3A_455 : vector<16xi1>, vector<16xf32>
      %select_n3A_503 = arith.select %or3A_501, %gather3A_483, %select_n3A_456 : vector<16xi1>, vector<16xi32>
      %select_n3A_504 = arith.select %or3A_501, %gather3A_496, %select_n3A_457 : vector<16xi1>, vector<16xi32>
      %xor3A_505 = arith.constant 1 : i32
      %xor3A_506 = vector.broadcast %xor3A_505 : i32 to vector<16xi32>
      %xor3A_507 = arith.xori %iota3A, %xor3A_506 : vector<16xi32>
      %lt3A_508 = arith.constant 0 : i32
      %lt3A_509 = vector.broadcast %lt3A_508 : i32 to vector<16xi32>
      %lt3A_510 = arith.cmpi slt, %xor3A_507, %lt3A_509 : vector<16xi32>
      %add3A_511 = arith.constant 16 : i32
      %add3A_512 = vector.broadcast %add3A_511 : i32 to vector<16xi32>
      %add3A_513 = arith.addi %xor3A_507, %add3A_512 : vector<16xi32>
      %select_n3A_514 = arith.select %lt3A_510, %add3A_513, %xor3A_507 : vector<16xi1>, vector<16xi32>
      %broadcast_in_dim3A_515 = vector.shape_cast %select_n3A_514 : vector<16xi32> to vector<16x1xi32>
      %gather3A_516 = vector.shape_cast %broadcast_in_dim3A_515 : vector<16x1xi32> to vector<16xi32>
      %gather3A_517 = tpu.dynamic_gather %select_n3A_502[%gather3A_516] in [0] : vector<16xf32>, vector<16xi32> -> vector<16xf32>
      %xor3A_518 = arith.constant 1 : i32
      %xor3A_519 = vector.broadcast %xor3A_518 : i32 to vector<16xi32>
      %xor3A_520 = arith.xori %iota3A, %xor3A_519 : vector<16xi32>
      %lt3A_521 = arith.constant 0 : i32
      %lt3A_522 = vector.broadcast %lt3A_521 : i32 to vector<16xi32>
      %lt3A_523 = arith.cmpi slt, %xor3A_520, %lt3A_522 : vector<16xi32>
      %add3A_524 = arith.constant 16 : i32
      %add3A_525 = vector.broadcast %add3A_524 : i32 to vector<16xi32>
      %add3A_526 = arith.addi %xor3A_520, %add3A_525 : vector<16xi32>
      %select_n3A_527 = arith.select %lt3A_523, %add3A_526, %xor3A_520 : vector<16xi1>, vector<16xi32>
      %broadcast_in_dim3A_528 = vector.shape_cast %select_n3A_527 : vector<16xi32> to vector<16x1xi32>
      %gather3A_529 = vector.shape_cast %broadcast_in_dim3A_528 : vector<16x1xi32> to vector<16xi32>
      %gather3A_530 = tpu.dynamic_gather %select_n3A_503[%gather3A_529] in [0] : vector<16xi32>, vector<16xi32> -> vector<16xi32>
      %xor3A_531 = arith.constant 1 : i32
      %xor3A_532 = vector.broadcast %xor3A_531 : i32 to vector<16xi32>
      %xor3A_533 = arith.xori %iota3A, %xor3A_532 : vector<16xi32>
      %lt3A_534 = arith.constant 0 : i32
      %lt3A_535 = vector.broadcast %lt3A_534 : i32 to vector<16xi32>
      %lt3A_536 = arith.cmpi slt, %xor3A_533, %lt3A_535 : vector<16xi32>
      %add3A_537 = arith.constant 16 : i32
      %add3A_538 = vector.broadcast %add3A_537 : i32 to vector<16xi32>
      %add3A_539 = arith.addi %xor3A_533, %add3A_538 : vector<16xi32>
      %select_n3A_540 = arith.select %lt3A_536, %add3A_539, %xor3A_533 : vector<16xi1>, vector<16xi32>
      %broadcast_in_dim3A_541 = vector.shape_cast %select_n3A_540 : vector<16xi32> to vector<16x1xi32>
      %gather3A_542 = vector.shape_cast %broadcast_in_dim3A_541 : vector<16x1xi32> to vector<16xi32>
      %gather3A_543 = tpu.dynamic_gather %select_n3A_504[%gather3A_542] in [0] : vector<16xi32>, vector<16xi32> -> vector<16xi32>
      %gt3A_544 = arith.cmpf ogt, %gather3A_517, %select_n3A_502 : vector<16xf32>
      %eq3A_545 = arith.cmpf oeq, %gather3A_517, %select_n3A_502 : vector<16xf32>
      %lt3A_546 = arith.cmpi slt, %gather3A_530, %select_n3A_503 : vector<16xi32>
      %and3A_547 = arith.andi %eq3A_545, %lt3A_546 : vector<16xi1>
      %or3A_548 = arith.ori %gt3A_544, %and3A_547 : vector<16xi1>
      %select_n3A_549 = arith.select %or3A_548, %gather3A_517, %select_n3A_502 : vector<16xi1>, vector<16xf32>
      %select_n3A_550 = arith.select %or3A_548, %gather3A_530, %select_n3A_503 : vector<16xi1>, vector<16xi32>
      %select_n3A_551 = arith.select %or3A_548, %gather3A_543, %select_n3A_504 : vector<16xi1>, vector<16xi32>
      %lt3A_552 = arith.constant 8 : i32
      %lt3A_553 = vector.broadcast %lt3A_552 : i32 to vector<16xi32>
      %lt3A_554 = arith.cmpi slt, %iota3A, %lt3A_553 : vector<16xi32>
      %select_n3A_555 = arith.select %lt3A_554, %select_n3A_357, %select_n3A_550 : vector<16xi1>, vector<16xi32>
      %and3A_556 = arith.constant 7 : i32
      %and3A_557 = vector.broadcast %and3A_556 : i32 to vector<16xi32>
      %and3A_558 = arith.andi %iota3A, %and3A_557 : vector<16xi32>
      %sub3A_559 = arith.constant 2 : i32
      %sub3A_560 = vector.broadcast %sub3A_559 : i32 to vector<16xi32>
      %sub3A_561 = arith.subi %and3A_558, %sub3A_560 : vector<16xi32>
      %jit3A_562 = arith.constant 0 : i32
      %jit3A_563 = arith.constant 4 : i32
      %max3A = vector.broadcast %jit3A_562 : i32 to vector<16xi32>
      %max3A_564 = arith.maxsi %max3A, %sub3A_561 : vector<16xi32>
      %min3A = vector.broadcast %jit3A_563 : i32 to vector<16xi32>
      %min3A_565 = arith.minsi %min3A, %max3A_564 : vector<16xi32>
      %mul3A_566 = arith.constant 2592 : i32
      %mul3A_567 = vector.broadcast %mul3A_566 : i32 to vector<16xi32>
      %mul3A_568 = arith.muli %mul3A_567, %min3A_565 : vector<16xi32>
      %add3A_569 = arith.addi %select_n3A_555, %mul3A_568 : vector<16xi32>
      %gather3A_570 = tpu.vector_load_idx %arg10[%add3A_569] : memref<12960xf32, #tpu.memory_space<vmem>>[vector<16xi32>], vector<16xf32>,
      %eq3A_571 = arith.constant 0 : i32
      %eq3A_572 = vector.broadcast %eq3A_571 : i32 to vector<16xi32>
      %eq3A_573 = arith.cmpi eq, %iota3A, %eq3A_572 : vector<16xi32>
      %select_n3A_574 = arith.select %eq3A_573, %select_n3A_356, %gather3A_570 : vector<16xi1>, vector<16xf32>
      %eq3A_575 = arith.constant 1 : i32
      %eq3A_576 = vector.broadcast %eq3A_575 : i32 to vector<16xi32>
      %eq3A_577 = arith.cmpi eq, %iota3A, %eq3A_576 : vector<16xi32>
      %mul3A_578 = arith.constant 2592 : i32
      %mul3A_579 = arith.muli %select_n3A_30, %mul3A_578 : i32
      %add3A_580 = vector.broadcast %mul3A_579 : i32 to vector<16xi32>
      %add3A_581 = arith.addi %add3A_580, %select_n3A_357 : vector<16xi32>
      %convert_element_type3A_582 = arith.sitofp %add3A_581 : vector<16xi32> to vector<16xf32>
      %select_n3A_583 = arith.select %eq3A_577, %convert_element_type3A_582, %select_n3A_574 : vector<16xi1>, vector<16xf32>
      %eq3A_584 = arith.constant 7 : i32
      %eq3A_585 = vector.broadcast %eq3A_584 : i32 to vector<16xi32>
      %eq3A_586 = arith.cmpi eq, %iota3A, %eq3A_585 : vector<16xi32>
      %convert_element_type3A_587 = arith.sitofp %while3A_161 : i32 to f32
      %broadcast_in_dim3A_588 = vector.broadcast %convert_element_type3A_587 : f32 to vector<16xf32>
      %select_n3A_589 = arith.select %eq3A_586, %broadcast_in_dim3A_588, %select_n3A_583 : vector<16xi1>, vector<16xf32>
      %eq3A_590 = arith.constant 8 : i32
      %eq3A_591 = vector.broadcast %eq3A_590 : i32 to vector<16xi32>
      %eq3A_592 = arith.cmpi eq, %iota3A, %eq3A_591 : vector<16xi32>
      %select_n3A_593 = arith.select %eq3A_592, %select_n3A_549, %select_n3A_589 : vector<16xi1>, vector<16xf32>
      %eq3A_594 = arith.constant 9 : i32
      %eq3A_595 = vector.broadcast %eq3A_594 : i32 to vector<16xi32>
      %eq3A_596 = arith.cmpi eq, %iota3A, %eq3A_595 : vector<16xi32>
      %mul3A_597 = arith.constant 2592 : i32
      %mul3A_598 = arith.muli %select_n3A_30, %mul3A_597 : i32
      %add3A_599 = vector.broadcast %mul3A_598 : i32 to vector<16xi32>
      %add3A_600 = arith.addi %add3A_599, %select_n3A_550 : vector<16xi32>
      %convert_element_type3A_601 = arith.sitofp %add3A_600 : vector<16xi32> to vector<16xf32>
      %select_n3A_602 = arith.select %eq3A_596, %convert_element_type3A_601, %select_n3A_593 : vector<16xi1>, vector<16xf32>
      %swap3A = arith.constant 0 : index
      %swap3A_603 = tpu.vector_load %arg12[%swap3A] {strides = array<i32>} : memref<16xf32, #tpu.memory_space<vmem>>, vector<16xf32>,
      tpu.vector_store %arg12[%swap3A], %select_n3A_602 {strides = array<i32>} : memref<16xf32, #tpu.memory_space<vmem>>, vector<16xf32>,
      %jit3A_604 = arith.constant 2 : i32
      %eq3A_605 = arith.constant 0 : i32
      %eq3A_606 = arith.cmpi eq, %jit3A_604, %eq3A_605 : i32
      %jit3A_607 = arith.constant 1 : i32
      %select_n3A_608 = arith.select %eq3A_606, %jit3A_607, %jit3A_604 : i32
      %rem3A_609 = arith.remsi %while3A_162, %select_n3A_608 : i32
      %ne3A_610 = arith.constant 0 : i32
      %ne3A_611 = arith.cmpi ne, %rem3A_609, %ne3A_610 : i32
      %lt3A_612 = arith.constant 0 : i32
      %lt3A_613 = arith.cmpi slt, %rem3A_609, %lt3A_612 : i32
      %lt3A_614 = arith.constant 0 : i32
      %lt3A_615 = arith.cmpi slt, %select_n3A_608, %lt3A_614 : i32
      %ne3A_616 = arith.xori %lt3A_613, %lt3A_615 : i1
      %and3A_617 = arith.andi %ne3A_616, %ne3A_611 : i1
      %add3A_618 = arith.addi %rem3A_609, %select_n3A_608 : i32
      %select_n3A_619 = arith.select %and3A_617, %add3A_618, %rem3A_609 : i32
      %mul3A_620 = arith.constant 256 : i32
      %mul3A_621 = arith.muli %select_n3A_619, %mul3A_620 : i32
      %mul3A_622 = arith.constant 16 : i32
      %mul3A_623 = arith.muli %arg1, %mul3A_622 : i32
      %add3A_624 = arith.addi %mul3A_621, %mul3A_623 : i32
      "tpu.region"() ({
        %run_scoped3A_1381 = tpu.sem_alloc : memref<!tpu.dma_semaphore, #tpu.memory_space<semaphore_mem>>
        %dma_start3A = tpu.memref_slice %arg20[%add3A_624] : memref<512xf32, #tpu.memory_space<vmem_shared>> -> memref<16xf32, #tpu.memory_space<vmem_shared>>
        %dma_start3A_1382 = tpu.memref_slice %arg20[%add3A_624] : memref<512xf32, #tpu.memory_space<vmem_shared>> -> memref<16xf32, #tpu.memory_space<vmem_shared>>
        tpu.enqueue_dma source(%arg12 : memref<16xf32, #tpu.memory_space<vmem>>) target(%dma_start3A_1382 : memref<16xf32, #tpu.memory_space<vmem_shared>>) target_semaphore(%run_scoped3A_1381 : memref<!tpu.dma_semaphore, #tpu.memory_space<semaphore_mem>>)
        %dma_wait3A = tpu.memref_slice %arg20[%add3A_624] : memref<512xf32, #tpu.memory_space<vmem_shared>> -> memref<16xf32, #tpu.memory_space<vmem_shared>>
        %dma_wait3A_1383 = tpu.memref_slice %arg20[%add3A_624] : memref<512xf32, #tpu.memory_space<vmem_shared>> -> memref<16xf32, #tpu.memory_space<vmem_shared>>
        tpu.wait_dma2 semaphore(%run_scoped3A_1381 : memref<!tpu.dma_semaphore, #tpu.memory_space<semaphore_mem>>) src(%arg12 : memref<16xf32, #tpu.memory_space<vmem>>) dst(%dma_wait3A_1383 : memref<16xf32, #tpu.memory_space<vmem_shared>>)
        tpu.yield
      }) : () -> ()
      %barrier3A = arith.constant 0 : index
      tpu.barrier barrier_id(%barrier3A)
      %mul3A_625 = arith.constant 256 : i32
      %mul3A_626 = arith.muli %select_n3A_619, %mul3A_625 : i32
      "tpu.region"() ({
        %run_scoped3A_1381 = tpu.sem_alloc : memref<!tpu.dma_semaphore, #tpu.memory_space<semaphore_mem>>
        %dma_start3A = tpu.memref_slice %arg20[%mul3A_626] : memref<512xf32, #tpu.memory_space<vmem_shared>> -> memref<256xf32, #tpu.memory_space<vmem_shared>>
        %dma_start3A_1382 = tpu.memref_slice %arg20[%mul3A_626] : memref<512xf32, #tpu.memory_space<vmem_shared>> -> memref<256xf32, #tpu.memory_space<vmem_shared>>
        tpu.enqueue_dma source(%dma_start3A_1382 : memref<256xf32, #tpu.memory_space<vmem_shared>>) target(%arg13 : memref<256xf32, #tpu.memory_space<vmem>>) target_semaphore(%run_scoped3A_1381 : memref<!tpu.dma_semaphore, #tpu.memory_space<semaphore_mem>>)
        %dma_wait3A = tpu.memref_slice %arg20[%mul3A_626] : memref<512xf32, #tpu.memory_space<vmem_shared>> -> memref<256xf32, #tpu.memory_space<vmem_shared>>
        %dma_wait3A_1383 = tpu.memref_slice %arg20[%mul3A_626] : memref<512xf32, #tpu.memory_space<vmem_shared>> -> memref<256xf32, #tpu.memory_space<vmem_shared>>
        tpu.wait_dma2 semaphore(%run_scoped3A_1381 : memref<!tpu.dma_semaphore, #tpu.memory_space<semaphore_mem>>) src(%dma_wait3A_1383 : memref<256xf32, #tpu.memory_space<vmem_shared>>) dst(%arg13 : memref<256xf32, #tpu.memory_space<vmem>>)
        tpu.yield
      }) : () -> ()
      %mul3A_627 = arith.constant 16 : i32
      %mul3A_628 = arith.muli %mul3A_56, %mul3A_627 : i32
      %and3A_629 = arith.constant 7 : i32
      %and3A_630 = vector.broadcast %and3A_629 : i32 to vector<16xi32>
      %and3A_631 = arith.andi %iota3A, %and3A_630 : vector<16xi32>
      %mul3A_632 = arith.constant 16 : i32
      %mul3A_633 = vector.broadcast %mul3A_632 : i32 to vector<16xi32>
      %mul3A_634 = arith.muli %and3A_631, %mul3A_633 : vector<16xi32>
      %add3A_635 = vector.broadcast %mul3A_628 : i32 to vector<16xi32>
      %add3A_636 = arith.addi %add3A_635, %mul3A_634 : vector<16xi32>
      %shift_right_arithmetic3A = arith.constant 3 : i32
      %shift_right_arithmetic3A_637 = vector.broadcast %shift_right_arithmetic3A : i32 to vector<16xi32>
      %shift_right_arithmetic3A_638 = arith.shrsi %iota3A, %shift_right_arithmetic3A_637 : vector<16xi32>
      %mul3A_639 = arith.constant 8 : i32
      %mul3A_640 = vector.broadcast %mul3A_639 : i32 to vector<16xi32>
      %mul3A_641 = arith.muli %shift_right_arithmetic3A_638, %mul3A_640 : vector<16xi32>
      %add3A_642 = arith.addi %add3A_636, %mul3A_641 : vector<16xi32>
      %gather3A_643 = tpu.vector_load_idx %arg13[%add3A_642] : memref<256xf32, #tpu.memory_space<vmem>>[vector<16xi32>], vector<16xf32>,
      %add3A_644 = arith.constant 1 : i32
      %add3A_645 = vector.broadcast %add3A_644 : i32 to vector<16xi32>
      %add3A_646 = arith.addi %add3A_642, %add3A_645 : vector<16xi32>
      %gather3A_647 = tpu.vector_load_idx %arg13[%add3A_646] : memref<256xf32, #tpu.memory_space<vmem>>[vector<16xi32>], vector<16xf32>,
      %convert_element_type3A_648 = arith.fptosi %gather3A_647 : vector<16xf32> to vector<16xi32>
      %add3A_649 = arith.constant 2 : i32
      %add3A_650 = vector.broadcast %add3A_649 : i32 to vector<16xi32>
      %add3A_651 = arith.addi %add3A_642, %add3A_650 : vector<16xi32>
      %gather3A_652 = tpu.vector_load_idx %arg13[%add3A_651] : memref<256xf32, #tpu.memory_space<vmem>>[vector<16xi32>], vector<16xf32>,
      %add3A_653 = arith.constant 3 : i32
      %add3A_654 = vector.broadcast %add3A_653 : i32 to vector<16xi32>
      %add3A_655 = arith.addi %add3A_642, %add3A_654 : vector<16xi32>
      %gather3A_656 = tpu.vector_load_idx %arg13[%add3A_655] : memref<256xf32, #tpu.memory_space<vmem>>[vector<16xi32>], vector<16xf32>,
      %add3A_657 = arith.constant 4 : i32
      %add3A_658 = vector.broadcast %add3A_657 : i32 to vector<16xi32>
      %add3A_659 = arith.addi %add3A_642, %add3A_658 : vector<16xi32>
      %gather3A_660 = tpu.vector_load_idx %arg13[%add3A_659] : memref<256xf32, #tpu.memory_space<vmem>>[vector<16xi32>], vector<16xf32>,
      %add3A_661 = arith.constant 5 : i32
      %add3A_662 = vector.broadcast %add3A_661 : i32 to vector<16xi32>
      %add3A_663 = arith.addi %add3A_642, %add3A_662 : vector<16xi32>
      %gather3A_664 = tpu.vector_load_idx %arg13[%add3A_663] : memref<256xf32, #tpu.memory_space<vmem>>[vector<16xi32>], vector<16xf32>,
      %add3A_665 = arith.constant 6 : i32
      %add3A_666 = vector.broadcast %add3A_665 : i32 to vector<16xi32>
      %add3A_667 = arith.addi %add3A_642, %add3A_666 : vector<16xi32>
      %gather3A_668 = tpu.vector_load_idx %arg13[%add3A_667] : memref<256xf32, #tpu.memory_space<vmem>>[vector<16xi32>], vector<16xf32>,
      %xor3A_669 = arith.constant 8 : i32
      %xor3A_670 = vector.broadcast %xor3A_669 : i32 to vector<16xi32>
      %xor3A_671 = arith.xori %iota3A, %xor3A_670 : vector<16xi32>
      %lt3A_672 = arith.constant 0 : i32
      %lt3A_673 = vector.broadcast %lt3A_672 : i32 to vector<16xi32>
      %lt3A_674 = arith.cmpi slt, %xor3A_671, %lt3A_673 : vector<16xi32>
      %add3A_675 = arith.constant 16 : i32
      %add3A_676 = vector.broadcast %add3A_675 : i32 to vector<16xi32>
      %add3A_677 = arith.addi %xor3A_671, %add3A_676 : vector<16xi32>
      %select_n3A_678 = arith.select %lt3A_674, %add3A_677, %xor3A_671 : vector<16xi1>, vector<16xi32>
      %broadcast_in_dim3A_679 = vector.shape_cast %select_n3A_678 : vector<16xi32> to vector<16x1xi32>
      %gather3A_680 = vector.shape_cast %broadcast_in_dim3A_679 : vector<16x1xi32> to vector<16xi32>
      %gather3A_681 = tpu.dynamic_gather %gather3A_643[%gather3A_680] in [0] : vector<16xf32>, vector<16xi32> -> vector<16xf32>
      %xor3A_682 = arith.constant 8 : i32
      %xor3A_683 = vector.broadcast %xor3A_682 : i32 to vector<16xi32>
      %xor3A_684 = arith.xori %iota3A, %xor3A_683 : vector<16xi32>
      %lt3A_685 = arith.constant 0 : i32
      %lt3A_686 = vector.broadcast %lt3A_685 : i32 to vector<16xi32>
      %lt3A_687 = arith.cmpi slt, %xor3A_684, %lt3A_686 : vector<16xi32>
      %add3A_688 = arith.constant 16 : i32
      %add3A_689 = vector.broadcast %add3A_688 : i32 to vector<16xi32>
      %add3A_690 = arith.addi %xor3A_684, %add3A_689 : vector<16xi32>
      %select_n3A_691 = arith.select %lt3A_687, %add3A_690, %xor3A_684 : vector<16xi1>, vector<16xi32>
      %broadcast_in_dim3A_692 = vector.shape_cast %select_n3A_691 : vector<16xi32> to vector<16x1xi32>
      %gather3A_693 = vector.shape_cast %broadcast_in_dim3A_692 : vector<16x1xi32> to vector<16xi32>
      %gather3A_694 = tpu.dynamic_gather %convert_element_type3A_648[%gather3A_693] in [0] : vector<16xi32>, vector<16xi32> -> vector<16xi32>
      %xor3A_695 = arith.constant 8 : i32
      %xor3A_696 = vector.broadcast %xor3A_695 : i32 to vector<16xi32>
      %xor3A_697 = arith.xori %iota3A, %xor3A_696 : vector<16xi32>
      %lt3A_698 = arith.constant 0 : i32
      %lt3A_699 = vector.broadcast %lt3A_698 : i32 to vector<16xi32>
      %lt3A_700 = arith.cmpi slt, %xor3A_697, %lt3A_699 : vector<16xi32>
      %add3A_701 = arith.constant 16 : i32
      %add3A_702 = vector.broadcast %add3A_701 : i32 to vector<16xi32>
      %add3A_703 = arith.addi %xor3A_697, %add3A_702 : vector<16xi32>
      %select_n3A_704 = arith.select %lt3A_700, %add3A_703, %xor3A_697 : vector<16xi1>, vector<16xi32>
      %broadcast_in_dim3A_705 = vector.shape_cast %select_n3A_704 : vector<16xi32> to vector<16x1xi32>
      %gather3A_706 = vector.shape_cast %broadcast_in_dim3A_705 : vector<16x1xi32> to vector<16xi32>
      %gather3A_707 = tpu.dynamic_gather %iota3A[%gather3A_706] in [0] : vector<16xi32>, vector<16xi32> -> vector<16xi32>
      %gt3A_708 = arith.cmpf ogt, %gather3A_681, %gather3A_643 : vector<16xf32>
      %eq3A_709 = arith.cmpf oeq, %gather3A_681, %gather3A_643 : vector<16xf32>
      %lt3A_710 = arith.cmpi slt, %gather3A_694, %convert_element_type3A_648 : vector<16xi32>
      %and3A_711 = arith.andi %eq3A_709, %lt3A_710 : vector<16xi1>
      %or3A_712 = arith.ori %gt3A_708, %and3A_711 : vector<16xi1>
      %select_n3A_713 = arith.select %or3A_712, %gather3A_681, %gather3A_643 : vector<16xi1>, vector<16xf32>
      %select_n3A_714 = arith.select %or3A_712, %gather3A_694, %convert_element_type3A_648 : vector<16xi1>, vector<16xi32>
      %select_n3A_715 = arith.select %or3A_712, %gather3A_707, %iota3A : vector<16xi1>, vector<16xi32>
      %xor3A_716 = arith.constant 4 : i32
      %xor3A_717 = vector.broadcast %xor3A_716 : i32 to vector<16xi32>
      %xor3A_718 = arith.xori %iota3A, %xor3A_717 : vector<16xi32>
      %lt3A_719 = arith.constant 0 : i32
      %lt3A_720 = vector.broadcast %lt3A_719 : i32 to vector<16xi32>
      %lt3A_721 = arith.cmpi slt, %xor3A_718, %lt3A_720 : vector<16xi32>
      %add3A_722 = arith.constant 16 : i32
      %add3A_723 = vector.broadcast %add3A_722 : i32 to vector<16xi32>
      %add3A_724 = arith.addi %xor3A_718, %add3A_723 : vector<16xi32>
      %select_n3A_725 = arith.select %lt3A_721, %add3A_724, %xor3A_718 : vector<16xi1>, vector<16xi32>
      %broadcast_in_dim3A_726 = vector.shape_cast %select_n3A_725 : vector<16xi32> to vector<16x1xi32>
      %gather3A_727 = vector.shape_cast %broadcast_in_dim3A_726 : vector<16x1xi32> to vector<16xi32>
      %gather3A_728 = tpu.dynamic_gather %select_n3A_713[%gather3A_727] in [0] : vector<16xf32>, vector<16xi32> -> vector<16xf32>
      %xor3A_729 = arith.constant 4 : i32
      %xor3A_730 = vector.broadcast %xor3A_729 : i32 to vector<16xi32>
      %xor3A_731 = arith.xori %iota3A, %xor3A_730 : vector<16xi32>
      %lt3A_732 = arith.constant 0 : i32
      %lt3A_733 = vector.broadcast %lt3A_732 : i32 to vector<16xi32>
      %lt3A_734 = arith.cmpi slt, %xor3A_731, %lt3A_733 : vector<16xi32>
      %add3A_735 = arith.constant 16 : i32
      %add3A_736 = vector.broadcast %add3A_735 : i32 to vector<16xi32>
      %add3A_737 = arith.addi %xor3A_731, %add3A_736 : vector<16xi32>
      %select_n3A_738 = arith.select %lt3A_734, %add3A_737, %xor3A_731 : vector<16xi1>, vector<16xi32>
      %broadcast_in_dim3A_739 = vector.shape_cast %select_n3A_738 : vector<16xi32> to vector<16x1xi32>
      %gather3A_740 = vector.shape_cast %broadcast_in_dim3A_739 : vector<16x1xi32> to vector<16xi32>
      %gather3A_741 = tpu.dynamic_gather %select_n3A_714[%gather3A_740] in [0] : vector<16xi32>, vector<16xi32> -> vector<16xi32>
      %xor3A_742 = arith.constant 4 : i32
      %xor3A_743 = vector.broadcast %xor3A_742 : i32 to vector<16xi32>
      %xor3A_744 = arith.xori %iota3A, %xor3A_743 : vector<16xi32>
      %lt3A_745 = arith.constant 0 : i32
      %lt3A_746 = vector.broadcast %lt3A_745 : i32 to vector<16xi32>
      %lt3A_747 = arith.cmpi slt, %xor3A_744, %lt3A_746 : vector<16xi32>
      %add3A_748 = arith.constant 16 : i32
      %add3A_749 = vector.broadcast %add3A_748 : i32 to vector<16xi32>
      %add3A_750 = arith.addi %xor3A_744, %add3A_749 : vector<16xi32>
      %select_n3A_751 = arith.select %lt3A_747, %add3A_750, %xor3A_744 : vector<16xi1>, vector<16xi32>
      %broadcast_in_dim3A_752 = vector.shape_cast %select_n3A_751 : vector<16xi32> to vector<16x1xi32>
      %gather3A_753 = vector.shape_cast %broadcast_in_dim3A_752 : vector<16x1xi32> to vector<16xi32>
      %gather3A_754 = tpu.dynamic_gather %select_n3A_715[%gather3A_753] in [0] : vector<16xi32>, vector<16xi32> -> vector<16xi32>
      %gt3A_755 = arith.cmpf ogt, %gather3A_728, %select_n3A_713 : vector<16xf32>
      %eq3A_756 = arith.cmpf oeq, %gather3A_728, %select_n3A_713 : vector<16xf32>
      %lt3A_757 = arith.cmpi slt, %gather3A_741, %select_n3A_714 : vector<16xi32>
      %and3A_758 = arith.andi %eq3A_756, %lt3A_757 : vector<16xi1>
      %or3A_759 = arith.ori %gt3A_755, %and3A_758 : vector<16xi1>
      %select_n3A_760 = arith.select %or3A_759, %gather3A_728, %select_n3A_713 : vector<16xi1>, vector<16xf32>
      %select_n3A_761 = arith.select %or3A_759, %gather3A_741, %select_n3A_714 : vector<16xi1>, vector<16xi32>
      %select_n3A_762 = arith.select %or3A_759, %gather3A_754, %select_n3A_715 : vector<16xi1>, vector<16xi32>
      %xor3A_763 = arith.constant 2 : i32
      %xor3A_764 = vector.broadcast %xor3A_763 : i32 to vector<16xi32>
      %xor3A_765 = arith.xori %iota3A, %xor3A_764 : vector<16xi32>
      %lt3A_766 = arith.constant 0 : i32
      %lt3A_767 = vector.broadcast %lt3A_766 : i32 to vector<16xi32>
      %lt3A_768 = arith.cmpi slt, %xor3A_765, %lt3A_767 : vector<16xi32>
      %add3A_769 = arith.constant 16 : i32
      %add3A_770 = vector.broadcast %add3A_769 : i32 to vector<16xi32>
      %add3A_771 = arith.addi %xor3A_765, %add3A_770 : vector<16xi32>
      %select_n3A_772 = arith.select %lt3A_768, %add3A_771, %xor3A_765 : vector<16xi1>, vector<16xi32>
      %broadcast_in_dim3A_773 = vector.shape_cast %select_n3A_772 : vector<16xi32> to vector<16x1xi32>
      %gather3A_774 = vector.shape_cast %broadcast_in_dim3A_773 : vector<16x1xi32> to vector<16xi32>
      %gather3A_775 = tpu.dynamic_gather %select_n3A_760[%gather3A_774] in [0] : vector<16xf32>, vector<16xi32> -> vector<16xf32>
      %xor3A_776 = arith.constant 2 : i32
      %xor3A_777 = vector.broadcast %xor3A_776 : i32 to vector<16xi32>
      %xor3A_778 = arith.xori %iota3A, %xor3A_777 : vector<16xi32>
      %lt3A_779 = arith.constant 0 : i32
      %lt3A_780 = vector.broadcast %lt3A_779 : i32 to vector<16xi32>
      %lt3A_781 = arith.cmpi slt, %xor3A_778, %lt3A_780 : vector<16xi32>
      %add3A_782 = arith.constant 16 : i32
      %add3A_783 = vector.broadcast %add3A_782 : i32 to vector<16xi32>
      %add3A_784 = arith.addi %xor3A_778, %add3A_783 : vector<16xi32>
      %select_n3A_785 = arith.select %lt3A_781, %add3A_784, %xor3A_778 : vector<16xi1>, vector<16xi32>
      %broadcast_in_dim3A_786 = vector.shape_cast %select_n3A_785 : vector<16xi32> to vector<16x1xi32>
      %gather3A_787 = vector.shape_cast %broadcast_in_dim3A_786 : vector<16x1xi32> to vector<16xi32>
      %gather3A_788 = tpu.dynamic_gather %select_n3A_761[%gather3A_787] in [0] : vector<16xi32>, vector<16xi32> -> vector<16xi32>
      %xor3A_789 = arith.constant 2 : i32
      %xor3A_790 = vector.broadcast %xor3A_789 : i32 to vector<16xi32>
      %xor3A_791 = arith.xori %iota3A, %xor3A_790 : vector<16xi32>
      %lt3A_792 = arith.constant 0 : i32
      %lt3A_793 = vector.broadcast %lt3A_792 : i32 to vector<16xi32>
      %lt3A_794 = arith.cmpi slt, %xor3A_791, %lt3A_793 : vector<16xi32>
      %add3A_795 = arith.constant 16 : i32
      %add3A_796 = vector.broadcast %add3A_795 : i32 to vector<16xi32>
      %add3A_797 = arith.addi %xor3A_791, %add3A_796 : vector<16xi32>
      %select_n3A_798 = arith.select %lt3A_794, %add3A_797, %xor3A_791 : vector<16xi1>, vector<16xi32>
      %broadcast_in_dim3A_799 = vector.shape_cast %select_n3A_798 : vector<16xi32> to vector<16x1xi32>
      %gather3A_800 = vector.shape_cast %broadcast_in_dim3A_799 : vector<16x1xi32> to vector<16xi32>
      %gather3A_801 = tpu.dynamic_gather %select_n3A_762[%gather3A_800] in [0] : vector<16xi32>, vector<16xi32> -> vector<16xi32>
      %gt3A_802 = arith.cmpf ogt, %gather3A_775, %select_n3A_760 : vector<16xf32>
      %eq3A_803 = arith.cmpf oeq, %gather3A_775, %select_n3A_760 : vector<16xf32>
      %lt3A_804 = arith.cmpi slt, %gather3A_788, %select_n3A_761 : vector<16xi32>
      %and3A_805 = arith.andi %eq3A_803, %lt3A_804 : vector<16xi1>
      %or3A_806 = arith.ori %gt3A_802, %and3A_805 : vector<16xi1>
      %select_n3A_807 = arith.select %or3A_806, %gather3A_775, %select_n3A_760 : vector<16xi1>, vector<16xf32>
      %select_n3A_808 = arith.select %or3A_806, %gather3A_788, %select_n3A_761 : vector<16xi1>, vector<16xi32>
      %select_n3A_809 = arith.select %or3A_806, %gather3A_801, %select_n3A_762 : vector<16xi1>, vector<16xi32>
      %xor3A_810 = arith.constant 1 : i32
      %xor3A_811 = vector.broadcast %xor3A_810 : i32 to vector<16xi32>
      %xor3A_812 = arith.xori %iota3A, %xor3A_811 : vector<16xi32>
      %lt3A_813 = arith.constant 0 : i32
      %lt3A_814 = vector.broadcast %lt3A_813 : i32 to vector<16xi32>
      %lt3A_815 = arith.cmpi slt, %xor3A_812, %lt3A_814 : vector<16xi32>
      %add3A_816 = arith.constant 16 : i32
      %add3A_817 = vector.broadcast %add3A_816 : i32 to vector<16xi32>
      %add3A_818 = arith.addi %xor3A_812, %add3A_817 : vector<16xi32>
      %select_n3A_819 = arith.select %lt3A_815, %add3A_818, %xor3A_812 : vector<16xi1>, vector<16xi32>
      %broadcast_in_dim3A_820 = vector.shape_cast %select_n3A_819 : vector<16xi32> to vector<16x1xi32>
      %gather3A_821 = vector.shape_cast %broadcast_in_dim3A_820 : vector<16x1xi32> to vector<16xi32>
      %gather3A_822 = tpu.dynamic_gather %select_n3A_807[%gather3A_821] in [0] : vector<16xf32>, vector<16xi32> -> vector<16xf32>
      %xor3A_823 = arith.constant 1 : i32
      %xor3A_824 = vector.broadcast %xor3A_823 : i32 to vector<16xi32>
      %xor3A_825 = arith.xori %iota3A, %xor3A_824 : vector<16xi32>
      %lt3A_826 = arith.constant 0 : i32
      %lt3A_827 = vector.broadcast %lt3A_826 : i32 to vector<16xi32>
      %lt3A_828 = arith.cmpi slt, %xor3A_825, %lt3A_827 : vector<16xi32>
      %add3A_829 = arith.constant 16 : i32
      %add3A_830 = vector.broadcast %add3A_829 : i32 to vector<16xi32>
      %add3A_831 = arith.addi %xor3A_825, %add3A_830 : vector<16xi32>
      %select_n3A_832 = arith.select %lt3A_828, %add3A_831, %xor3A_825 : vector<16xi1>, vector<16xi32>
      %broadcast_in_dim3A_833 = vector.shape_cast %select_n3A_832 : vector<16xi32> to vector<16x1xi32>
      %gather3A_834 = vector.shape_cast %broadcast_in_dim3A_833 : vector<16x1xi32> to vector<16xi32>
      %gather3A_835 = tpu.dynamic_gather %select_n3A_808[%gather3A_834] in [0] : vector<16xi32>, vector<16xi32> -> vector<16xi32>
      %xor3A_836 = arith.constant 1 : i32
      %xor3A_837 = vector.broadcast %xor3A_836 : i32 to vector<16xi32>
      %xor3A_838 = arith.xori %iota3A, %xor3A_837 : vector<16xi32>
      %lt3A_839 = arith.constant 0 : i32
      %lt3A_840 = vector.broadcast %lt3A_839 : i32 to vector<16xi32>
      %lt3A_841 = arith.cmpi slt, %xor3A_838, %lt3A_840 : vector<16xi32>
      %add3A_842 = arith.constant 16 : i32
      %add3A_843 = vector.broadcast %add3A_842 : i32 to vector<16xi32>
      %add3A_844 = arith.addi %xor3A_838, %add3A_843 : vector<16xi32>
      %select_n3A_845 = arith.select %lt3A_841, %add3A_844, %xor3A_838 : vector<16xi1>, vector<16xi32>
      %broadcast_in_dim3A_846 = vector.shape_cast %select_n3A_845 : vector<16xi32> to vector<16x1xi32>
      %gather3A_847 = vector.shape_cast %broadcast_in_dim3A_846 : vector<16x1xi32> to vector<16xi32>
      %gather3A_848 = tpu.dynamic_gather %select_n3A_809[%gather3A_847] in [0] : vector<16xi32>, vector<16xi32> -> vector<16xi32>
      %gt3A_849 = arith.cmpf ogt, %gather3A_822, %select_n3A_807 : vector<16xf32>
      %eq3A_850 = arith.cmpf oeq, %gather3A_822, %select_n3A_807 : vector<16xf32>
      %lt3A_851 = arith.cmpi slt, %gather3A_835, %select_n3A_808 : vector<16xi32>
      %and3A_852 = arith.andi %eq3A_850, %lt3A_851 : vector<16xi1>
      %or3A_853 = arith.ori %gt3A_849, %and3A_852 : vector<16xi1>
      %select_n3A_854 = arith.select %or3A_853, %gather3A_822, %select_n3A_807 : vector<16xi1>, vector<16xf32>
      %select_n3A_855 = arith.select %or3A_853, %gather3A_835, %select_n3A_808 : vector<16xi1>, vector<16xi32>
      %select_n3A_856 = arith.select %or3A_853, %gather3A_848, %select_n3A_809 : vector<16xi1>, vector<16xi32>
      %lt3A_857 = arith.constant 0 : i32
      %lt3A_858 = vector.broadcast %lt3A_857 : i32 to vector<16xi32>
      %lt3A_859 = arith.cmpi slt, %select_n3A_856, %lt3A_858 : vector<16xi32>
      %add3A_860 = arith.constant 16 : i32
      %add3A_861 = vector.broadcast %add3A_860 : i32 to vector<16xi32>
      %add3A_862 = arith.addi %select_n3A_856, %add3A_861 : vector<16xi32>
      %select_n3A_863 = arith.select %lt3A_859, %add3A_862, %select_n3A_856 : vector<16xi1>, vector<16xi32>
      %broadcast_in_dim3A_864 = vector.shape_cast %select_n3A_863 : vector<16xi32> to vector<16x1xi32>
      %gather3A_865 = vector.shape_cast %broadcast_in_dim3A_864 : vector<16x1xi32> to vector<16xi32>
      %gather3A_866 = tpu.dynamic_gather %gather3A_652[%gather3A_865] in [0] : vector<16xf32>, vector<16xi32> -> vector<16xf32>
      %lt3A_867 = arith.constant 0 : i32
      %lt3A_868 = vector.broadcast %lt3A_867 : i32 to vector<16xi32>
      %lt3A_869 = arith.cmpi slt, %select_n3A_856, %lt3A_868 : vector<16xi32>
      %add3A_870 = arith.constant 16 : i32
      %add3A_871 = vector.broadcast %add3A_870 : i32 to vector<16xi32>
      %add3A_872 = arith.addi %select_n3A_856, %add3A_871 : vector<16xi32>
      %select_n3A_873 = arith.select %lt3A_869, %add3A_872, %select_n3A_856 : vector<16xi1>, vector<16xi32>
      %broadcast_in_dim3A_874 = vector.shape_cast %select_n3A_873 : vector<16xi32> to vector<16x1xi32>
      %gather3A_875 = vector.shape_cast %broadcast_in_dim3A_874 : vector<16x1xi32> to vector<16xi32>
      %gather3A_876 = tpu.dynamic_gather %gather3A_656[%gather3A_875] in [0] : vector<16xf32>, vector<16xi32> -> vector<16xf32>
      %lt3A_877 = arith.constant 0 : i32
      %lt3A_878 = vector.broadcast %lt3A_877 : i32 to vector<16xi32>
      %lt3A_879 = arith.cmpi slt, %select_n3A_856, %lt3A_878 : vector<16xi32>
      %add3A_880 = arith.constant 16 : i32
      %add3A_881 = vector.broadcast %add3A_880 : i32 to vector<16xi32>
      %add3A_882 = arith.addi %select_n3A_856, %add3A_881 : vector<16xi32>
      %select_n3A_883 = arith.select %lt3A_879, %add3A_882, %select_n3A_856 : vector<16xi1>, vector<16xi32>
      %broadcast_in_dim3A_884 = vector.shape_cast %select_n3A_883 : vector<16xi32> to vector<16x1xi32>
      %gather3A_885 = vector.shape_cast %broadcast_in_dim3A_884 : vector<16x1xi32> to vector<16xi32>
      %gather3A_886 = tpu.dynamic_gather %gather3A_660[%gather3A_885] in [0] : vector<16xf32>, vector<16xi32> -> vector<16xf32>
      %lt3A_887 = arith.constant 0 : i32
      %lt3A_888 = vector.broadcast %lt3A_887 : i32 to vector<16xi32>
      %lt3A_889 = arith.cmpi slt, %select_n3A_856, %lt3A_888 : vector<16xi32>
      %add3A_890 = arith.constant 16 : i32
      %add3A_891 = vector.broadcast %add3A_890 : i32 to vector<16xi32>
      %add3A_892 = arith.addi %select_n3A_856, %add3A_891 : vector<16xi32>
      %select_n3A_893 = arith.select %lt3A_889, %add3A_892, %select_n3A_856 : vector<16xi1>, vector<16xi32>
      %broadcast_in_dim3A_894 = vector.shape_cast %select_n3A_893 : vector<16xi32> to vector<16x1xi32>
      %gather3A_895 = vector.shape_cast %broadcast_in_dim3A_894 : vector<16x1xi32> to vector<16xi32>
      %gather3A_896 = tpu.dynamic_gather %gather3A_664[%gather3A_895] in [0] : vector<16xf32>, vector<16xi32> -> vector<16xf32>
      %lt3A_897 = arith.constant 0 : i32
      %lt3A_898 = vector.broadcast %lt3A_897 : i32 to vector<16xi32>
      %lt3A_899 = arith.cmpi slt, %select_n3A_856, %lt3A_898 : vector<16xi32>
      %add3A_900 = arith.constant 16 : i32
      %add3A_901 = vector.broadcast %add3A_900 : i32 to vector<16xi32>
      %add3A_902 = arith.addi %select_n3A_856, %add3A_901 : vector<16xi32>
      %select_n3A_903 = arith.select %lt3A_899, %add3A_902, %select_n3A_856 : vector<16xi1>, vector<16xi32>
      %broadcast_in_dim3A_904 = vector.shape_cast %select_n3A_903 : vector<16xi32> to vector<16x1xi32>
      %gather3A_905 = vector.shape_cast %broadcast_in_dim3A_904 : vector<16x1xi32> to vector<16xi32>
      %gather3A_906 = tpu.dynamic_gather %gather3A_668[%gather3A_905] in [0] : vector<16xf32>, vector<16xi32> -> vector<16xf32>
      %gt3A_907 = arith.constant 0.000000e+00 : f32
      %gt3A_908 = vector.broadcast %gt3A_907 : f32 to vector<16xf32>
      %gt3A_909 = arith.cmpf ogt, %select_n3A_854, %gt3A_908 : vector<16xf32>
      %and3A_910 = arith.andi %gt3A_909, %lt3A_174 : vector<16xi1>
      %jit3A_911 = arith.constant 2.000000e+00 : f32
      %broadcast_in_dim3A_912 = vector.broadcast %jit3A_911 : f32 to vector<16xf32>
      %select_n3A_913 = arith.select %and3A_910, %gather3A_866, %broadcast_in_dim3A_912 : vector<16xi1>, vector<16xf32>
      %jit3A_914 = arith.constant 2.000000e+00 : f32
      %broadcast_in_dim3A_915 = vector.broadcast %jit3A_914 : f32 to vector<16xf32>
      %select_n3A_916 = arith.select %and3A_910, %gather3A_876, %broadcast_in_dim3A_915 : vector<16xi1>, vector<16xf32>
      %jit3A_917 = arith.constant -2.000000e+00 : f32
      %broadcast_in_dim3A_918 = vector.broadcast %jit3A_917 : f32 to vector<16xf32>
      %select_n3A_919 = arith.select %and3A_910, %gather3A_886, %broadcast_in_dim3A_918 : vector<16xi1>, vector<16xf32>
      %jit3A_920 = arith.constant -2.000000e+00 : f32
      %broadcast_in_dim3A_921 = vector.broadcast %jit3A_920 : f32 to vector<16xf32>
      %select_n3A_922 = arith.select %and3A_910, %gather3A_896, %broadcast_in_dim3A_921 : vector<16xi1>, vector<16xf32>
      %max3A_923 = arith.maximumf %select_n3A_913, %gather3A_652 : vector<16xf32>
      %max3A_924 = arith.maximumf %select_n3A_916, %gather3A_656 : vector<16xf32>
      %min3A_925 = arith.minimumf %select_n3A_919, %gather3A_660 : vector<16xf32>
      %min3A_926 = arith.minimumf %select_n3A_922, %gather3A_664 : vector<16xf32>
      %sub3A_927 = arith.subf %min3A_925, %max3A_923 : vector<16xf32>
      %max3A_928 = arith.constant 0.000000e+00 : f32
      %max3A_929 = vector.broadcast %max3A_928 : f32 to vector<16xf32>
      %max3A_930 = arith.maximumf %sub3A_927, %max3A_929 : vector<16xf32>
      %sub3A_931 = arith.subf %min3A_926, %max3A_924 : vector<16xf32>
      %max3A_932 = arith.constant 0.000000e+00 : f32
      %max3A_933 = vector.broadcast %max3A_932 : f32 to vector<16xf32>
      %max3A_934 = arith.maximumf %sub3A_931, %max3A_933 : vector<16xf32>
      %mul3A_935 = arith.mulf %max3A_930, %max3A_934 : vector<16xf32>
      %add3A_936 = arith.addf %gather3A_668, %gather3A_906 : vector<16xf32>
      %sub3A_937 = arith.subf %add3A_936, %mul3A_935 : vector<16xf32>
      %max3A_938 = arith.constant 9.99999993E-9 : f32
      %max3A_939 = vector.broadcast %max3A_938 : f32 to vector<16xf32>
      %max3A_940 = arith.maximumf %sub3A_937, %max3A_939 : vector<16xf32>
      %mul3A_941 = arith.constant 5.000000e-01 : f32
      %mul3A_942 = vector.broadcast %mul3A_941 : f32 to vector<16xf32>
      %mul3A_943 = arith.mulf %mul3A_942, %max3A_940 : vector<16xf32>
      %gt3A_944 = arith.cmpf ogt, %mul3A_935, %mul3A_943 : vector<16xf32>
      %eq3A_945 = arith.cmpi eq, %convert_element_type3A_648, %select_n3A_855 : vector<16xi32>
      %or3A_946 = arith.ori %gt3A_944, %eq3A_945 : vector<16xi1>
      %jit3A_947 = arith.constant 0xFF800000 : f32
      %broadcast_in_dim3A_948 = vector.broadcast %jit3A_947 : f32 to vector<16xf32>
      %select_n3A_949 = arith.select %or3A_946, %broadcast_in_dim3A_948, %gather3A_643 : vector<16xi1>, vector<16xf32>
      %xor3A_950 = arith.constant 8 : i32
      %xor3A_951 = vector.broadcast %xor3A_950 : i32 to vector<16xi32>
      %xor3A_952 = arith.xori %iota3A, %xor3A_951 : vector<16xi32>
      %lt3A_953 = arith.constant 0 : i32
      %lt3A_954 = vector.broadcast %lt3A_953 : i32 to vector<16xi32>
      %lt3A_955 = arith.cmpi slt, %xor3A_952, %lt3A_954 : vector<16xi32>
      %add3A_956 = arith.constant 16 : i32
      %add3A_957 = vector.broadcast %add3A_956 : i32 to vector<16xi32>
      %add3A_958 = arith.addi %xor3A_952, %add3A_957 : vector<16xi32>
      %select_n3A_959 = arith.select %lt3A_955, %add3A_958, %xor3A_952 : vector<16xi1>, vector<16xi32>
      %broadcast_in_dim3A_960 = vector.shape_cast %select_n3A_959 : vector<16xi32> to vector<16x1xi32>
      %gather3A_961 = vector.shape_cast %broadcast_in_dim3A_960 : vector<16x1xi32> to vector<16xi32>
      %gather3A_962 = tpu.dynamic_gather %select_n3A_949[%gather3A_961] in [0] : vector<16xf32>, vector<16xi32> -> vector<16xf32>
      %xor3A_963 = arith.constant 8 : i32
      %xor3A_964 = vector.broadcast %xor3A_963 : i32 to vector<16xi32>
      %xor3A_965 = arith.xori %iota3A, %xor3A_964 : vector<16xi32>
      %lt3A_966 = arith.constant 0 : i32
      %lt3A_967 = vector.broadcast %lt3A_966 : i32 to vector<16xi32>
      %lt3A_968 = arith.cmpi slt, %xor3A_965, %lt3A_967 : vector<16xi32>
      %add3A_969 = arith.constant 16 : i32
      %add3A_970 = vector.broadcast %add3A_969 : i32 to vector<16xi32>
      %add3A_971 = arith.addi %xor3A_965, %add3A_970 : vector<16xi32>
      %select_n3A_972 = arith.select %lt3A_968, %add3A_971, %xor3A_965 : vector<16xi1>, vector<16xi32>
      %broadcast_in_dim3A_973 = vector.shape_cast %select_n3A_972 : vector<16xi32> to vector<16x1xi32>
      %gather3A_974 = vector.shape_cast %broadcast_in_dim3A_973 : vector<16x1xi32> to vector<16xi32>
      %gather3A_975 = tpu.dynamic_gather %convert_element_type3A_648[%gather3A_974] in [0] : vector<16xi32>, vector<16xi32> -> vector<16xi32>
      %xor3A_976 = arith.constant 8 : i32
      %xor3A_977 = vector.broadcast %xor3A_976 : i32 to vector<16xi32>
      %xor3A_978 = arith.xori %iota3A, %xor3A_977 : vector<16xi32>
      %lt3A_979 = arith.constant 0 : i32
      %lt3A_980 = vector.broadcast %lt3A_979 : i32 to vector<16xi32>
      %lt3A_981 = arith.cmpi slt, %xor3A_978, %lt3A_980 : vector<16xi32>
      %add3A_982 = arith.constant 16 : i32
      %add3A_983 = vector.broadcast %add3A_982 : i32 to vector<16xi32>
      %add3A_984 = arith.addi %xor3A_978, %add3A_983 : vector<16xi32>
      %select_n3A_985 = arith.select %lt3A_981, %add3A_984, %xor3A_978 : vector<16xi1>, vector<16xi32>
      %broadcast_in_dim3A_986 = vector.shape_cast %select_n3A_985 : vector<16xi32> to vector<16x1xi32>
      %gather3A_987 = vector.shape_cast %broadcast_in_dim3A_986 : vector<16x1xi32> to vector<16xi32>
      %gather3A_988 = tpu.dynamic_gather %iota3A[%gather3A_987] in [0] : vector<16xi32>, vector<16xi32> -> vector<16xi32>
      %gt3A_989 = arith.cmpf ogt, %gather3A_962, %select_n3A_949 : vector<16xf32>
      %eq3A_990 = arith.cmpf oeq, %gather3A_962, %select_n3A_949 : vector<16xf32>
      %lt3A_991 = arith.cmpi slt, %gather3A_975, %convert_element_type3A_648 : vector<16xi32>
      %and3A_992 = arith.andi %eq3A_990, %lt3A_991 : vector<16xi1>
      %or3A_993 = arith.ori %gt3A_989, %and3A_992 : vector<16xi1>
      %select_n3A_994 = arith.select %or3A_993, %gather3A_962, %select_n3A_949 : vector<16xi1>, vector<16xf32>
      %select_n3A_995 = arith.select %or3A_993, %gather3A_975, %convert_element_type3A_648 : vector<16xi1>, vector<16xi32>
      %select_n3A_996 = arith.select %or3A_993, %gather3A_988, %iota3A : vector<16xi1>, vector<16xi32>
      %xor3A_997 = arith.constant 4 : i32
      %xor3A_998 = vector.broadcast %xor3A_997 : i32 to vector<16xi32>
      %xor3A_999 = arith.xori %iota3A, %xor3A_998 : vector<16xi32>
      %lt3A_1000 = arith.constant 0 : i32
      %lt3A_1001 = vector.broadcast %lt3A_1000 : i32 to vector<16xi32>
      %lt3A_1002 = arith.cmpi slt, %xor3A_999, %lt3A_1001 : vector<16xi32>
      %add3A_1003 = arith.constant 16 : i32
      %add3A_1004 = vector.broadcast %add3A_1003 : i32 to vector<16xi32>
      %add3A_1005 = arith.addi %xor3A_999, %add3A_1004 : vector<16xi32>
      %select_n3A_1006 = arith.select %lt3A_1002, %add3A_1005, %xor3A_999 : vector<16xi1>, vector<16xi32>
      %broadcast_in_dim3A_1007 = vector.shape_cast %select_n3A_1006 : vector<16xi32> to vector<16x1xi32>
      %gather3A_1008 = vector.shape_cast %broadcast_in_dim3A_1007 : vector<16x1xi32> to vector<16xi32>
      %gather3A_1009 = tpu.dynamic_gather %select_n3A_994[%gather3A_1008] in [0] : vector<16xf32>, vector<16xi32> -> vector<16xf32>
      %xor3A_1010 = arith.constant 4 : i32
      %xor3A_1011 = vector.broadcast %xor3A_1010 : i32 to vector<16xi32>
      %xor3A_1012 = arith.xori %iota3A, %xor3A_1011 : vector<16xi32>
      %lt3A_1013 = arith.constant 0 : i32
      %lt3A_1014 = vector.broadcast %lt3A_1013 : i32 to vector<16xi32>
      %lt3A_1015 = arith.cmpi slt, %xor3A_1012, %lt3A_1014 : vector<16xi32>
      %add3A_1016 = arith.constant 16 : i32
      %add3A_1017 = vector.broadcast %add3A_1016 : i32 to vector<16xi32>
      %add3A_1018 = arith.addi %xor3A_1012, %add3A_1017 : vector<16xi32>
      %select_n3A_1019 = arith.select %lt3A_1015, %add3A_1018, %xor3A_1012 : vector<16xi1>, vector<16xi32>
      %broadcast_in_dim3A_1020 = vector.shape_cast %select_n3A_1019 : vector<16xi32> to vector<16x1xi32>
      %gather3A_1021 = vector.shape_cast %broadcast_in_dim3A_1020 : vector<16x1xi32> to vector<16xi32>
      %gather3A_1022 = tpu.dynamic_gather %select_n3A_995[%gather3A_1021] in [0] : vector<16xi32>, vector<16xi32> -> vector<16xi32>
      %xor3A_1023 = arith.constant 4 : i32
      %xor3A_1024 = vector.broadcast %xor3A_1023 : i32 to vector<16xi32>
      %xor3A_1025 = arith.xori %iota3A, %xor3A_1024 : vector<16xi32>
      %lt3A_1026 = arith.constant 0 : i32
      %lt3A_1027 = vector.broadcast %lt3A_1026 : i32 to vector<16xi32>
      %lt3A_1028 = arith.cmpi slt, %xor3A_1025, %lt3A_1027 : vector<16xi32>
      %add3A_1029 = arith.constant 16 : i32
      %add3A_1030 = vector.broadcast %add3A_1029 : i32 to vector<16xi32>
      %add3A_1031 = arith.addi %xor3A_1025, %add3A_1030 : vector<16xi32>
      %select_n3A_1032 = arith.select %lt3A_1028, %add3A_1031, %xor3A_1025 : vector<16xi1>, vector<16xi32>
      %broadcast_in_dim3A_1033 = vector.shape_cast %select_n3A_1032 : vector<16xi32> to vector<16x1xi32>
      %gather3A_1034 = vector.shape_cast %broadcast_in_dim3A_1033 : vector<16x1xi32> to vector<16xi32>
      %gather3A_1035 = tpu.dynamic_gather %select_n3A_996[%gather3A_1034] in [0] : vector<16xi32>, vector<16xi32> -> vector<16xi32>
      %gt3A_1036 = arith.cmpf ogt, %gather3A_1009, %select_n3A_994 : vector<16xf32>
      %eq3A_1037 = arith.cmpf oeq, %gather3A_1009, %select_n3A_994 : vector<16xf32>
      %lt3A_1038 = arith.cmpi slt, %gather3A_1022, %select_n3A_995 : vector<16xi32>
      %and3A_1039 = arith.andi %eq3A_1037, %lt3A_1038 : vector<16xi1>
      %or3A_1040 = arith.ori %gt3A_1036, %and3A_1039 : vector<16xi1>
      %select_n3A_1041 = arith.select %or3A_1040, %gather3A_1009, %select_n3A_994 : vector<16xi1>, vector<16xf32>
      %select_n3A_1042 = arith.select %or3A_1040, %gather3A_1022, %select_n3A_995 : vector<16xi1>, vector<16xi32>
      %select_n3A_1043 = arith.select %or3A_1040, %gather3A_1035, %select_n3A_996 : vector<16xi1>, vector<16xi32>
      %xor3A_1044 = arith.constant 2 : i32
      %xor3A_1045 = vector.broadcast %xor3A_1044 : i32 to vector<16xi32>
      %xor3A_1046 = arith.xori %iota3A, %xor3A_1045 : vector<16xi32>
      %lt3A_1047 = arith.constant 0 : i32
      %lt3A_1048 = vector.broadcast %lt3A_1047 : i32 to vector<16xi32>
      %lt3A_1049 = arith.cmpi slt, %xor3A_1046, %lt3A_1048 : vector<16xi32>
      %add3A_1050 = arith.constant 16 : i32
      %add3A_1051 = vector.broadcast %add3A_1050 : i32 to vector<16xi32>
      %add3A_1052 = arith.addi %xor3A_1046, %add3A_1051 : vector<16xi32>
      %select_n3A_1053 = arith.select %lt3A_1049, %add3A_1052, %xor3A_1046 : vector<16xi1>, vector<16xi32>
      %broadcast_in_dim3A_1054 = vector.shape_cast %select_n3A_1053 : vector<16xi32> to vector<16x1xi32>
      %gather3A_1055 = vector.shape_cast %broadcast_in_dim3A_1054 : vector<16x1xi32> to vector<16xi32>
      %gather3A_1056 = tpu.dynamic_gather %select_n3A_1041[%gather3A_1055] in [0] : vector<16xf32>, vector<16xi32> -> vector<16xf32>
      %xor3A_1057 = arith.constant 2 : i32
      %xor3A_1058 = vector.broadcast %xor3A_1057 : i32 to vector<16xi32>
      %xor3A_1059 = arith.xori %iota3A, %xor3A_1058 : vector<16xi32>
      %lt3A_1060 = arith.constant 0 : i32
      %lt3A_1061 = vector.broadcast %lt3A_1060 : i32 to vector<16xi32>
      %lt3A_1062 = arith.cmpi slt, %xor3A_1059, %lt3A_1061 : vector<16xi32>
      %add3A_1063 = arith.constant 16 : i32
      %add3A_1064 = vector.broadcast %add3A_1063 : i32 to vector<16xi32>
      %add3A_1065 = arith.addi %xor3A_1059, %add3A_1064 : vector<16xi32>
      %select_n3A_1066 = arith.select %lt3A_1062, %add3A_1065, %xor3A_1059 : vector<16xi1>, vector<16xi32>
      %broadcast_in_dim3A_1067 = vector.shape_cast %select_n3A_1066 : vector<16xi32> to vector<16x1xi32>
      %gather3A_1068 = vector.shape_cast %broadcast_in_dim3A_1067 : vector<16x1xi32> to vector<16xi32>
      %gather3A_1069 = tpu.dynamic_gather %select_n3A_1042[%gather3A_1068] in [0] : vector<16xi32>, vector<16xi32> -> vector<16xi32>
      %xor3A_1070 = arith.constant 2 : i32
      %xor3A_1071 = vector.broadcast %xor3A_1070 : i32 to vector<16xi32>
      %xor3A_1072 = arith.xori %iota3A, %xor3A_1071 : vector<16xi32>
      %lt3A_1073 = arith.constant 0 : i32
      %lt3A_1074 = vector.broadcast %lt3A_1073 : i32 to vector<16xi32>
      %lt3A_1075 = arith.cmpi slt, %xor3A_1072, %lt3A_1074 : vector<16xi32>
      %add3A_1076 = arith.constant 16 : i32
      %add3A_1077 = vector.broadcast %add3A_1076 : i32 to vector<16xi32>
      %add3A_1078 = arith.addi %xor3A_1072, %add3A_1077 : vector<16xi32>
      %select_n3A_1079 = arith.select %lt3A_1075, %add3A_1078, %xor3A_1072 : vector<16xi1>, vector<16xi32>
      %broadcast_in_dim3A_1080 = vector.shape_cast %select_n3A_1079 : vector<16xi32> to vector<16x1xi32>
      %gather3A_1081 = vector.shape_cast %broadcast_in_dim3A_1080 : vector<16x1xi32> to vector<16xi32>
      %gather3A_1082 = tpu.dynamic_gather %select_n3A_1043[%gather3A_1081] in [0] : vector<16xi32>, vector<16xi32> -> vector<16xi32>
      %gt3A_1083 = arith.cmpf ogt, %gather3A_1056, %select_n3A_1041 : vector<16xf32>
      %eq3A_1084 = arith.cmpf oeq, %gather3A_1056, %select_n3A_1041 : vector<16xf32>
      %lt3A_1085 = arith.cmpi slt, %gather3A_1069, %select_n3A_1042 : vector<16xi32>
      %and3A_1086 = arith.andi %eq3A_1084, %lt3A_1085 : vector<16xi1>
      %or3A_1087 = arith.ori %gt3A_1083, %and3A_1086 : vector<16xi1>
      %select_n3A_1088 = arith.select %or3A_1087, %gather3A_1056, %select_n3A_1041 : vector<16xi1>, vector<16xf32>
      %select_n3A_1089 = arith.select %or3A_1087, %gather3A_1069, %select_n3A_1042 : vector<16xi1>, vector<16xi32>
      %select_n3A_1090 = arith.select %or3A_1087, %gather3A_1082, %select_n3A_1043 : vector<16xi1>, vector<16xi32>
      %xor3A_1091 = arith.constant 1 : i32
      %xor3A_1092 = vector.broadcast %xor3A_1091 : i32 to vector<16xi32>
      %xor3A_1093 = arith.xori %iota3A, %xor3A_1092 : vector<16xi32>
      %lt3A_1094 = arith.constant 0 : i32
      %lt3A_1095 = vector.broadcast %lt3A_1094 : i32 to vector<16xi32>
      %lt3A_1096 = arith.cmpi slt, %xor3A_1093, %lt3A_1095 : vector<16xi32>
      %add3A_1097 = arith.constant 16 : i32
      %add3A_1098 = vector.broadcast %add3A_1097 : i32 to vector<16xi32>
      %add3A_1099 = arith.addi %xor3A_1093, %add3A_1098 : vector<16xi32>
      %select_n3A_1100 = arith.select %lt3A_1096, %add3A_1099, %xor3A_1093 : vector<16xi1>, vector<16xi32>
      %broadcast_in_dim3A_1101 = vector.shape_cast %select_n3A_1100 : vector<16xi32> to vector<16x1xi32>
      %gather3A_1102 = vector.shape_cast %broadcast_in_dim3A_1101 : vector<16x1xi32> to vector<16xi32>
      %gather3A_1103 = tpu.dynamic_gather %select_n3A_1088[%gather3A_1102] in [0] : vector<16xf32>, vector<16xi32> -> vector<16xf32>
      %xor3A_1104 = arith.constant 1 : i32
      %xor3A_1105 = vector.broadcast %xor3A_1104 : i32 to vector<16xi32>
      %xor3A_1106 = arith.xori %iota3A, %xor3A_1105 : vector<16xi32>
      %lt3A_1107 = arith.constant 0 : i32
      %lt3A_1108 = vector.broadcast %lt3A_1107 : i32 to vector<16xi32>
      %lt3A_1109 = arith.cmpi slt, %xor3A_1106, %lt3A_1108 : vector<16xi32>
      %add3A_1110 = arith.constant 16 : i32
      %add3A_1111 = vector.broadcast %add3A_1110 : i32 to vector<16xi32>
      %add3A_1112 = arith.addi %xor3A_1106, %add3A_1111 : vector<16xi32>
      %select_n3A_1113 = arith.select %lt3A_1109, %add3A_1112, %xor3A_1106 : vector<16xi1>, vector<16xi32>
      %broadcast_in_dim3A_1114 = vector.shape_cast %select_n3A_1113 : vector<16xi32> to vector<16x1xi32>
      %gather3A_1115 = vector.shape_cast %broadcast_in_dim3A_1114 : vector<16x1xi32> to vector<16xi32>
      %gather3A_1116 = tpu.dynamic_gather %select_n3A_1089[%gather3A_1115] in [0] : vector<16xi32>, vector<16xi32> -> vector<16xi32>
      %xor3A_1117 = arith.constant 1 : i32
      %xor3A_1118 = vector.broadcast %xor3A_1117 : i32 to vector<16xi32>
      %xor3A_1119 = arith.xori %iota3A, %xor3A_1118 : vector<16xi32>
      %lt3A_1120 = arith.constant 0 : i32
      %lt3A_1121 = vector.broadcast %lt3A_1120 : i32 to vector<16xi32>
      %lt3A_1122 = arith.cmpi slt, %xor3A_1119, %lt3A_1121 : vector<16xi32>
      %add3A_1123 = arith.constant 16 : i32
      %add3A_1124 = vector.broadcast %add3A_1123 : i32 to vector<16xi32>
      %add3A_1125 = arith.addi %xor3A_1119, %add3A_1124 : vector<16xi32>
      %select_n3A_1126 = arith.select %lt3A_1122, %add3A_1125, %xor3A_1119 : vector<16xi1>, vector<16xi32>
      %broadcast_in_dim3A_1127 = vector.shape_cast %select_n3A_1126 : vector<16xi32> to vector<16x1xi32>
      %gather3A_1128 = vector.shape_cast %broadcast_in_dim3A_1127 : vector<16x1xi32> to vector<16xi32>
      %gather3A_1129 = tpu.dynamic_gather %select_n3A_1090[%gather3A_1128] in [0] : vector<16xi32>, vector<16xi32> -> vector<16xi32>
      %gt3A_1130 = arith.cmpf ogt, %gather3A_1103, %select_n3A_1088 : vector<16xf32>
      %eq3A_1131 = arith.cmpf oeq, %gather3A_1103, %select_n3A_1088 : vector<16xf32>
      %lt3A_1132 = arith.cmpi slt, %gather3A_1116, %select_n3A_1089 : vector<16xi32>
      %and3A_1133 = arith.andi %eq3A_1131, %lt3A_1132 : vector<16xi1>
      %or3A_1134 = arith.ori %gt3A_1130, %and3A_1133 : vector<16xi1>
      %select_n3A_1135 = arith.select %or3A_1134, %gather3A_1103, %select_n3A_1088 : vector<16xi1>, vector<16xf32>
      %select_n3A_1136 = arith.select %or3A_1134, %gather3A_1116, %select_n3A_1089 : vector<16xi1>, vector<16xi32>
      %select_n3A_1137 = arith.select %or3A_1134, %gather3A_1129, %select_n3A_1090 : vector<16xi1>, vector<16xi32>
      %lt3A_1138 = arith.constant 0 : i32
      %lt3A_1139 = vector.broadcast %lt3A_1138 : i32 to vector<16xi32>
      %lt3A_1140 = arith.cmpi slt, %select_n3A_1137, %lt3A_1139 : vector<16xi32>
      %add3A_1141 = arith.constant 16 : i32
      %add3A_1142 = vector.broadcast %add3A_1141 : i32 to vector<16xi32>
      %add3A_1143 = arith.addi %select_n3A_1137, %add3A_1142 : vector<16xi32>
      %select_n3A_1144 = arith.select %lt3A_1140, %add3A_1143, %select_n3A_1137 : vector<16xi1>, vector<16xi32>
      %broadcast_in_dim3A_1145 = vector.shape_cast %select_n3A_1144 : vector<16xi32> to vector<16x1xi32>
      %gather3A_1146 = vector.shape_cast %broadcast_in_dim3A_1145 : vector<16x1xi32> to vector<16xi32>
      %gather3A_1147 = tpu.dynamic_gather %gather3A_652[%gather3A_1146] in [0] : vector<16xf32>, vector<16xi32> -> vector<16xf32>
      %lt3A_1148 = arith.constant 0 : i32
      %lt3A_1149 = vector.broadcast %lt3A_1148 : i32 to vector<16xi32>
      %lt3A_1150 = arith.cmpi slt, %select_n3A_1137, %lt3A_1149 : vector<16xi32>
      %add3A_1151 = arith.constant 16 : i32
      %add3A_1152 = vector.broadcast %add3A_1151 : i32 to vector<16xi32>
      %add3A_1153 = arith.addi %select_n3A_1137, %add3A_1152 : vector<16xi32>
      %select_n3A_1154 = arith.select %lt3A_1150, %add3A_1153, %select_n3A_1137 : vector<16xi1>, vector<16xi32>
      %broadcast_in_dim3A_1155 = vector.shape_cast %select_n3A_1154 : vector<16xi32> to vector<16x1xi32>
      %gather3A_1156 = vector.shape_cast %broadcast_in_dim3A_1155 : vector<16x1xi32> to vector<16xi32>
      %gather3A_1157 = tpu.dynamic_gather %gather3A_656[%gather3A_1156] in [0] : vector<16xf32>, vector<16xi32> -> vector<16xf32>
      %lt3A_1158 = arith.constant 0 : i32
      %lt3A_1159 = vector.broadcast %lt3A_1158 : i32 to vector<16xi32>
      %lt3A_1160 = arith.cmpi slt, %select_n3A_1137, %lt3A_1159 : vector<16xi32>
      %add3A_1161 = arith.constant 16 : i32
      %add3A_1162 = vector.broadcast %add3A_1161 : i32 to vector<16xi32>
      %add3A_1163 = arith.addi %select_n3A_1137, %add3A_1162 : vector<16xi32>
      %select_n3A_1164 = arith.select %lt3A_1160, %add3A_1163, %select_n3A_1137 : vector<16xi1>, vector<16xi32>
      %broadcast_in_dim3A_1165 = vector.shape_cast %select_n3A_1164 : vector<16xi32> to vector<16x1xi32>
      %gather3A_1166 = vector.shape_cast %broadcast_in_dim3A_1165 : vector<16x1xi32> to vector<16xi32>
      %gather3A_1167 = tpu.dynamic_gather %gather3A_660[%gather3A_1166] in [0] : vector<16xf32>, vector<16xi32> -> vector<16xf32>
      %lt3A_1168 = arith.constant 0 : i32
      %lt3A_1169 = vector.broadcast %lt3A_1168 : i32 to vector<16xi32>
      %lt3A_1170 = arith.cmpi slt, %select_n3A_1137, %lt3A_1169 : vector<16xi32>
      %add3A_1171 = arith.constant 16 : i32
      %add3A_1172 = vector.broadcast %add3A_1171 : i32 to vector<16xi32>
      %add3A_1173 = arith.addi %select_n3A_1137, %add3A_1172 : vector<16xi32>
      %select_n3A_1174 = arith.select %lt3A_1170, %add3A_1173, %select_n3A_1137 : vector<16xi1>, vector<16xi32>
      %broadcast_in_dim3A_1175 = vector.shape_cast %select_n3A_1174 : vector<16xi32> to vector<16x1xi32>
      %gather3A_1176 = vector.shape_cast %broadcast_in_dim3A_1175 : vector<16x1xi32> to vector<16xi32>
      %gather3A_1177 = tpu.dynamic_gather %gather3A_664[%gather3A_1176] in [0] : vector<16xf32>, vector<16xi32> -> vector<16xf32>
      %lt3A_1178 = arith.constant 0 : i32
      %lt3A_1179 = vector.broadcast %lt3A_1178 : i32 to vector<16xi32>
      %lt3A_1180 = arith.cmpi slt, %select_n3A_1137, %lt3A_1179 : vector<16xi32>
      %add3A_1181 = arith.constant 16 : i32
      %add3A_1182 = vector.broadcast %add3A_1181 : i32 to vector<16xi32>
      %add3A_1183 = arith.addi %select_n3A_1137, %add3A_1182 : vector<16xi32>
      %select_n3A_1184 = arith.select %lt3A_1180, %add3A_1183, %select_n3A_1137 : vector<16xi1>, vector<16xi32>
      %broadcast_in_dim3A_1185 = vector.shape_cast %select_n3A_1184 : vector<16xi32> to vector<16x1xi32>
      %gather3A_1186 = vector.shape_cast %broadcast_in_dim3A_1185 : vector<16x1xi32> to vector<16xi32>
      %gather3A_1187 = tpu.dynamic_gather %gather3A_668[%gather3A_1186] in [0] : vector<16xf32>, vector<16xi32> -> vector<16xf32>
      %jit3A_1188 = arith.constant 1 : i32
      %jit3A_1189 = arith.constant 0 : i32
      %broadcast_in_dim3A_1190 = vector.broadcast %jit3A_1188 : i32 to vector<16xi32>
      %broadcast_in_dim3A_1191 = vector.broadcast %jit3A_1189 : i32 to vector<16xi32>
      %select_n3A_1192 = arith.select %or3A_946, %broadcast_in_dim3A_1190, %broadcast_in_dim3A_1191 : vector<16xi1>, vector<16xi32>
      %xor3A_1193 = arith.constant 8 : i32
      %xor3A_1194 = vector.broadcast %xor3A_1193 : i32 to vector<16xi32>
      %xor3A_1195 = arith.xori %iota3A, %xor3A_1194 : vector<16xi32>
      %lt3A_1196 = arith.constant 0 : i32
      %lt3A_1197 = vector.broadcast %lt3A_1196 : i32 to vector<16xi32>
      %lt3A_1198 = arith.cmpi slt, %xor3A_1195, %lt3A_1197 : vector<16xi32>
      %add3A_1199 = arith.constant 16 : i32
      %add3A_1200 = vector.broadcast %add3A_1199 : i32 to vector<16xi32>
      %add3A_1201 = arith.addi %xor3A_1195, %add3A_1200 : vector<16xi32>
      %select_n3A_1202 = arith.select %lt3A_1198, %add3A_1201, %xor3A_1195 : vector<16xi1>, vector<16xi32>
      %broadcast_in_dim3A_1203 = vector.shape_cast %select_n3A_1202 : vector<16xi32> to vector<16x1xi32>
      %gather3A_1204 = vector.shape_cast %broadcast_in_dim3A_1203 : vector<16x1xi32> to vector<16xi32>
      %gather3A_1205 = tpu.dynamic_gather %select_n3A_1192[%gather3A_1204] in [0] : vector<16xi32>, vector<16xi32> -> vector<16xi32>
      %and3A_1206 = arith.andi %select_n3A_1192, %gather3A_1205 : vector<16xi32>
      %xor3A_1207 = arith.constant 8 : i32
      %xor3A_1208 = vector.broadcast %xor3A_1207 : i32 to vector<16xi32>
      %xor3A_1209 = arith.xori %iota3A, %xor3A_1208 : vector<16xi32>
      %lt3A_1210 = arith.constant 0 : i32
      %lt3A_1211 = vector.broadcast %lt3A_1210 : i32 to vector<16xi32>
      %lt3A_1212 = arith.cmpi slt, %xor3A_1209, %lt3A_1211 : vector<16xi32>
      %add3A_1213 = arith.constant 16 : i32
      %add3A_1214 = vector.broadcast %add3A_1213 : i32 to vector<16xi32>
      %add3A_1215 = arith.addi %xor3A_1209, %add3A_1214 : vector<16xi32>
      %select_n3A_1216 = arith.select %lt3A_1212, %add3A_1215, %xor3A_1209 : vector<16xi1>, vector<16xi32>
      %broadcast_in_dim3A_1217 = vector.shape_cast %select_n3A_1216 : vector<16xi32> to vector<16x1xi32>
      %gather3A_1218 = vector.shape_cast %broadcast_in_dim3A_1217 : vector<16x1xi32> to vector<16xi32>
      %gather3A_1219 = tpu.dynamic_gather %and3A_1206[%gather3A_1218] in [0] : vector<16xi32>, vector<16xi32> -> vector<16xi32>
      %max3A_1220 = arith.maxsi %and3A_1206, %gather3A_1219 : vector<16xi32>
      %xor3A_1221 = arith.constant 4 : i32
      %xor3A_1222 = vector.broadcast %xor3A_1221 : i32 to vector<16xi32>
      %xor3A_1223 = arith.xori %iota3A, %xor3A_1222 : vector<16xi32>
      %lt3A_1224 = arith.constant 0 : i32
      %lt3A_1225 = vector.broadcast %lt3A_1224 : i32 to vector<16xi32>
      %lt3A_1226 = arith.cmpi slt, %xor3A_1223, %lt3A_1225 : vector<16xi32>
      %add3A_1227 = arith.constant 16 : i32
      %add3A_1228 = vector.broadcast %add3A_1227 : i32 to vector<16xi32>
      %add3A_1229 = arith.addi %xor3A_1223, %add3A_1228 : vector<16xi32>
      %select_n3A_1230 = arith.select %lt3A_1226, %add3A_1229, %xor3A_1223 : vector<16xi1>, vector<16xi32>
      %broadcast_in_dim3A_1231 = vector.shape_cast %select_n3A_1230 : vector<16xi32> to vector<16x1xi32>
      %gather3A_1232 = vector.shape_cast %broadcast_in_dim3A_1231 : vector<16x1xi32> to vector<16xi32>
      %gather3A_1233 = tpu.dynamic_gather %max3A_1220[%gather3A_1232] in [0] : vector<16xi32>, vector<16xi32> -> vector<16xi32>
      %max3A_1234 = arith.maxsi %max3A_1220, %gather3A_1233 : vector<16xi32>
      %xor3A_1235 = arith.constant 2 : i32
      %xor3A_1236 = vector.broadcast %xor3A_1235 : i32 to vector<16xi32>
      %xor3A_1237 = arith.xori %iota3A, %xor3A_1236 : vector<16xi32>
      %lt3A_1238 = arith.constant 0 : i32
      %lt3A_1239 = vector.broadcast %lt3A_1238 : i32 to vector<16xi32>
      %lt3A_1240 = arith.cmpi slt, %xor3A_1237, %lt3A_1239 : vector<16xi32>
      %add3A_1241 = arith.constant 16 : i32
      %add3A_1242 = vector.broadcast %add3A_1241 : i32 to vector<16xi32>
      %add3A_1243 = arith.addi %xor3A_1237, %add3A_1242 : vector<16xi32>
      %select_n3A_1244 = arith.select %lt3A_1240, %add3A_1243, %xor3A_1237 : vector<16xi1>, vector<16xi32>
      %broadcast_in_dim3A_1245 = vector.shape_cast %select_n3A_1244 : vector<16xi32> to vector<16x1xi32>
      %gather3A_1246 = vector.shape_cast %broadcast_in_dim3A_1245 : vector<16x1xi32> to vector<16xi32>
      %gather3A_1247 = tpu.dynamic_gather %max3A_1234[%gather3A_1246] in [0] : vector<16xi32>, vector<16xi32> -> vector<16xi32>
      %max3A_1248 = arith.maxsi %max3A_1234, %gather3A_1247 : vector<16xi32>
      %xor3A_1249 = arith.constant 1 : i32
      %xor3A_1250 = vector.broadcast %xor3A_1249 : i32 to vector<16xi32>
      %xor3A_1251 = arith.xori %iota3A, %xor3A_1250 : vector<16xi32>
      %lt3A_1252 = arith.constant 0 : i32
      %lt3A_1253 = vector.broadcast %lt3A_1252 : i32 to vector<16xi32>
      %lt3A_1254 = arith.cmpi slt, %xor3A_1251, %lt3A_1253 : vector<16xi32>
      %add3A_1255 = arith.constant 16 : i32
      %add3A_1256 = vector.broadcast %add3A_1255 : i32 to vector<16xi32>
      %add3A_1257 = arith.addi %xor3A_1251, %add3A_1256 : vector<16xi32>
      %select_n3A_1258 = arith.select %lt3A_1254, %add3A_1257, %xor3A_1251 : vector<16xi1>, vector<16xi32>
      %broadcast_in_dim3A_1259 = vector.shape_cast %select_n3A_1258 : vector<16xi32> to vector<16x1xi32>
      %gather3A_1260 = vector.shape_cast %broadcast_in_dim3A_1259 : vector<16x1xi32> to vector<16xi32>
      %gather3A_1261 = tpu.dynamic_gather %max3A_1248[%gather3A_1260] in [0] : vector<16xi32>, vector<16xi32> -> vector<16xi32>
      %max3A_1262 = arith.maxsi %max3A_1248, %gather3A_1261 : vector<16xi32>
      %eq3A_1263 = arith.constant 0 : i32
      %eq3A_1264 = vector.broadcast %eq3A_1263 : i32 to vector<16xi32>
      %eq3A_1265 = arith.cmpi eq, %max3A_1262, %eq3A_1264 : vector<16xi32>
      %add3A_1266 = vector.broadcast %while3A_161 : i32 to vector<16xi32>
      %add3A_1267 = arith.addi %broadcast_in_dim3A_150, %add3A_1266 : vector<16xi32>
      %add3A_1268 = arith.constant 1 : i32
      %add3A_1269 = vector.broadcast %add3A_1268 : i32 to vector<16xi32>
      %add3A_1270 = arith.addi %add3A_1267, %add3A_1269 : vector<16xi32>
      %lt3A_1271 = arith.constant 300 : i32
      %lt3A_1272 = vector.broadcast %lt3A_1271 : i32 to vector<16xi32>
      %lt3A_1273 = arith.cmpi slt, %add3A_1270, %lt3A_1272 : vector<16xi32>
      %and3A_1274 = arith.andi %eq3A_1265, %lt3A_1273 : vector<16xi1>
      %and3A_1275 = arith.andi %and3A_1274, %lt3A_174 : vector<16xi1>
      %jit3A_1276 = arith.constant 1 : i32
      %jit3A_1277 = arith.constant 0 : i32
      %broadcast_in_dim3A_1278 = vector.broadcast %jit3A_1276 : i32 to vector<16xi32>
      %broadcast_in_dim3A_1279 = vector.broadcast %jit3A_1277 : i32 to vector<16xi32>
      %select_n3A_1280 = arith.select %and3A_1275, %broadcast_in_dim3A_1278, %broadcast_in_dim3A_1279 : vector<16xi1>, vector<16xi32>
      %slice3A = vector.extract_strided_slice %select_n3A_1280 {offsets = [0], sizes = [1], strides = [1]} : vector<16xi32> to vector<1xi32>
      %squeeze3A = vector.extract %slice3A[0] : i32 from vector<1xi32>
      %eq3A_1281 = arith.constant 1 : i32
      %eq3A_1282 = arith.cmpi eq, %squeeze3A, %eq3A_1281 : i32
      %gt3A_1283 = arith.constant 0.000000e+00 : f32
      %gt3A_1284 = vector.broadcast %gt3A_1283 : f32 to vector<16xf32>
      %gt3A_1285 = arith.cmpf ogt, %select_n3A_1135, %gt3A_1284 : vector<16xf32>
      %and3A_1286 = arith.andi %gt3A_1285, %and3A_1275 : vector<16xi1>
      %jit3A_1287 = arith.constant 2.000000e+00 : f32
      %broadcast_in_dim3A_1288 = vector.broadcast %jit3A_1287 : f32 to vector<16xf32>
      %select_n3A_1289 = arith.select %and3A_1286, %gather3A_1147, %broadcast_in_dim3A_1288 : vector<16xi1>, vector<16xf32>
      %jit3A_1290 = arith.constant 2.000000e+00 : f32
      %broadcast_in_dim3A_1291 = vector.broadcast %jit3A_1290 : f32 to vector<16xf32>
      %select_n3A_1292 = arith.select %and3A_1286, %gather3A_1157, %broadcast_in_dim3A_1291 : vector<16xi1>, vector<16xf32>
      %jit3A_1293 = arith.constant -2.000000e+00 : f32
      %broadcast_in_dim3A_1294 = vector.broadcast %jit3A_1293 : f32 to vector<16xf32>
      %select_n3A_1295 = arith.select %and3A_1286, %gather3A_1167, %broadcast_in_dim3A_1294 : vector<16xi1>, vector<16xf32>
      %jit3A_1296 = arith.constant -2.000000e+00 : f32
      %broadcast_in_dim3A_1297 = vector.broadcast %jit3A_1296 : f32 to vector<16xf32>
      %select_n3A_1298 = arith.select %and3A_1286, %gather3A_1177, %broadcast_in_dim3A_1297 : vector<16xi1>, vector<16xf32>
      %broadcast_in_dim3A_1299 = arith.constant -1.000000e+00 : f32
      %broadcast_in_dim3A_1300 = vector.broadcast %broadcast_in_dim3A_1299 : f32 to vector<16xf32>
      %mul3A_1301 = arith.constant 2592 : i32
      %mul3A_1302 = arith.muli %select_n3A_30, %mul3A_1301 : i32
      %ge3A = vector.broadcast %mul3A_1302 : i32 to vector<16xi32>
      %ge3A_1303 = arith.cmpi sge, %select_n3A_855, %ge3A : vector<16xi32>
      %add3A_1304 = arith.constant 1 : i32
      %add3A_1305 = arith.addi %select_n3A_30, %add3A_1304 : i32
      %mul3A_1306 = arith.constant 2592 : i32
      %mul3A_1307 = arith.muli %add3A_1305, %mul3A_1306 : i32
      %lt3A_1308 = vector.broadcast %mul3A_1307 : i32 to vector<16xi32>
      %lt3A_1309 = arith.cmpi slt, %select_n3A_855, %lt3A_1308 : vector<16xi32>
      %and3A_1310 = arith.andi %ge3A_1303, %lt3A_1309 : vector<16xi1>
      %and3A_1311 = arith.andi %and3A_1310, %lt3A_174 : vector<16xi1>
      %mul3A_1312 = arith.constant 2592 : i32
      %mul3A_1313 = arith.muli %select_n3A_30, %mul3A_1312 : i32
      %sub3A_1314 = vector.broadcast %mul3A_1313 : i32 to vector<16xi32>
      %sub3A_1315 = arith.subi %select_n3A_855, %sub3A_1314 : vector<16xi32>
      %jit3A_1316 = arith.constant 0 : i32
      %jit3A_1317 = arith.constant 2591 : i32
      %max3A_1318 = vector.broadcast %jit3A_1316 : i32 to vector<16xi32>
      %max3A_1319 = arith.maxsi %max3A_1318, %sub3A_1315 : vector<16xi32>
      %min3A_1320 = vector.broadcast %jit3A_1317 : i32 to vector<16xi32>
      %min3A_1321 = arith.minsi %min3A_1320, %max3A_1319 : vector<16xi32>
      %eq3A_1322 = arith.constant 0 : i32
      %eq3A_1323 = vector.broadcast %eq3A_1322 : i32 to vector<16xi32>
      %eq3A_1324 = arith.cmpi eq, %iota3A, %eq3A_1323 : vector<16xi32>
      %and3A_1325 = arith.andi %and3A_1311, %eq3A_1324 : vector<16xi1>
      tpu.vector_store_idx %arg11[%min3A_1321], %broadcast_in_dim3A_1300 masked %and3A_1325 : memref<2592xf32, #tpu.memory_space<vmem>>[vector<16xi32>], vector<16xf32>, vector<16xi1>
      %mul3A_1326 = arith.constant 2592 : i32
      %mul3A_1327 = arith.muli %select_n3A_30, %mul3A_1326 : i32
      %ge3A_1328 = vector.broadcast %mul3A_1327 : i32 to vector<16xi32>
      %ge3A_1329 = arith.cmpi sge, %select_n3A_1136, %ge3A_1328 : vector<16xi32>
      %add3A_1330 = arith.constant 1 : i32
      %add3A_1331 = arith.addi %select_n3A_30, %add3A_1330 : i32
      %mul3A_1332 = arith.constant 2592 : i32
      %mul3A_1333 = arith.muli %add3A_1331, %mul3A_1332 : i32
      %lt3A_1334 = vector.broadcast %mul3A_1333 : i32 to vector<16xi32>
      %lt3A_1335 = arith.cmpi slt, %select_n3A_1136, %lt3A_1334 : vector<16xi32>
      %and3A_1336 = arith.andi %ge3A_1329, %lt3A_1335 : vector<16xi1>
      %and3A_1337 = arith.andi %and3A_1336, %and3A_1275 : vector<16xi1>
      %mul3A_1338 = arith.constant 2592 : i32
      %mul3A_1339 = arith.muli %select_n3A_30, %mul3A_1338 : i32
      %sub3A_1340 = vector.broadcast %mul3A_1339 : i32 to vector<16xi32>
      %sub3A_1341 = arith.subi %select_n3A_1136, %sub3A_1340 : vector<16xi32>
      %jit3A_1342 = arith.constant 0 : i32
      %jit3A_1343 = arith.constant 2591 : i32
      %max3A_1344 = vector.broadcast %jit3A_1342 : i32 to vector<16xi32>
      %max3A_1345 = arith.maxsi %max3A_1344, %sub3A_1341 : vector<16xi32>
      %min3A_1346 = vector.broadcast %jit3A_1343 : i32 to vector<16xi32>
      %min3A_1347 = arith.minsi %min3A_1346, %max3A_1345 : vector<16xi32>
      %eq3A_1348 = arith.constant 0 : i32
      %eq3A_1349 = vector.broadcast %eq3A_1348 : i32 to vector<16xi32>
      %eq3A_1350 = arith.cmpi eq, %iota3A, %eq3A_1349 : vector<16xi32>
      %and3A_1351 = arith.andi %and3A_1337, %eq3A_1350 : vector<16xi1>
      tpu.vector_store_idx %arg11[%min3A_1347], %broadcast_in_dim3A_1300 masked %and3A_1351 : memref<2592xf32, #tpu.memory_space<vmem>>[vector<16xi32>], vector<16xf32>, vector<16xi1>
      %convert_element_type3A_1352 = arith.extui %eq3A_60 : i1 to i32
      %cond3A_1353 = arith.constant 0 : i32
      %cond3A_1354 = arith.cmpi ne, %convert_element_type3A_1352, %cond3A_1353 : i32
      scf.if %cond3A_1354 {
        %eq3A_1381 = arith.constant 2 : i32
        %eq3A_1382 = vector.broadcast %eq3A_1381 : i32 to vector<16xi32>
        %eq3A_1383 = arith.cmpi eq, %iota3A, %eq3A_1382 : vector<16xi32>
        %jit3A_1384 = arith.constant 0.000000e+00 : f32
        %broadcast_in_dim3A_1385 = vector.broadcast %jit3A_1384 : f32 to vector<16xf32>
        %select_n3A_1386 = arith.select %eq3A_1383, %gather3A_866, %broadcast_in_dim3A_1385 : vector<16xi1>, vector<16xf32>
        %eq3A_1387 = arith.constant 3 : i32
        %eq3A_1388 = vector.broadcast %eq3A_1387 : i32 to vector<16xi32>
        %eq3A_1389 = arith.cmpi eq, %iota3A, %eq3A_1388 : vector<16xi32>
        %select_n3A_1390 = arith.select %eq3A_1389, %gather3A_876, %select_n3A_1386 : vector<16xi1>, vector<16xf32>
        %eq3A_1391 = arith.constant 4 : i32
        %eq3A_1392 = vector.broadcast %eq3A_1391 : i32 to vector<16xi32>
        %eq3A_1393 = arith.cmpi eq, %iota3A, %eq3A_1392 : vector<16xi32>
        %select_n3A_1394 = arith.select %eq3A_1393, %gather3A_886, %select_n3A_1390 : vector<16xi1>, vector<16xf32>
        %eq3A_1395 = arith.constant 5 : i32
        %eq3A_1396 = vector.broadcast %eq3A_1395 : i32 to vector<16xi32>
        %eq3A_1397 = arith.cmpi eq, %iota3A, %eq3A_1396 : vector<16xi32>
        %select_n3A_1398 = arith.select %eq3A_1397, %gather3A_896, %select_n3A_1394 : vector<16xi1>, vector<16xf32>
        %jit3A_1399 = arith.constant 0.000000e+00 : f32
        %broadcast_in_dim3A_1400 = vector.broadcast %jit3A_1399 : f32 to vector<16xf32>
        %select_n3A_1401 = arith.select %and3A_910, %select_n3A_1398, %broadcast_in_dim3A_1400 : vector<16xi1>, vector<16xf32>
        %sub3A_1402 = arith.constant 2 : i32
        %sub3A_1403 = vector.broadcast %sub3A_1402 : i32 to vector<16xi32>
        %sub3A_1404 = arith.subi %iota3A, %sub3A_1403 : vector<16xi32>
        %jit3A_1405 = arith.constant 0 : i32
        %jit3A_1406 = arith.constant 3 : i32
        %max3A_1407 = vector.broadcast %jit3A_1405 : i32 to vector<16xi32>
        %max3A_1408 = arith.maxsi %max3A_1407, %sub3A_1404 : vector<16xi32>
        %min3A_1409 = vector.broadcast %jit3A_1406 : i32 to vector<16xi32>
        %min3A_1410 = arith.minsi %min3A_1409, %max3A_1408 : vector<16xi32>
        %mul3A_1411 = arith.constant 304 : i32
        %mul3A_1412 = vector.broadcast %mul3A_1411 : i32 to vector<16xi32>
        %mul3A_1413 = arith.muli %mul3A_1412, %min3A_1410 : vector<16xi32>
        %ge3A_1414 = arith.constant 2 : i32
        %ge3A_1415 = vector.broadcast %ge3A_1414 : i32 to vector<16xi32>
        %ge3A_1416 = arith.cmpi sge, %iota3A, %ge3A_1415 : vector<16xi32>
        %lt3A_1417 = arith.constant 6 : i32
        %lt3A_1418 = vector.broadcast %lt3A_1417 : i32 to vector<16xi32>
        %lt3A_1419 = arith.cmpi slt, %iota3A, %lt3A_1418 : vector<16xi32>
        %and3A_1420 = arith.andi %ge3A_1416, %lt3A_1419 : vector<16xi1>
        %add3A_1421 = vector.broadcast %while3A_161 : i32 to vector<16xi32>
        %add3A_1422 = arith.addi %add3A_1421, %mul3A_1413 : vector<16xi32>
        %and3A_1423 = arith.andi %and3A_1420, %lt3A_174 : vector<16xi1>
        tpu.vector_store_idx %arg15[%add3A_1422], %select_n3A_1401 masked %and3A_1423 : memref<1216xf32, #tpu.memory_space<vmem>>[vector<16xi32>], vector<16xf32>, vector<16xi1>
        %eq3A_1424 = arith.constant 2 : i32
        %eq3A_1425 = vector.broadcast %eq3A_1424 : i32 to vector<16xi32>
        %eq3A_1426 = arith.cmpi eq, %iota3A, %eq3A_1425 : vector<16xi32>
        %jit3A_1427 = arith.constant 0.000000e+00 : f32
        %broadcast_in_dim3A_1428 = vector.broadcast %jit3A_1427 : f32 to vector<16xf32>
        %select_n3A_1429 = arith.select %eq3A_1426, %gather3A_1147, %broadcast_in_dim3A_1428 : vector<16xi1>, vector<16xf32>
        %eq3A_1430 = arith.constant 3 : i32
        %eq3A_1431 = vector.broadcast %eq3A_1430 : i32 to vector<16xi32>
        %eq3A_1432 = arith.cmpi eq, %iota3A, %eq3A_1431 : vector<16xi32>
        %select_n3A_1433 = arith.select %eq3A_1432, %gather3A_1157, %select_n3A_1429 : vector<16xi1>, vector<16xf32>
        %eq3A_1434 = arith.constant 4 : i32
        %eq3A_1435 = vector.broadcast %eq3A_1434 : i32 to vector<16xi32>
        %eq3A_1436 = arith.cmpi eq, %iota3A, %eq3A_1435 : vector<16xi32>
        %select_n3A_1437 = arith.select %eq3A_1436, %gather3A_1167, %select_n3A_1433 : vector<16xi1>, vector<16xf32>
        %eq3A_1438 = arith.constant 5 : i32
        %eq3A_1439 = vector.broadcast %eq3A_1438 : i32 to vector<16xi32>
        %eq3A_1440 = arith.cmpi eq, %iota3A, %eq3A_1439 : vector<16xi32>
        %select_n3A_1441 = arith.select %eq3A_1440, %gather3A_1177, %select_n3A_1437 : vector<16xi1>, vector<16xf32>
        %jit3A_1442 = arith.constant 0.000000e+00 : f32
        %broadcast_in_dim3A_1443 = vector.broadcast %jit3A_1442 : f32 to vector<16xf32>
        %select_n3A_1444 = arith.select %and3A_1286, %select_n3A_1441, %broadcast_in_dim3A_1443 : vector<16xi1>, vector<16xf32>
        %add3A_1445 = arith.constant 1 : i32
        %add3A_1446 = arith.addi %while3A_161, %add3A_1445 : i32
        %add3A_1447 = vector.broadcast %add3A_1446 : i32 to vector<16xi32>
        %add3A_1448 = arith.addi %add3A_1447, %mul3A_1413 : vector<16xi32>
        %and3A_1449 = arith.andi %and3A_1420, %and3A_1275 : vector<16xi1>
        tpu.vector_store_idx %arg15[%add3A_1448], %select_n3A_1444 masked %and3A_1449 : memref<1216xf32, #tpu.memory_space<vmem>>[vector<16xi32>], vector<16xf32>, vector<16xi1>
      } else {
      }
      %parallel_loop3A_1355 = arith.constant 0 : i32
      %parallel_loop3A_1356 = arith.constant 162 : i32
      %parallel_loop3A_1357 = arith.constant 1 : i32
      %parallel_loop3A_1358:4 = scf.for %parallel_loop3A_1381 = %parallel_loop3A_1355 to %parallel_loop3A_1356 step %parallel_loop3A_1357 iter_args(%parallel_loop3A_1382 = %broadcast_in_dim3A_148, %parallel_loop3A_1383 = %broadcast_in_dim3A_150, %parallel_loop3A_1384 = %broadcast_in_dim3A_148, %parallel_loop3A_1385 = %broadcast_in_dim3A_150) -> (vector<16xf32>, vector<16xi32>, vector<16xf32>, vector<16xi32>)  : i32 {
        %parallel_loop3A_1386 = arith.constant 16 : i32
        %parallel_loop3A_1387 = arith.muli %parallel_loop3A_1381, %parallel_loop3A_1386 : i32
        %parallel_loop3A_1388 = arith.constant 0 : i32
        %parallel_loop3A_1389 = arith.addi %parallel_loop3A_1388, %parallel_loop3A_1387 : i32
        %parallel_loop3A_1390 = arith.index_cast %parallel_loop3A_1389 : i32 to index
        %parallel_loop3A_1391 = tpu.vector_load %arg10[%parallel_loop3A_1390] {strides = array<i32>} : memref<12960xf32, #tpu.memory_space<vmem>>, vector<16xf32>,
        %parallel_loop3A_1392 = arith.constant 16 : i32
        %parallel_loop3A_1393 = arith.muli %parallel_loop3A_1381, %parallel_loop3A_1392 : i32
        %parallel_loop3A_1394 = arith.constant 2592 : i32
        %parallel_loop3A_1395 = arith.addi %parallel_loop3A_1394, %parallel_loop3A_1393 : i32
        %parallel_loop3A_1396 = arith.index_cast %parallel_loop3A_1395 : i32 to index
        %parallel_loop3A_1397 = tpu.vector_load %arg10[%parallel_loop3A_1396] {strides = array<i32>} : memref<12960xf32, #tpu.memory_space<vmem>>, vector<16xf32>,
        %parallel_loop3A_1398 = arith.constant 16 : i32
        %parallel_loop3A_1399 = arith.muli %parallel_loop3A_1381, %parallel_loop3A_1398 : i32
        %parallel_loop3A_1400 = arith.constant 5184 : i32
        %parallel_loop3A_1401 = arith.addi %parallel_loop3A_1400, %parallel_loop3A_1399 : i32
        %parallel_loop3A_1402 = arith.index_cast %parallel_loop3A_1401 : i32 to index
        %parallel_loop3A_1403 = tpu.vector_load %arg10[%parallel_loop3A_1402] {strides = array<i32>} : memref<12960xf32, #tpu.memory_space<vmem>>, vector<16xf32>,
        %parallel_loop3A_1404 = arith.constant 16 : i32
        %parallel_loop3A_1405 = arith.muli %parallel_loop3A_1381, %parallel_loop3A_1404 : i32
        %parallel_loop3A_1406 = arith.constant 7776 : i32
        %parallel_loop3A_1407 = arith.addi %parallel_loop3A_1406, %parallel_loop3A_1405 : i32
        %parallel_loop3A_1408 = arith.index_cast %parallel_loop3A_1407 : i32 to index
        %parallel_loop3A_1409 = tpu.vector_load %arg10[%parallel_loop3A_1408] {strides = array<i32>} : memref<12960xf32, #tpu.memory_space<vmem>>, vector<16xf32>,
        %parallel_loop3A_1410 = arith.constant 16 : i32
        %parallel_loop3A_1411 = arith.muli %parallel_loop3A_1381, %parallel_loop3A_1410 : i32
        %parallel_loop3A_1412 = arith.constant 10368 : i32
        %parallel_loop3A_1413 = arith.addi %parallel_loop3A_1412, %parallel_loop3A_1411 : i32
        %parallel_loop3A_1414 = arith.index_cast %parallel_loop3A_1413 : i32 to index
        %parallel_loop3A_1415 = tpu.vector_load %arg10[%parallel_loop3A_1414] {strides = array<i32>} : memref<12960xf32, #tpu.memory_space<vmem>>, vector<16xf32>,
        %parallel_loop3A_1416 = arith.constant 16 : i32
        %parallel_loop3A_1417 = arith.muli %parallel_loop3A_1381, %parallel_loop3A_1416 : i32
        %parallel_loop3A_1418 = arith.index_cast %parallel_loop3A_1417 : i32 to index
        %parallel_loop3A_1419 = tpu.vector_load %arg11[%parallel_loop3A_1418] {strides = array<i32>} : memref<2592xf32, #tpu.memory_space<vmem>>, vector<16xf32>,
        %parallel_loop3A_1420 = arith.minimumf %select_n3A_919, %parallel_loop3A_1403 : vector<16xf32>
        %parallel_loop3A_1421 = arith.maximumf %select_n3A_913, %parallel_loop3A_1391 : vector<16xf32>
        %parallel_loop3A_1422 = arith.subf %parallel_loop3A_1420, %parallel_loop3A_1421 : vector<16xf32>
        %parallel_loop3A_1423 = arith.constant 0.000000e+00 : f32
        %parallel_loop3A_1424 = vector.broadcast %parallel_loop3A_1423 : f32 to vector<16xf32>
        %parallel_loop3A_1425 = arith.maximumf %parallel_loop3A_1422, %parallel_loop3A_1424 : vector<16xf32>
        %parallel_loop3A_1426 = arith.minimumf %select_n3A_922, %parallel_loop3A_1409 : vector<16xf32>
        %parallel_loop3A_1427 = arith.maximumf %select_n3A_916, %parallel_loop3A_1397 : vector<16xf32>
        %parallel_loop3A_1428 = arith.subf %parallel_loop3A_1426, %parallel_loop3A_1427 : vector<16xf32>
        %parallel_loop3A_1429 = arith.constant 0.000000e+00 : f32
        %parallel_loop3A_1430 = vector.broadcast %parallel_loop3A_1429 : f32 to vector<16xf32>
        %parallel_loop3A_1431 = arith.maximumf %parallel_loop3A_1428, %parallel_loop3A_1430 : vector<16xf32>
        %parallel_loop3A_1432 = arith.mulf %parallel_loop3A_1425, %parallel_loop3A_1431 : vector<16xf32>
        %parallel_loop3A_1433 = arith.minimumf %select_n3A_1295, %parallel_loop3A_1403 : vector<16xf32>
        %parallel_loop3A_1434 = arith.maximumf %select_n3A_1289, %parallel_loop3A_1391 : vector<16xf32>
        %parallel_loop3A_1435 = arith.subf %parallel_loop3A_1433, %parallel_loop3A_1434 : vector<16xf32>
        %parallel_loop3A_1436 = arith.constant 0.000000e+00 : f32
        %parallel_loop3A_1437 = vector.broadcast %parallel_loop3A_1436 : f32 to vector<16xf32>
        %parallel_loop3A_1438 = arith.maximumf %parallel_loop3A_1435, %parallel_loop3A_1437 : vector<16xf32>
        %parallel_loop3A_1439 = arith.minimumf %select_n3A_1298, %parallel_loop3A_1409 : vector<16xf32>
        %parallel_loop3A_1440 = arith.maximumf %select_n3A_1292, %parallel_loop3A_1397 : vector<16xf32>
        %parallel_loop3A_1441 = arith.subf %parallel_loop3A_1439, %parallel_loop3A_1440 : vector<16xf32>
        %parallel_loop3A_1442 = arith.constant 0.000000e+00 : f32
        %parallel_loop3A_1443 = vector.broadcast %parallel_loop3A_1442 : f32 to vector<16xf32>
        %parallel_loop3A_1444 = arith.maximumf %parallel_loop3A_1441, %parallel_loop3A_1443 : vector<16xf32>
        %parallel_loop3A_1445 = arith.mulf %parallel_loop3A_1438, %parallel_loop3A_1444 : vector<16xf32>
        %parallel_loop3A_1446 = arith.addf %parallel_loop3A_1415, %gather3A_906 : vector<16xf32>
        %parallel_loop3A_1447 = arith.subf %parallel_loop3A_1446, %parallel_loop3A_1432 : vector<16xf32>
        %parallel_loop3A_1448 = arith.constant 9.99999993E-9 : f32
        %parallel_loop3A_1449 = vector.broadcast %parallel_loop3A_1448 : f32 to vector<16xf32>
        %parallel_loop3A_1450 = arith.maximumf %parallel_loop3A_1447, %parallel_loop3A_1449 : vector<16xf32>
        %parallel_loop3A_1451 = arith.constant 5.000000e-01 : f32
        %parallel_loop3A_1452 = vector.broadcast %parallel_loop3A_1451 : f32 to vector<16xf32>
        %parallel_loop3A_1453 = arith.mulf %parallel_loop3A_1452, %parallel_loop3A_1450 : vector<16xf32>
        %parallel_loop3A_1454 = arith.cmpf ogt, %parallel_loop3A_1432, %parallel_loop3A_1453 : vector<16xf32>
        %parallel_loop3A_1455 = arith.addf %parallel_loop3A_1415, %gather3A_1187 : vector<16xf32>
        %parallel_loop3A_1456 = arith.subf %parallel_loop3A_1455, %parallel_loop3A_1445 : vector<16xf32>
        %parallel_loop3A_1457 = arith.constant 9.99999993E-9 : f32
        %parallel_loop3A_1458 = vector.broadcast %parallel_loop3A_1457 : f32 to vector<16xf32>
        %parallel_loop3A_1459 = arith.maximumf %parallel_loop3A_1456, %parallel_loop3A_1458 : vector<16xf32>
        %parallel_loop3A_1460 = arith.constant 5.000000e-01 : f32
        %parallel_loop3A_1461 = vector.broadcast %parallel_loop3A_1460 : f32 to vector<16xf32>
        %parallel_loop3A_1462 = arith.mulf %parallel_loop3A_1461, %parallel_loop3A_1459 : vector<16xf32>
        %parallel_loop3A_1463 = arith.cmpf ogt, %parallel_loop3A_1445, %parallel_loop3A_1462 : vector<16xf32>
        %parallel_loop3A_1464 = arith.ori %parallel_loop3A_1454, %parallel_loop3A_1463 : vector<16xi1>
        %parallel_loop3A_1465 = arith.constant -1.000000e+00 : f32
        %parallel_loop3A_1466 = vector.broadcast %parallel_loop3A_1465 : f32 to vector<16xf32>
        %parallel_loop3A_1467 = arith.select %parallel_loop3A_1464, %parallel_loop3A_1466, %parallel_loop3A_1419 : vector<16xi1>, vector<16xf32>
        %parallel_loop3A_1468 = arith.constant 16 : i32
        %parallel_loop3A_1469 = arith.muli %parallel_loop3A_1381, %parallel_loop3A_1468 : i32
        %parallel_loop3A_1470 = arith.index_cast %parallel_loop3A_1469 : i32 to index
        %parallel_loop3A_1471 = tpu.vector_load %arg11[%parallel_loop3A_1470] {strides = array<i32>} : memref<2592xf32, #tpu.memory_space<vmem>>, vector<16xf32>,
        tpu.vector_store %arg11[%parallel_loop3A_1470], %parallel_loop3A_1467 {strides = array<i32>} : memref<2592xf32, #tpu.memory_space<vmem>>, vector<16xf32>,
        %parallel_loop3A_1472 = arith.constant 16 : i32
        %parallel_loop3A_1473 = arith.muli %parallel_loop3A_1381, %parallel_loop3A_1472 : i32
        %parallel_loop3A_1474 = vector.broadcast %parallel_loop3A_1473 : i32 to vector<16xi32>
        %parallel_loop3A_1475 = arith.addi %parallel_loop3A_1474, %iota3A : vector<16xi32>
        %parallel_loop3A_1476 = arith.cmpf ogt, %parallel_loop3A_1467, %parallel_loop3A_1382 : vector<16xf32>
        %parallel_loop3A_1477 = arith.cmpf ogt, %parallel_loop3A_1467, %parallel_loop3A_1384 : vector<16xf32>
        %parallel_loop3A_1478 = arith.constant dense<true> : vector<16xi1>
        %parallel_loop3A_1479 = arith.xori %parallel_loop3A_1476, %parallel_loop3A_1478 : vector<16xi1>
        %parallel_loop3A_1480 = arith.andi %parallel_loop3A_1477, %parallel_loop3A_1479 : vector<16xi1>
        %parallel_loop3A_1481 = arith.select %parallel_loop3A_1480, %parallel_loop3A_1467, %parallel_loop3A_1384 : vector<16xi1>, vector<16xf32>
        %parallel_loop3A_1482 = arith.select %parallel_loop3A_1476, %parallel_loop3A_1382, %parallel_loop3A_1481 : vector<16xi1>, vector<16xf32>
        %parallel_loop3A_1483 = arith.select %parallel_loop3A_1480, %parallel_loop3A_1475, %parallel_loop3A_1385 : vector<16xi1>, vector<16xi32>
        %parallel_loop3A_1484 = arith.select %parallel_loop3A_1476, %parallel_loop3A_1383, %parallel_loop3A_1483 : vector<16xi1>, vector<16xi32>
        %parallel_loop3A_1485 = arith.select %parallel_loop3A_1476, %parallel_loop3A_1467, %parallel_loop3A_1382 : vector<16xi1>, vector<16xf32>
        %parallel_loop3A_1486 = arith.select %parallel_loop3A_1476, %parallel_loop3A_1475, %parallel_loop3A_1383 : vector<16xi1>, vector<16xi32>
        scf.yield %parallel_loop3A_1485, %parallel_loop3A_1486, %parallel_loop3A_1482, %parallel_loop3A_1484 : vector<16xf32>, vector<16xi32>, vector<16xf32>, vector<16xi32>
      } {sc.loop_unroll_factor = 16 : i64, sc.parallel_access}
      %mul3A_1359 = arith.constant 16 : i32
      %mul3A_1360 = arith.muli %sub3A_58, %mul3A_1359 : i32
      %get3A = arith.index_cast %mul3A_1360 : i32 to index
      %get3A_1361 = tpu.vector_load %arg13[%get3A] {strides = array<i32>} : memref<256xf32, #tpu.memory_space<vmem>>, vector<16xf32>,
      %lt3A_1362 = arith.constant 300 : i32
      %lt3A_1363 = arith.cmpi slt, %while3A_161, %lt3A_1362 : i32
      %slice3A_1364 = vector.extract_strided_slice %get3A_1361 {offsets = [7], sizes = [1], strides = [1]} : vector<16xf32> to vector<1xf32>
      %squeeze3A_1365 = vector.extract %slice3A_1364[0] : f32 from vector<1xf32>
      %lt3A_1366 = arith.constant 3.000000e+02 : f32
      %lt3A_1367 = arith.cmpf olt, %squeeze3A_1365, %lt3A_1366 : f32
      %or3A_1368 = arith.ori %lt3A_1363, %lt3A_1367 : i1
      %add3A_1369 = arith.constant 1 : i32
      %add3A_1370 = arith.addi %while3A_161, %add3A_1369 : i32
      %jit3A_1371 = arith.constant 1 : i32
      %jit3A_1372 = arith.constant 0 : i32
      %select_n3A_1373 = arith.select %eq3A_1282, %jit3A_1371, %jit3A_1372 : i32
      %add3A_1374 = arith.addi %add3A_1370, %select_n3A_1373 : i32
      %select_n3A_1375 = arith.select %lt3A_169, %add3A_1374, %while3A_161 : i32
      %add3A_1376 = arith.constant 1 : i32
      %add3A_1377 = arith.addi %while3A_162, %add3A_1376 : i32
      %jit3A_1378 = arith.constant 1 : i32
      %jit3A_1379 = arith.constant 0 : i32
      %select_n3A_1380 = arith.select %or3A_1368, %jit3A_1378, %jit3A_1379 : i32
      scf.yield %select_n3A_1375, %add3A_1377, %select_n3A_1380, %parallel_loop3A_1358#0, %parallel_loop3A_1358#1, %parallel_loop3A_1358#2, %parallel_loop3A_1358#3 : i32, i32, i32, vector<16xf32>, vector<16xi32>, vector<16xf32>, vector<16xi32>
    }
    %convert_element_type3A_158 = arith.extui %eq3A_60 : i1 to i32
    %cond3A_159 = arith.constant 0 : i32
    %cond3A_160 = arith.cmpi ne, %convert_element_type3A_158, %cond3A_159 : i32
    scf.if %cond3A_160 {
      %get3A = arith.constant 0 : index
      %get3A_161 = tpu.vector_load %arg14[%get3A] {strides = array<i32>} : memref<64xf32, #tpu.memory_space<vmem>>, vector<16xf32>,
      %get3A_162 = arith.constant 16 : index
      %get3A_163 = tpu.vector_load %arg14[%get3A_162] {strides = array<i32>} : memref<64xf32, #tpu.memory_space<vmem>>, vector<16xf32>,
      %get3A_164 = arith.constant 32 : index
      %get3A_165 = tpu.vector_load %arg14[%get3A_164] {strides = array<i32>} : memref<64xf32, #tpu.memory_space<vmem>>, vector<16xf32>,
      %get3A_166 = arith.constant 48 : index
      %get3A_167 = tpu.vector_load %arg14[%get3A_166] {strides = array<i32>} : memref<64xf32, #tpu.memory_space<vmem>>, vector<16xf32>,
      %scan3A = arith.constant 0 : i32
      %scan3A_168 = arith.constant 0 : i32
      %scan3A_169 = arith.constant 19 : i32
      %scan3A_170 = arith.addi %scan3A_168, %scan3A_169 : i32
      %scan3A_171 = arith.constant 1 : i32
      %scan3A_172 = scf.for %scan3A_187 = %scan3A_168 to %scan3A_170 step %scan3A_171 iter_args(%scan3A_188 = %scan3A) -> (i32)  : i32 {
        %mul3A_189 = arith.constant 16 : i32
        %mul3A_190 = arith.muli %scan3A_187, %mul3A_189 : i32
        %mul3A_191 = arith.constant 16 : i32
        %mul3A_192 = arith.muli %scan3A_187, %mul3A_191 : i32
        %add3A_193 = arith.constant 0 : i32
        %add3A_194 = arith.addi %add3A_193, %mul3A_192 : i32
        %get3A_195 = arith.index_cast %add3A_194 : i32 to index
        %get3A_196 = tpu.vector_load %arg15[%get3A_195] {strides = array<i32>} : memref<1216xf32, #tpu.memory_space<vmem>>, vector<16xf32>,
        %jit3A_197 = arith.constant 0.000000e+00 : f32
        %jit3A_198 = arith.constant 1.000000e+00 : f32
        %max3A = vector.broadcast %jit3A_197 : f32 to vector<16xf32>
        %max3A_199 = arith.maximumf %max3A, %get3A_196 : vector<16xf32>
        %min3A = vector.broadcast %jit3A_198 : f32 to vector<16xf32>
        %min3A_200 = arith.minimumf %min3A, %max3A_199 : vector<16xf32>
        %mul3A_201 = arith.constant 16 : i32
        %mul3A_202 = arith.muli %scan3A_187, %mul3A_201 : i32
        %add3A_203 = arith.constant 304 : i32
        %add3A_204 = arith.addi %add3A_203, %mul3A_202 : i32
        %get3A_205 = arith.index_cast %add3A_204 : i32 to index
        %get3A_206 = tpu.vector_load %arg15[%get3A_205] {strides = array<i32>} : memref<1216xf32, #tpu.memory_space<vmem>>, vector<16xf32>,
        %jit3A_207 = arith.constant 0.000000e+00 : f32
        %jit3A_208 = arith.constant 1.000000e+00 : f32
        %max3A_209 = vector.broadcast %jit3A_207 : f32 to vector<16xf32>
        %max3A_210 = arith.maximumf %max3A_209, %get3A_206 : vector<16xf32>
        %min3A_211 = vector.broadcast %jit3A_208 : f32 to vector<16xf32>
        %min3A_212 = arith.minimumf %min3A_211, %max3A_210 : vector<16xf32>
        %mul3A_213 = arith.constant 16 : i32
        %mul3A_214 = arith.muli %scan3A_187, %mul3A_213 : i32
        %add3A_215 = arith.constant 608 : i32
        %add3A_216 = arith.addi %add3A_215, %mul3A_214 : i32
        %get3A_217 = arith.index_cast %add3A_216 : i32 to index
        %get3A_218 = tpu.vector_load %arg15[%get3A_217] {strides = array<i32>} : memref<1216xf32, #tpu.memory_space<vmem>>, vector<16xf32>,
        %jit3A_219 = arith.constant 0.000000e+00 : f32
        %jit3A_220 = arith.constant 1.000000e+00 : f32
        %max3A_221 = vector.broadcast %jit3A_219 : f32 to vector<16xf32>
        %max3A_222 = arith.maximumf %max3A_221, %get3A_218 : vector<16xf32>
        %min3A_223 = vector.broadcast %jit3A_220 : f32 to vector<16xf32>
        %min3A_224 = arith.minimumf %min3A_223, %max3A_222 : vector<16xf32>
        %mul3A_225 = arith.constant 16 : i32
        %mul3A_226 = arith.muli %scan3A_187, %mul3A_225 : i32
        %add3A_227 = arith.constant 912 : i32
        %add3A_228 = arith.addi %add3A_227, %mul3A_226 : i32
        %get3A_229 = arith.index_cast %add3A_228 : i32 to index
        %get3A_230 = tpu.vector_load %arg15[%get3A_229] {strides = array<i32>} : memref<1216xf32, #tpu.memory_space<vmem>>, vector<16xf32>,
        %jit3A_231 = arith.constant 0.000000e+00 : f32
        %jit3A_232 = arith.constant 1.000000e+00 : f32
        %max3A_233 = vector.broadcast %jit3A_231 : f32 to vector<16xf32>
        %max3A_234 = arith.maximumf %max3A_233, %get3A_230 : vector<16xf32>
        %min3A_235 = vector.broadcast %jit3A_232 : f32 to vector<16xf32>
        %min3A_236 = arith.minimumf %min3A_235, %max3A_234 : vector<16xf32>
        %sub3A_237 = arith.subf %min3A_224, %min3A_200 : vector<16xf32>
        %max3A_238 = arith.constant 0.000000e+00 : f32
        %max3A_239 = vector.broadcast %max3A_238 : f32 to vector<16xf32>
        %max3A_240 = arith.maximumf %sub3A_237, %max3A_239 : vector<16xf32>
        %sub3A_241 = arith.subf %min3A_236, %min3A_212 : vector<16xf32>
        %max3A_242 = arith.constant 0.000000e+00 : f32
        %max3A_243 = vector.broadcast %max3A_242 : f32 to vector<16xf32>
        %max3A_244 = arith.maximumf %sub3A_241, %max3A_243 : vector<16xf32>
        %mul3A_245 = arith.mulf %max3A_240, %max3A_244 : vector<16xf32>
        %broadcast_in_dim3A_246 = arith.constant -1.000000e+00 : f32
        %broadcast_in_dim3A_247 = vector.broadcast %broadcast_in_dim3A_246 : f32 to vector<16xf32>
        %broadcast_in_dim3A_248 = arith.constant 0 : i32
        %broadcast_in_dim3A_249 = vector.broadcast %broadcast_in_dim3A_248 : i32 to vector<16xi32>
        %broadcast_in_dim3A_250 = arith.constant 0 : i32
        %broadcast_in_dim3A_251 = vector.broadcast %broadcast_in_dim3A_250 : i32 to vector<16xi32>
        %lt3A_252 = arith.constant 0 : i32
        %lt3A_253 = vector.broadcast %lt3A_252 : i32 to vector<16xi32>
        %lt3A_254 = arith.cmpi slt, %broadcast_in_dim3A_251, %lt3A_253 : vector<16xi32>
        %add3A_255 = arith.constant 16 : i32
        %add3A_256 = vector.broadcast %add3A_255 : i32 to vector<16xi32>
        %add3A_257 = arith.addi %broadcast_in_dim3A_251, %add3A_256 : vector<16xi32>
        %select_n3A_258 = arith.select %lt3A_254, %add3A_257, %broadcast_in_dim3A_251 : vector<16xi1>, vector<16xi32>
        %broadcast_in_dim3A_259 = vector.shape_cast %select_n3A_258 : vector<16xi32> to vector<16x1xi32>
        %gather3A = vector.shape_cast %broadcast_in_dim3A_259 : vector<16x1xi32> to vector<16xi32>
        %gather3A_260 = tpu.dynamic_gather %get3A_161[%gather3A] in [0] : vector<16xf32>, vector<16xi32> -> vector<16xf32>
        %broadcast_in_dim3A_261 = arith.constant 0 : i32
        %broadcast_in_dim3A_262 = vector.broadcast %broadcast_in_dim3A_261 : i32 to vector<16xi32>
        %lt3A_263 = arith.constant 0 : i32
        %lt3A_264 = vector.broadcast %lt3A_263 : i32 to vector<16xi32>
        %lt3A_265 = arith.cmpi slt, %broadcast_in_dim3A_262, %lt3A_264 : vector<16xi32>
        %add3A_266 = arith.constant 16 : i32
        %add3A_267 = vector.broadcast %add3A_266 : i32 to vector<16xi32>
        %add3A_268 = arith.addi %broadcast_in_dim3A_262, %add3A_267 : vector<16xi32>
        %select_n3A_269 = arith.select %lt3A_265, %add3A_268, %broadcast_in_dim3A_262 : vector<16xi1>, vector<16xi32>
        %broadcast_in_dim3A_270 = vector.shape_cast %select_n3A_269 : vector<16xi32> to vector<16x1xi32>
        %gather3A_271 = vector.shape_cast %broadcast_in_dim3A_270 : vector<16x1xi32> to vector<16xi32>
        %gather3A_272 = tpu.dynamic_gather %get3A_163[%gather3A_271] in [0] : vector<16xf32>, vector<16xi32> -> vector<16xf32>
        %broadcast_in_dim3A_273 = arith.constant 0 : i32
        %broadcast_in_dim3A_274 = vector.broadcast %broadcast_in_dim3A_273 : i32 to vector<16xi32>
        %lt3A_275 = arith.constant 0 : i32
        %lt3A_276 = vector.broadcast %lt3A_275 : i32 to vector<16xi32>
        %lt3A_277 = arith.cmpi slt, %broadcast_in_dim3A_274, %lt3A_276 : vector<16xi32>
        %add3A_278 = arith.constant 16 : i32
        %add3A_279 = vector.broadcast %add3A_278 : i32 to vector<16xi32>
        %add3A_280 = arith.addi %broadcast_in_dim3A_274, %add3A_279 : vector<16xi32>
        %select_n3A_281 = arith.select %lt3A_277, %add3A_280, %broadcast_in_dim3A_274 : vector<16xi1>, vector<16xi32>
        %broadcast_in_dim3A_282 = vector.shape_cast %select_n3A_281 : vector<16xi32> to vector<16x1xi32>
        %gather3A_283 = vector.shape_cast %broadcast_in_dim3A_282 : vector<16x1xi32> to vector<16xi32>
        %gather3A_284 = tpu.dynamic_gather %get3A_165[%gather3A_283] in [0] : vector<16xf32>, vector<16xi32> -> vector<16xf32>
        %broadcast_in_dim3A_285 = arith.constant 0 : i32
        %broadcast_in_dim3A_286 = vector.broadcast %broadcast_in_dim3A_285 : i32 to vector<16xi32>
        %lt3A_287 = arith.constant 0 : i32
        %lt3A_288 = vector.broadcast %lt3A_287 : i32 to vector<16xi32>
        %lt3A_289 = arith.cmpi slt, %broadcast_in_dim3A_286, %lt3A_288 : vector<16xi32>
        %add3A_290 = arith.constant 16 : i32
        %add3A_291 = vector.broadcast %add3A_290 : i32 to vector<16xi32>
        %add3A_292 = arith.addi %broadcast_in_dim3A_286, %add3A_291 : vector<16xi32>
        %select_n3A_293 = arith.select %lt3A_289, %add3A_292, %broadcast_in_dim3A_286 : vector<16xi1>, vector<16xi32>
        %broadcast_in_dim3A_294 = vector.shape_cast %select_n3A_293 : vector<16xi32> to vector<16x1xi32>
        %gather3A_295 = vector.shape_cast %broadcast_in_dim3A_294 : vector<16x1xi32> to vector<16xi32>
        %gather3A_296 = tpu.dynamic_gather %get3A_167[%gather3A_295] in [0] : vector<16xf32>, vector<16xi32> -> vector<16xf32>
        %sub3A_297 = arith.subf %gather3A_284, %gather3A_260 : vector<16xf32>
        %max3A_298 = arith.constant 0.000000e+00 : f32
        %max3A_299 = vector.broadcast %max3A_298 : f32 to vector<16xf32>
        %max3A_300 = arith.maximumf %sub3A_297, %max3A_299 : vector<16xf32>
        %sub3A_301 = arith.subf %gather3A_296, %gather3A_272 : vector<16xf32>
        %max3A_302 = arith.constant 0.000000e+00 : f32
        %max3A_303 = vector.broadcast %max3A_302 : f32 to vector<16xf32>
        %max3A_304 = arith.maximumf %sub3A_301, %max3A_303 : vector<16xf32>
        %mul3A_305 = arith.mulf %max3A_300, %max3A_304 : vector<16xf32>
        %max3A_306 = arith.maximumf %min3A_200, %gather3A_260 : vector<16xf32>
        %max3A_307 = arith.maximumf %min3A_212, %gather3A_272 : vector<16xf32>
        %min3A_308 = arith.minimumf %min3A_224, %gather3A_284 : vector<16xf32>
        %min3A_309 = arith.minimumf %min3A_236, %gather3A_296 : vector<16xf32>
        %sub3A_310 = arith.subf %min3A_308, %max3A_306 : vector<16xf32>
        %max3A_311 = arith.constant 0.000000e+00 : f32
        %max3A_312 = vector.broadcast %max3A_311 : f32 to vector<16xf32>
        %max3A_313 = arith.maximumf %sub3A_310, %max3A_312 : vector<16xf32>
        %sub3A_314 = arith.subf %min3A_309, %max3A_307 : vector<16xf32>
        %max3A_315 = arith.constant 0.000000e+00 : f32
        %max3A_316 = vector.broadcast %max3A_315 : f32 to vector<16xf32>
        %max3A_317 = arith.maximumf %sub3A_314, %max3A_316 : vector<16xf32>
        %mul3A_318 = arith.mulf %max3A_313, %max3A_317 : vector<16xf32>
        %add3A_319 = arith.addf %mul3A_245, %mul3A_305 : vector<16xf32>
        %sub3A_320 = arith.subf %add3A_319, %mul3A_318 : vector<16xf32>
        %max3A_321 = arith.constant 9.99999993E-9 : f32
        %max3A_322 = vector.broadcast %max3A_321 : f32 to vector<16xf32>
        %max3A_323 = arith.maximumf %sub3A_320, %max3A_322 : vector<16xf32>
        %div3A_324 = arith.divf %mul3A_318, %max3A_323 : vector<16xf32>
        %gt3A = arith.cmpf ogt, %div3A_324, %broadcast_in_dim3A_247 : vector<16xf32>
        %select_n3A_325 = arith.select %gt3A, %div3A_324, %broadcast_in_dim3A_247 : vector<16xi1>, vector<16xf32>
        %jit3A_326 = arith.constant 0 : i32
        %broadcast_in_dim3A_327 = vector.broadcast %jit3A_326 : i32 to vector<16xi32>
        %select_n3A_328 = arith.select %gt3A, %broadcast_in_dim3A_327, %broadcast_in_dim3A_249 : vector<16xi1>, vector<16xi32>
        %broadcast_in_dim3A_329 = arith.constant 1 : i32
        %broadcast_in_dim3A_330 = vector.broadcast %broadcast_in_dim3A_329 : i32 to vector<16xi32>
        %lt3A_331 = arith.constant 0 : i32
        %lt3A_332 = vector.broadcast %lt3A_331 : i32 to vector<16xi32>
        %lt3A_333 = arith.cmpi slt, %broadcast_in_dim3A_330, %lt3A_332 : vector<16xi32>
        %add3A_334 = arith.constant 16 : i32
        %add3A_335 = vector.broadcast %add3A_334 : i32 to vector<16xi32>
        %add3A_336 = arith.addi %broadcast_in_dim3A_330, %add3A_335 : vector<16xi32>
        %select_n3A_337 = arith.select %lt3A_333, %add3A_336, %broadcast_in_dim3A_330 : vector<16xi1>, vector<16xi32>
        %broadcast_in_dim3A_338 = vector.shape_cast %select_n3A_337 : vector<16xi32> to vector<16x1xi32>
        %gather3A_339 = vector.shape_cast %broadcast_in_dim3A_338 : vector<16x1xi32> to vector<16xi32>
        %gather3A_340 = tpu.dynamic_gather %get3A_161[%gather3A_339] in [0] : vector<16xf32>, vector<16xi32> -> vector<16xf32>
        %broadcast_in_dim3A_341 = arith.constant 1 : i32
        %broadcast_in_dim3A_342 = vector.broadcast %broadcast_in_dim3A_341 : i32 to vector<16xi32>
        %lt3A_343 = arith.constant 0 : i32
        %lt3A_344 = vector.broadcast %lt3A_343 : i32 to vector<16xi32>
        %lt3A_345 = arith.cmpi slt, %broadcast_in_dim3A_342, %lt3A_344 : vector<16xi32>
        %add3A_346 = arith.constant 16 : i32
        %add3A_347 = vector.broadcast %add3A_346 : i32 to vector<16xi32>
        %add3A_348 = arith.addi %broadcast_in_dim3A_342, %add3A_347 : vector<16xi32>
        %select_n3A_349 = arith.select %lt3A_345, %add3A_348, %broadcast_in_dim3A_342 : vector<16xi1>, vector<16xi32>
        %broadcast_in_dim3A_350 = vector.shape_cast %select_n3A_349 : vector<16xi32> to vector<16x1xi32>
        %gather3A_351 = vector.shape_cast %broadcast_in_dim3A_350 : vector<16x1xi32> to vector<16xi32>
        %gather3A_352 = tpu.dynamic_gather %get3A_163[%gather3A_351] in [0] : vector<16xf32>, vector<16xi32> -> vector<16xf32>
        %broadcast_in_dim3A_353 = arith.constant 1 : i32
        %broadcast_in_dim3A_354 = vector.broadcast %broadcast_in_dim3A_353 : i32 to vector<16xi32>
        %lt3A_355 = arith.constant 0 : i32
        %lt3A_356 = vector.broadcast %lt3A_355 : i32 to vector<16xi32>
        %lt3A_357 = arith.cmpi slt, %broadcast_in_dim3A_354, %lt3A_356 : vector<16xi32>
        %add3A_358 = arith.constant 16 : i32
        %add3A_359 = vector.broadcast %add3A_358 : i32 to vector<16xi32>
        %add3A_360 = arith.addi %broadcast_in_dim3A_354, %add3A_359 : vector<16xi32>
        %select_n3A_361 = arith.select %lt3A_357, %add3A_360, %broadcast_in_dim3A_354 : vector<16xi1>, vector<16xi32>
        %broadcast_in_dim3A_362 = vector.shape_cast %select_n3A_361 : vector<16xi32> to vector<16x1xi32>
        %gather3A_363 = vector.shape_cast %broadcast_in_dim3A_362 : vector<16x1xi32> to vector<16xi32>
        %gather3A_364 = tpu.dynamic_gather %get3A_165[%gather3A_363] in [0] : vector<16xf32>, vector<16xi32> -> vector<16xf32>
        %broadcast_in_dim3A_365 = arith.constant 1 : i32
        %broadcast_in_dim3A_366 = vector.broadcast %broadcast_in_dim3A_365 : i32 to vector<16xi32>
        %lt3A_367 = arith.constant 0 : i32
        %lt3A_368 = vector.broadcast %lt3A_367 : i32 to vector<16xi32>
        %lt3A_369 = arith.cmpi slt, %broadcast_in_dim3A_366, %lt3A_368 : vector<16xi32>
        %add3A_370 = arith.constant 16 : i32
        %add3A_371 = vector.broadcast %add3A_370 : i32 to vector<16xi32>
        %add3A_372 = arith.addi %broadcast_in_dim3A_366, %add3A_371 : vector<16xi32>
        %select_n3A_373 = arith.select %lt3A_369, %add3A_372, %broadcast_in_dim3A_366 : vector<16xi1>, vector<16xi32>
        %broadcast_in_dim3A_374 = vector.shape_cast %select_n3A_373 : vector<16xi32> to vector<16x1xi32>
        %gather3A_375 = vector.shape_cast %broadcast_in_dim3A_374 : vector<16x1xi32> to vector<16xi32>
        %gather3A_376 = tpu.dynamic_gather %get3A_167[%gather3A_375] in [0] : vector<16xf32>, vector<16xi32> -> vector<16xf32>
        %sub3A_377 = arith.subf %gather3A_364, %gather3A_340 : vector<16xf32>
        %max3A_378 = arith.constant 0.000000e+00 : f32
        %max3A_379 = vector.broadcast %max3A_378 : f32 to vector<16xf32>
        %max3A_380 = arith.maximumf %sub3A_377, %max3A_379 : vector<16xf32>
        %sub3A_381 = arith.subf %gather3A_376, %gather3A_352 : vector<16xf32>
        %max3A_382 = arith.constant 0.000000e+00 : f32
        %max3A_383 = vector.broadcast %max3A_382 : f32 to vector<16xf32>
        %max3A_384 = arith.maximumf %sub3A_381, %max3A_383 : vector<16xf32>
        %mul3A_385 = arith.mulf %max3A_380, %max3A_384 : vector<16xf32>
        %max3A_386 = arith.maximumf %min3A_200, %gather3A_340 : vector<16xf32>
        %max3A_387 = arith.maximumf %min3A_212, %gather3A_352 : vector<16xf32>
        %min3A_388 = arith.minimumf %min3A_224, %gather3A_364 : vector<16xf32>
        %min3A_389 = arith.minimumf %min3A_236, %gather3A_376 : vector<16xf32>
        %sub3A_390 = arith.subf %min3A_388, %max3A_386 : vector<16xf32>
        %max3A_391 = arith.constant 0.000000e+00 : f32
        %max3A_392 = vector.broadcast %max3A_391 : f32 to vector<16xf32>
        %max3A_393 = arith.maximumf %sub3A_390, %max3A_392 : vector<16xf32>
        %sub3A_394 = arith.subf %min3A_389, %max3A_387 : vector<16xf32>
        %max3A_395 = arith.constant 0.000000e+00 : f32
        %max3A_396 = vector.broadcast %max3A_395 : f32 to vector<16xf32>
        %max3A_397 = arith.maximumf %sub3A_394, %max3A_396 : vector<16xf32>
        %mul3A_398 = arith.mulf %max3A_393, %max3A_397 : vector<16xf32>
        %add3A_399 = arith.addf %mul3A_245, %mul3A_385 : vector<16xf32>
        %sub3A_400 = arith.subf %add3A_399, %mul3A_398 : vector<16xf32>
        %max3A_401 = arith.constant 9.99999993E-9 : f32
        %max3A_402 = vector.broadcast %max3A_401 : f32 to vector<16xf32>
        %max3A_403 = arith.maximumf %sub3A_400, %max3A_402 : vector<16xf32>
        %div3A_404 = arith.divf %mul3A_398, %max3A_403 : vector<16xf32>
        %gt3A_405 = arith.cmpf ogt, %div3A_404, %select_n3A_325 : vector<16xf32>
        %select_n3A_406 = arith.select %gt3A_405, %div3A_404, %select_n3A_325 : vector<16xi1>, vector<16xf32>
        %jit3A_407 = arith.constant 1 : i32
        %broadcast_in_dim3A_408 = vector.broadcast %jit3A_407 : i32 to vector<16xi32>
        %select_n3A_409 = arith.select %gt3A_405, %broadcast_in_dim3A_408, %select_n3A_328 : vector<16xi1>, vector<16xi32>
        %broadcast_in_dim3A_410 = arith.constant 2 : i32
        %broadcast_in_dim3A_411 = vector.broadcast %broadcast_in_dim3A_410 : i32 to vector<16xi32>
        %lt3A_412 = arith.constant 0 : i32
        %lt3A_413 = vector.broadcast %lt3A_412 : i32 to vector<16xi32>
        %lt3A_414 = arith.cmpi slt, %broadcast_in_dim3A_411, %lt3A_413 : vector<16xi32>
        %add3A_415 = arith.constant 16 : i32
        %add3A_416 = vector.broadcast %add3A_415 : i32 to vector<16xi32>
        %add3A_417 = arith.addi %broadcast_in_dim3A_411, %add3A_416 : vector<16xi32>
        %select_n3A_418 = arith.select %lt3A_414, %add3A_417, %broadcast_in_dim3A_411 : vector<16xi1>, vector<16xi32>
        %broadcast_in_dim3A_419 = vector.shape_cast %select_n3A_418 : vector<16xi32> to vector<16x1xi32>
        %gather3A_420 = vector.shape_cast %broadcast_in_dim3A_419 : vector<16x1xi32> to vector<16xi32>
        %gather3A_421 = tpu.dynamic_gather %get3A_161[%gather3A_420] in [0] : vector<16xf32>, vector<16xi32> -> vector<16xf32>
        %broadcast_in_dim3A_422 = arith.constant 2 : i32
        %broadcast_in_dim3A_423 = vector.broadcast %broadcast_in_dim3A_422 : i32 to vector<16xi32>
        %lt3A_424 = arith.constant 0 : i32
        %lt3A_425 = vector.broadcast %lt3A_424 : i32 to vector<16xi32>
        %lt3A_426 = arith.cmpi slt, %broadcast_in_dim3A_423, %lt3A_425 : vector<16xi32>
        %add3A_427 = arith.constant 16 : i32
        %add3A_428 = vector.broadcast %add3A_427 : i32 to vector<16xi32>
        %add3A_429 = arith.addi %broadcast_in_dim3A_423, %add3A_428 : vector<16xi32>
        %select_n3A_430 = arith.select %lt3A_426, %add3A_429, %broadcast_in_dim3A_423 : vector<16xi1>, vector<16xi32>
        %broadcast_in_dim3A_431 = vector.shape_cast %select_n3A_430 : vector<16xi32> to vector<16x1xi32>
        %gather3A_432 = vector.shape_cast %broadcast_in_dim3A_431 : vector<16x1xi32> to vector<16xi32>
        %gather3A_433 = tpu.dynamic_gather %get3A_163[%gather3A_432] in [0] : vector<16xf32>, vector<16xi32> -> vector<16xf32>
        %broadcast_in_dim3A_434 = arith.constant 2 : i32
        %broadcast_in_dim3A_435 = vector.broadcast %broadcast_in_dim3A_434 : i32 to vector<16xi32>
        %lt3A_436 = arith.constant 0 : i32
        %lt3A_437 = vector.broadcast %lt3A_436 : i32 to vector<16xi32>
        %lt3A_438 = arith.cmpi slt, %broadcast_in_dim3A_435, %lt3A_437 : vector<16xi32>
        %add3A_439 = arith.constant 16 : i32
        %add3A_440 = vector.broadcast %add3A_439 : i32 to vector<16xi32>
        %add3A_441 = arith.addi %broadcast_in_dim3A_435, %add3A_440 : vector<16xi32>
        %select_n3A_442 = arith.select %lt3A_438, %add3A_441, %broadcast_in_dim3A_435 : vector<16xi1>, vector<16xi32>
        %broadcast_in_dim3A_443 = vector.shape_cast %select_n3A_442 : vector<16xi32> to vector<16x1xi32>
        %gather3A_444 = vector.shape_cast %broadcast_in_dim3A_443 : vector<16x1xi32> to vector<16xi32>
        %gather3A_445 = tpu.dynamic_gather %get3A_165[%gather3A_444] in [0] : vector<16xf32>, vector<16xi32> -> vector<16xf32>
        %broadcast_in_dim3A_446 = arith.constant 2 : i32
        %broadcast_in_dim3A_447 = vector.broadcast %broadcast_in_dim3A_446 : i32 to vector<16xi32>
        %lt3A_448 = arith.constant 0 : i32
        %lt3A_449 = vector.broadcast %lt3A_448 : i32 to vector<16xi32>
        %lt3A_450 = arith.cmpi slt, %broadcast_in_dim3A_447, %lt3A_449 : vector<16xi32>
        %add3A_451 = arith.constant 16 : i32
        %add3A_452 = vector.broadcast %add3A_451 : i32 to vector<16xi32>
        %add3A_453 = arith.addi %broadcast_in_dim3A_447, %add3A_452 : vector<16xi32>
        %select_n3A_454 = arith.select %lt3A_450, %add3A_453, %broadcast_in_dim3A_447 : vector<16xi1>, vector<16xi32>
        %broadcast_in_dim3A_455 = vector.shape_cast %select_n3A_454 : vector<16xi32> to vector<16x1xi32>
        %gather3A_456 = vector.shape_cast %broadcast_in_dim3A_455 : vector<16x1xi32> to vector<16xi32>
        %gather3A_457 = tpu.dynamic_gather %get3A_167[%gather3A_456] in [0] : vector<16xf32>, vector<16xi32> -> vector<16xf32>
        %sub3A_458 = arith.subf %gather3A_445, %gather3A_421 : vector<16xf32>
        %max3A_459 = arith.constant 0.000000e+00 : f32
        %max3A_460 = vector.broadcast %max3A_459 : f32 to vector<16xf32>
        %max3A_461 = arith.maximumf %sub3A_458, %max3A_460 : vector<16xf32>
        %sub3A_462 = arith.subf %gather3A_457, %gather3A_433 : vector<16xf32>
        %max3A_463 = arith.constant 0.000000e+00 : f32
        %max3A_464 = vector.broadcast %max3A_463 : f32 to vector<16xf32>
        %max3A_465 = arith.maximumf %sub3A_462, %max3A_464 : vector<16xf32>
        %mul3A_466 = arith.mulf %max3A_461, %max3A_465 : vector<16xf32>
        %max3A_467 = arith.maximumf %min3A_200, %gather3A_421 : vector<16xf32>
        %max3A_468 = arith.maximumf %min3A_212, %gather3A_433 : vector<16xf32>
        %min3A_469 = arith.minimumf %min3A_224, %gather3A_445 : vector<16xf32>
        %min3A_470 = arith.minimumf %min3A_236, %gather3A_457 : vector<16xf32>
        %sub3A_471 = arith.subf %min3A_469, %max3A_467 : vector<16xf32>
        %max3A_472 = arith.constant 0.000000e+00 : f32
        %max3A_473 = vector.broadcast %max3A_472 : f32 to vector<16xf32>
        %max3A_474 = arith.maximumf %sub3A_471, %max3A_473 : vector<16xf32>
        %sub3A_475 = arith.subf %min3A_470, %max3A_468 : vector<16xf32>
        %max3A_476 = arith.constant 0.000000e+00 : f32
        %max3A_477 = vector.broadcast %max3A_476 : f32 to vector<16xf32>
        %max3A_478 = arith.maximumf %sub3A_475, %max3A_477 : vector<16xf32>
        %mul3A_479 = arith.mulf %max3A_474, %max3A_478 : vector<16xf32>
        %add3A_480 = arith.addf %mul3A_245, %mul3A_466 : vector<16xf32>
        %sub3A_481 = arith.subf %add3A_480, %mul3A_479 : vector<16xf32>
        %max3A_482 = arith.constant 9.99999993E-9 : f32
        %max3A_483 = vector.broadcast %max3A_482 : f32 to vector<16xf32>
        %max3A_484 = arith.maximumf %sub3A_481, %max3A_483 : vector<16xf32>
        %div3A_485 = arith.divf %mul3A_479, %max3A_484 : vector<16xf32>
        %gt3A_486 = arith.cmpf ogt, %div3A_485, %select_n3A_406 : vector<16xf32>
        %select_n3A_487 = arith.select %gt3A_486, %div3A_485, %select_n3A_406 : vector<16xi1>, vector<16xf32>
        %jit3A_488 = arith.constant 2 : i32
        %broadcast_in_dim3A_489 = vector.broadcast %jit3A_488 : i32 to vector<16xi32>
        %select_n3A_490 = arith.select %gt3A_486, %broadcast_in_dim3A_489, %select_n3A_409 : vector<16xi1>, vector<16xi32>
        %broadcast_in_dim3A_491 = arith.constant 3 : i32
        %broadcast_in_dim3A_492 = vector.broadcast %broadcast_in_dim3A_491 : i32 to vector<16xi32>
        %lt3A_493 = arith.constant 0 : i32
        %lt3A_494 = vector.broadcast %lt3A_493 : i32 to vector<16xi32>
        %lt3A_495 = arith.cmpi slt, %broadcast_in_dim3A_492, %lt3A_494 : vector<16xi32>
        %add3A_496 = arith.constant 16 : i32
        %add3A_497 = vector.broadcast %add3A_496 : i32 to vector<16xi32>
        %add3A_498 = arith.addi %broadcast_in_dim3A_492, %add3A_497 : vector<16xi32>
        %select_n3A_499 = arith.select %lt3A_495, %add3A_498, %broadcast_in_dim3A_492 : vector<16xi1>, vector<16xi32>
        %broadcast_in_dim3A_500 = vector.shape_cast %select_n3A_499 : vector<16xi32> to vector<16x1xi32>
        %gather3A_501 = vector.shape_cast %broadcast_in_dim3A_500 : vector<16x1xi32> to vector<16xi32>
        %gather3A_502 = tpu.dynamic_gather %get3A_161[%gather3A_501] in [0] : vector<16xf32>, vector<16xi32> -> vector<16xf32>
        %broadcast_in_dim3A_503 = arith.constant 3 : i32
        %broadcast_in_dim3A_504 = vector.broadcast %broadcast_in_dim3A_503 : i32 to vector<16xi32>
        %lt3A_505 = arith.constant 0 : i32
        %lt3A_506 = vector.broadcast %lt3A_505 : i32 to vector<16xi32>
        %lt3A_507 = arith.cmpi slt, %broadcast_in_dim3A_504, %lt3A_506 : vector<16xi32>
        %add3A_508 = arith.constant 16 : i32
        %add3A_509 = vector.broadcast %add3A_508 : i32 to vector<16xi32>
        %add3A_510 = arith.addi %broadcast_in_dim3A_504, %add3A_509 : vector<16xi32>
        %select_n3A_511 = arith.select %lt3A_507, %add3A_510, %broadcast_in_dim3A_504 : vector<16xi1>, vector<16xi32>
        %broadcast_in_dim3A_512 = vector.shape_cast %select_n3A_511 : vector<16xi32> to vector<16x1xi32>
        %gather3A_513 = vector.shape_cast %broadcast_in_dim3A_512 : vector<16x1xi32> to vector<16xi32>
        %gather3A_514 = tpu.dynamic_gather %get3A_163[%gather3A_513] in [0] : vector<16xf32>, vector<16xi32> -> vector<16xf32>
        %broadcast_in_dim3A_515 = arith.constant 3 : i32
        %broadcast_in_dim3A_516 = vector.broadcast %broadcast_in_dim3A_515 : i32 to vector<16xi32>
        %lt3A_517 = arith.constant 0 : i32
        %lt3A_518 = vector.broadcast %lt3A_517 : i32 to vector<16xi32>
        %lt3A_519 = arith.cmpi slt, %broadcast_in_dim3A_516, %lt3A_518 : vector<16xi32>
        %add3A_520 = arith.constant 16 : i32
        %add3A_521 = vector.broadcast %add3A_520 : i32 to vector<16xi32>
        %add3A_522 = arith.addi %broadcast_in_dim3A_516, %add3A_521 : vector<16xi32>
        %select_n3A_523 = arith.select %lt3A_519, %add3A_522, %broadcast_in_dim3A_516 : vector<16xi1>, vector<16xi32>
        %broadcast_in_dim3A_524 = vector.shape_cast %select_n3A_523 : vector<16xi32> to vector<16x1xi32>
        %gather3A_525 = vector.shape_cast %broadcast_in_dim3A_524 : vector<16x1xi32> to vector<16xi32>
        %gather3A_526 = tpu.dynamic_gather %get3A_165[%gather3A_525] in [0] : vector<16xf32>, vector<16xi32> -> vector<16xf32>
        %broadcast_in_dim3A_527 = arith.constant 3 : i32
        %broadcast_in_dim3A_528 = vector.broadcast %broadcast_in_dim3A_527 : i32 to vector<16xi32>
        %lt3A_529 = arith.constant 0 : i32
        %lt3A_530 = vector.broadcast %lt3A_529 : i32 to vector<16xi32>
        %lt3A_531 = arith.cmpi slt, %broadcast_in_dim3A_528, %lt3A_530 : vector<16xi32>
        %add3A_532 = arith.constant 16 : i32
        %add3A_533 = vector.broadcast %add3A_532 : i32 to vector<16xi32>
        %add3A_534 = arith.addi %broadcast_in_dim3A_528, %add3A_533 : vector<16xi32>
        %select_n3A_535 = arith.select %lt3A_531, %add3A_534, %broadcast_in_dim3A_528 : vector<16xi1>, vector<16xi32>
        %broadcast_in_dim3A_536 = vector.shape_cast %select_n3A_535 : vector<16xi32> to vector<16x1xi32>
        %gather3A_537 = vector.shape_cast %broadcast_in_dim3A_536 : vector<16x1xi32> to vector<16xi32>
        %gather3A_538 = tpu.dynamic_gather %get3A_167[%gather3A_537] in [0] : vector<16xf32>, vector<16xi32> -> vector<16xf32>
        %sub3A_539 = arith.subf %gather3A_526, %gather3A_502 : vector<16xf32>
        %max3A_540 = arith.constant 0.000000e+00 : f32
        %max3A_541 = vector.broadcast %max3A_540 : f32 to vector<16xf32>
        %max3A_542 = arith.maximumf %sub3A_539, %max3A_541 : vector<16xf32>
        %sub3A_543 = arith.subf %gather3A_538, %gather3A_514 : vector<16xf32>
        %max3A_544 = arith.constant 0.000000e+00 : f32
        %max3A_545 = vector.broadcast %max3A_544 : f32 to vector<16xf32>
        %max3A_546 = arith.maximumf %sub3A_543, %max3A_545 : vector<16xf32>
        %mul3A_547 = arith.mulf %max3A_542, %max3A_546 : vector<16xf32>
        %max3A_548 = arith.maximumf %min3A_200, %gather3A_502 : vector<16xf32>
        %max3A_549 = arith.maximumf %min3A_212, %gather3A_514 : vector<16xf32>
        %min3A_550 = arith.minimumf %min3A_224, %gather3A_526 : vector<16xf32>
        %min3A_551 = arith.minimumf %min3A_236, %gather3A_538 : vector<16xf32>
        %sub3A_552 = arith.subf %min3A_550, %max3A_548 : vector<16xf32>
        %max3A_553 = arith.constant 0.000000e+00 : f32
        %max3A_554 = vector.broadcast %max3A_553 : f32 to vector<16xf32>
        %max3A_555 = arith.maximumf %sub3A_552, %max3A_554 : vector<16xf32>
        %sub3A_556 = arith.subf %min3A_551, %max3A_549 : vector<16xf32>
        %max3A_557 = arith.constant 0.000000e+00 : f32
        %max3A_558 = vector.broadcast %max3A_557 : f32 to vector<16xf32>
        %max3A_559 = arith.maximumf %sub3A_556, %max3A_558 : vector<16xf32>
        %mul3A_560 = arith.mulf %max3A_555, %max3A_559 : vector<16xf32>
        %add3A_561 = arith.addf %mul3A_245, %mul3A_547 : vector<16xf32>
        %sub3A_562 = arith.subf %add3A_561, %mul3A_560 : vector<16xf32>
        %max3A_563 = arith.constant 9.99999993E-9 : f32
        %max3A_564 = vector.broadcast %max3A_563 : f32 to vector<16xf32>
        %max3A_565 = arith.maximumf %sub3A_562, %max3A_564 : vector<16xf32>
        %div3A_566 = arith.divf %mul3A_560, %max3A_565 : vector<16xf32>
        %gt3A_567 = arith.cmpf ogt, %div3A_566, %select_n3A_487 : vector<16xf32>
        %select_n3A_568 = arith.select %gt3A_567, %div3A_566, %select_n3A_487 : vector<16xi1>, vector<16xf32>
        %jit3A_569 = arith.constant 3 : i32
        %broadcast_in_dim3A_570 = vector.broadcast %jit3A_569 : i32 to vector<16xi32>
        %select_n3A_571 = arith.select %gt3A_567, %broadcast_in_dim3A_570, %select_n3A_490 : vector<16xi1>, vector<16xi32>
        %broadcast_in_dim3A_572 = arith.constant 4 : i32
        %broadcast_in_dim3A_573 = vector.broadcast %broadcast_in_dim3A_572 : i32 to vector<16xi32>
        %lt3A_574 = arith.constant 0 : i32
        %lt3A_575 = vector.broadcast %lt3A_574 : i32 to vector<16xi32>
        %lt3A_576 = arith.cmpi slt, %broadcast_in_dim3A_573, %lt3A_575 : vector<16xi32>
        %add3A_577 = arith.constant 16 : i32
        %add3A_578 = vector.broadcast %add3A_577 : i32 to vector<16xi32>
        %add3A_579 = arith.addi %broadcast_in_dim3A_573, %add3A_578 : vector<16xi32>
        %select_n3A_580 = arith.select %lt3A_576, %add3A_579, %broadcast_in_dim3A_573 : vector<16xi1>, vector<16xi32>
        %broadcast_in_dim3A_581 = vector.shape_cast %select_n3A_580 : vector<16xi32> to vector<16x1xi32>
        %gather3A_582 = vector.shape_cast %broadcast_in_dim3A_581 : vector<16x1xi32> to vector<16xi32>
        %gather3A_583 = tpu.dynamic_gather %get3A_161[%gather3A_582] in [0] : vector<16xf32>, vector<16xi32> -> vector<16xf32>
        %broadcast_in_dim3A_584 = arith.constant 4 : i32
        %broadcast_in_dim3A_585 = vector.broadcast %broadcast_in_dim3A_584 : i32 to vector<16xi32>
        %lt3A_586 = arith.constant 0 : i32
        %lt3A_587 = vector.broadcast %lt3A_586 : i32 to vector<16xi32>
        %lt3A_588 = arith.cmpi slt, %broadcast_in_dim3A_585, %lt3A_587 : vector<16xi32>
        %add3A_589 = arith.constant 16 : i32
        %add3A_590 = vector.broadcast %add3A_589 : i32 to vector<16xi32>
        %add3A_591 = arith.addi %broadcast_in_dim3A_585, %add3A_590 : vector<16xi32>
        %select_n3A_592 = arith.select %lt3A_588, %add3A_591, %broadcast_in_dim3A_585 : vector<16xi1>, vector<16xi32>
        %broadcast_in_dim3A_593 = vector.shape_cast %select_n3A_592 : vector<16xi32> to vector<16x1xi32>
        %gather3A_594 = vector.shape_cast %broadcast_in_dim3A_593 : vector<16x1xi32> to vector<16xi32>
        %gather3A_595 = tpu.dynamic_gather %get3A_163[%gather3A_594] in [0] : vector<16xf32>, vector<16xi32> -> vector<16xf32>
        %broadcast_in_dim3A_596 = arith.constant 4 : i32
        %broadcast_in_dim3A_597 = vector.broadcast %broadcast_in_dim3A_596 : i32 to vector<16xi32>
        %lt3A_598 = arith.constant 0 : i32
        %lt3A_599 = vector.broadcast %lt3A_598 : i32 to vector<16xi32>
        %lt3A_600 = arith.cmpi slt, %broadcast_in_dim3A_597, %lt3A_599 : vector<16xi32>
        %add3A_601 = arith.constant 16 : i32
        %add3A_602 = vector.broadcast %add3A_601 : i32 to vector<16xi32>
        %add3A_603 = arith.addi %broadcast_in_dim3A_597, %add3A_602 : vector<16xi32>
        %select_n3A_604 = arith.select %lt3A_600, %add3A_603, %broadcast_in_dim3A_597 : vector<16xi1>, vector<16xi32>
        %broadcast_in_dim3A_605 = vector.shape_cast %select_n3A_604 : vector<16xi32> to vector<16x1xi32>
        %gather3A_606 = vector.shape_cast %broadcast_in_dim3A_605 : vector<16x1xi32> to vector<16xi32>
        %gather3A_607 = tpu.dynamic_gather %get3A_165[%gather3A_606] in [0] : vector<16xf32>, vector<16xi32> -> vector<16xf32>
        %broadcast_in_dim3A_608 = arith.constant 4 : i32
        %broadcast_in_dim3A_609 = vector.broadcast %broadcast_in_dim3A_608 : i32 to vector<16xi32>
        %lt3A_610 = arith.constant 0 : i32
        %lt3A_611 = vector.broadcast %lt3A_610 : i32 to vector<16xi32>
        %lt3A_612 = arith.cmpi slt, %broadcast_in_dim3A_609, %lt3A_611 : vector<16xi32>
        %add3A_613 = arith.constant 16 : i32
        %add3A_614 = vector.broadcast %add3A_613 : i32 to vector<16xi32>
        %add3A_615 = arith.addi %broadcast_in_dim3A_609, %add3A_614 : vector<16xi32>
        %select_n3A_616 = arith.select %lt3A_612, %add3A_615, %broadcast_in_dim3A_609 : vector<16xi1>, vector<16xi32>
        %broadcast_in_dim3A_617 = vector.shape_cast %select_n3A_616 : vector<16xi32> to vector<16x1xi32>
        %gather3A_618 = vector.shape_cast %broadcast_in_dim3A_617 : vector<16x1xi32> to vector<16xi32>
        %gather3A_619 = tpu.dynamic_gather %get3A_167[%gather3A_618] in [0] : vector<16xf32>, vector<16xi32> -> vector<16xf32>
        %sub3A_620 = arith.subf %gather3A_607, %gather3A_583 : vector<16xf32>
        %max3A_621 = arith.constant 0.000000e+00 : f32
        %max3A_622 = vector.broadcast %max3A_621 : f32 to vector<16xf32>
        %max3A_623 = arith.maximumf %sub3A_620, %max3A_622 : vector<16xf32>
        %sub3A_624 = arith.subf %gather3A_619, %gather3A_595 : vector<16xf32>
        %max3A_625 = arith.constant 0.000000e+00 : f32
        %max3A_626 = vector.broadcast %max3A_625 : f32 to vector<16xf32>
        %max3A_627 = arith.maximumf %sub3A_624, %max3A_626 : vector<16xf32>
        %mul3A_628 = arith.mulf %max3A_623, %max3A_627 : vector<16xf32>
        %max3A_629 = arith.maximumf %min3A_200, %gather3A_583 : vector<16xf32>
        %max3A_630 = arith.maximumf %min3A_212, %gather3A_595 : vector<16xf32>
        %min3A_631 = arith.minimumf %min3A_224, %gather3A_607 : vector<16xf32>
        %min3A_632 = arith.minimumf %min3A_236, %gather3A_619 : vector<16xf32>
        %sub3A_633 = arith.subf %min3A_631, %max3A_629 : vector<16xf32>
        %max3A_634 = arith.constant 0.000000e+00 : f32
        %max3A_635 = vector.broadcast %max3A_634 : f32 to vector<16xf32>
        %max3A_636 = arith.maximumf %sub3A_633, %max3A_635 : vector<16xf32>
        %sub3A_637 = arith.subf %min3A_632, %max3A_630 : vector<16xf32>
        %max3A_638 = arith.constant 0.000000e+00 : f32
        %max3A_639 = vector.broadcast %max3A_638 : f32 to vector<16xf32>
        %max3A_640 = arith.maximumf %sub3A_637, %max3A_639 : vector<16xf32>
        %mul3A_641 = arith.mulf %max3A_636, %max3A_640 : vector<16xf32>
        %add3A_642 = arith.addf %mul3A_245, %mul3A_628 : vector<16xf32>
        %sub3A_643 = arith.subf %add3A_642, %mul3A_641 : vector<16xf32>
        %max3A_644 = arith.constant 9.99999993E-9 : f32
        %max3A_645 = vector.broadcast %max3A_644 : f32 to vector<16xf32>
        %max3A_646 = arith.maximumf %sub3A_643, %max3A_645 : vector<16xf32>
        %div3A_647 = arith.divf %mul3A_641, %max3A_646 : vector<16xf32>
        %gt3A_648 = arith.cmpf ogt, %div3A_647, %select_n3A_568 : vector<16xf32>
        %select_n3A_649 = arith.select %gt3A_648, %div3A_647, %select_n3A_568 : vector<16xi1>, vector<16xf32>
        %jit3A_650 = arith.constant 4 : i32
        %broadcast_in_dim3A_651 = vector.broadcast %jit3A_650 : i32 to vector<16xi32>
        %select_n3A_652 = arith.select %gt3A_648, %broadcast_in_dim3A_651, %select_n3A_571 : vector<16xi1>, vector<16xi32>
        %broadcast_in_dim3A_653 = arith.constant 5 : i32
        %broadcast_in_dim3A_654 = vector.broadcast %broadcast_in_dim3A_653 : i32 to vector<16xi32>
        %lt3A_655 = arith.constant 0 : i32
        %lt3A_656 = vector.broadcast %lt3A_655 : i32 to vector<16xi32>
        %lt3A_657 = arith.cmpi slt, %broadcast_in_dim3A_654, %lt3A_656 : vector<16xi32>
        %add3A_658 = arith.constant 16 : i32
        %add3A_659 = vector.broadcast %add3A_658 : i32 to vector<16xi32>
        %add3A_660 = arith.addi %broadcast_in_dim3A_654, %add3A_659 : vector<16xi32>
        %select_n3A_661 = arith.select %lt3A_657, %add3A_660, %broadcast_in_dim3A_654 : vector<16xi1>, vector<16xi32>
        %broadcast_in_dim3A_662 = vector.shape_cast %select_n3A_661 : vector<16xi32> to vector<16x1xi32>
        %gather3A_663 = vector.shape_cast %broadcast_in_dim3A_662 : vector<16x1xi32> to vector<16xi32>
        %gather3A_664 = tpu.dynamic_gather %get3A_161[%gather3A_663] in [0] : vector<16xf32>, vector<16xi32> -> vector<16xf32>
        %broadcast_in_dim3A_665 = arith.constant 5 : i32
        %broadcast_in_dim3A_666 = vector.broadcast %broadcast_in_dim3A_665 : i32 to vector<16xi32>
        %lt3A_667 = arith.constant 0 : i32
        %lt3A_668 = vector.broadcast %lt3A_667 : i32 to vector<16xi32>
        %lt3A_669 = arith.cmpi slt, %broadcast_in_dim3A_666, %lt3A_668 : vector<16xi32>
        %add3A_670 = arith.constant 16 : i32
        %add3A_671 = vector.broadcast %add3A_670 : i32 to vector<16xi32>
        %add3A_672 = arith.addi %broadcast_in_dim3A_666, %add3A_671 : vector<16xi32>
        %select_n3A_673 = arith.select %lt3A_669, %add3A_672, %broadcast_in_dim3A_666 : vector<16xi1>, vector<16xi32>
        %broadcast_in_dim3A_674 = vector.shape_cast %select_n3A_673 : vector<16xi32> to vector<16x1xi32>
        %gather3A_675 = vector.shape_cast %broadcast_in_dim3A_674 : vector<16x1xi32> to vector<16xi32>
        %gather3A_676 = tpu.dynamic_gather %get3A_163[%gather3A_675] in [0] : vector<16xf32>, vector<16xi32> -> vector<16xf32>
        %broadcast_in_dim3A_677 = arith.constant 5 : i32
        %broadcast_in_dim3A_678 = vector.broadcast %broadcast_in_dim3A_677 : i32 to vector<16xi32>
        %lt3A_679 = arith.constant 0 : i32
        %lt3A_680 = vector.broadcast %lt3A_679 : i32 to vector<16xi32>
        %lt3A_681 = arith.cmpi slt, %broadcast_in_dim3A_678, %lt3A_680 : vector<16xi32>
        %add3A_682 = arith.constant 16 : i32
        %add3A_683 = vector.broadcast %add3A_682 : i32 to vector<16xi32>
        %add3A_684 = arith.addi %broadcast_in_dim3A_678, %add3A_683 : vector<16xi32>
        %select_n3A_685 = arith.select %lt3A_681, %add3A_684, %broadcast_in_dim3A_678 : vector<16xi1>, vector<16xi32>
        %broadcast_in_dim3A_686 = vector.shape_cast %select_n3A_685 : vector<16xi32> to vector<16x1xi32>
        %gather3A_687 = vector.shape_cast %broadcast_in_dim3A_686 : vector<16x1xi32> to vector<16xi32>
        %gather3A_688 = tpu.dynamic_gather %get3A_165[%gather3A_687] in [0] : vector<16xf32>, vector<16xi32> -> vector<16xf32>
        %broadcast_in_dim3A_689 = arith.constant 5 : i32
        %broadcast_in_dim3A_690 = vector.broadcast %broadcast_in_dim3A_689 : i32 to vector<16xi32>
        %lt3A_691 = arith.constant 0 : i32
        %lt3A_692 = vector.broadcast %lt3A_691 : i32 to vector<16xi32>
        %lt3A_693 = arith.cmpi slt, %broadcast_in_dim3A_690, %lt3A_692 : vector<16xi32>
        %add3A_694 = arith.constant 16 : i32
        %add3A_695 = vector.broadcast %add3A_694 : i32 to vector<16xi32>
        %add3A_696 = arith.addi %broadcast_in_dim3A_690, %add3A_695 : vector<16xi32>
        %select_n3A_697 = arith.select %lt3A_693, %add3A_696, %broadcast_in_dim3A_690 : vector<16xi1>, vector<16xi32>
        %broadcast_in_dim3A_698 = vector.shape_cast %select_n3A_697 : vector<16xi32> to vector<16x1xi32>
        %gather3A_699 = vector.shape_cast %broadcast_in_dim3A_698 : vector<16x1xi32> to vector<16xi32>
        %gather3A_700 = tpu.dynamic_gather %get3A_167[%gather3A_699] in [0] : vector<16xf32>, vector<16xi32> -> vector<16xf32>
        %sub3A_701 = arith.subf %gather3A_688, %gather3A_664 : vector<16xf32>
        %max3A_702 = arith.constant 0.000000e+00 : f32
        %max3A_703 = vector.broadcast %max3A_702 : f32 to vector<16xf32>
        %max3A_704 = arith.maximumf %sub3A_701, %max3A_703 : vector<16xf32>
        %sub3A_705 = arith.subf %gather3A_700, %gather3A_676 : vector<16xf32>
        %max3A_706 = arith.constant 0.000000e+00 : f32
        %max3A_707 = vector.broadcast %max3A_706 : f32 to vector<16xf32>
        %max3A_708 = arith.maximumf %sub3A_705, %max3A_707 : vector<16xf32>
        %mul3A_709 = arith.mulf %max3A_704, %max3A_708 : vector<16xf32>
        %max3A_710 = arith.maximumf %min3A_200, %gather3A_664 : vector<16xf32>
        %max3A_711 = arith.maximumf %min3A_212, %gather3A_676 : vector<16xf32>
        %min3A_712 = arith.minimumf %min3A_224, %gather3A_688 : vector<16xf32>
        %min3A_713 = arith.minimumf %min3A_236, %gather3A_700 : vector<16xf32>
        %sub3A_714 = arith.subf %min3A_712, %max3A_710 : vector<16xf32>
        %max3A_715 = arith.constant 0.000000e+00 : f32
        %max3A_716 = vector.broadcast %max3A_715 : f32 to vector<16xf32>
        %max3A_717 = arith.maximumf %sub3A_714, %max3A_716 : vector<16xf32>
        %sub3A_718 = arith.subf %min3A_713, %max3A_711 : vector<16xf32>
        %max3A_719 = arith.constant 0.000000e+00 : f32
        %max3A_720 = vector.broadcast %max3A_719 : f32 to vector<16xf32>
        %max3A_721 = arith.maximumf %sub3A_718, %max3A_720 : vector<16xf32>
        %mul3A_722 = arith.mulf %max3A_717, %max3A_721 : vector<16xf32>
        %add3A_723 = arith.addf %mul3A_245, %mul3A_709 : vector<16xf32>
        %sub3A_724 = arith.subf %add3A_723, %mul3A_722 : vector<16xf32>
        %max3A_725 = arith.constant 9.99999993E-9 : f32
        %max3A_726 = vector.broadcast %max3A_725 : f32 to vector<16xf32>
        %max3A_727 = arith.maximumf %sub3A_724, %max3A_726 : vector<16xf32>
        %div3A_728 = arith.divf %mul3A_722, %max3A_727 : vector<16xf32>
        %gt3A_729 = arith.cmpf ogt, %div3A_728, %select_n3A_649 : vector<16xf32>
        %select_n3A_730 = arith.select %gt3A_729, %div3A_728, %select_n3A_649 : vector<16xi1>, vector<16xf32>
        %jit3A_731 = arith.constant 5 : i32
        %broadcast_in_dim3A_732 = vector.broadcast %jit3A_731 : i32 to vector<16xi32>
        %select_n3A_733 = arith.select %gt3A_729, %broadcast_in_dim3A_732, %select_n3A_652 : vector<16xi1>, vector<16xi32>
        %broadcast_in_dim3A_734 = arith.constant 6 : i32
        %broadcast_in_dim3A_735 = vector.broadcast %broadcast_in_dim3A_734 : i32 to vector<16xi32>
        %lt3A_736 = arith.constant 0 : i32
        %lt3A_737 = vector.broadcast %lt3A_736 : i32 to vector<16xi32>
        %lt3A_738 = arith.cmpi slt, %broadcast_in_dim3A_735, %lt3A_737 : vector<16xi32>
        %add3A_739 = arith.constant 16 : i32
        %add3A_740 = vector.broadcast %add3A_739 : i32 to vector<16xi32>
        %add3A_741 = arith.addi %broadcast_in_dim3A_735, %add3A_740 : vector<16xi32>
        %select_n3A_742 = arith.select %lt3A_738, %add3A_741, %broadcast_in_dim3A_735 : vector<16xi1>, vector<16xi32>
        %broadcast_in_dim3A_743 = vector.shape_cast %select_n3A_742 : vector<16xi32> to vector<16x1xi32>
        %gather3A_744 = vector.shape_cast %broadcast_in_dim3A_743 : vector<16x1xi32> to vector<16xi32>
        %gather3A_745 = tpu.dynamic_gather %get3A_161[%gather3A_744] in [0] : vector<16xf32>, vector<16xi32> -> vector<16xf32>
        %broadcast_in_dim3A_746 = arith.constant 6 : i32
        %broadcast_in_dim3A_747 = vector.broadcast %broadcast_in_dim3A_746 : i32 to vector<16xi32>
        %lt3A_748 = arith.constant 0 : i32
        %lt3A_749 = vector.broadcast %lt3A_748 : i32 to vector<16xi32>
        %lt3A_750 = arith.cmpi slt, %broadcast_in_dim3A_747, %lt3A_749 : vector<16xi32>
        %add3A_751 = arith.constant 16 : i32
        %add3A_752 = vector.broadcast %add3A_751 : i32 to vector<16xi32>
        %add3A_753 = arith.addi %broadcast_in_dim3A_747, %add3A_752 : vector<16xi32>
        %select_n3A_754 = arith.select %lt3A_750, %add3A_753, %broadcast_in_dim3A_747 : vector<16xi1>, vector<16xi32>
        %broadcast_in_dim3A_755 = vector.shape_cast %select_n3A_754 : vector<16xi32> to vector<16x1xi32>
        %gather3A_756 = vector.shape_cast %broadcast_in_dim3A_755 : vector<16x1xi32> to vector<16xi32>
        %gather3A_757 = tpu.dynamic_gather %get3A_163[%gather3A_756] in [0] : vector<16xf32>, vector<16xi32> -> vector<16xf32>
        %broadcast_in_dim3A_758 = arith.constant 6 : i32
        %broadcast_in_dim3A_759 = vector.broadcast %broadcast_in_dim3A_758 : i32 to vector<16xi32>
        %lt3A_760 = arith.constant 0 : i32
        %lt3A_761 = vector.broadcast %lt3A_760 : i32 to vector<16xi32>
        %lt3A_762 = arith.cmpi slt, %broadcast_in_dim3A_759, %lt3A_761 : vector<16xi32>
        %add3A_763 = arith.constant 16 : i32
        %add3A_764 = vector.broadcast %add3A_763 : i32 to vector<16xi32>
        %add3A_765 = arith.addi %broadcast_in_dim3A_759, %add3A_764 : vector<16xi32>
        %select_n3A_766 = arith.select %lt3A_762, %add3A_765, %broadcast_in_dim3A_759 : vector<16xi1>, vector<16xi32>
        %broadcast_in_dim3A_767 = vector.shape_cast %select_n3A_766 : vector<16xi32> to vector<16x1xi32>
        %gather3A_768 = vector.shape_cast %broadcast_in_dim3A_767 : vector<16x1xi32> to vector<16xi32>
        %gather3A_769 = tpu.dynamic_gather %get3A_165[%gather3A_768] in [0] : vector<16xf32>, vector<16xi32> -> vector<16xf32>
        %broadcast_in_dim3A_770 = arith.constant 6 : i32
        %broadcast_in_dim3A_771 = vector.broadcast %broadcast_in_dim3A_770 : i32 to vector<16xi32>
        %lt3A_772 = arith.constant 0 : i32
        %lt3A_773 = vector.broadcast %lt3A_772 : i32 to vector<16xi32>
        %lt3A_774 = arith.cmpi slt, %broadcast_in_dim3A_771, %lt3A_773 : vector<16xi32>
        %add3A_775 = arith.constant 16 : i32
        %add3A_776 = vector.broadcast %add3A_775 : i32 to vector<16xi32>
        %add3A_777 = arith.addi %broadcast_in_dim3A_771, %add3A_776 : vector<16xi32>
        %select_n3A_778 = arith.select %lt3A_774, %add3A_777, %broadcast_in_dim3A_771 : vector<16xi1>, vector<16xi32>
        %broadcast_in_dim3A_779 = vector.shape_cast %select_n3A_778 : vector<16xi32> to vector<16x1xi32>
        %gather3A_780 = vector.shape_cast %broadcast_in_dim3A_779 : vector<16x1xi32> to vector<16xi32>
        %gather3A_781 = tpu.dynamic_gather %get3A_167[%gather3A_780] in [0] : vector<16xf32>, vector<16xi32> -> vector<16xf32>
        %sub3A_782 = arith.subf %gather3A_769, %gather3A_745 : vector<16xf32>
        %max3A_783 = arith.constant 0.000000e+00 : f32
        %max3A_784 = vector.broadcast %max3A_783 : f32 to vector<16xf32>
        %max3A_785 = arith.maximumf %sub3A_782, %max3A_784 : vector<16xf32>
        %sub3A_786 = arith.subf %gather3A_781, %gather3A_757 : vector<16xf32>
        %max3A_787 = arith.constant 0.000000e+00 : f32
        %max3A_788 = vector.broadcast %max3A_787 : f32 to vector<16xf32>
        %max3A_789 = arith.maximumf %sub3A_786, %max3A_788 : vector<16xf32>
        %mul3A_790 = arith.mulf %max3A_785, %max3A_789 : vector<16xf32>
        %max3A_791 = arith.maximumf %min3A_200, %gather3A_745 : vector<16xf32>
        %max3A_792 = arith.maximumf %min3A_212, %gather3A_757 : vector<16xf32>
        %min3A_793 = arith.minimumf %min3A_224, %gather3A_769 : vector<16xf32>
        %min3A_794 = arith.minimumf %min3A_236, %gather3A_781 : vector<16xf32>
        %sub3A_795 = arith.subf %min3A_793, %max3A_791 : vector<16xf32>
        %max3A_796 = arith.constant 0.000000e+00 : f32
        %max3A_797 = vector.broadcast %max3A_796 : f32 to vector<16xf32>
        %max3A_798 = arith.maximumf %sub3A_795, %max3A_797 : vector<16xf32>
        %sub3A_799 = arith.subf %min3A_794, %max3A_792 : vector<16xf32>
        %max3A_800 = arith.constant 0.000000e+00 : f32
        %max3A_801 = vector.broadcast %max3A_800 : f32 to vector<16xf32>
        %max3A_802 = arith.maximumf %sub3A_799, %max3A_801 : vector<16xf32>
        %mul3A_803 = arith.mulf %max3A_798, %max3A_802 : vector<16xf32>
        %add3A_804 = arith.addf %mul3A_245, %mul3A_790 : vector<16xf32>
        %sub3A_805 = arith.subf %add3A_804, %mul3A_803 : vector<16xf32>
        %max3A_806 = arith.constant 9.99999993E-9 : f32
        %max3A_807 = vector.broadcast %max3A_806 : f32 to vector<16xf32>
        %max3A_808 = arith.maximumf %sub3A_805, %max3A_807 : vector<16xf32>
        %div3A_809 = arith.divf %mul3A_803, %max3A_808 : vector<16xf32>
        %gt3A_810 = arith.cmpf ogt, %div3A_809, %select_n3A_730 : vector<16xf32>
        %select_n3A_811 = arith.select %gt3A_810, %div3A_809, %select_n3A_730 : vector<16xi1>, vector<16xf32>
        %jit3A_812 = arith.constant 6 : i32
        %broadcast_in_dim3A_813 = vector.broadcast %jit3A_812 : i32 to vector<16xi32>
        %select_n3A_814 = arith.select %gt3A_810, %broadcast_in_dim3A_813, %select_n3A_733 : vector<16xi1>, vector<16xi32>
        %broadcast_in_dim3A_815 = arith.constant 7 : i32
        %broadcast_in_dim3A_816 = vector.broadcast %broadcast_in_dim3A_815 : i32 to vector<16xi32>
        %lt3A_817 = arith.constant 0 : i32
        %lt3A_818 = vector.broadcast %lt3A_817 : i32 to vector<16xi32>
        %lt3A_819 = arith.cmpi slt, %broadcast_in_dim3A_816, %lt3A_818 : vector<16xi32>
        %add3A_820 = arith.constant 16 : i32
        %add3A_821 = vector.broadcast %add3A_820 : i32 to vector<16xi32>
        %add3A_822 = arith.addi %broadcast_in_dim3A_816, %add3A_821 : vector<16xi32>
        %select_n3A_823 = arith.select %lt3A_819, %add3A_822, %broadcast_in_dim3A_816 : vector<16xi1>, vector<16xi32>
        %broadcast_in_dim3A_824 = vector.shape_cast %select_n3A_823 : vector<16xi32> to vector<16x1xi32>
        %gather3A_825 = vector.shape_cast %broadcast_in_dim3A_824 : vector<16x1xi32> to vector<16xi32>
        %gather3A_826 = tpu.dynamic_gather %get3A_161[%gather3A_825] in [0] : vector<16xf32>, vector<16xi32> -> vector<16xf32>
        %broadcast_in_dim3A_827 = arith.constant 7 : i32
        %broadcast_in_dim3A_828 = vector.broadcast %broadcast_in_dim3A_827 : i32 to vector<16xi32>
        %lt3A_829 = arith.constant 0 : i32
        %lt3A_830 = vector.broadcast %lt3A_829 : i32 to vector<16xi32>
        %lt3A_831 = arith.cmpi slt, %broadcast_in_dim3A_828, %lt3A_830 : vector<16xi32>
        %add3A_832 = arith.constant 16 : i32
        %add3A_833 = vector.broadcast %add3A_832 : i32 to vector<16xi32>
        %add3A_834 = arith.addi %broadcast_in_dim3A_828, %add3A_833 : vector<16xi32>
        %select_n3A_835 = arith.select %lt3A_831, %add3A_834, %broadcast_in_dim3A_828 : vector<16xi1>, vector<16xi32>
        %broadcast_in_dim3A_836 = vector.shape_cast %select_n3A_835 : vector<16xi32> to vector<16x1xi32>
        %gather3A_837 = vector.shape_cast %broadcast_in_dim3A_836 : vector<16x1xi32> to vector<16xi32>
        %gather3A_838 = tpu.dynamic_gather %get3A_163[%gather3A_837] in [0] : vector<16xf32>, vector<16xi32> -> vector<16xf32>
        %broadcast_in_dim3A_839 = arith.constant 7 : i32
        %broadcast_in_dim3A_840 = vector.broadcast %broadcast_in_dim3A_839 : i32 to vector<16xi32>
        %lt3A_841 = arith.constant 0 : i32
        %lt3A_842 = vector.broadcast %lt3A_841 : i32 to vector<16xi32>
        %lt3A_843 = arith.cmpi slt, %broadcast_in_dim3A_840, %lt3A_842 : vector<16xi32>
        %add3A_844 = arith.constant 16 : i32
        %add3A_845 = vector.broadcast %add3A_844 : i32 to vector<16xi32>
        %add3A_846 = arith.addi %broadcast_in_dim3A_840, %add3A_845 : vector<16xi32>
        %select_n3A_847 = arith.select %lt3A_843, %add3A_846, %broadcast_in_dim3A_840 : vector<16xi1>, vector<16xi32>
        %broadcast_in_dim3A_848 = vector.shape_cast %select_n3A_847 : vector<16xi32> to vector<16x1xi32>
        %gather3A_849 = vector.shape_cast %broadcast_in_dim3A_848 : vector<16x1xi32> to vector<16xi32>
        %gather3A_850 = tpu.dynamic_gather %get3A_165[%gather3A_849] in [0] : vector<16xf32>, vector<16xi32> -> vector<16xf32>
        %broadcast_in_dim3A_851 = arith.constant 7 : i32
        %broadcast_in_dim3A_852 = vector.broadcast %broadcast_in_dim3A_851 : i32 to vector<16xi32>
        %lt3A_853 = arith.constant 0 : i32
        %lt3A_854 = vector.broadcast %lt3A_853 : i32 to vector<16xi32>
        %lt3A_855 = arith.cmpi slt, %broadcast_in_dim3A_852, %lt3A_854 : vector<16xi32>
        %add3A_856 = arith.constant 16 : i32
        %add3A_857 = vector.broadcast %add3A_856 : i32 to vector<16xi32>
        %add3A_858 = arith.addi %broadcast_in_dim3A_852, %add3A_857 : vector<16xi32>
        %select_n3A_859 = arith.select %lt3A_855, %add3A_858, %broadcast_in_dim3A_852 : vector<16xi1>, vector<16xi32>
        %broadcast_in_dim3A_860 = vector.shape_cast %select_n3A_859 : vector<16xi32> to vector<16x1xi32>
        %gather3A_861 = vector.shape_cast %broadcast_in_dim3A_860 : vector<16x1xi32> to vector<16xi32>
        %gather3A_862 = tpu.dynamic_gather %get3A_167[%gather3A_861] in [0] : vector<16xf32>, vector<16xi32> -> vector<16xf32>
        %sub3A_863 = arith.subf %gather3A_850, %gather3A_826 : vector<16xf32>
        %max3A_864 = arith.constant 0.000000e+00 : f32
        %max3A_865 = vector.broadcast %max3A_864 : f32 to vector<16xf32>
        %max3A_866 = arith.maximumf %sub3A_863, %max3A_865 : vector<16xf32>
        %sub3A_867 = arith.subf %gather3A_862, %gather3A_838 : vector<16xf32>
        %max3A_868 = arith.constant 0.000000e+00 : f32
        %max3A_869 = vector.broadcast %max3A_868 : f32 to vector<16xf32>
        %max3A_870 = arith.maximumf %sub3A_867, %max3A_869 : vector<16xf32>
        %mul3A_871 = arith.mulf %max3A_866, %max3A_870 : vector<16xf32>
        %max3A_872 = arith.maximumf %min3A_200, %gather3A_826 : vector<16xf32>
        %max3A_873 = arith.maximumf %min3A_212, %gather3A_838 : vector<16xf32>
        %min3A_874 = arith.minimumf %min3A_224, %gather3A_850 : vector<16xf32>
        %min3A_875 = arith.minimumf %min3A_236, %gather3A_862 : vector<16xf32>
        %sub3A_876 = arith.subf %min3A_874, %max3A_872 : vector<16xf32>
        %max3A_877 = arith.constant 0.000000e+00 : f32
        %max3A_878 = vector.broadcast %max3A_877 : f32 to vector<16xf32>
        %max3A_879 = arith.maximumf %sub3A_876, %max3A_878 : vector<16xf32>
        %sub3A_880 = arith.subf %min3A_875, %max3A_873 : vector<16xf32>
        %max3A_881 = arith.constant 0.000000e+00 : f32
        %max3A_882 = vector.broadcast %max3A_881 : f32 to vector<16xf32>
        %max3A_883 = arith.maximumf %sub3A_880, %max3A_882 : vector<16xf32>
        %mul3A_884 = arith.mulf %max3A_879, %max3A_883 : vector<16xf32>
        %add3A_885 = arith.addf %mul3A_245, %mul3A_871 : vector<16xf32>
        %sub3A_886 = arith.subf %add3A_885, %mul3A_884 : vector<16xf32>
        %max3A_887 = arith.constant 9.99999993E-9 : f32
        %max3A_888 = vector.broadcast %max3A_887 : f32 to vector<16xf32>
        %max3A_889 = arith.maximumf %sub3A_886, %max3A_888 : vector<16xf32>
        %div3A_890 = arith.divf %mul3A_884, %max3A_889 : vector<16xf32>
        %gt3A_891 = arith.cmpf ogt, %div3A_890, %select_n3A_811 : vector<16xf32>
        %select_n3A_892 = arith.select %gt3A_891, %div3A_890, %select_n3A_811 : vector<16xi1>, vector<16xf32>
        %jit3A_893 = arith.constant 7 : i32
        %broadcast_in_dim3A_894 = vector.broadcast %jit3A_893 : i32 to vector<16xi32>
        %select_n3A_895 = arith.select %gt3A_891, %broadcast_in_dim3A_894, %select_n3A_814 : vector<16xi1>, vector<16xi32>
        %broadcast_in_dim3A_896 = arith.constant 8 : i32
        %broadcast_in_dim3A_897 = vector.broadcast %broadcast_in_dim3A_896 : i32 to vector<16xi32>
        %lt3A_898 = arith.constant 0 : i32
        %lt3A_899 = vector.broadcast %lt3A_898 : i32 to vector<16xi32>
        %lt3A_900 = arith.cmpi slt, %broadcast_in_dim3A_897, %lt3A_899 : vector<16xi32>
        %add3A_901 = arith.constant 16 : i32
        %add3A_902 = vector.broadcast %add3A_901 : i32 to vector<16xi32>
        %add3A_903 = arith.addi %broadcast_in_dim3A_897, %add3A_902 : vector<16xi32>
        %select_n3A_904 = arith.select %lt3A_900, %add3A_903, %broadcast_in_dim3A_897 : vector<16xi1>, vector<16xi32>
        %broadcast_in_dim3A_905 = vector.shape_cast %select_n3A_904 : vector<16xi32> to vector<16x1xi32>
        %gather3A_906 = vector.shape_cast %broadcast_in_dim3A_905 : vector<16x1xi32> to vector<16xi32>
        %gather3A_907 = tpu.dynamic_gather %get3A_161[%gather3A_906] in [0] : vector<16xf32>, vector<16xi32> -> vector<16xf32>
        %broadcast_in_dim3A_908 = arith.constant 8 : i32
        %broadcast_in_dim3A_909 = vector.broadcast %broadcast_in_dim3A_908 : i32 to vector<16xi32>
        %lt3A_910 = arith.constant 0 : i32
        %lt3A_911 = vector.broadcast %lt3A_910 : i32 to vector<16xi32>
        %lt3A_912 = arith.cmpi slt, %broadcast_in_dim3A_909, %lt3A_911 : vector<16xi32>
        %add3A_913 = arith.constant 16 : i32
        %add3A_914 = vector.broadcast %add3A_913 : i32 to vector<16xi32>
        %add3A_915 = arith.addi %broadcast_in_dim3A_909, %add3A_914 : vector<16xi32>
        %select_n3A_916 = arith.select %lt3A_912, %add3A_915, %broadcast_in_dim3A_909 : vector<16xi1>, vector<16xi32>
        %broadcast_in_dim3A_917 = vector.shape_cast %select_n3A_916 : vector<16xi32> to vector<16x1xi32>
        %gather3A_918 = vector.shape_cast %broadcast_in_dim3A_917 : vector<16x1xi32> to vector<16xi32>
        %gather3A_919 = tpu.dynamic_gather %get3A_163[%gather3A_918] in [0] : vector<16xf32>, vector<16xi32> -> vector<16xf32>
        %broadcast_in_dim3A_920 = arith.constant 8 : i32
        %broadcast_in_dim3A_921 = vector.broadcast %broadcast_in_dim3A_920 : i32 to vector<16xi32>
        %lt3A_922 = arith.constant 0 : i32
        %lt3A_923 = vector.broadcast %lt3A_922 : i32 to vector<16xi32>
        %lt3A_924 = arith.cmpi slt, %broadcast_in_dim3A_921, %lt3A_923 : vector<16xi32>
        %add3A_925 = arith.constant 16 : i32
        %add3A_926 = vector.broadcast %add3A_925 : i32 to vector<16xi32>
        %add3A_927 = arith.addi %broadcast_in_dim3A_921, %add3A_926 : vector<16xi32>
        %select_n3A_928 = arith.select %lt3A_924, %add3A_927, %broadcast_in_dim3A_921 : vector<16xi1>, vector<16xi32>
        %broadcast_in_dim3A_929 = vector.shape_cast %select_n3A_928 : vector<16xi32> to vector<16x1xi32>
        %gather3A_930 = vector.shape_cast %broadcast_in_dim3A_929 : vector<16x1xi32> to vector<16xi32>
        %gather3A_931 = tpu.dynamic_gather %get3A_165[%gather3A_930] in [0] : vector<16xf32>, vector<16xi32> -> vector<16xf32>
        %broadcast_in_dim3A_932 = arith.constant 8 : i32
        %broadcast_in_dim3A_933 = vector.broadcast %broadcast_in_dim3A_932 : i32 to vector<16xi32>
        %lt3A_934 = arith.constant 0 : i32
        %lt3A_935 = vector.broadcast %lt3A_934 : i32 to vector<16xi32>
        %lt3A_936 = arith.cmpi slt, %broadcast_in_dim3A_933, %lt3A_935 : vector<16xi32>
        %add3A_937 = arith.constant 16 : i32
        %add3A_938 = vector.broadcast %add3A_937 : i32 to vector<16xi32>
        %add3A_939 = arith.addi %broadcast_in_dim3A_933, %add3A_938 : vector<16xi32>
        %select_n3A_940 = arith.select %lt3A_936, %add3A_939, %broadcast_in_dim3A_933 : vector<16xi1>, vector<16xi32>
        %broadcast_in_dim3A_941 = vector.shape_cast %select_n3A_940 : vector<16xi32> to vector<16x1xi32>
        %gather3A_942 = vector.shape_cast %broadcast_in_dim3A_941 : vector<16x1xi32> to vector<16xi32>
        %gather3A_943 = tpu.dynamic_gather %get3A_167[%gather3A_942] in [0] : vector<16xf32>, vector<16xi32> -> vector<16xf32>
        %sub3A_944 = arith.subf %gather3A_931, %gather3A_907 : vector<16xf32>
        %max3A_945 = arith.constant 0.000000e+00 : f32
        %max3A_946 = vector.broadcast %max3A_945 : f32 to vector<16xf32>
        %max3A_947 = arith.maximumf %sub3A_944, %max3A_946 : vector<16xf32>
        %sub3A_948 = arith.subf %gather3A_943, %gather3A_919 : vector<16xf32>
        %max3A_949 = arith.constant 0.000000e+00 : f32
        %max3A_950 = vector.broadcast %max3A_949 : f32 to vector<16xf32>
        %max3A_951 = arith.maximumf %sub3A_948, %max3A_950 : vector<16xf32>
        %mul3A_952 = arith.mulf %max3A_947, %max3A_951 : vector<16xf32>
        %max3A_953 = arith.maximumf %min3A_200, %gather3A_907 : vector<16xf32>
        %max3A_954 = arith.maximumf %min3A_212, %gather3A_919 : vector<16xf32>
        %min3A_955 = arith.minimumf %min3A_224, %gather3A_931 : vector<16xf32>
        %min3A_956 = arith.minimumf %min3A_236, %gather3A_943 : vector<16xf32>
        %sub3A_957 = arith.subf %min3A_955, %max3A_953 : vector<16xf32>
        %max3A_958 = arith.constant 0.000000e+00 : f32
        %max3A_959 = vector.broadcast %max3A_958 : f32 to vector<16xf32>
        %max3A_960 = arith.maximumf %sub3A_957, %max3A_959 : vector<16xf32>
        %sub3A_961 = arith.subf %min3A_956, %max3A_954 : vector<16xf32>
        %max3A_962 = arith.constant 0.000000e+00 : f32
        %max3A_963 = vector.broadcast %max3A_962 : f32 to vector<16xf32>
        %max3A_964 = arith.maximumf %sub3A_961, %max3A_963 : vector<16xf32>
        %mul3A_965 = arith.mulf %max3A_960, %max3A_964 : vector<16xf32>
        %add3A_966 = arith.addf %mul3A_245, %mul3A_952 : vector<16xf32>
        %sub3A_967 = arith.subf %add3A_966, %mul3A_965 : vector<16xf32>
        %max3A_968 = arith.constant 9.99999993E-9 : f32
        %max3A_969 = vector.broadcast %max3A_968 : f32 to vector<16xf32>
        %max3A_970 = arith.maximumf %sub3A_967, %max3A_969 : vector<16xf32>
        %div3A_971 = arith.divf %mul3A_965, %max3A_970 : vector<16xf32>
        %gt3A_972 = arith.cmpf ogt, %div3A_971, %select_n3A_892 : vector<16xf32>
        %select_n3A_973 = arith.select %gt3A_972, %div3A_971, %select_n3A_892 : vector<16xi1>, vector<16xf32>
        %jit3A_974 = arith.constant 8 : i32
        %broadcast_in_dim3A_975 = vector.broadcast %jit3A_974 : i32 to vector<16xi32>
        %select_n3A_976 = arith.select %gt3A_972, %broadcast_in_dim3A_975, %select_n3A_895 : vector<16xi1>, vector<16xi32>
        %broadcast_in_dim3A_977 = arith.constant 9 : i32
        %broadcast_in_dim3A_978 = vector.broadcast %broadcast_in_dim3A_977 : i32 to vector<16xi32>
        %lt3A_979 = arith.constant 0 : i32
        %lt3A_980 = vector.broadcast %lt3A_979 : i32 to vector<16xi32>
        %lt3A_981 = arith.cmpi slt, %broadcast_in_dim3A_978, %lt3A_980 : vector<16xi32>
        %add3A_982 = arith.constant 16 : i32
        %add3A_983 = vector.broadcast %add3A_982 : i32 to vector<16xi32>
        %add3A_984 = arith.addi %broadcast_in_dim3A_978, %add3A_983 : vector<16xi32>
        %select_n3A_985 = arith.select %lt3A_981, %add3A_984, %broadcast_in_dim3A_978 : vector<16xi1>, vector<16xi32>
        %broadcast_in_dim3A_986 = vector.shape_cast %select_n3A_985 : vector<16xi32> to vector<16x1xi32>
        %gather3A_987 = vector.shape_cast %broadcast_in_dim3A_986 : vector<16x1xi32> to vector<16xi32>
        %gather3A_988 = tpu.dynamic_gather %get3A_161[%gather3A_987] in [0] : vector<16xf32>, vector<16xi32> -> vector<16xf32>
        %broadcast_in_dim3A_989 = arith.constant 9 : i32
        %broadcast_in_dim3A_990 = vector.broadcast %broadcast_in_dim3A_989 : i32 to vector<16xi32>
        %lt3A_991 = arith.constant 0 : i32
        %lt3A_992 = vector.broadcast %lt3A_991 : i32 to vector<16xi32>
        %lt3A_993 = arith.cmpi slt, %broadcast_in_dim3A_990, %lt3A_992 : vector<16xi32>
        %add3A_994 = arith.constant 16 : i32
        %add3A_995 = vector.broadcast %add3A_994 : i32 to vector<16xi32>
        %add3A_996 = arith.addi %broadcast_in_dim3A_990, %add3A_995 : vector<16xi32>
        %select_n3A_997 = arith.select %lt3A_993, %add3A_996, %broadcast_in_dim3A_990 : vector<16xi1>, vector<16xi32>
        %broadcast_in_dim3A_998 = vector.shape_cast %select_n3A_997 : vector<16xi32> to vector<16x1xi32>
        %gather3A_999 = vector.shape_cast %broadcast_in_dim3A_998 : vector<16x1xi32> to vector<16xi32>
        %gather3A_1000 = tpu.dynamic_gather %get3A_163[%gather3A_999] in [0] : vector<16xf32>, vector<16xi32> -> vector<16xf32>
        %broadcast_in_dim3A_1001 = arith.constant 9 : i32
        %broadcast_in_dim3A_1002 = vector.broadcast %broadcast_in_dim3A_1001 : i32 to vector<16xi32>
        %lt3A_1003 = arith.constant 0 : i32
        %lt3A_1004 = vector.broadcast %lt3A_1003 : i32 to vector<16xi32>
        %lt3A_1005 = arith.cmpi slt, %broadcast_in_dim3A_1002, %lt3A_1004 : vector<16xi32>
        %add3A_1006 = arith.constant 16 : i32
        %add3A_1007 = vector.broadcast %add3A_1006 : i32 to vector<16xi32>
        %add3A_1008 = arith.addi %broadcast_in_dim3A_1002, %add3A_1007 : vector<16xi32>
        %select_n3A_1009 = arith.select %lt3A_1005, %add3A_1008, %broadcast_in_dim3A_1002 : vector<16xi1>, vector<16xi32>
        %broadcast_in_dim3A_1010 = vector.shape_cast %select_n3A_1009 : vector<16xi32> to vector<16x1xi32>
        %gather3A_1011 = vector.shape_cast %broadcast_in_dim3A_1010 : vector<16x1xi32> to vector<16xi32>
        %gather3A_1012 = tpu.dynamic_gather %get3A_165[%gather3A_1011] in [0] : vector<16xf32>, vector<16xi32> -> vector<16xf32>
        %broadcast_in_dim3A_1013 = arith.constant 9 : i32
        %broadcast_in_dim3A_1014 = vector.broadcast %broadcast_in_dim3A_1013 : i32 to vector<16xi32>
        %lt3A_1015 = arith.constant 0 : i32
        %lt3A_1016 = vector.broadcast %lt3A_1015 : i32 to vector<16xi32>
        %lt3A_1017 = arith.cmpi slt, %broadcast_in_dim3A_1014, %lt3A_1016 : vector<16xi32>
        %add3A_1018 = arith.constant 16 : i32
        %add3A_1019 = vector.broadcast %add3A_1018 : i32 to vector<16xi32>
        %add3A_1020 = arith.addi %broadcast_in_dim3A_1014, %add3A_1019 : vector<16xi32>
        %select_n3A_1021 = arith.select %lt3A_1017, %add3A_1020, %broadcast_in_dim3A_1014 : vector<16xi1>, vector<16xi32>
        %broadcast_in_dim3A_1022 = vector.shape_cast %select_n3A_1021 : vector<16xi32> to vector<16x1xi32>
        %gather3A_1023 = vector.shape_cast %broadcast_in_dim3A_1022 : vector<16x1xi32> to vector<16xi32>
        %gather3A_1024 = tpu.dynamic_gather %get3A_167[%gather3A_1023] in [0] : vector<16xf32>, vector<16xi32> -> vector<16xf32>
        %sub3A_1025 = arith.subf %gather3A_1012, %gather3A_988 : vector<16xf32>
        %max3A_1026 = arith.constant 0.000000e+00 : f32
        %max3A_1027 = vector.broadcast %max3A_1026 : f32 to vector<16xf32>
        %max3A_1028 = arith.maximumf %sub3A_1025, %max3A_1027 : vector<16xf32>
        %sub3A_1029 = arith.subf %gather3A_1024, %gather3A_1000 : vector<16xf32>
        %max3A_1030 = arith.constant 0.000000e+00 : f32
        %max3A_1031 = vector.broadcast %max3A_1030 : f32 to vector<16xf32>
        %max3A_1032 = arith.maximumf %sub3A_1029, %max3A_1031 : vector<16xf32>
        %mul3A_1033 = arith.mulf %max3A_1028, %max3A_1032 : vector<16xf32>
        %max3A_1034 = arith.maximumf %min3A_200, %gather3A_988 : vector<16xf32>
        %max3A_1035 = arith.maximumf %min3A_212, %gather3A_1000 : vector<16xf32>
        %min3A_1036 = arith.minimumf %min3A_224, %gather3A_1012 : vector<16xf32>
        %min3A_1037 = arith.minimumf %min3A_236, %gather3A_1024 : vector<16xf32>
        %sub3A_1038 = arith.subf %min3A_1036, %max3A_1034 : vector<16xf32>
        %max3A_1039 = arith.constant 0.000000e+00 : f32
        %max3A_1040 = vector.broadcast %max3A_1039 : f32 to vector<16xf32>
        %max3A_1041 = arith.maximumf %sub3A_1038, %max3A_1040 : vector<16xf32>
        %sub3A_1042 = arith.subf %min3A_1037, %max3A_1035 : vector<16xf32>
        %max3A_1043 = arith.constant 0.000000e+00 : f32
        %max3A_1044 = vector.broadcast %max3A_1043 : f32 to vector<16xf32>
        %max3A_1045 = arith.maximumf %sub3A_1042, %max3A_1044 : vector<16xf32>
        %mul3A_1046 = arith.mulf %max3A_1041, %max3A_1045 : vector<16xf32>
        %add3A_1047 = arith.addf %mul3A_245, %mul3A_1033 : vector<16xf32>
        %sub3A_1048 = arith.subf %add3A_1047, %mul3A_1046 : vector<16xf32>
        %max3A_1049 = arith.constant 9.99999993E-9 : f32
        %max3A_1050 = vector.broadcast %max3A_1049 : f32 to vector<16xf32>
        %max3A_1051 = arith.maximumf %sub3A_1048, %max3A_1050 : vector<16xf32>
        %div3A_1052 = arith.divf %mul3A_1046, %max3A_1051 : vector<16xf32>
        %gt3A_1053 = arith.cmpf ogt, %div3A_1052, %select_n3A_973 : vector<16xf32>
        %select_n3A_1054 = arith.select %gt3A_1053, %div3A_1052, %select_n3A_973 : vector<16xi1>, vector<16xf32>
        %jit3A_1055 = arith.constant 9 : i32
        %broadcast_in_dim3A_1056 = vector.broadcast %jit3A_1055 : i32 to vector<16xi32>
        %select_n3A_1057 = arith.select %gt3A_1053, %broadcast_in_dim3A_1056, %select_n3A_976 : vector<16xi1>, vector<16xi32>
        %mul3A_1058 = arith.constant 16 : i32
        %mul3A_1059 = arith.muli %scan3A_187, %mul3A_1058 : i32
        %add3A_1060 = vector.broadcast %mul3A_1059 : i32 to vector<16xi32>
        %add3A_1061 = arith.addi %add3A_1060, %iota3A : vector<16xi32>
        %lt3A_1062 = arith.constant 300 : i32
        %lt3A_1063 = vector.broadcast %lt3A_1062 : i32 to vector<16xi32>
        %lt3A_1064 = arith.cmpi slt, %add3A_1061, %lt3A_1063 : vector<16xi32>
        %jit3A_1065 = arith.constant -2.000000e+00 : f32
        %broadcast_in_dim3A_1066 = vector.broadcast %jit3A_1065 : f32 to vector<16xf32>
        %select_n3A_1067 = arith.select %lt3A_1064, %select_n3A_1054, %broadcast_in_dim3A_1066 : vector<16xi1>, vector<16xf32>
        %swap3A = arith.index_cast %mul3A_190 : i32 to index
        %swap3A_1068 = tpu.vector_load %arg16[%swap3A] {strides = array<i32>} : memref<304xf32, #tpu.memory_space<vmem>>, vector<16xf32>,
        tpu.vector_store %arg16[%swap3A], %select_n3A_1067 {strides = array<i32>} : memref<304xf32, #tpu.memory_space<vmem>>, vector<16xf32>,
        %swap3A_1069 = arith.index_cast %mul3A_190 : i32 to index
        %swap3A_1070 = tpu.vector_load %arg17[%swap3A_1069] {strides = array<i32>} : memref<304xi32, #tpu.memory_space<vmem>>, vector<16xi32>,
        tpu.vector_store %arg17[%swap3A_1069], %select_n3A_1057 {strides = array<i32>} : memref<304xi32, #tpu.memory_space<vmem>>, vector<16xi32>,
        %scan3A_1071 = arith.constant 0 : i32
        scf.yield %scan3A_1071 : i32
      }
      %scan3A_173 = arith.constant 19 : i32
      %scan3A_174 = arith.constant 0 : i32
      %scan3A_175 = arith.constant 0 : i32
      %scan3A_176 = arith.constant 32 : i32
      %scan3A_177 = arith.addi %scan3A_175, %scan3A_176 : i32
      %scan3A_178 = arith.constant 1 : i32
      %scan3A_179 = scf.for %scan3A_187 = %scan3A_175 to %scan3A_177 step %scan3A_178 iter_args(%scan3A_188 = %scan3A_174) -> (i32)  : i32 {
        %scan3A_189 = arith.constant 0 : i32
        %scan3A_190 = arith.constant 19 : i32
        %scan3A_191 = arith.addi %scan3A_189, %scan3A_190 : i32
        %scan3A_192 = arith.constant 1 : i32
        %scan3A_193:2 = scf.for %scan3A_342 = %scan3A_189 to %scan3A_191 step %scan3A_192 iter_args(%scan3A_343 = %broadcast_in_dim3A_148, %scan3A_344 = %broadcast_in_dim3A_150) -> (vector<16xf32>, vector<16xi32>)  : i32 {
          %mul3A_345 = arith.constant 16 : i32
          %mul3A_346 = arith.muli %scan3A_342, %mul3A_345 : i32
          %get3A_347 = arith.index_cast %mul3A_346 : i32 to index
          %get3A_348 = tpu.vector_load %arg16[%get3A_347] {strides = array<i32>} : memref<304xf32, #tpu.memory_space<vmem>>, vector<16xf32>,
          %mul3A_349 = arith.constant 16 : i32
          %mul3A_350 = arith.muli %scan3A_342, %mul3A_349 : i32
          %add3A_351 = vector.broadcast %mul3A_350 : i32 to vector<16xi32>
          %add3A_352 = arith.addi %add3A_351, %iota3A : vector<16xi32>
          %gt3A = arith.cmpf ogt, %get3A_348, %scan3A_343 : vector<16xf32>
          %select_n3A_353 = arith.select %gt3A, %get3A_348, %scan3A_343 : vector<16xi1>, vector<16xf32>
          %select_n3A_354 = arith.select %gt3A, %add3A_352, %scan3A_344 : vector<16xi1>, vector<16xi32>
          scf.yield %select_n3A_353, %select_n3A_354 : vector<16xf32>, vector<16xi32>
        }
        %scan3A_194 = arith.constant 19 : i32
        %xor3A = arith.constant 8 : i32
        %xor3A_195 = vector.broadcast %xor3A : i32 to vector<16xi32>
        %xor3A_196 = arith.xori %iota3A, %xor3A_195 : vector<16xi32>
        %lt3A_197 = arith.constant 0 : i32
        %lt3A_198 = vector.broadcast %lt3A_197 : i32 to vector<16xi32>
        %lt3A_199 = arith.cmpi slt, %xor3A_196, %lt3A_198 : vector<16xi32>
        %add3A_200 = arith.constant 16 : i32
        %add3A_201 = vector.broadcast %add3A_200 : i32 to vector<16xi32>
        %add3A_202 = arith.addi %xor3A_196, %add3A_201 : vector<16xi32>
        %select_n3A_203 = arith.select %lt3A_199, %add3A_202, %xor3A_196 : vector<16xi1>, vector<16xi32>
        %broadcast_in_dim3A_204 = vector.shape_cast %select_n3A_203 : vector<16xi32> to vector<16x1xi32>
        %gather3A = vector.shape_cast %broadcast_in_dim3A_204 : vector<16x1xi32> to vector<16xi32>
        %gather3A_205 = tpu.dynamic_gather %scan3A_193#0[%gather3A] in [0] : vector<16xf32>, vector<16xi32> -> vector<16xf32>
        %max3A = arith.maximumf %scan3A_193#0, %gather3A_205 : vector<16xf32>
        %xor3A_206 = arith.constant 4 : i32
        %xor3A_207 = vector.broadcast %xor3A_206 : i32 to vector<16xi32>
        %xor3A_208 = arith.xori %iota3A, %xor3A_207 : vector<16xi32>
        %lt3A_209 = arith.constant 0 : i32
        %lt3A_210 = vector.broadcast %lt3A_209 : i32 to vector<16xi32>
        %lt3A_211 = arith.cmpi slt, %xor3A_208, %lt3A_210 : vector<16xi32>
        %add3A_212 = arith.constant 16 : i32
        %add3A_213 = vector.broadcast %add3A_212 : i32 to vector<16xi32>
        %add3A_214 = arith.addi %xor3A_208, %add3A_213 : vector<16xi32>
        %select_n3A_215 = arith.select %lt3A_211, %add3A_214, %xor3A_208 : vector<16xi1>, vector<16xi32>
        %broadcast_in_dim3A_216 = vector.shape_cast %select_n3A_215 : vector<16xi32> to vector<16x1xi32>
        %gather3A_217 = vector.shape_cast %broadcast_in_dim3A_216 : vector<16x1xi32> to vector<16xi32>
        %gather3A_218 = tpu.dynamic_gather %max3A[%gather3A_217] in [0] : vector<16xf32>, vector<16xi32> -> vector<16xf32>
        %max3A_219 = arith.maximumf %max3A, %gather3A_218 : vector<16xf32>
        %xor3A_220 = arith.constant 2 : i32
        %xor3A_221 = vector.broadcast %xor3A_220 : i32 to vector<16xi32>
        %xor3A_222 = arith.xori %iota3A, %xor3A_221 : vector<16xi32>
        %lt3A_223 = arith.constant 0 : i32
        %lt3A_224 = vector.broadcast %lt3A_223 : i32 to vector<16xi32>
        %lt3A_225 = arith.cmpi slt, %xor3A_222, %lt3A_224 : vector<16xi32>
        %add3A_226 = arith.constant 16 : i32
        %add3A_227 = vector.broadcast %add3A_226 : i32 to vector<16xi32>
        %add3A_228 = arith.addi %xor3A_222, %add3A_227 : vector<16xi32>
        %select_n3A_229 = arith.select %lt3A_225, %add3A_228, %xor3A_222 : vector<16xi1>, vector<16xi32>
        %broadcast_in_dim3A_230 = vector.shape_cast %select_n3A_229 : vector<16xi32> to vector<16x1xi32>
        %gather3A_231 = vector.shape_cast %broadcast_in_dim3A_230 : vector<16x1xi32> to vector<16xi32>
        %gather3A_232 = tpu.dynamic_gather %max3A_219[%gather3A_231] in [0] : vector<16xf32>, vector<16xi32> -> vector<16xf32>
        %max3A_233 = arith.maximumf %max3A_219, %gather3A_232 : vector<16xf32>
        %xor3A_234 = arith.constant 1 : i32
        %xor3A_235 = vector.broadcast %xor3A_234 : i32 to vector<16xi32>
        %xor3A_236 = arith.xori %iota3A, %xor3A_235 : vector<16xi32>
        %lt3A_237 = arith.constant 0 : i32
        %lt3A_238 = vector.broadcast %lt3A_237 : i32 to vector<16xi32>
        %lt3A_239 = arith.cmpi slt, %xor3A_236, %lt3A_238 : vector<16xi32>
        %add3A_240 = arith.constant 16 : i32
        %add3A_241 = vector.broadcast %add3A_240 : i32 to vector<16xi32>
        %add3A_242 = arith.addi %xor3A_236, %add3A_241 : vector<16xi32>
        %select_n3A_243 = arith.select %lt3A_239, %add3A_242, %xor3A_236 : vector<16xi1>, vector<16xi32>
        %broadcast_in_dim3A_244 = vector.shape_cast %select_n3A_243 : vector<16xi32> to vector<16x1xi32>
        %gather3A_245 = vector.shape_cast %broadcast_in_dim3A_244 : vector<16x1xi32> to vector<16xi32>
        %gather3A_246 = tpu.dynamic_gather %max3A_233[%gather3A_245] in [0] : vector<16xf32>, vector<16xi32> -> vector<16xf32>
        %max3A_247 = arith.maximumf %max3A_233, %gather3A_246 : vector<16xf32>
        %eq3A_248 = arith.cmpf oeq, %scan3A_193#0, %max3A_247 : vector<16xf32>
        %jit3A_249 = arith.constant 1073741824 : i32
        %broadcast_in_dim3A_250 = vector.broadcast %jit3A_249 : i32 to vector<16xi32>
        %select_n3A_251 = arith.select %eq3A_248, %scan3A_193#1, %broadcast_in_dim3A_250 : vector<16xi1>, vector<16xi32>
        %xor3A_252 = arith.constant 8 : i32
        %xor3A_253 = vector.broadcast %xor3A_252 : i32 to vector<16xi32>
        %xor3A_254 = arith.xori %iota3A, %xor3A_253 : vector<16xi32>
        %lt3A_255 = arith.constant 0 : i32
        %lt3A_256 = vector.broadcast %lt3A_255 : i32 to vector<16xi32>
        %lt3A_257 = arith.cmpi slt, %xor3A_254, %lt3A_256 : vector<16xi32>
        %add3A_258 = arith.constant 16 : i32
        %add3A_259 = vector.broadcast %add3A_258 : i32 to vector<16xi32>
        %add3A_260 = arith.addi %xor3A_254, %add3A_259 : vector<16xi32>
        %select_n3A_261 = arith.select %lt3A_257, %add3A_260, %xor3A_254 : vector<16xi1>, vector<16xi32>
        %broadcast_in_dim3A_262 = vector.shape_cast %select_n3A_261 : vector<16xi32> to vector<16x1xi32>
        %gather3A_263 = vector.shape_cast %broadcast_in_dim3A_262 : vector<16x1xi32> to vector<16xi32>
        %gather3A_264 = tpu.dynamic_gather %select_n3A_251[%gather3A_263] in [0] : vector<16xi32>, vector<16xi32> -> vector<16xi32>
        %min3A = arith.minsi %select_n3A_251, %gather3A_264 : vector<16xi32>
        %xor3A_265 = arith.constant 4 : i32
        %xor3A_266 = vector.broadcast %xor3A_265 : i32 to vector<16xi32>
        %xor3A_267 = arith.xori %iota3A, %xor3A_266 : vector<16xi32>
        %lt3A_268 = arith.constant 0 : i32
        %lt3A_269 = vector.broadcast %lt3A_268 : i32 to vector<16xi32>
        %lt3A_270 = arith.cmpi slt, %xor3A_267, %lt3A_269 : vector<16xi32>
        %add3A_271 = arith.constant 16 : i32
        %add3A_272 = vector.broadcast %add3A_271 : i32 to vector<16xi32>
        %add3A_273 = arith.addi %xor3A_267, %add3A_272 : vector<16xi32>
        %select_n3A_274 = arith.select %lt3A_270, %add3A_273, %xor3A_267 : vector<16xi1>, vector<16xi32>
        %broadcast_in_dim3A_275 = vector.shape_cast %select_n3A_274 : vector<16xi32> to vector<16x1xi32>
        %gather3A_276 = vector.shape_cast %broadcast_in_dim3A_275 : vector<16x1xi32> to vector<16xi32>
        %gather3A_277 = tpu.dynamic_gather %min3A[%gather3A_276] in [0] : vector<16xi32>, vector<16xi32> -> vector<16xi32>
        %min3A_278 = arith.minsi %min3A, %gather3A_277 : vector<16xi32>
        %xor3A_279 = arith.constant 2 : i32
        %xor3A_280 = vector.broadcast %xor3A_279 : i32 to vector<16xi32>
        %xor3A_281 = arith.xori %iota3A, %xor3A_280 : vector<16xi32>
        %lt3A_282 = arith.constant 0 : i32
        %lt3A_283 = vector.broadcast %lt3A_282 : i32 to vector<16xi32>
        %lt3A_284 = arith.cmpi slt, %xor3A_281, %lt3A_283 : vector<16xi32>
        %add3A_285 = arith.constant 16 : i32
        %add3A_286 = vector.broadcast %add3A_285 : i32 to vector<16xi32>
        %add3A_287 = arith.addi %xor3A_281, %add3A_286 : vector<16xi32>
        %select_n3A_288 = arith.select %lt3A_284, %add3A_287, %xor3A_281 : vector<16xi1>, vector<16xi32>
        %broadcast_in_dim3A_289 = vector.shape_cast %select_n3A_288 : vector<16xi32> to vector<16x1xi32>
        %gather3A_290 = vector.shape_cast %broadcast_in_dim3A_289 : vector<16x1xi32> to vector<16xi32>
        %gather3A_291 = tpu.dynamic_gather %min3A_278[%gather3A_290] in [0] : vector<16xi32>, vector<16xi32> -> vector<16xi32>
        %min3A_292 = arith.minsi %min3A_278, %gather3A_291 : vector<16xi32>
        %xor3A_293 = arith.constant 1 : i32
        %xor3A_294 = vector.broadcast %xor3A_293 : i32 to vector<16xi32>
        %xor3A_295 = arith.xori %iota3A, %xor3A_294 : vector<16xi32>
        %lt3A_296 = arith.constant 0 : i32
        %lt3A_297 = vector.broadcast %lt3A_296 : i32 to vector<16xi32>
        %lt3A_298 = arith.cmpi slt, %xor3A_295, %lt3A_297 : vector<16xi32>
        %add3A_299 = arith.constant 16 : i32
        %add3A_300 = vector.broadcast %add3A_299 : i32 to vector<16xi32>
        %add3A_301 = arith.addi %xor3A_295, %add3A_300 : vector<16xi32>
        %select_n3A_302 = arith.select %lt3A_298, %add3A_301, %xor3A_295 : vector<16xi1>, vector<16xi32>
        %broadcast_in_dim3A_303 = vector.shape_cast %select_n3A_302 : vector<16xi32> to vector<16x1xi32>
        %gather3A_304 = vector.shape_cast %broadcast_in_dim3A_303 : vector<16x1xi32> to vector<16xi32>
        %gather3A_305 = tpu.dynamic_gather %min3A_292[%gather3A_304] in [0] : vector<16xi32>, vector<16xi32> -> vector<16xi32>
        %min3A_306 = arith.minsi %min3A_292, %gather3A_305 : vector<16xi32>
        %min3A_307 = arith.constant 3 : i32
        %min3A_308 = vector.broadcast %min3A_307 : i32 to vector<16xi32>
        %min3A_309 = arith.minsi %iota3A, %min3A_308 : vector<16xi32>
        %mul3A_310 = arith.constant 304 : i32
        %mul3A_311 = vector.broadcast %mul3A_310 : i32 to vector<16xi32>
        %mul3A_312 = arith.muli %mul3A_311, %min3A_309 : vector<16xi32>
        %add3A_313 = arith.addi %min3A_306, %mul3A_312 : vector<16xi32>
        %gather3A_314 = tpu.vector_load_idx %arg15[%add3A_313] : memref<1216xf32, #tpu.memory_space<vmem>>[vector<16xi32>], vector<16xf32>,
        %jit3A_315 = arith.constant 0.000000e+00 : f32
        %jit3A_316 = arith.constant 1.000000e+00 : f32
        %max3A_317 = vector.broadcast %jit3A_315 : f32 to vector<16xf32>
        %max3A_318 = arith.maximumf %max3A_317, %gather3A_314 : vector<16xf32>
        %min3A_319 = vector.broadcast %jit3A_316 : f32 to vector<16xf32>
        %min3A_320 = arith.minimumf %min3A_319, %max3A_318 : vector<16xf32>
        %mul3A_321 = arith.constant 4 : i32
        %mul3A_322 = arith.muli %mul3A_321, %scan3A_187 : i32
        %add3A_323 = vector.broadcast %mul3A_322 : i32 to vector<16xi32>
        %add3A_324 = arith.addi %add3A_323, %iota3A : vector<16xi32>
        %lt3A_325 = arith.constant 4 : i32
        %lt3A_326 = vector.broadcast %lt3A_325 : i32 to vector<16xi32>
        %lt3A_327 = arith.cmpi slt, %iota3A, %lt3A_326 : vector<16xi32>
        tpu.vector_store_idx %arg18[%add3A_324], %min3A_320 masked %lt3A_327 : memref<128xf32, #tpu.memory_space<vmem>>[vector<16xi32>], vector<16xf32>, vector<16xi1>
        %gather3A_328 = tpu.vector_load_idx %arg17[%min3A_306] : memref<304xi32, #tpu.memory_space<vmem>>[vector<16xi32>], vector<16xi32>,
        %broadcast_in_dim3A_329 = arith.constant 0 : i32
        %broadcast_in_dim3A_330 = vector.broadcast %broadcast_in_dim3A_329 : i32 to vector<16xi32>
        %add3A_331 = vector.broadcast %scan3A_187 : i32 to vector<16xi32>
        %add3A_332 = arith.addi %broadcast_in_dim3A_330, %add3A_331 : vector<16xi32>
        %eq3A_333 = arith.constant 0 : i32
        %eq3A_334 = vector.broadcast %eq3A_333 : i32 to vector<16xi32>
        %eq3A_335 = arith.cmpi eq, %iota3A, %eq3A_334 : vector<16xi32>
        tpu.vector_store_idx %arg19[%add3A_332], %gather3A_328 masked %eq3A_335 : memref<32xi32, #tpu.memory_space<vmem>>[vector<16xi32>], vector<16xi32>, vector<16xi1>
        %broadcast_in_dim3A_336 = arith.constant -3.000000e+00 : f32
        %broadcast_in_dim3A_337 = vector.broadcast %broadcast_in_dim3A_336 : f32 to vector<16xf32>
        %eq3A_338 = arith.constant 0 : i32
        %eq3A_339 = vector.broadcast %eq3A_338 : i32 to vector<16xi32>
        %eq3A_340 = arith.cmpi eq, %iota3A, %eq3A_339 : vector<16xi32>
        tpu.vector_store_idx %arg16[%min3A_306], %broadcast_in_dim3A_337 masked %eq3A_340 : memref<304xf32, #tpu.memory_space<vmem>>[vector<16xi32>], vector<16xf32>, vector<16xi1>
        %scan3A_341 = arith.constant 0 : i32
        scf.yield %scan3A_341 : i32
      }
      %scan3A_180 = arith.constant 32 : i32
      %mul3A_181 = arith.constant 32 : i32
      %mul3A_182 = arith.muli %add3A, %mul3A_181 : i32
      %mul3A_183 = arith.constant 4 : i32
      %mul3A_184 = arith.muli %mul3A_182, %mul3A_183 : i32
      "tpu.region"() ({
        %run_scoped3A_187 = tpu.sem_alloc : memref<!tpu.dma_semaphore, #tpu.memory_space<semaphore_mem>>
        %dma_start3A = tpu.memref_slice %arg6[%mul3A_184] : memref<512xf32, #tpu.memory_space<hbm>> -> memref<128xf32, #tpu.memory_space<hbm>>
        %dma_start3A_188 = tpu.memref_slice %arg6[%mul3A_184] : memref<512xf32, #tpu.memory_space<hbm>> -> memref<128xf32, #tpu.memory_space<hbm>>
        tpu.enqueue_dma source(%arg18 : memref<128xf32, #tpu.memory_space<vmem>>) target(%dma_start3A_188 : memref<128xf32, #tpu.memory_space<hbm>>) target_semaphore(%run_scoped3A_187 : memref<!tpu.dma_semaphore, #tpu.memory_space<semaphore_mem>>)
        %dma_wait3A = tpu.memref_slice %arg6[%mul3A_184] : memref<512xf32, #tpu.memory_space<hbm>> -> memref<128xf32, #tpu.memory_space<hbm>>
        %dma_wait3A_189 = tpu.memref_slice %arg6[%mul3A_184] : memref<512xf32, #tpu.memory_space<hbm>> -> memref<128xf32, #tpu.memory_space<hbm>>
        tpu.wait_dma2 semaphore(%run_scoped3A_187 : memref<!tpu.dma_semaphore, #tpu.memory_space<semaphore_mem>>) src(%arg18 : memref<128xf32, #tpu.memory_space<vmem>>) dst(%dma_wait3A_189 : memref<128xf32, #tpu.memory_space<hbm>>)
        tpu.yield
      }) : () -> ()
      %mul3A_185 = arith.constant 32 : i32
      %mul3A_186 = arith.muli %add3A, %mul3A_185 : i32
      "tpu.region"() ({
        %run_scoped3A_187 = tpu.sem_alloc : memref<!tpu.dma_semaphore, #tpu.memory_space<semaphore_mem>>
        %dma_start3A = tpu.memref_slice %arg7[%mul3A_186] : memref<128xi32, #tpu.memory_space<hbm>> -> memref<32xi32, #tpu.memory_space<hbm>>
        %dma_start3A_188 = tpu.memref_slice %arg7[%mul3A_186] : memref<128xi32, #tpu.memory_space<hbm>> -> memref<32xi32, #tpu.memory_space<hbm>>
        tpu.enqueue_dma source(%arg19 : memref<32xi32, #tpu.memory_space<vmem>>) target(%dma_start3A_188 : memref<32xi32, #tpu.memory_space<hbm>>) target_semaphore(%run_scoped3A_187 : memref<!tpu.dma_semaphore, #tpu.memory_space<semaphore_mem>>)
        %dma_wait3A = tpu.memref_slice %arg7[%mul3A_186] : memref<128xi32, #tpu.memory_space<hbm>> -> memref<32xi32, #tpu.memory_space<hbm>>
        %dma_wait3A_189 = tpu.memref_slice %arg7[%mul3A_186] : memref<128xi32, #tpu.memory_space<hbm>> -> memref<32xi32, #tpu.memory_space<hbm>>
        tpu.wait_dma2 semaphore(%run_scoped3A_187 : memref<!tpu.dma_semaphore, #tpu.memory_space<semaphore_mem>>) src(%arg19 : memref<32xi32, #tpu.memory_space<vmem>>) dst(%dma_wait3A_189 : memref<32xi32, #tpu.memory_space<hbm>>)
        tpu.yield
      }) : () -> ()
    } else {
    }
    return
  }
}

</mosaic_0001>

<sc_bundles>
// kernel: kernel.3.cloned.1.call-start
scs
__scs_entry_jumppad:
0x0: {  	(pc) =	sbr.rel $0x88, $3  }
0x1: {  	(tag) =	ssettag $0x0;
	lr =	simm.s32 $0x1  }
0x2: {  	[smem:$0x3F9D] =	sst lr;
	_ =	strace $0xD0000000  }
0x3: {  	_ = 	snop  }
0x4: {  	_ = 	snop  }
0x5: {  	_ = 	snop  }
0x6: {  	_ = 	snop  }
0x7: {  	_ = 	snop  }
__scs_overlays_trampoline_lowered:
0x8: {  	[smem:$0x3FAC] =	sst s0  }
0x9: {  	[smem:$0x3FAD] =	sst s1  }
0xa: {  	[smem:$0x3FAE] =	sst s2  }
0xb: {  	[smem:$0x3FAF] =	sst s3  }
0xc: {  	[smem:$0x3FB0] =	sst s4  }
0xd: {  	[smem:$0x3FB1] =	sst s5  }
0xe: {  	[smem:$0x3FB2] =	sst s6  }
0xf: {  	[smem:$0x3FB3] =	sst s7  }
0x10: {  	[smem:$0x3FB4] =	sst s8  }
0x11: {  	[smem:$0x3FB5] =	sst s9;
	s0 =	simm.s32 @!p0 $0x0  }
0x12: {  	s1 =	sld [smem:$0x3F9B];
	s0 =	simm.s32 @p0 $0x1  }
0x13: {  	[smem:$0x3FB6] =	sst s0;
	s0 =	simm.s32 @!p1 $0x0  }
0x14: {  	s2 =	sld [smem:$0x3F9A];
	s0 =	simm.s32 @p1 $0x1  }
0x15: {  	[smem:$0x3FB7] =	sst s0;
	s0 =	simm.s32 @!p2 $0x0  }
0x16: {  	s3 =	sld [smem:$0x3FDB];
	s0 =	simm.s32 @p2 $0x1  }
0x17: {  	s4 =	simm.s32 $0x1BF5;
	[smem:$0x3FB9] =	sst s0  }
0x18: {  	s0 =	sld [smem:$0x3F9C];
	_ =	swait.ge [sflag:s4], $0x0  }
0x19: {  	s7 =	sld [smem:$0x3F9D]  }
0x1a: {  	s8 =	sadd.s32 $0xFFFFE003, lr  }
0x1b: {  	s9 =	sadd.s32 $0xFFFFFEF7, lr;
	s5 =	simm.s32 $0xFFFFFFFF;
	p2 =	slt.u32 s8, $0xFFFFF086  }
0x1c: {  	p1 =	slt.u32 s9, $0xF7A;
	s5 =	simm.s32 @!p2 $0x0  }
0x1d: {  	s5 =	simm.s32 @p1 $0x1;
	p0 =	seq.s32 s7, s2  }
0x1e: {  	s7 =	smul.u32 @!p0 $0xF7A, s2;
	p2 =	seq.s32 @!p0 s5, $0x0  }
0x1f: {  	s9 =	smul.u32 $0xF7A, s1;
	s8 =	simm.s32 @!p0 $0x1BF5;
	p2 =	por !p2, p0  }
0x20: {  	[sflag:s8] =	ssyncset.s32 @!p0 $0xFFFFF086;
	s6 =	sadd.s32 @!p0 s3, s7;
	s7 =	simm.s32 @!p0 $0x108  }
0x21: {  	s3 =	sadd.s32 s3, s9;
	s6 =	sadd.s32 @!p0 $0x88, s6;
	s7 =	simm.s32 @p2 $0x1082  }
0x22: {  	[simem:s7], [sflag:s8] =	dma.local @!p0 [hbm:s6], $0xF7A  }
0x23: {  	s9 =	sor.u32 $0xD0000000, s2;
	s6 =	simm.s32 $0x108;
	_ =	swait.ge @!p0 [sflag:s8], $0x0  }
0x24: {  	s3 =	sadd.s32 $0x88, s3;
	s6 =	simm.s32 @!p1 $0x1082;
	[sflag:s4] =	ssyncset.s32 $0xFFFFF086  }
0x25: {  	[simem:s6], [sflag:s4] =	dma.local [hbm:s3], $0xF7A  }
0x26: {  	[smem:$0x3F9D] =	sst s1;
	(tag) =	ssettag s2;
	_ =	strace s9  }
0x27: {  	s1 =	sld [smem:$0x3FAD]  }
0x28: {  	s2 =	sld [smem:$0x3FAE]  }
0x29: {  	s4 =	sld [smem:$0x3FB0]  }
0x2a: {  	p0 =	seq.s32 s5, $0x0;
	s5 =	sld [smem:$0x3FB1]  }
0x2b: {  	s6 =	sld [smem:$0x3FB2]  }
0x2c: {  	s7 =	sld [smem:$0x3FB3]  }
0x2d: {  	s3 =	simm.s32 $0x108;
	s8 =	sld [smem:$0x3FB4]  }
0x2e: {  	s3 =	simm.s32 @!p0 $0x1082;
	s9 =	sld [smem:$0x3FB5]  }
0x2f: {  	lr =	sadd.s32 s0, s3;
	s0 =	sld [smem:$0x3FAC]  }
0x30: {  	s3 =	sld [smem:$0x3FAF]  }
0x31: {  	[smem:$0x3FB8] =	sst s10  }
0x32: {  	s10 =	sld [smem:$0x3FB6];
	_ =	sdelay $0x3  }
0x33: {  	p0 =	seq.s32 s10, $0x1;
	s10 =	sld [smem:$0x3FB8];
	_ =	sdelay $0x3  }
0x34: {  	[smem:$0x3FB8] =	sst s10  }
0x35: {  	s10 =	sld [smem:$0x3FB7];
	_ =	sdelay $0x3  }
0x36: {  	p1 =	seq.s32 s10, $0x1;
	s10 =	sld [smem:$0x3FB8];
	_ =	sdelay $0x3  }
0x37: {  	[smem:$0x3FB8] =	sst s10  }
0x38: {  	s10 =	sld [smem:$0x3FB9]  }
0x39: {  	_ = 	snop;
	(pc) =	sbr.ind lr, $3  }
0x3a: {  	_ = 	snop  }
0x3b: {  	_ = 	snop  }
0x3c: {  	p2 =	seq.s32 s10, $0x1;
	s10 =	sld [smem:$0x3FB8]  }
0x3d: {  	_ =	shalt  }
0x3e: {  	_ =	shalt  }
0x3f: {  	_ =	shalt  }
0x40: {  	_ =	shalt  }
0x41: {  	_ =	shalt  }
0x42: {  	_ =	shalt  }
0x43: {  	_ =	shalt  }
0x44: {  	_ =	shalt  }
0x45: {  	_ =	shalt  }
0x46: {  	_ =	shalt  }
0x47: {  	_ =	shalt  }
0x48: {  	_ =	shalt  }
0x49: {  	_ =	shalt  }
0x4a: {  	_ =	shalt  }
0x4b: {  	_ =	shalt  }
0x4c: {  	_ =	shalt  }
0x4d: {  	_ =	shalt  }
0x4e: {  	_ =	shalt  }
0x4f: {  	_ =	shalt  }
0x50: {  	_ =	shalt  }
0x51: {  	_ =	shalt  }
0x52: {  	_ =	shalt  }
0x53: {  	_ =	shalt  }
0x54: {  	_ =	shalt  }
0x55: {  	_ =	shalt  }
0x56: {  	_ =	shalt  }
0x57: {  	_ =	shalt  }
0x58: {  	_ =	shalt  }
0x59: {  	_ =	shalt  }
0x5a: {  	_ =	shalt  }
0x5b: {  	_ =	shalt  }
0x5c: {  	_ =	shalt  }
0x5d: {  	_ =	shalt  }
0x5e: {  	_ =	shalt  }
0x5f: {  	_ =	shalt  }
0x60: {  	_ =	shalt  }
0x61: {  	_ =	shalt  }
0x62: {  	_ =	shalt  }
0x63: {  	_ =	shalt  }
0x64: {  	_ =	shalt  }
0x65: {  	_ =	shalt  }
0x66: {  	_ =	shalt  }
0x67: {  	_ =	shalt  }
0x68: {  	_ =	shalt  }
0x69: {  	_ =	shalt  }
0x6a: {  	_ =	shalt  }
0x6b: {  	_ =	shalt  }
0x6c: {  	_ =	shalt  }
0x6d: {  	_ =	shalt  }
0x6e: {  	_ =	shalt  }
0x6f: {  	_ =	shalt  }
0x70: {  	_ =	shalt  }
0x71: {  	_ =	shalt  }
0x72: {  	_ =	shalt  }
0x73: {  	_ =	shalt  }
0x74: {  	_ =	shalt  }
0x75: {  	_ =	shalt  }
0x76: {  	_ =	shalt  }
0x77: {  	_ =	shalt  }
0x78: {  	_ =	shalt  }
0x79: {  	_ =	shalt  }
0x7a: {  	_ =	shalt  }
0x7b: {  	_ =	shalt  }
0x7c: {  	_ =	shalt  }
0x7d: {  	_ =	shalt  }
0x7e: {  	_ =	shalt  }
0x7f: {  	_ =	shalt  }
0x80: {  	_ =	shalt  }
0x81: {  	_ =	shalt  }
0x82: {  	_ =	shalt  }
0x83: {  	_ =	shalt  }
0x84: {  	_ =	shalt  }
0x85: {  	_ =	shalt  }
0x86: {  	_ =	shalt  }
0x87: {  	_ =	shalt  }
.Lfunc_end0:
.L_simem_size_0:
called_computation_lowered:
.L_overlay_start_0:
0x88: {  	s2 =	sld [smem:$0x3FD9]  }
0x89: {  	s3 =	sld [smem:$0x3FFE];
	_ =	sdelay $0x1  }
0x8a: {  	s1 =	srdreg.scid  }
0x8b: {  	s0 =	sand.u32 $0x1, s1  }
0x8c: {  	s14 =	sshll.u32 s0, $0xA;
	s2 =	sadd.s32 s3, s2  }
0x8d: {  	s2 =	sadd.s32 s2, s14  }
0x8e: {  	[smem:$0x3FC4] =	sst s2  }
0x8f: {  	_ = 	snop  }
0x90: {  	s2 =	sld [smem:$0x3FD0];
	_ =	sdelay $0x2  }
0x91: {  	s15 =	simm.s32 $0xA;
	s4 =	simm.s32 $0x10  }
0x92: {  	[smem:s4], [sflag:s15] =	dma.local [hbm:s2], $0x1  }
0x93: {  	_ =	swait.eq [sflag:s15], $0x1  }
0x94: {  	[sflag:s15] =	ssyncset.done $0x0  }
0x95: {  	s16 =	sld [smem:$0x10];
	[sflag:s15] =	ssyncadd.s32 $0xFFFFFFFF  }
0x96: {  	s17 =	sld [smem:$0x11];
	(tm) =	ssettm $0x1  }
0x97: {  	s18 =	sld [smem:$0x3FFB];
	_ =	sdelay $0x3  }
0x98: {  	_ =	strace s18  }
0x99: {  	s4 =	sld [smem:$0x3FFC];
	_ =	sdelay $0x3  }
0x9a: {  	_ =	strace s4  }
0x9b: {  	s4 =	sld [smem:$0x3FFD];
	_ =	sdelay $0x3  }
0x9c: {  	_ =	strace s4  }
0x9d: {  	_ =	strace $0x8FFFFFFF  }
0x9e: {  	s19 =	sld [smem:$0x3FDB];
	_ =	sdelay $0x1  }
0x9f: {  	s5 =	simm.s32 $_scs_section_size  }
0xa0: {  	s6 =	simm.s32 $_size__tile_overlayer_lowered;
	s7 =	simm.s32 $_tile_overlayer_lowered  }
0xa1: {  	s22 =	simm.s32 $0x1BFF;
	s21 =	sshll.u32 s7, $0x1;
	s4 =	sadd.s32 s5, s19  }
0xa2: {  	s8 =	simm.s32 $0x0;
	s20 =	sshll.u32 s6, $0x1;
	s6 =	sadd.s32 s21, s4  }
0xa3: {  	[timem:s8], [sflag:s22] =	dma.local [hbm:s6], s20  }
0xa4: {  	_ =	swait.ge [sflag:s22], s20  }
0xa5: {  	s5 =	ssub.s32 $0x0, s20;
	[sflag:s22] =	ssyncset.done $0x0  }
0xa6: {  	[sflag:s22] =	ssyncadd.s32 s5;
	_ =	sdelay $0x1  }
0xa7: {  	s23 =	simm.s32 $0x1B8B  }
0xa8: {  	_ =	swait.ge [sflag:s23], $0x1  }
0xa9: {  	[sflag:s23] =	ssyncset.done $0x0  }
0xaa: {  	s25 =	simm.s32 $0x1B8E;
	s24 =	sld [smem:$0x3FFE];
	[sflag:s23] =	ssyncadd.s32 $0xFFFFFFFF  }
0xab: {  	s26 =	simm.s32 $execute0_lowered;
	[smem:$0x3FD2] =	sst s25  }
0xac: {  	s6 =	sshll.u32 s26, $0x1;
	_ =	strace $0x80000046;
	[dreg:$0x1] =	wrdreg $0xFFFFFFFF  }
0xad: {  	s28 =	simm.s32 $_size_execute0_lowered;
	s4 =	sadd.s32 s4, s6;
	[dreg:$0x0] =	wrdreg $0x0  }
0xae: {  	s6 =	sshll.u32 s28, $0x1;
	[dreg:$0x2] =	wrdreg s4  }
0xaf: {  	[dreg:$0x3] =	wrdreg s6  }
0xb0: {  	[dreg:$0x4] =	wrdreg $0xC0  }
0xb1: {  	_ =	task [dreg:s8], $0x5FFFF  }
0xb2: {  	[dreg:$0x1] =	wrdreg $0xFFFFFFFF  }
0xb3: {  	[dreg:$0x0] =	wrdreg $0x60  }
0xb4: {  	[dreg:$0x2] =	wrdreg s24  }
0xb5: {  	[dreg:$0x3] =	wrdreg s16  }
0xb6: {  	[dreg:$0x4] =	wrdreg s17  }
0xb7: {  	[dreg:$0x5] =	wrdreg $0x96D00  }
0xb8: {  	[dreg:$0x6] =	wrdreg $0x9  }
0xb9: {  	_ =	task.clear_ibuf [dreg:s8], $0x7FFFF;
	_ =	strace $0x90000046  }
0xba: {  	s29 =	simm.s32 $0x9;
	_ =	strace $0x80000048  }
0xbb: {  	_ =	swait.ge [sflag:s29], $0x1  }
0xbc: {  	[sflag:s29] =	ssyncadd.s32 $0xFFFFFFFF  }
0xbd: {  	_ =	strace $0x90000048  }
0xbe: {  	_ =	sfence  }
0xbf: {  	s30 =	sld [smem:$0x0];
	_ =	sdelay $0x2  }
0xc0: {  	s31 =	sshll.u32 s1, $0xD;
	s1 =	sshrl.u32 s1, $0x2  }
0xc1: {  	s3 =	sand.u32 $0x4000, s31;
	s1 =	sadd.s32 s1, s30  }
0xc2: {  	s0 =	sor.u32 s3, s0;
	s1 =	sshll.u32 s1, $0x11  }
0xc3: {  	s0 =	sor.u32 s1, s0  }
0xc4: {  	s0 =	sadd.s32 $0x8F2B, s0  }
0xc5: {  	[sflag:s0] =	ssyncadd.remote.s32 $0x1  }
0xc6: {  	_ =	sfence.sel $0xFFFF  }
0xc7: {  	[dreg:$0x0] =	wrdreg $0xFFFFFFFF;
	(pc) =	sbr.abs _section_cstart, $3  }
0xc8: {  	[dreg:$0x1] =	wrdreg $0xFFFFFFFF  }
0xc9: {  	_ =	task.clear_ibuf [dreg:s8], $0x2FFFF;
	_ =	strace $0x9FFFFFFF  }
0xca: {  	(tm) =	ssettm $0x7FFFFFFF  }
0xcb: {  	_ =	shalt  }
tec
execute0_lowered:
.L_overlay_start_1:
0x0: {  	(tag) =	ssettag $0x1  }
0x1: {  	v0 =	vimm.s32 $0x38281808  }
0x2: {  	v1 =	vimm.s32 $0x78685848;
	vm0 =	vcmask $0x1F10;
	v2 =	vimm.s32 $0x30201000  }
0x3: {  	v3 =	vimm.s32 $0x70605040;
	v4 =	vimm.s32 $0x39291909;
	v5 =	vimm.s32 $0x79695949  }
0x4: {  	v6 =	vimm.s32 $0x31211101;
	v7 =	vimm.s32 $0x71615141;
	v58 =	vimm.s32 $0x3A2A1A0A  }
0x5: {  	v61 =	vimm.s32 $0x7A6A5A4A;
	v62 =	vimm.s32 $0x32221202;
	v63 =	vimm.s32 $0x72625242  }
0x6: {  	v14 =	vimm.s32 $0x3B2B1B0B;
	v16 =	vimm.s32 $0x7B6B5B4B;
	v17 =	vimm.s32 $0x33231303  }
0x7: {  	v18 =	vimm.s32 $0x73635343;
	v22 =	vimm.s32 $0x3C2C1C0C;
	v23 =	vimm.s32 $0x7C6C5C4C  }
0x8: {  	v26 =	vimm.s32 $0x34241404;
	v27 =	vimm.s32 $0x74645444;
	v28 =	vimm.s32 $0x3D2D1D0D  }
0x9: {  	v29 =	vimm.s32 $0x7D6D5D4D;
	v30 =	vimm.s32 $0x35251505;
	v8 =	vimm.s32 $0x75655545  }
0xa: {  	v35 =	vimm.s32 $0x3E2E1E0E;
	v38 =	vimm.s32 $0x7E6E5E4E;
	v39 =	vimm.s32 $0x36261606  }
0xb: {  	v40 =	vimm.s32 $0x76665646;
	v41 =	vimm.s32 $0xFEDCBA98;
	v51 =	vimm.s32 $0x76543210  }
0xc: {  	v52 =	vimm.s32 $0xBA98FEDC;
	v53 =	vimm.s32 $0x32107654;
	v54 =	vimm.s32 $0xDCFE98BA  }
0xd: {  	v55 =	vimm.s32 $0x54761032;
	v10 =	vlaneseq.u32;
	vm1 =	vcmask $0x1B08  }
0xe: {  	vm2 =	vcmask $0x328;
	vm3 =	vcmask $0x300;
	v0 =	vunpack.c.0.s8.s32 v0  }
0xf: {  	v1 =	vunpack.c.0.s8.s32 v1;
	v2 =	vunpack.c.0.s8.s32 v2;
	v3 =	vunpack.c.0.s8.s32 v3  }
0x10: {  	v4 =	vunpack.c.0.s8.s32 v4;
	v5 =	vunpack.c.0.s8.s32 v5;
	v6 =	vunpack.c.0.s8.s32 v6  }
0x11: {  	v7 =	vunpack.c.0.s8.s32 v7;
	v15 =	vunpack.c.0.s8.s32 v14;
	v19 =	vunpack.c.0.s8.s32 v17  }
0x12: {  	v20 =	vunpack.c.0.s8.s32 v18;
	v24 =	vunpack.c.0.s8.s32 v22;
	v25 =	vunpack.c.0.s8.s32 v23  }
0x13: {  	v8 =	vunpack.c.0.s8.s32 v8;
	v37 =	vunpack.c.0.s8.s32 v35;
	v0 =	vsel vm0, v1, v0  }
0x14: {  	s15 =	stileid.u32;
	v57 =	vsel vm0, v3, v2;
	v59 =	vsel vm0, v5, v4;
	v60 =	vsel vm0, v7, v6  }
0x15: {  	s0 =	sand.u32 $0x7, s15;
	v2 =	vunpack.c.0.s8.s32 v58;
	v5 =	vunpack.c.0.s8.s32 v61;
	v6 =	vunpack.c.0.s8.s32 v62  }
0x16: {  	s4 =	smul.u32 $0xA20, s0;
	v7 =	vunpack.c.0.s8.s32 v63;
	v4 =	vunpack.c.0.s8.s32 v16;
	v3 =	vunpack.c.0.s8.s32 v26  }
0x17: {  	v31 =	vsel vm0, v25, v24;
	v58 =	vimm.s32 $0xEFCDAB89;
	v63 =	vimm.s32 $0x390  }
0x18: {  	v43 =	vmov s4;
	v0 =	vcombine.low v57, v0;
	v12 =	vcombine.low v60, v59  }
0x19: {  	v59 =	vimm.s32 $0x2880;
	v60 =	vimm.s32 $0x67452301;
	v2 =	vsel vm0, v5, v2  }
0x1a: {  	s3 =	sshrl.u32 s15, $0x3;
	v13 =	vsel vm0, v7, v6;
	v21 =	vsel vm0, v4, v15;
	v4 =	vunpack.c.0.s8.s32 v27  }
0x1b: {  	s8 =	rddreg [dreg:$0x0];
	s1 =	sshll.u32 s3, $0x7;
	v5 =	vunpack.c.0.s8.s32 v28;
	v6 =	vunpack.c.0.s8.s32 v29;
	v7 =	vunpack.c.0.s8.s32 v30  }
0x1c: {  	s6 =	rddreg [dreg:$0x1];
	v2 =	vcombine.low v13, v2;
	v44 =	vor.u32 s1, v0;
	v0 =	vsel vm0, v20, v19  }
0x1d: {  	s2 =	srdreg.scid;
	s5 =	rddreg [dreg:$0x2];
	v45 =	vor.u32 s1, v12;
	v0 =	vcombine.low v0, v21;
	v32 =	vsel vm0, v4, v3  }
0x1e: {  	s28 =	simm.s32 $0x83A0;
	s29 =	simm.s32 $0x5100;
	s30 =	simm.s32 $0x8DC0;
	v33 =	vsel vm0, v6, v5;
	v34 =	vsel vm0, v8, v7;
	v3 =	vunpack.c.0.s8.s32 v38  }
0x1f: {  	s31 =	simm.s32 $0x8DD0;
	s9 =	sand.u32 $0x1, s2;
	s2 =	rddreg [dreg:$0x3];
	v4 =	vunpack.c.0.s8.s32 v39;
	v5 =	vunpack.c.0.s8.s32 v40;
	v6 =	vunpack.c.l.s4.s8 v55  }
0x20: {  	s12 =	sadd.s32 $0xDA00, s8;
	s13 =	sadd.s32 $0xE00, s8;
	s11 =	sadd.s32 $0xA20, s4;
	v46 =	vor.u32 s1, v2;
	v36 =	vcombine.low v34, v33;
	v2 =	vunpack.c.l.s4.s8 v51  }
0x21: {  	s21 =	sshll.u32 s15, $0x6;
	s15 =	simm.s32 $0x9500;
	s7 =	sshll.u32 s9, $0x1;
	v51 =	vmov s11;
	v47 =	vor.u32 s1, v0;
	v0 =	vcombine.low v32, v31  }
0x22: {  	s9 =	ssub.s32 $0x2, s9;
	p0 =	sne.s32 s0, $0x0;
	s7 =	sor.u32 s3, s7;
	v42 =	vsel vm0, v3, v37;
	v50 =	vsel vm0, v5, v4;
	v3 =	vunpack.c.l.s4.s8 v52  }
0x23: {  	s0 =	simm.s32 $0x9630;
	s3 =	simm.s32 $0x0;
	s10 =	smul.u32 $0x5100, s7;
	v4 =	vunpack.c.l.s4.s8 v53;
	v5 =	vunpack.c.l.s4.s8 v54;
	v6 =	vunpack.c.0.s8.s32 v6  }
0x24: {  	s24 =	sshrl.u32 s9, $0x1;
	[smem:$0x7FF] =	sst s3;
	s22 =	smul.u32 $0x14400, s7;
	vm0 =	vcmask $0xB00;
	v1 =	vcombine.low v50, v42;
	v48 =	vor.u32 s1, v0  }
0x25: {  	s23 =	sshll.u32 s7, $0x2;
	s9 =	ssub.s32 s9, s24;
	_ =	strace $0x80000047;
	[tilespmem:$0x1FF10] =	vst v43;
	v0 =	vunpack.c.l.s4.s8 v41;
	v3 =	vunpack.c.0.s8.s32 v3;
	v4 =	vunpack.c.0.s8.s32 v4  }
0x26: {  	s20 =	sshll.u32 s7, $0x3;
	s24 =	sshll.u32 s7, $0x4;
	s10 =	sadd.s32 s4, s10;
	[tilespmem:$0x1FF20] =	vst v44;
	v49 =	vor.u32 s1, v36;
	v2 =	vunpack.c.0.s8.s32 v2;
	v5 =	vunpack.c.0.s8.s32 v5  }
0x27: {  	s4 =	sadd.s32 s4, s22;
	s22 =	simm.s32 $0x1440;
	s10 =	sshrl.u32 s10, $0x3;
	[tilespmem:$0x1FF30] =	vst v45;
	v50 =	vor.u32 s1, v1;
	v0 =	vunpack.c.0.s8.s32 v0;
	v56 =	vcombine.low v4, v3  }
0x28: {  	s4 =	sshrl.u32 s4, $0x3;
	s14 =	sadd.s32 s10, s8;
	s8 =	sadd.s32 s23, s8;
	[tilespmem:$0x1FF40] =	vst v46;
	v57 =	vcombine.low v6, v5;
	v3 =	vsel vm0, $0x0, v59;
	vm0 =	vcmask $0xF0C  }
0x29: {  	s25 =	sadd.s32 $0xA20, s4;
	s26 =	sadd.s32 s12, s4;
	s16 =	sadd.s32 s13, s4;
	[tilespmem:$0x1FF90] =	vst v51;
	v4 =	vunpack.c.l.s4.s8 v60;
	v3 =	vsel vm0, $0xA20, v3;
	vm0 =	vcmask $0x1310  }
0x2a: {  	s18 =	sadd.s32 $0x1440, s4;
	s4 =	sadd.s32 $0x1E60, s4;
	[dreg:$0x5] =	wrdreg s26;
	[tilespmem:$0x1FF50] =	vst v47;
	v0 =	vand.u32 $0xF, v0;
	v3 =	vsel vm0, $0x1440, v3;
	vm0 =	vcmask $0x1714  }
0x2b: {  	s23 =	simm.s32 $0x3CC0;
	[dreg:$0x6] =	wrdreg s16;
	s17 =	sadd.s32 s12, s25;
	[tilespmem:$0x1FF70] =	vst v49;
	v4 =	vunpack.c.0.s8.s32 v4;
	v52 =	vcombine.low v0, v2;
	v2 =	vunpack.c.l.s4.s8 v58  }
0x2c: {  	s10 =	sadd.s32 s13, s25;
	s19 =	sadd.s32 s12, s18;
	[dreg:$0x7] =	wrdreg s17;
	[tilespmem:$0x1FF60] =	vst v48;
	v53 =	vand.u32 $0xF, v56;
	v3 =	vsel vm0, $0x1E60, v3;
	vm0 =	vcmask $0x2B20  }
0x2d: {  	s11 =	sadd.s32 s13, s4;
	s25 =	sadd.s32 s5, s24;
	[dreg:$0x8] =	wrdreg s10;
	[tilespmem:$0x1FF80] =	vst v50;
	v3 =	vsel vm0, $0x0, v3;
	vm0 =	vcmask $0x2F2C;
	v2 =	vunpack.c.0.s8.s32 v2  }
0x2e: {  	s26 =	sadd.s32 $0x17C00, s8;
	s16 =	simm.s32 $0x96B0;
	[dreg:$0x9] =	wrdreg s19;
	v54 =	vand.u32 $0xF, v57;
	[tilespmem:$0x1FFB0] =	vst v53;
	v61 =	vsel vm0, $0xA20, v3;
	vm0 =	vcmask $0x3330  }
.Ltmp0:
0x2f: {  	s10 =	sadd.s32 s13, s18;
	[dreg:$0xb] =	wrdreg s25;
	[tilespmem:$0x1FFC0] =	vst v54;
	v0 =	vsel vm0, $0x1440, v61;
	vm0 =	vcmask $0x3734;
	v62 =	vcombine.low v4, v2;
	(pc) =	sbr.rel .LBB2_1-.Ltmp0, $4  }
0x30: {  	s13 =	sadd.s32 s6, s20;
	[dreg:$0xc] =	wrdreg s26;
	s17 =	smax.u32 s9, $0x1;
	[tilespmem:$0x1FFA0] =	vst v52;
	v56 =	vsel vm0, $0x1E60, v0;
	v0 =	vsel vm3, $0x0, v63;
	vm3 =	vcmask $0x704  }
0x31: {  	s18 =	simm.s32 $0x1;
	s25 =	sshrl.u32 s21, $0x2;
	s19 =	simm.s32 $0x93D0;
	v0 =	vsel vm3, $0x130, v0;
	vm3 =	vcmask $0xB08;
	[tilespmem:$0x1FFE0] =	vst v56;
	v55 =	vand.u32 $0xF, v62  }
0x32: {  	s20 =	simm.s32 $0x0;
	[dreg:$0xa] =	wrdreg s10;
	s10 =	sadd.s32 s12, s4;
	v57 =	vimm.s32 $0x0;
	v58 =	vimm.f32 $-1.000000000e+00;
	v59 =	vsel vm3, $0x260, v0;
	[tilespmem:$0x1FFD0] =	vst v55  }
0x33: {  	s12 =	sadd.s32 $0xB000, s14;
	s14 =	sxor.u32 $0x80, s1;
	s1 =	simm.s32 $0x8F10;
	vm0 =	vmor vm2, vm1;
	vm1 =	vcmask $0x1F28;
	vm2 =	vcmask $0x2328;
	[tilespmem:$0x1FFF0] =	vst v59  }
.LBB2_22:
0x34: {  	s20 =	sadd.s32 $0x1, s20  }
0x35: {  	p1 =	sne.s32 s20, s17  }
.Ltmp1:
0x36: {  	_ = 	snop;
	(pc) =	sbr.rel @!p1 .LBB2_23-.Ltmp1, $1  }
0x37: {  	_ =	sdelay $0x3  }
.LBB2_1:
0x38: {  	s4 =	rddreg [dreg:$0x5]  }
0x39: {  	[tilespmem:s3], [sflag:$0x1] =	stream.linear.gather [hbm4b:s4+s3], $0xA20, $0x38;
	[tilespmem:$0x96F0] =	vst v63  }
0x3a: {  	_ =	swait.ge [sflag:s18], $0xA20  }
0x3b: {  	[sflag:s18] =	ssyncset.done $0x0  }
0x3c: {  	s5 =	simm.s32 $0x2880;
	s26 =	rddreg [dreg:$0x6];
	[sflag:s18] =	ssyncadd.s32 $0xFFFFF5E0  }
0x3d: {  	[tilespmem:s5], [sflag:$0x1] =	stream.linear.gather [hbm4b:s26+s3], $0xA20, $0x38;
	[tilespmem:$0x96F0] =	vst v63  }
0x3e: {  	_ =	swait.ge [sflag:s18], $0xA20  }
0x3f: {  	[sflag:s18] =	ssyncset.done $0x0  }
0x40: {  	s6 =	simm.s32 $0xA20;
	s5 =	rddreg [dreg:$0x7];
	[sflag:s18] =	ssyncadd.s32 $0xFFFFF5E0  }
0x41: {  	[tilespmem:s6], [sflag:$0x1] =	stream.linear.gather [hbm4b:s5+s3], $0xA20, $0x38;
	[tilespmem:$0x96F0] =	vst v63  }
0x42: {  	_ =	swait.ge [sflag:s18], $0xA20  }
0x43: {  	[sflag:s18] =	ssyncset.done $0x0  }
0x44: {  	s8 =	simm.s32 $0x32A0;
	s7 =	rddreg [dreg:$0x8];
	[sflag:s18] =	ssyncadd.s32 $0xFFFFF5E0  }
0x45: {  	[tilespmem:s8], [sflag:$0x1] =	stream.linear.gather [hbm4b:s7+s3], $0xA20, $0x38;
	[tilespmem:$0x96F0] =	vst v63  }
0x46: {  	_ =	swait.ge [sflag:s18], $0xA20  }
0x47: {  	[sflag:s18] =	ssyncset.done $0x0  }
0x48: {  	s9 =	rddreg [dreg:$0x9];
	[sflag:s18] =	ssyncadd.s32 $0xFFFFF5E0  }
0x49: {  	[tilespmem:s22], [sflag:$0x1] =	stream.linear.gather [hbm4b:s9+s3], $0xA20, $0x38;
	[tilespmem:$0x96F0] =	vst v63  }
0x4a: {  	_ =	swait.ge [sflag:s18], $0xA20  }
0x4b: {  	[sflag:s18] =	ssyncset.done $0x0  }
0x4c: {  	s21 =	rddreg [dreg:$0xa];
	[sflag:s18] =	ssyncadd.s32 $0xFFFFF5E0  }
0x4d: {  	[tilespmem:s23], [sflag:$0x1] =	stream.linear.gather [hbm4b:s21+s3], $0xA20, $0x38;
	[tilespmem:$0x96F0] =	vst v63  }
0x4e: {  	_ =	swait.ge [sflag:s18], $0xA20  }
0x4f: {  	[sflag:s18] =	ssyncset.done $0x0  }
0x50: {  	s24 =	simm.s32 $0x1E60;
	[sflag:s18] =	ssyncadd.s32 $0xFFFFF5E0  }
0x51: {  	[tilespmem:s24], [sflag:$0x1] =	stream.linear.gather [hbm4b:s10+s3], $0xA20, $0x38;
	[tilespmem:$0x96F0] =	vst v63  }
0x52: {  	_ =	swait.ge [sflag:s18], $0xA20  }
0x53: {  	[sflag:s18] =	ssyncset.done $0x0  }
0x54: {  	s26 =	simm.s32 $0x46E0;
	[sflag:s18] =	ssyncadd.s32 $0xFFFFF5E0  }
0x55: {  	[tilespmem:s26], [sflag:$0x1] =	stream.linear.gather [hbm4b:s11+s3], $0xA20, $0x38;
	[tilespmem:$0x96F0] =	vst v63  }
0x56: {  	_ =	swait.ge [sflag:s18], $0xA20  }
0x57: {  	[sflag:s18] =	ssyncset.done $0x0  }
0x58: {  	[sflag:s18] =	ssyncadd.s32 $0xFFFFF5E0  }
0x59: {  	[tilespmem:s28], [sflag:$0x1] =	stream.linear.gather [hbm4b:s12+s3], $0xA20, $0x38;
	[tilespmem:$0x96F0] =	vst v63  }
0x5a: {  	_ =	swait.ge [sflag:s18], $0xA20  }
0x5b: {  	[sflag:s18] =	ssyncset.done $0x0  }
0x5c: {  	s4 =	simm.s32 @!p0 $0x0;
	s5 =	simm.s32 @!p0 $0x8ED0;
	[sflag:s18] =	ssyncadd.s32 $0xFFFFF5E0  }
0x5d: {  	[tilespmem:s5], [sflag:$0x1] =	stream.linear.gather @!p0 [hbm4b:s13+s4], $0x40, $0x38;
	[tilespmem:$0x96F0] =	vst v63  }
0x5e: {  	s4 =	simm.s32 @!p0 $0x1  }
0x5f: {  	_ =	swait.ge @!p0 [sflag:s4], $0x40  }
0x60: {  	[sflag:s4] =	ssyncset.done @!p0 $0x0  }
0x61: {  	[sflag:s4] =	ssyncadd.s32 @!p0 $0xFFFFFFC0  }
0x62: {  	v0 =	vld [tilespmem:s23+$0xA50]  }
0x63: {  	v1 =	vld [tilespmem:s23+$0x30]  }
0x64: {  	v2 =	vld [tilespmem:s23+$0x0]  }
0x65: {  	v3 =	vld [tilespmem:s23+$0xA20]  }
0x66: {  	v4 =	vld [tilespmem:s23+$0x10]  }
0x67: {  	v5 =	vld [tilespmem:s23+$0xA30]  }
0x68: {  	v6 =	vld [tilespmem:s22+$0xFFFFEBF0]  }
0x69: {  	v7 =	vld [tilespmem:s22+$0xFFFFF610]  }
0x6a: {  	v8 =	vld [tilespmem:s23+$0x20];
	v0 =	vmul.f32 $1.442695020e+00, v0  }
0x6b: {  	v9 =	vld [tilespmem:s23+$0xFFFFEBF0];
	v1 =	vmul.f32 $1.442695020e+00, v1  }
0x6c: {  	v11 =	vld [tilespmem:s23+$0xFFFFF610];
	(erf) = vpow2.f32 v0  }
0x6d: {  	(erf) = vpow2.f32 v1;
	v1 =	vld [tilespmem:s22+$0x30]  }
0x6e: {  	v0 =	vld [tilespmem:s22+$0xA50]  }
0x6f: {  	v15 =	vld [tilespmem:s22+$0xFFFFEBD0];
	v2 =	vmul.f32 $1.442695020e+00, v2  }
0x70: {  	v17 =	vld [tilespmem:s22+$0xFFFFF5F0];
	v3 =	vmul.f32 $1.442695020e+00, v3  }
0x71: {  	v4 =	vmul.f32 $1.442695020e+00, v4;
	(erf) = vpow2.f32 v2;
	v2 =	vld [tilespmem:s23+$0xA40]  }
0x72: {  	v18 =	vld [tilespmem:s22+$0xFFFFEBC0];
	(erf) = vpow2.f32 v3;
	v1 =	vsub.f32 v1, v6  }
0x73: {  	v5 =	vmul.f32 $1.442695020e+00, v5;
	(erf) = vpow2.f32 v4;
	v4 =	vld [tilespmem:s22+$0x0];
	v0 =	vsub.f32 v0, v7  }
0x74: {  	v8 =	vmul.f32 $1.442695020e+00, v8;
	v3 =	vld [tilespmem:s22+$0xFFFFF5E0];
	v12 =	vmul.f32 $5.000000000e-01, v1  }
0x75: {  	(erf) = vpow2.f32 v5;
	v5 =	vld [tilespmem:s22+$0xA20];
	v14 =	vmul.f32 $5.000000000e-01, v0  }
0x76: {  	v11 =	vmul.f32 v11, v0;
	v2 =	vmul.f32 $1.442695020e+00, v2;
	v13 =	vpop (erf);
	v6 =	vadd.f32 v12, v6;
	v12 =	vld [tilespmem:s22+$0x10]  }
0x77: {  	(erf) = vpow2.f32 v8;
	v0 =	vmul.f32 v13, v0;
	v13 =	vld [tilespmem:s22+$0xA30]  }
0x78: {  	v7 =	vadd.f32 v14, v7;
	v4 =	vsub.f32 v4, v18;
	v16 =	vpop (erf);
	(erf) = vpow2.f32 v2;
	v2 =	vld [tilespmem:s22+$0xFFFFF600]  }
0x79: {  	v9 =	vmul.f32 v9, v1;
	v1 =	vmul.f32 v16, v1;
	v16 =	vld [tilespmem:s22+$0xA40]  }
0x7a: {  	v7 =	vadd.f32 v7, v11;
	v36 =	vmul.f32 $5.000000000e-01, v4;
	v8 =	vmul.f32 $5.000000000e-01, v0  }
0x7b: {  	v23 =	vld [tilespmem:s23+$0xFFFFEBC0];
	v5 =	vsub.f32 v5, v3;
	v6 =	vadd.f32 v6, v9;
	v9 =	vmul.f32 $5.000000000e-01, v1  }
0x7c: {  	v11 =	vld [tilespmem:s22+$0xFFFFEBE0];
	v18 =	vadd.f32 v36, v18;
	v7 =	vsub.f32 v7, v8  }
0x7d: {  	v19 =	vmul.f32 $5.000000000e-01, v5;
	v8 =	vld [tilespmem:s22+$0x20];
	v6 =	vsub.f32 v6, v9;
	v13 =	vsub.f32 v13, v17  }
0x7e: {  	s7 =	simm.s32 $0x3D00;
	v27 =	vld [tilespmem:s23+$0xFFFFF5E0];
	v12 =	vsub.f32 v12, v15;
	v16 =	vsub.f32 v16, v2  }
0x7f: {  	v40 =	vld [tilespmem:s7+$0x20];
	v3 =	vadd.f32 v19, v3;
	v0 =	vadd.f32 v7, v0;
	v25 =	vmul.f32 $5.000000000e-01, v13  }
0x80: {  	v29 =	vld [tilespmem:s23+$0xFFFFEBD0];
	v9 =	vpop (erf);
	v1 =	vadd.f32 v6, v1;
	v28 =	vmul.f32 $5.000000000e-01, v12;
	v33 =	vmul.f32 $5.000000000e-01, v16  }
0x81: {  	v31 =	vld [tilespmem:s23+$0xFFFFF5F0];
	v14 =	vpop (erf);
	v24 =	vsub.f32 v0, v7;
	v9 =	vmul.f32 v9, v4;
	v4 =	vmul.f32 v23, v4  }
0x82: {  	v32 =	vld [tilespmem:s23+$0xFFFFF600];
	v14 =	vmul.f32 v14, v5;
	v20 =	vsub.f32 v1, v6;
	v8 =	vsub.f32 v8, v11  }
0x83: {  	s5 =	simm.s32 $0x6560;
	v34 =	vld [tilespmem:s23+$0xFFFFEBE0];
	v21 =	vpop (erf);
	v17 =	vadd.f32 v25, v17;
	v15 =	vadd.f32 v28, v15;
	v5 =	vmul.f32 v27, v5  }
0x84: {  	s4 =	simm.s32 $0x1480;
	v38 =	vld [tilespmem:s7+$0x0];
	[tilespmem:s5+$0xFFFFEBD0] =	vst v6;
	v6 =	vmul.f32 $1.442695020e+00, v40;
	v24 =	vmax.f32 v24, $0.0e+00;
	v21 =	vmul.f32 v21, v12  }
0x85: {  	v60 =	vld [tilespmem:s4+$0xFFFFF5E0];
	v26 =	vpop (erf);
	v12 =	vmul.f32 v29, v12;
	v4 =	vadd.f32 v18, v4;
	v18 =	vmul.f32 $5.000000000e-01, v9  }
0x86: {  	v23 =	vld [tilespmem:s7+$0x30];
	v2 =	vadd.f32 v33, v2;
	v22 =	vmul.f32 $5.000000000e-01, v14;
	v26 =	vmul.f32 v26, v13  }
0x87: {  	[tilespmem:s5+$0xFFFFF5F0] =	vst v7;
	v7 =	vld [tilespmem:s4+$0xFFFFEBD0];
	v20 =	vmax.f32 v20, $0.0e+00;
	v30 =	vpop (erf);
	v19 =	vmul.f32 $5.000000000e-01, v8;
	v13 =	vmul.f32 v31, v13  }
0x88: {  	v3 =	vadd.f32 v3, v5;
	v5 =	vmul.f32 v32, v16;
	v63 =	vpop (erf);
	v4 =	vsub.f32 v4, v18;
	v18 =	vld [tilespmem:s7+$0xA30]  }
0x89: {  	v20 =	vmul.f32 v24, v20;
	v12 =	vadd.f32 v15, v12;
	v24 =	vmul.f32 v63, v16;
	v16 =	vld [tilespmem:s7+$0xA50]  }
0x8a: {  	v37 =	vmul.f32 $5.000000000e-01, v21;
	v11 =	vadd.f32 v19, v11;
	v2 =	vadd.f32 v2, v5;
	v5 =	vld [tilespmem:s7+$0xA20]  }
0x8b: {  	v19 =	vmul.f32 v30, v8;
	v3 =	vsub.f32 v3, v22;
	v22 =	vmul.f32 $1.442695020e+00, v23;
	v23 =	vld [tilespmem:s4+$0xA50]  }
0x8c: {  	v8 =	vmul.f32 v34, v8;
	v13 =	vadd.f32 v17, v13;
	v17 =	vmul.f32 $5.000000000e-01, v26;
	v63 =	vld [tilespmem:s4+$0xA20]  }
0x8d: {  	v12 =	vsub.f32 v12, v37;
	v9 =	vadd.f32 v4, v9;
	[tilespmem:s5+$0x1450] =	vst v20;
	v20 =	vld [tilespmem:s7+$0xA40];
	v15 =	vmul.f32 $5.000000000e-01, v24  }
0x8e: {  	v39 =	vmul.f32 $5.000000000e-01, v19;
	v8 =	vadd.f32 v11, v8;
	v11 =	vld [tilespmem:s7+$0x10];
	v13 =	vsub.f32 v13, v17  }
0x8f: {  	v14 =	vadd.f32 v3, v14;
	v15 =	vsub.f32 v2, v15;
	v2 =	vld [tilespmem:s4+$0xFFFFF610];
	v16 =	vmul.f32 $1.442695020e+00, v16  }
0x90: {  	v21 =	vadd.f32 v12, v21;
	v8 =	vsub.f32 v8, v39;
	v18 =	vmul.f32 $1.442695020e+00, v18;
	v39 =	vld [tilespmem:s4+$0x10]  }
0x91: {  	v41 =	vsub.f32 v9, v4;
	v5 =	vmul.f32 $1.442695020e+00, v5;
	(erf) = vpow2.f32 v16  }
0x92: {  	[tilespmem:s5+$0xA30] =	vst v0;
	v17 =	vld [tilespmem:s4+$0xFFFFEBF0];
	v59 =	vsub.f32 v14, v3;
	v16 =	vmul.f32 $1.442695020e+00, v38;
	(erf) = vpow2.f32 v22  }
0x93: {  	[tilespmem:s5+$0xFFFFF5C0] =	vst v3;
	v3 =	vmul.f32 $1.442695020e+00, v20;
	v20 =	vsub.f32 v63, v60;
	v11 =	vmul.f32 $1.442695020e+00, v11;
	v22 =	vld [tilespmem:s4+$0x30]  }
0x94: {  	v42 =	vld [tilespmem:s7+$0xFFFFF610];
	[tilespmem:s5+$0x10] =	vst v1;
	(erf) = vpow2.f32 v16;
	v16 =	vadd.f32 v13, v26;
	v23 =	vsub.f32 v23, v2  }
0x95: {  	[tilespmem:s5+$0xFFFFEBA0] =	vst v4;
	v30 =	vsub.f32 v39, v7;
	(erf) = vpow2.f32 v5;
	v5 =	vadd.f32 v8, v19  }
0x96: {  	[tilespmem:s5+$0xA00] =	vst v14;
	v19 =	vld [tilespmem:s7+$0xFFFFEBF0];
	(erf) = vpow2.f32 v11;
	v11 =	vadd.f32 v15, v24;
	v1 =	vsub.f32 v16, v13  }
0x97: {  	v31 =	vld [tilespmem:s4+$0xFFFFF600];
	[tilespmem:s5+$0xFFFFF5D0] =	vst v13;
	v62 =	vmul.f32 $5.000000000e-01, v23;
	(erf) = vpow2.f32 v18;
	v18 =	vsub.f32 v21, v12  }
0x98: {  	v0 =	vmax.f32 v59, $0.0e+00;
	v61 =	vsub.f32 v5, v8;
	[tilespmem:s5+$0x0] =	vst v5;
	v5 =	vld [tilespmem:s4+$0xA40];
	v22 =	vsub.f32 v22, v17  }
0x99: {  	v4 =	vld [tilespmem:s4+$0xFFFFF5F0];
	[tilespmem:s5+$0xFFFFFFF0] =	vst v21;
	v24 =	vmul.f32 v42, v23;
	v13 =	vmul.f32 $5.000000000e-01, v30;
	v2 =	vadd.f32 v62, v2  }
0x9a: {  	[tilespmem:s5+$0xA10] =	vst v16;
	v16 =	vld [tilespmem:s4+$0x20];
	v21 =	vmax.f32 v1, $0.0e+00;
	v14 =	vmax.f32 v18, $0.0e+00;
	v36 =	vmul.f32 $5.000000000e-01, v22;
	v37 =	vpop (erf)  }
0x9b: {  	v19 =	vmul.f32 v19, v22;
	v2 =	vadd.f32 v2, v24;
	v24 =	vld [tilespmem:s4+$0xFFFFEBE0];
	(erf) = vpow2.f32 v6;
	v38 =	vpop (erf)  }
0x9c: {  	v6 =	vld [tilespmem:s4+$0xA30];
	v17 =	vadd.f32 v36, v17;
	v23 =	vmul.f32 v37, v23;
	v22 =	vmul.f32 v38, v22  }
0x9d: {  	v25 =	vsub.f32 v11, v15;
	[tilespmem:s5+$0xA20] =	vst v11;
	v11 =	vmul.f32 v21, v14;
	v14 =	vld [tilespmem:s7+$0xFFFFF5E0];
	v36 =	vsub.f32 v5, v31  }
0x9e: {  	[tilespmem:s5+$0xFFFFFFE0] =	vst v9;
	v18 =	vpop (erf);
	v9 =	vadd.f32 v17, v19;
	v19 =	vmul.f32 $5.000000000e-01, v23;
	v17 =	vmul.f32 $5.000000000e-01, v22  }
0x9f: {  	v26 =	vmax.f32 v41, $0.0e+00;
	[tilespmem:s5+$0x1430] =	vst v11;
	(erf) = vpow2.f32 v3;
	v1 =	vpop (erf);
	v11 =	vmul.f32 $5.000000000e-01, v36  }
0xa0: {  	v1 =	vmul.f32 v1, v20;
	v40 =	vsub.f32 v2, v19;
	v17 =	vsub.f32 v9, v17  }
0xa1: {  	v29 =	vld [tilespmem:s4+$0x0];
	v2 =	vmax.f32 v61, $0.0e+00;
	v42 =	vsub.f32 v6, v4;
	v61 =	vsub.f32 v16, v24  }
0xa2: {  	[tilespmem:s5+$0xFFFFEBB0] =	vst v12;
	v41 =	vld [tilespmem:s4+$0xFFFFEBC0];
	v12 =	vpop (erf);
	v14 =	vmul.f32 v14, v20;
	v19 =	vadd.f32 v17, v22;
	v22 =	vadd.f32 v40, v23  }
0xa3: {  	v35 =	vld [tilespmem:s7+$0xFFFFF5F0];
	v5 =	vmul.f32 v12, v30;
	v12 =	vadd.f32 v13, v7;
	v9 =	vmul.f32 $5.000000000e-01, v20  }
0xa4: {  	v37 =	vld [tilespmem:s7+$0xFFFFF600];
	v23 =	vmul.f32 v0, v26;
	v0 =	vsub.f32 v19, v17;
	v6 =	vsub.f32 v22, v40  }
0xa5: {  	v59 =	vld [tilespmem:s7+$0xFFFFEBC0];
	[tilespmem:s5+$0xFFFFEBC0] =	vst v8;
	v13 =	vadd.f32 v11, v31;
	v62 =	vmul.f32 $5.000000000e-01, v61;
	v21 =	vadd.f32 v9, v60  }
0xa6: {  	[tilespmem:s5+$0xFFFFF5E0] =	vst v15;
	v8 =	vpop (erf);
	v9 =	vmul.f32 $5.000000000e-01, v42;
	v60 =	vld [tilespmem:s7+$0xFFFFEBD0];
	v16 =	vmax.f32 v0, $0.0e+00;
	v6 =	vmax.f32 v6, $0.0e+00  }
0xa7: {  	s6 =	simm.s32 $0x65A0;
	v15 =	vpop (erf);
	[tilespmem:s5+$0x1420] =	vst v23;
	v23 =	vld [tilespmem:s7+$0xFFFFEBE0];
	v0 =	vmul.f32 v8, v42;
	v8 =	vmul.f32 v6, v16;
	v16 =	vsub.f32 v29, v41  }
0xa8: {  	v3 =	vmul.f32 $5.000000000e-01, v1;
	[tilespmem:s6+$0xFFFFF5F0] =	vst v40;
	v11 =	vadd.f32 v62, v24;
	v7 =	vmul.f32 v15, v61  }
0xa9: {  	[tilespmem:s6+$0xFFFFEBD0] =	vst v17;
	v9 =	vadd.f32 v9, v4;
	v17 =	vmul.f32 v37, v36;
	v63 =	vmul.f32 $5.000000000e-01, v16  }
0xaa: {  	v14 =	vadd.f32 v21, v14;
	[tilespmem:s6+$0x1450] =	vst v8;
	v8 =	vmul.f32 v18, v16;
	v20 =	vmul.f32 v59, v16  }
0xab: {  	[tilespmem:s6+$0x10] =	vst v19;
	v6 =	vpop (erf);
	v18 =	vmul.f32 v35, v42;
	v16 =	vmul.f32 v60, v30;
	v19 =	vadd.f32 v63, v41  }
0xac: {  	s8 =	simm.s32 $0x3D40;
	[tilespmem:s6+$0xA30] =	vst v22;
	s7 =	simm.s32 $0x4;
	v15 =	vmul.f32 v23, v61;
	v4 =	vmul.f32 v6, v36;
	v6 =	vmax.f32 v25, $0.0e+00  }
.LBB2_2:
0xad: {  	v21 =	vld [tilespmem:s8+$0xA50];
	v19 =	vadd.f32 v19, v20;
	v20 =	vmul.f32 $5.000000000e-01, v8;
	v22 =	vmul.f32 $5.000000000e-01, v5  }
0xae: {  	s7 =	sadd.s32 $0x4, s7;
	v9 =	vadd.f32 v9, v18;
	v18 =	vmul.f32 $5.000000000e-01, v0;
	v24 =	vmul.f32 $5.000000000e-01, v7;
	v23 =	vld [tilespmem:s8+$0x30]  }
0xaf: {  	v12 =	vadd.f32 v12, v16;
	v16 =	vmul.f32 $5.000000000e-01, v4;
	p1 =	slt.u32 s7, $0x9C;
	v13 =	vadd.f32 v13, v17;
	v25 =	vld [tilespmem:s8+$0x0]  }
0xb0: {  	v2 =	vmul.f32 v6, v2;
	v11 =	vadd.f32 v11, v15;
	v19 =	vsub.f32 v19, v20;
	v17 =	vld [tilespmem:s8+$0xA20]  }
0xb1: {  	v3 =	vsub.f32 v14, v3;
	v12 =	vsub.f32 v12, v22;
	v6 =	vld [tilespmem:s8+$0x10]  }
0xb2: {  	s4 =	sadd.s32 $0x40, s4;
	v9 =	vsub.f32 v9, v18;
	v11 =	vsub.f32 v11, v24;
	v14 =	vld [tilespmem:s8+$0xA30];
	v15 =	vmul.f32 $1.442695020e+00, v21;
	[tilespmem:s5+$0x1440] =	vst v2;
	s5 =	smov.u32 s6  }
0xb3: {  	v13 =	vsub.f32 v13, v16;
	v8 =	vadd.f32 v19, v8;
	v2 =	vld [tilespmem:s4+$0xFFFFEBF0];
	v18 =	vmul.f32 $1.442695020e+00, v23;
	[tilespmem:s6+$0xFFFFEBA0] =	vst v19  }
0xb4: {  	v1 =	vadd.f32 v3, v1;
	v16 =	vmul.f32 $1.442695020e+00, v25;
	v20 =	vld [tilespmem:s4+$0xFFFFF610];
	(erf) = vpow2.f32 v15;
	[tilespmem:s6+$0xFFFFF5C0] =	vst v3  }
0xb5: {  	v5 =	vadd.f32 v12, v5;
	v15 =	vmul.f32 $1.442695020e+00, v17;
	v17 =	vld [tilespmem:s4+$0xA50];
	(erf) = vpow2.f32 v18;
	[tilespmem:s6+$0xFFFFFFE0] =	vst v8  }
0xb6: {  	v0 =	vadd.f32 v9, v0;
	v6 =	vmul.f32 $1.442695020e+00, v6;
	v18 =	vld [tilespmem:s4+$0x30];
	(erf) = vpow2.f32 v16;
	[tilespmem:s6+$0xA00] =	vst v1  }
0xb7: {  	v7 =	vadd.f32 v11, v7;
	v14 =	vmul.f32 $1.442695020e+00, v14;
	v16 =	vld [tilespmem:s8+$0x20];
	(erf) = vpow2.f32 v15;
	[tilespmem:s6+$0xFFFFFFF0] =	vst v5  }
0xb8: {  	v4 =	vadd.f32 v13, v4;
	v15 =	vld [tilespmem:s8+$0xFFFFEBF0];
	(erf) = vpow2.f32 v6;
	v6 =	vsub.f32 v8, v19;
	[tilespmem:s6+$0xA10] =	vst v0  }
0xb9: {  	v1 =	vsub.f32 v1, v3;
	v3 =	vsub.f32 v5, v12;
	v8 =	vld [tilespmem:s8+$0xFFFFF610];
	(erf) = vpow2.f32 v14;
	[tilespmem:s6+$0x0] =	vst v7  }
0xba: {  	v0 =	vsub.f32 v0, v9;
	v5 =	vld [tilespmem:s8+$0xA40];
	v14 =	vsub.f32 v17, v20;
	v17 =	vmax.f32 v6, $0.0e+00;
	[tilespmem:s6+$0xA20] =	vst v4  }
0xbb: {  	v19 =	vld [tilespmem:s4+$0xFFFFF5E0];
	v6 =	vsub.f32 v18, v2;
	v18 =	vmax.f32 v1, $0.0e+00;
	[tilespmem:s6+$0xFFFFEBB0] =	vst v12;
	v1 =	vsub.f32 v7, v11  }
0xbc: {  	v4 =	vsub.f32 v4, v13;
	v7 =	vld [tilespmem:s4+$0x0];
	v12 =	vmul.f32 $1.442695020e+00, v16;
	v24 =	vmul.f32 $5.000000000e-01, v14;
	[tilespmem:s6+$0xFFFFF5D0] =	vst v9  }
0xbd: {  	v23 =	vmax.f32 v3, $0.0e+00;
	v0 =	vmax.f32 v0, $0.0e+00;
	v9 =	vld [tilespmem:s4+$0xA20];
	v21 =	vmul.f32 $5.000000000e-01, v6;
	v22 =	vpop (erf);
	[tilespmem:s6+$0xFFFFEBC0] =	vst v11  }
0xbe: {  	v15 =	vmul.f32 v15, v6;
	v11 =	vld [tilespmem:s4+$0xFFFFEBD0];
	v3 =	vadd.f32 v24, v20;
	v25 =	vmul.f32 v8, v14;
	v16 =	vpop (erf);
	[tilespmem:s6+$0xFFFFF5E0] =	vst v13  }
0xbf: {  	v14 =	vmul.f32 v22, v14;
	v13 =	vld [tilespmem:s4+$0xFFFFF5F0];
	v2 =	vadd.f32 v21, v2;
	v16 =	vmul.f32 v16, v6;
	v20 =	vpop (erf)  }
0xc0: {  	v5 =	vmul.f32 $1.442695020e+00, v5;
	v21 =	vld [tilespmem:s4+$0x10];
	v3 =	vadd.f32 v3, v25;
	v8 =	vpop (erf);
	(erf) = vpow2.f32 v12  }
0xc1: {  	v22 =	vmul.f32 $5.000000000e-01, v14;
	v12 =	vld [tilespmem:s4+$0xA30];
	v6 =	vadd.f32 v2, v15;
	v15 =	vmul.f32 $5.000000000e-01, v16;
	v24 =	vpop (erf)  }
0xc2: {  	v2 =	vmax.f32 v1, $0.0e+00;
	v25 =	vsub.f32 v9, v19;
	v26 =	vld [tilespmem:s4+$0xFFFFEBE0];
	v9 =	vpop (erf);
	(erf) = vpow2.f32 v5  }
0xc3: {  	v22 =	vsub.f32 v3, v22;
	v27 =	vld [tilespmem:s4+$0xFFFFF600];
	v15 =	vsub.f32 v6, v15;
	v6 =	vmax.f32 v4, $0.0e+00  }
0xc4: {  	v4 =	vmul.f32 $5.000000000e-01, v25;
	v1 =	vmul.f32 v8, v25;
	v5 =	vld [tilespmem:s4+$0x20]  }
0xc5: {  	v17 =	vmul.f32 v18, v17;
	v14 =	vadd.f32 v22, v14;
	v8 =	vld [tilespmem:s4+$0xA40];
	v16 =	vadd.f32 v15, v16  }
0xc6: {  	v21 =	vsub.f32 v21, v11;
	v18 =	vld [tilespmem:s4+$0xFFFFEBC0];
	v3 =	vmul.f32 $5.000000000e-01, v1;
	v28 =	vsub.f32 v12, v13  }
0xc7: {  	v0 =	vmul.f32 v0, v23;
	v33 =	vsub.f32 v14, v22;
	v29 =	vld [tilespmem:s8+$0xFFFFEBC0];
	v12 =	vsub.f32 v16, v15;
	[tilespmem:s6+$0x1420] =	vst v17  }
0xc8: {  	v23 =	vadd.f32 v4, v19;
	v19 =	vmul.f32 $5.000000000e-01, v21;
	v17 =	vld [tilespmem:s8+$0xFFFFF5E0];
	v4 =	vmul.f32 $5.000000000e-01, v28  }
0xc9: {  	v36 =	vmax.f32 v33, $0.0e+00;
	v31 =	vld [tilespmem:s8+$0xFFFFEBD0];
	v32 =	vsub.f32 v5, v26;
	v5 =	vmax.f32 v12, $0.0e+00;
	v30 =	vpop (erf);
	[tilespmem:s6+$0x1430] =	vst v0  }
0xca: {  	v0 =	vmul.f32 v9, v28;
	v33 =	vld [tilespmem:s8+$0xFFFFF5F0];
	v34 =	vsub.f32 v8, v27;
	v8 =	vmul.f32 v36, v5  }
0xcb: {  	s6 =	sadd.s32 $0x40, s6;
	v5 =	vmul.f32 v24, v21;
	v35 =	vsub.f32 v7, v18;
	v24 =	vld [tilespmem:s8+$0xFFFFEBE0];
	v7 =	vmul.f32 $5.000000000e-01, v32;
	v12 =	vpop (erf)  }
0xcc: {  	s21 =	simm.s32 $0x0;
	v9 =	vadd.f32 v4, v13;
	v36 =	vld [tilespmem:s8+$0xFFFFF600];
	v13 =	vmul.f32 $5.000000000e-01, v34;
	v4 =	vmul.f32 v12, v34;
	[tilespmem:s6+$0x1450] =	vst v8  }
.Ltmp2:
0xcd: {  	v12 =	vadd.f32 v19, v11;
	v37 =	vmul.f32 $5.000000000e-01, v35;
	v8 =	vmul.f32 v20, v35;
	[tilespmem:s6+$0x10] =	vst v16;
	(pc) =	sbr.rel @p1 .LBB2_2-.Ltmp2, $4  }
0xce: {  	v11 =	vadd.f32 v7, v26;
	v7 =	vmul.f32 v30, v32;
	v13 =	vadd.f32 v13, v27;
	[tilespmem:s6+$0xA30] =	vst v14  }
0xcf: {  	v20 =	vmul.f32 v29, v35;
	v14 =	vmul.f32 v17, v25;
	v19 =	vadd.f32 v37, v18;
	[tilespmem:s6+$0xFFFFEBD0] =	vst v15  }
0xd0: {  	v16 =	vmul.f32 v31, v21;
	v18 =	vmul.f32 v33, v28;
	[tilespmem:s6+$0xFFFFF5F0] =	vst v22  }
0xd1: {  	s8 =	sadd.s32 $0x40, s8;
	v14 =	vadd.f32 v23, v14;
	v15 =	vmul.f32 v24, v32;
	v17 =	vmul.f32 v36, v34  }
0xd2: {  	v19 =	vadd.f32 v19, v20;
	v33 =	vmul.f32 $5.000000000e-01, v8;
	v2 =	vmul.f32 v6, v2  }
0xd3: {  	v12 =	vadd.f32 v12, v16;
	v34 =	vmul.f32 $5.000000000e-01, v5;
	v3 =	vsub.f32 v14, v3  }
0xd4: {  	v9 =	vadd.f32 v9, v18;
	v36 =	vmul.f32 $5.000000000e-01, v0;
	v35 =	vsub.f32 v19, v33;
	[tilespmem:s5+$0x1440] =	vst v2  }
0xd5: {  	v6 =	vsub.f32 v12, v34;
	[tilespmem:s6+$0xFFFFF5C0] =	vst v3  }
0xd6: {  	v37 =	vmul.f32 $5.000000000e-01, v7;
	v11 =	vadd.f32 v11, v15;
	v9 =	vsub.f32 v9, v36;
	[tilespmem:s6+$0xFFFFEBA0] =	vst v35  }
0xd7: {  	v38 =	vmul.f32 $5.000000000e-01, v4;
	v13 =	vadd.f32 v13, v17;
	v1 =	vadd.f32 v3, v1;
	[tilespmem:s6+$0xFFFFEBB0] =	vst v6  }
0xd8: {  	v2 =	vsub.f32 v11, v37;
	[tilespmem:s6+$0xFFFFF5D0] =	vst v9  }
0xd9: {  	v11 =	vsub.f32 v13, v38;
	v8 =	vadd.f32 v35, v8;
	[tilespmem:s6+$0xA00] =	vst v1  }
0xda: {  	v39 =	vadd.f32 v6, v5;
	v40 =	vadd.f32 v9, v0;
	[tilespmem:s6+$0xFFFFEBC0] =	vst v2  }
0xdb: {  	v41 =	vadd.f32 v2, v7;
	v1 =	vsub.f32 v1, v3;
	[tilespmem:s6+$0xFFFFF5E0] =	vst v11  }
0xdc: {  	v42 =	vadd.f32 v11, v4;
	[tilespmem:s6+$0xFFFFFFE0] =	vst v8;
	v8 =	vsub.f32 v8, v35  }
0xdd: {  	[tilespmem:s6+$0xFFFFFFF0] =	vst v39;
	v59 =	vsub.f32 v39, v6;
	v0 =	vsub.f32 v40, v9;
	v1 =	vmax.f32 v1, $0.0e+00  }
0xde: {  	[tilespmem:s6+$0xA10] =	vst v40;
	v61 =	vsub.f32 v41, v2;
	v4 =	vsub.f32 v42, v11;
	v60 =	vmax.f32 v8, $0.0e+00  }
0xdf: {  	[tilespmem:s6+$0x0] =	vst v41;
	v3 =	vmax.f32 v59, $0.0e+00;
	v0 =	vmax.f32 v0, $0.0e+00;
	v1 =	vmul.f32 v1, v60  }
0xe0: {  	[tilespmem:s6+$0xA20] =	vst v42;
	v62 =	vmax.f32 v61, $0.0e+00;
	v4 =	vmax.f32 v4, $0.0e+00;
	v0 =	vmul.f32 v0, v3  }
0xe1: {  	v63 =	vmul.f32 v4, v62;
	[tilespmem:s6+$0x1420] =	vst v1  }
0xe2: {  	[tilespmem:s6+$0x1430] =	vst v0  }
0xe3: {  	s4 =	simm.s32 $0x0;
	[tilespmem:s6+$0x1440] =	vst v63  }
.LBB2_4:
0xe4: {  	s5 =	sshra.s32 s4, $0x2  }
0xe5: {  	v0 =	vld [tilespmem:s5+$0x50E0]  }
0xe6: {  	v1 =	vld [tilespmem:s5+$0x46C0];
	_ =	sdelay $0x3  }
0xe7: {  	v0 =	vmul.f32 $1.442695020e+00, v0  }
0xe8: {  	v2 =	vld [tilespmem:s5+$0xA00];
	v1 =	vmul.f32 $1.442695020e+00, v1  }
0xe9: {  	v3 =	vld [tilespmem:s5+$0x1420];
	(erf) = vpow2.f32 v0  }
0xea: {  	v38 =	vld [tilespmem:s5+$0x2860];
	(erf) = vpow2.f32 v1  }
0xeb: {  	v39 =	vld [tilespmem:s5+$0x1E40];
	_ =	sdelay $0x2  }
0xec: {  	v4 =	vld [tilespmem:s5+$0x3CA0]  }
0xed: {  	v5 =	vld [tilespmem:s5+$0x3280];
	v0 =	vsub.f32 v38, v3  }
0xee: {  	v1 =	vsub.f32 v39, v2  }
0xef: {  	v6 =	vmul.f32 $5.000000000e-01, v0  }
0xf0: {  	v8 =	vmul.f32 $5.000000000e-01, v1;
	v7 =	vpop (erf)  }
0xf1: {  	v3 =	vadd.f32 v6, v3;
	v40 =	vmul.f32 v7, v0;
	v41 =	vpop (erf);
	v0 =	vmul.f32 v4, v0  }
0xf2: {  	v2 =	vadd.f32 v8, v2;
	v42 =	vmul.f32 v41, v1;
	v1 =	vmul.f32 v5, v1  }
0xf3: {  	v0 =	vadd.f32 v3, v0  }
0xf4: {  	v60 =	vmul.f32 $5.000000000e-01, v40;
	v1 =	vadd.f32 v2, v1;
	v59 =	vmul.f32 $5.000000000e-01, v42;
	_ =	sdelay $0x1  }
0xf5: {  	v0 =	vsub.f32 v0, v60;
	v1 =	vsub.f32 v1, v59;
	_ =	sdelay $0x1  }
0xf6: {  	v3 =	vadd.f32 v0, v40;
	v2 =	vadd.f32 v1, v42;
	_ =	sdelay $0x1  }
0xf7: {  	p1 =	sne.s32 s4, $0x40;
	v61 =	vsub.f32 v3, v0;
	v4 =	vsub.f32 v2, v1  }
.Ltmp3:
0xf8: {  	[tilespmem:s5+$0x6520] =	vst v0;
	(pc) =	sbr.rel @p1 .LBB2_4-.Ltmp3, $4  }
0xf9: {  	[tilespmem:s5+$0x5B00] =	vst v1;
	v63 =	vmax.f32 v61, $0.0e+00;
	v62 =	vmax.f32 v4, $0.0e+00  }
0xfa: {  	[tilespmem:s5+$0x7960] =	vst v3;
	v0 =	vmul.f32 v63, v62  }
0xfb: {  	[tilespmem:s5+$0x6F40] =	vst v2  }
0xfc: {  	s4 =	sadd.s32 $0x40, s4;
	[tilespmem:s5+$0x8380] =	vst v0  }
0xfd: {  	s4 =	simm.s32 $0x83C0  }
0xfe: {  	v0 =	vld [tilespmem:s4+$0xFFFFFFE0];
	_ =	sdelay $0x3  }
0xff: {  	v1 =	vimm.f32 $-Inf;
	v2 =	vld [tilespmem:s4+$0xFFFFFFF0]  }
0x100: {  	vm3 =	vgt.f32 v0, v1  }
0x101: {  	vm4 =	vmneg vm3  }
0x102: {  	vm3 =	vmand vm3, vm4  }
0x103: {  	v3 =	vimm.s32 $0x0;
	v5 =	vld [tilespmem:s4+$0x0];
	v4 =	vsel vm4, v1, v0;
	v0 =	vsel vm3, v0, v1  }
0x104: {  	v6 =	vor.u32 s21, v10;
	vm5 =	vgt.f32 v2, v4;
	v0 =	vsel vm4, v0, v1  }
0x105: {  	s5 =	simm.s32 $0x10;
	v1 =	vsel vm3, v6, v3;
	vm3 =	vmneg vm5;
	vm5 =	vgt.f32 v2, v0  }
0x106: {  	v7 =	vor.u32 s5, v10;
	vm5 =	vmand vm3, vm5  }
0x107: {  	v1 =	vsel vm4, v1, v3;
	v8 =	vsel vm3, v4, v2;
	v0 =	vsel vm5, v2, v0;
	v2 =	vld [tilespmem:s4+$0x10]  }
0x108: {  	v3 =	vsel vm4, v3, v6;
	vm4 =	vgt.f32 v5, v8;
	v0 =	vsel vm3, v0, v4  }
0x109: {  	v1 =	vsel vm5, v7, v1;
	vm4 =	vmneg vm4;
	vm5 =	vgt.f32 v5, v0  }
0x10a: {  	s8 =	simm.s32 $0x8400;
	v1 =	vsel vm3, v1, v3;
	vm5 =	vmand vm4, vm5  }
0x10b: {  	s9 =	simm.s32 $0x20;
	v6 =	vld [tilespmem:s8+$0xFFFFFFE0];
	v3 =	vsel vm3, v3, v7;
	v4 =	vsel vm4, v8, v5;
	v0 =	vsel vm5, v5, v0  }
0x10c: {  	v5 =	vor.u32 s9, v10;
	v0 =	vsel vm4, v0, v8;
	vm3 =	vgt.f32 v2, v4  }
0x10d: {  	v1 =	vsel vm5, v5, v1;
	vm3 =	vmneg vm3;
	vm5 =	vgt.f32 v2, v0  }
0x10e: {  	v5 =	vsel vm4, v3, v5;
	vm5 =	vmand vm3, vm5  }
0x10f: {  	s21 =	simm.s32 $0x30;
	v8 =	vld [tilespmem:s8+$0xFFFFFFF0];
	v1 =	vsel vm4, v1, v3;
	v3 =	vsel vm3, v4, v2;
	v0 =	vsel vm5, v2, v0  }
0x110: {  	v7 =	vor.u32 s21, v10;
	vm4 =	vgt.f32 v6, v3;
	v2 =	vsel vm3, v0, v4  }
0x111: {  	v1 =	vsel vm5, v7, v1;
	vm4 =	vmneg vm4;
	vm5 =	vgt.f32 v6, v2  }
0x112: {  	s24 =	simm.s32 $0x40;
	v4 =	vsel vm3, v5, v7;
	v1 =	vsel vm3, v1, v5;
	vm3 =	vmand vm5, vm4  }
0x113: {  	v5 =	vor.u32 s24, v10;
	v7 =	vsel vm4, v3, v6;
	v2 =	vsel vm3, v6, v2  }
0x114: {  	s26 =	simm.s32 $0x50;
	v0 =	vld [tilespmem:s8+$0x0];
	v1 =	vsel vm3, v5, v1;
	vm3 =	vgt.f32 v8, v7;
	v2 =	vsel vm4, v2, v3  }
0x115: {  	v9 =	vor.u32 s26, v10;
	vm3 =	vmneg vm3;
	vm5 =	vgt.f32 v8, v2  }
0x116: {  	v1 =	vsel vm4, v1, v4;
	v4 =	vsel vm4, v4, v5;
	vm4 =	vmand vm3, vm5  }
0x117: {  	v1 =	vsel vm4, v9, v1  }
0x118: {  	v3 =	vsel vm3, v7, v8;
	v2 =	vsel vm4, v8, v2;
	v6 =	vsel vm3, v1, v4;
	v1 =	vld [tilespmem:s8+$0x10]  }
0x119: {  	s6 =	simm.s32 $0x60;
	vm4 =	vgt.f32 v0, v3;
	v8 =	vsel vm3, v2, v7;
	v2 =	vsel vm3, v4, v9  }
0x11a: {  	s7 =	simm.s32 $0x80;
	v7 =	vor.u32 s6, v10;
	vm3 =	vmneg vm4;
	vm4 =	vgt.f32 v0, v8  }
0x11b: {  	s5 =	simm.s32 $0x70;
	s6 =	simm.s32 $0x4;
	s8 =	simm.s32 $0x8440;
	v4 =	vsel vm3, v3, v0;
	v5 =	vsel vm3, v2, v7;
	vm4 =	vmand vm3, vm4  }
.LBB2_6:
0x11c: {  	v9 =	vld [tilespmem:s8+$0xFFFFFFE0];
	s9 =	sadd.s32 $0x30, s7;
	s6 =	sadd.s32 $0x4, s6;
	v0 =	vsel vm4, v0, v8;
	s4 =	simm.s32 $0xA00  }
0x11d: {  	p1 =	slt.u32 s6, $0x9C;
	v0 =	vsel vm3, v0, v3;
	v3 =	vor.u32 s5, v10;
	vm5 =	vgt.f32 v1, v4;
	s5 =	smov.u32 s9  }
0x11e: {  	v6 =	vsel vm4, v7, v6;
	vm4 =	vmneg vm5;
	vm5 =	vgt.f32 v1, v0  }
0x11f: {  	v2 =	vsel vm3, v6, v2;
	v7 =	vld [tilespmem:s8+$0xFFFFFFF0];
	vm3 =	vmand vm4, vm5;
	v6 =	vsel vm4, v4, v1  }
0x120: {  	v0 =	vsel vm3, v1, v0;
	v1 =	vsel vm3, v3, v2;
	v2 =	vsel vm4, v5, v3  }
0x121: {  	vm3 =	vgt.f32 v9, v6;
	v3 =	vsel vm4, v0, v4;
	v1 =	vsel vm4, v1, v5  }
0x122: {  	vm3 =	vmneg vm3;
	vm4 =	vgt.f32 v9, v3  }
0x123: {  	v4 =	vor.u32 s7, v10;
	vm4 =	vmand vm4, vm3;
	v5 =	vsel vm3, v6, v9;
	v0 =	vld [tilespmem:s8+$0x0]  }
0x124: {  	v3 =	vsel vm4, v9, v3;
	v1 =	vsel vm4, v4, v1;
	vm4 =	vgt.f32 v7, v5  }
0x125: {  	s9 =	sadd.s32 $0x10, s7;
	v6 =	vsel vm3, v3, v6;
	v1 =	vsel vm3, v1, v2  }
0x126: {  	v9 =	vor.u32 s9, v10;
	vm4 =	vmneg vm4;
	vm5 =	vgt.f32 v7, v6  }
.Ltmp4:
0x127: {  	v2 =	vsel vm3, v2, v4;
	v3 =	vsel vm4, v5, v7;
	vm3 =	vmand vm4, vm5;
	(pc) =	sbr.rel @p1 .LBB2_6-.Ltmp4, $4  }
0x128: {  	v4 =	vsel vm3, v7, v6;
	v6 =	vsel vm3, v9, v1;
	vm3 =	vgt.f32 v0, v3;
	v1 =	vld [tilespmem:s8+$0x10]  }
0x129: {  	s9 =	sadd.s32 $0x20, s7;
	v8 =	vsel vm4, v4, v5;
	v6 =	vsel vm4, v6, v2;
	v2 =	vsel vm4, v2, v9  }
0x12a: {  	v7 =	vor.u32 s9, v10;
	vm3 =	vmneg vm3;
	vm4 =	vgt.f32 v0, v8  }
0x12b: {  	s7 =	sadd.s32 $0x40, s7;
	s8 =	sadd.s32 $0x40, s8;
	v4 =	vsel vm3, v3, v0;
	v5 =	vsel vm3, v2, v7;
	vm4 =	vmand vm3, vm4  }
0x12c: {  	v0 =	vsel vm4, v0, v8  }
0x12d: {  	v3 =	vsel vm3, v0, v3;
	vm5 =	vgt.f32 v1, v4  }
0x12e: {  	v0 =	vsel vm4, v7, v6;
	vm14 =	vmneg vm5;
	vm15 =	vgt.f32 v1, v3  }
0x12f: {  	v6 =	vor.u32 s5, v10;
	v2 =	vsel vm3, v0, v2;
	vm3 =	vmand vm14, vm15  }
0x130: {  	v0 =	vsel vm14, v4, v1;
	v3 =	vsel vm3, v1, v3;
	v2 =	vsel vm3, v6, v2  }
0x131: {  	s5 =	simm.s32 $0x8DA0;
	v1 =	vsel vm14, v5, v6;
	v4 =	vsel vm14, v3, v4;
	v3 =	vsel vm14, v2, v5  }
.LBB2_8:
0x132: {  	v2 =	vld [tilespmem:s5+$0x0];
	_ =	sdelay $0x4  }
0x133: {  	p1 =	sne.s32 s4, $0xA10;
	vm3 =	vgt.f32 v2, v0  }
.Ltmp5:
0x134: {  	vm4 =	vgt.f32 v2, v4;
	vm3 =	vmneg vm3;
	(pc) =	sbr.rel @p1 .LBB2_8-.Ltmp5, $4  }
0x135: {  	vm4 =	vmand vm4, vm3  }
0x136: {  	v5 =	vor.u32 s4, v10;
	v4 =	vsel vm4, v2, v4  }
0x137: {  	v3 =	vsel vm4, v5, v3;
	v4 =	vsel vm3, v4, v0  }
0x138: {  	s5 =	sadd.s32 $0x10, s5;
	s4 =	sadd.s32 $0x10, s4;
	v3 =	vsel vm3, v3, v1;
	v0 =	vsel vm3, v0, v2;
	v1 =	vsel vm3, v1, v5  }
0x139: {  	s24 =	simm.s32 $0x0;
	s21 =	simm.s32 $0x0  }
.LBB2_10:
0x13a: {  	v2 =	vperm.xlane v0, v52;
	v5 =	vperm.xlane v1, v52;
	_ =	sdelay $0x1  }
0x13b: {  	vm3 =	veq.f32 v2, v0;
	vm4 =	vlt.s32 v5, v1  }
0x13c: {  	vm5 =	vgt.f32 v2, v0;
	vm3 =	vmand vm3, vm4  }
0x13d: {  	vm3 =	vmor vm5, vm3  }
0x13e: {  	v2 =	vsel vm3, v2, v0;
	v5 =	vsel vm3, v5, v1  }
0x13f: {  	v6 =	vperm.xlane v2, v53;
	v7 =	vperm.xlane v5, v53;
	_ =	sdelay $0x1  }
0x140: {  	vm3 =	veq.f32 v6, v2;
	vm10 =	vlt.s32 v7, v5  }
0x141: {  	vm11 =	vgt.f32 v6, v2;
	vm3 =	vmand vm3, vm10  }
0x142: {  	vm3 =	vmor vm11, vm3  }
0x143: {  	v2 =	vsel vm3, v6, v2;
	v5 =	vsel vm3, v7, v5  }
0x144: {  	v6 =	vperm.xlane v2, v54;
	v7 =	vperm.xlane v5, v54;
	_ =	sdelay $0x1  }
0x145: {  	vm3 =	veq.f32 v6, v2;
	vm12 =	vlt.s32 v7, v5  }
0x146: {  	vm13 =	vgt.f32 v6, v2;
	vm3 =	vmand vm3, vm12  }
0x147: {  	vm3 =	vmor vm13, vm3  }
0x148: {  	v2 =	vsel vm3, v6, v2;
	v5 =	vsel vm3, v7, v5  }
0x149: {  	v6 =	vperm.xlane v2, v55;
	v7 =	vperm.xlane v5, v55;
	_ =	sdelay $0x1  }
0x14a: {  	vm3 =	veq.f32 v6, v2;
	vm14 =	vlt.s32 v7, v5  }
0x14b: {  	vm15 =	vgt.f32 v6, v2;
	vm3 =	vmand vm3, vm14  }
0x14c: {  	vm3 =	vmor vm15, vm3  }
0x14d: {  	v2 =	vsel vm3, v6, v2;
	v5 =	vsel vm3, v7, v5  }
0x14e: {  	vm3 =	veq.f32 v0, v2;
	vm8 =	veq.s32 v1, v5  }
0x14f: {  	vm3 =	vmand vm3, vm8  }
0x150: {  	v0 =	vsel vm3, v4, v0;
	v1 =	vsel vm3, v3, v1  }
0x151: {  	v3 =	vperm.xlane v0, v52;
	v4 =	vperm.xlane v1, v52;
	_ =	sdelay $0x1  }
0x152: {  	vm3 =	veq.f32 v3, v0;
	vm9 =	vlt.s32 v4, v1  }
0x153: {  	vm10 =	vgt.f32 v3, v0;
	vm3 =	vmand vm3, vm9  }
0x154: {  	vm3 =	vmor vm10, vm3  }
0x155: {  	v0 =	vsel vm3, v3, v0;
	v1 =	vsel vm3, v4, v1  }
0x156: {  	v3 =	vperm.xlane v0, v53;
	v4 =	vperm.xlane v1, v53;
	_ =	sdelay $0x1  }
0x157: {  	vm3 =	veq.f32 v3, v0;
	vm11 =	vlt.s32 v4, v1  }
0x158: {  	vm12 =	vgt.f32 v3, v0;
	vm3 =	vmand vm3, vm11  }
0x159: {  	vm3 =	vmor vm12, vm3  }
0x15a: {  	v0 =	vsel vm3, v3, v0;
	v1 =	vsel vm3, v4, v1  }
0x15b: {  	v3 =	vperm.xlane v0, v54;
	v4 =	vperm.xlane v1, v54;
	_ =	sdelay $0x1  }
0x15c: {  	vm3 =	veq.f32 v3, v0;
	vm13 =	vlt.s32 v4, v1  }
0x15d: {  	vm14 =	vgt.f32 v3, v0;
	vm3 =	vmand vm3, vm13  }
0x15e: {  	vm3 =	vmor vm14, vm3  }
0x15f: {  	v0 =	vsel vm3, v3, v0;
	v1 =	vsel vm3, v4, v1  }
0x160: {  	v3 =	vperm.xlane v0, v55;
	v4 =	vperm.xlane v1, v55;
	_ =	sdelay $0x1  }
0x161: {  	vm3 =	veq.f32 v3, v0;
	vm15 =	vlt.s32 v4, v1  }
0x162: {  	vm8 =	vgt.f32 v3, v0;
	vm3 =	vmand vm3, vm15  }
0x163: {  	vm4 =	vmor vm8, vm3  }
0x164: {  	vm3 =	vmmov $0xff;
	v1 =	vsel vm4, v4, v1  }
0x165: {  	v4 =	vsel vm3, v5, v1  }
0x166: {  	v4 =	vadd.s32 v56, v4;
	_ =	sdelay $0x4  }
0x167: {  	v4 =	vld.idx.msk [tilespmem:v4+s29+$0x0], $0xffff;
	_ =	sdelay $0x2  }
0x168: {  	v5 =	vadd.s32 v43, v5  }
0x169: {  	vm3 =	vmmov $0x1;
	v5 =	vcvt.s32.f32 v5  }
0x16a: {  	s4 =	scvt.s32.f32 s24;
	v2 =	vsel vm3, v2, v4  }
0x16b: {  	vm9 =	veq.s32 v10, $0x7;
	v1 =	vadd.s32 v43, v1;
	v2 =	vsel vm0, v2, v5  }
0x16c: {  	s9 =	sshll.u32 s21, $0x8;
	v0 =	vsel vm4, v3, v0;
	v1 =	vcvt.s32.f32 v1;
	v2 =	vsel vm9, s4, v2  }
0x16d: {  	s4 =	sand.u32 $0x100, s9;
	v0 =	vsel vm1, v2, v0  }
0x16e: {  	s4 =	sadd.s32 s4, s2;
	v0 =	vsel vm2, v0, v1  }
0x16f: {  	s5 =	sadd.s32 s25, s4;
	[tilespmem:$0x8DC0] =	vst v0  }
0x170: {  	[spmem:s5] =	stream.linear.scatter [tilespmem:s30], [sflag:$0x1], $0x10, $0x38;
	[tilespmem:$0x96F0] =	vst v63  }
0x171: {  	_ =	swait.ge [sflag:s18], $0x10  }
0x172: {  	[sflag:s18] =	ssyncset.done $0x0  }
0x173: {  	[sflag:s18] =	ssyncadd.s32 $0xFFFFFFF0  }
0x174: {  	[bflag:$0x0] =	sbarrier.arrive $0xFFFF  }
0x175: {  	[tilespmem:s31], [sflag:$0x1] =	stream.linear.gather [spmem:s4], $0x100, $0x38;
	[tilespmem:$0x96F0] =	vst v63  }
0x176: {  	_ =	swait.ge [sflag:s18], $0x100  }
0x177: {  	[sflag:s18] =	ssyncset.done $0x0  }
0x178: {  	[sflag:s18] =	ssyncadd.s32 $0xFFFFFF00  }
0x179: {  	v0 =	vld.idx.msk [tilespmem:v45+s31+$0x0], $0xffff;
	_ =	sdelay $0x2  }
0x17a: {  	v4 =	vld.idx.msk [tilespmem:v44+s31+$0x0], $0xffff;
	_ =	sdelay $0x1  }
0x17b: {  	v0 =	vtrunc.f32 v0  }
0x17c: {  	v5 =	vcvt.f32.s32 v0;
	_ =	sdelay $0x1  }
0x17d: {  	v0 =	vperm.xlane v4, v52;
	v24 =	vperm.xlane v5, v52;
	_ =	sdelay $0x1  }
0x17e: {  	vm10 =	veq.f32 v0, v4;
	vm6 =	vlt.s32 v24, v5  }
0x17f: {  	vm11 =	vgt.f32 v0, v4;
	vm4 =	vmand vm10, vm6  }
0x180: {  	vm4 =	vmor vm11, vm4  }
0x181: {  	v0 =	vsel vm4, v0, v4;
	v1 =	vsel vm4, v24, v5  }
0x182: {  	v2 =	vperm.xlane v0, v53;
	v3 =	vperm.xlane v1, v53;
	_ =	sdelay $0x1  }
0x183: {  	vm12 =	veq.f32 v2, v0;
	vm7 =	vlt.s32 v3, v1  }
0x184: {  	vm8 =	vgt.f32 v2, v0;
	vm5 =	vmand vm12, vm7  }
0x185: {  	vm5 =	vmor vm8, vm5  }
0x186: {  	v25 =	vperm.xlane v10, v52;
	v0 =	vsel vm5, v2, v0;
	v1 =	vsel vm5, v3, v1  }
0x187: {  	v2 =	vperm.xlane v0, v54;
	v3 =	vperm.xlane v1, v54  }
0x188: {  	v8 =	vsel vm4, v25, v10  }
0x189: {  	v9 =	vperm.xlane v8, v53;
	vm13 =	veq.f32 v2, v0;
	vm14 =	vlt.s32 v3, v1  }
0x18a: {  	vm15 =	vgt.f32 v2, v0;
	vm4 =	vmand vm13, vm14  }
0x18b: {  	v8 =	vsel vm5, v9, v8;
	vm4 =	vmor vm15, vm4  }
0x18c: {  	v9 =	vperm.xlane v8, v54;
	v2 =	vsel vm4, v2, v0;
	v11 =	vsel vm4, v3, v1  }
0x18d: {  	v1 =	vperm.xlane v2, v55;
	v12 =	vperm.xlane v11, v55;
	_ =	sdelay $0x1  }
0x18e: {  	v13 =	vld.idx.msk [tilespmem:v46+s31+$0x0], $0xffff;
	v0 =	vsel vm4, v9, v8;
	vm10 =	veq.f32 v1, v2;
	vm11 =	vlt.s32 v12, v11  }
0x18f: {  	v14 =	vld.idx.msk [tilespmem:v49+s31+$0x0], $0xffff;
	v3 =	vperm.xlane v0, v55;
	vm12 =	vgt.f32 v1, v2;
	vm4 =	vmand vm10, vm11  }
0x190: {  	v8 =	vld.idx.msk [tilespmem:v47+s31+$0x0], $0xffff;
	vm7 =	vmor vm12, vm4  }
0x191: {  	v9 =	vld.idx.msk [tilespmem:v48+s31+$0x0], $0xffff;
	v3 =	vsel vm7, v3, v0  }
0x192: {  	v15 =	vshrl.u32 v3, $0x1B  }
0x193: {  	v0 =	vmov s24;
	v15 =	vand.u32 $0x10, v15  }
0x194: {  	v1 =	vsel vm7, v1, v2;
	vm5 =	vlt.s32 v0, $0x12C;
	v15 =	vadd.s32 v3, v15  }
0x195: {  	vm13 =	vgt.f32 v1, $0.0e+00;
	v16 =	vperm.xlane v13, v15;
	v3 =	vperm.xlane v8, v15  }
0x196: {  	v17 =	vld.idx.msk [tilespmem:v50+s31+$0x0], $0xffff;
	vm4 =	vmand vm5, vm13;
	v2 =	vperm.xlane v9, v15;
	v1 =	vperm.xlane v14, v15  }
0x197: {  	v28 =	vnsel vm4, $0x40000000, v16;
	v29 =	vnsel vm4, $0x40000000, v3  }
0x198: {  	v30 =	vnsel vm4, $0xC0000000, v2;
	v31 =	vnsel vm4, $0xC0000000, v1;
	v18 =	vmax.f32 v28, v13  }
0x199: {  	v19 =	vmax.f32 v29, v8;
	v20 =	vmin.f32 v30, v9;
	v21 =	vmin.f32 v31, v14  }
0x19a: {  	v18 =	vsub.f32 v20, v18;
	v19 =	vsub.f32 v21, v19  }
0x19b: {  	v32 =	vperm.xlane v17, v15  }
0x19c: {  	v26 =	vmax.f32 v18, $0.0e+00;
	v33 =	vmax.f32 v19, $0.0e+00  }
0x19d: {  	v34 =	vadd.f32 v32, v17;
	v15 =	vmul.f32 v33, v26;
	_ =	sdelay $0x1  }
0x19e: {  	v18 =	vsub.f32 v34, v15;
	_ =	sdelay $0x1  }
0x19f: {  	v18 =	vmax.f32 v18, $9.999999930e-09  }
0x1a0: {  	v18 =	vmul.f32 $5.000000000e-01, v18  }
0x1a1: {  	v11 =	vsel vm7, v12, v11  }
0x1a2: {  	vm15 =	veq.s32 v11, v5;
	vm14 =	vgt.f32 v15, v18  }
0x1a3: {  	vm7 =	vmor vm15, vm14  }
0x1a4: {  	v4 =	vsel vm7, $0xFF800000, v4  }
0x1a5: {  	v35 =	vperm.xlane v4, v52  }
0x1a6: {  	v37 =	vsel vm7, $0x1, v57  }
0x1a7: {  	v39 =	vperm.xlane v37, v52;
	vm12 =	veq.f32 v35, v4  }
0x1a8: {  	vm9 =	vgt.f32 v35, v4;
	vm6 =	vmand vm6, vm12  }
0x1a9: {  	v12 =	vand.u32 v37, v39;
	vm6 =	vmor vm9, vm6  }
0x1aa: {  	v18 =	vperm.xlane v12, v52;
	v4 =	vsel vm6, v35, v4;
	v5 =	vsel vm6, v24, v5  }
0x1ab: {  	v36 =	vperm.xlane v4, v53;
	v38 =	vperm.xlane v5, v53  }
0x1ac: {  	v7 =	vsel vm6, v25, v10  }
0x1ad: {  	vm12 =	vgt.s32 v12, v18;
	vm13 =	veq.f32 v36, v4;
	vm14 =	vlt.s32 v38, v5  }
0x1ae: {  	v12 =	vsel vm12, v12, v18;
	vm15 =	vgt.f32 v36, v4;
	vm6 =	vmand vm13, vm14  }
0x1af: {  	v18 =	vperm.xlane v12, v53;
	vm6 =	vmor vm15, vm6  }
0x1b0: {  	v40 =	vperm.xlane v7, v53;
	v4 =	vsel vm6, v36, v4;
	v5 =	vsel vm6, v38, v5  }
0x1b1: {  	vm12 =	vgt.s32 v12, v18;
	v6 =	vperm.xlane v4, v54;
	v15 =	vperm.xlane v5, v54  }
0x1b2: {  	v12 =	vsel vm12, v12, v18  }
0x1b3: {  	v7 =	vsel vm6, v40, v7;
	vm13 =	veq.f32 v6, v4;
	vm14 =	vlt.s32 v15, v5  }
0x1b4: {  	v41 =	vperm.xlane v12, v54;
	vm15 =	vgt.f32 v6, v4;
	vm6 =	vmand vm13, vm14  }
0x1b5: {  	vm9 =	vlt.s32 @!p0 v0, $0x12C;
	vm6 =	vmor vm15, vm6  }
0x1b6: {  	v19 =	vperm.xlane v7, v54;
	vm13 =	vgt.s32 v12, v41;
	v4 =	vsel vm6, v6, v4  }
0x1b7: {  	v5 =	vsel vm6, v15, v5;
	v6 =	vsel vm13, v12, v41;
	v42 =	vperm.xlane v4, v55  }
0x1b8: {  	v7 =	vsel vm6, v19, v7;
	v59 =	vperm.xlane v5, v55;
	v61 =	vperm.xlane v6, v55  }
0x1b9: {  	vm13 =	vlt.s32 v0, $0x12B;
	v60 =	vperm.xlane v7, v55;
	vm14 =	veq.f32 v42, v4  }
0x1ba: {  	vm15 =	vlt.s32 v59, v5;
	vm10 =	vgt.f32 v42, v4;
	vm11 =	vgt.s32 v6, v61  }
0x1bb: {  	vm7 =	vmand vm14, vm15;
	v6 =	vsel vm11, v6, v61;
	vm15 =	vlt.s32 v11, v51  }
0x1bc: {  	vm6 =	vmor vm10, vm7;
	vm12 =	veq.s32 v6, $0x0;
	vm5 =	vmand vm15, vm5  }
0x1bd: {  	v7 =	vsel vm6, v60, v7;
	v4 =	vsel vm6, v42, v4;
	v5 =	vsel vm6, v59, v5  }
0x1be: {  	vm7 =	vmand vm13, vm12;
	vm12 =	vge.s32 v11, v43;
	v12 =	vshrl.u32 v7, $0x1B  }
0x1bf: {  	v62 =	vsel vm7, $0x1, v57;
	vm14 =	vgt.f32 v4, $0.0e+00;
	v4 =	vsub.s32 v11, v43  }
0x1c0: {  	vm5 =	vmand vm5, vm12;
	v63 =	vsub.s32 v5, v43;
	vm15 =	vlt.s32 v5, v51  }
0x1c1: {  	v12 =	vand.u32 $0x10, v12;
	(v2sf) =	vpush v62, $0x0;
	vm6 =	vmand vm7, vm14  }
0x1c2: {  	vm13 =	vgt.s32 v4, $0x0;
	vm14 =	vge.s32 v5, v43;
	vm10 =	vgt.s32 v63, $0x0  }
0x1c3: {  	vm5 =	vmand vm5, vm3;
	v7 =	vadd.s32 v7, v12;
	v4 =	vnsel vm13, $0x0, v4  }
0x1c4: {  	vm8 =	vmand vm14, vm15;
	v5 =	vnsel vm10, $0x0, v63;
	v6 =	vperm.xlane v13, v7  }
0x1c5: {  	vm10 =	vcmask @!p0 $0x718;
	v8 =	vperm.xlane v8, v7;
	v9 =	vperm.xlane v9, v7  }
0x1c6: {  	v12 =	vperm.xlane v14, v7;
	v33 =	vperm.xlane v17, v7;
	vm8 =	vmand vm7, vm8  }
0x1c7: {  	v7 =	vimm.s32 @!p0 $0x390;
	vm3 =	vmand vm8, vm3;
	vm8 =	vcmask @!p0 $0xB00  }
0x1c8: {  	v4 =	vmin.u32 v4, $0xA1F;
	v7 =	vsel @!p0 vm8, $0x0, v7;
	vm8 =	vcmask @!p0 $0xF0C  }
0x1c9: {  	v5 =	vmin.u32 v5, $0xA1F;
	v7 =	vsel @!p0 vm8, $0x130, v7;
	vm8 =	vcmask @!p0 $0x1310  }
0x1ca: {  	v11 =	vsel @!p0 vm10, $0x0, v16;
	v7 =	vsel @!p0 vm8, $0x260, v7;
	vm8 =	vcmask @!p0 $0x1708  }
0x1cb: {  	v34 =	vnsel vm6, $0x40000000, v6;
	v6 =	vsel @!p0 vm10, $0x0, v6;
	vm9 =	vmand @!p0 vm9, vm8  }
0x1cc: {  	s4 =	sadd.s32 @!p0 $0x1, s24;
	vm7 =	vmand @!p0 vm7, vm8;
	vm8 =	vcmask @!p0 $0xB18;
	v0 =	vadd.s32 @!p0 v7, v0  }
0x1cd: {  	vm10 =	vcmask @!p0 $0xF18;
	v7 =	vadd.s32 @!p0 s4, v7;
	v3 =	vsel @!p0 vm8, v11, v3  }
0x1ce: {  	v2 =	vsel @!p0 vm10, v3, v2;
	v3 =	vsel @!p0 vm8, v6, v8;
	vm8 =	vcmask @!p0 $0x1318  }
0x1cf: {  	v35 =	vnsel vm6, $0x40000000, v8;
	[tilespmem:v4+s28+$0x0] =	vst.idx.msk vm5, v58;
	v1 =	vsel @!p0 vm8, v2, v1;
	v2 =	vsel @!p0 vm10, v3, v9  }
0x1d0: {  	s5 =	simm.s32 @!p0 $0x8F10;
	v36 =	vnsel vm6, $0xC0000000, v9;
	[tilespmem:v5+s28+$0x0] =	vst.idx.msk vm3, v58;
	v1 =	vnsel @!p0 vm4, $0x0, v1;
	v2 =	vsel @!p0 vm8, v2, v12  }
0x1d1: {  	s6 =	simm.s32 $0x8420;
	v37 =	vnsel vm6, $0xC0000000, v12;
	s4 =	simm.s32 $0xF0;
	v3 =	vimm.s32 $0x0;
	[tilespmem:v0+s5+$0x0] =	vst.idx.msk @!p0 vm9, v1;
	v1 =	vnsel @!p0 vm6, $0x0, v2;
	s26 =	spop (v2sf)  }
0x1d2: {  	v0 =	vimm.f32 $-Inf;
	v2 =	vimm.f32 $-Inf;
	[tilespmem:v7+s5+$0x0] =	vst.idx.msk @!p0 vm7, v1;
	s5 =	simm.s32 $0x65C0;
	v1 =	vimm.s32 $0x0;
	p1 =	sne.s32 s26, $0x0;
	s26 =	simm.s32 $0xFFFFFFF0  }
.LBB2_11:
0x1d3: {  	v4 =	vld [tilespmem:s5+$0xFFFFEB40]  }
0x1d4: {  	v5 =	vld [tilespmem:s5+$0xFFFFF560]  }
0x1d5: {  	v6 =	vld [tilespmem:s5+$0xFFFFFF80]  }
0x1d6: {  	v7 =	vld [tilespmem:s5+$0x9A0];
	_ =	sdelay $0x3  }
0x1d7: {  	v8 =	vmin.f32 v30, v6  }
0x1d8: {  	v9 =	vmax.f32 v28, v4;
	v11 =	vmin.f32 v31, v7;
	v12 =	vmax.f32 v29, v5  }
0x1d9: {  	v13 =	vld [tilespmem:s5+$0x13C0];
	v6 =	vmin.f32 v36, v6;
	v4 =	vmax.f32 v34, v4;
	v7 =	vmin.f32 v37, v7  }
0x1da: {  	v62 =	vld [tilespmem:s5+$0x9B0];
	v5 =	vmax.f32 v35, v5;
	v8 =	vsub.f32 v8, v9;
	v9 =	vsub.f32 v11, v12  }
0x1db: {  	v16 =	vld [tilespmem:s5+$0x13E0];
	v4 =	vsub.f32 v6, v4;
	v5 =	vsub.f32 v7, v5  }
0x1dc: {  	v22 =	vld [tilespmem:s5+$0x9C0];
	v59 =	vmax.f32 v8, $0.0e+00  }
0x1dd: {  	v11 =	vld [tilespmem:s5+$0xFFFFF570];
	v60 =	vmax.f32 v9, $0.0e+00;
	v4 =	vmax.f32 v4, $0.0e+00;
	v5 =	vmax.f32 v5, $0.0e+00  }
0x1de: {  	s7 =	sadd.s32 $0xFFFFFF10, s4;
	v9 =	vld [tilespmem:s5+$0xFFFFFF90];
	v6 =	vmul.f32 v60, v59;
	v4 =	vmul.f32 v5, v4;
	v5 =	vadd.f32 v13, v32  }
0x1df: {  	v23 =	vor.u32 s7, v10;
	v61 =	vadd.f32 v13, v33;
	v8 =	vld [tilespmem:s5+$0xFFFFEB50]  }
0x1e0: {  	v18 =	vmin.f32 v31, v62;
	v59 =	vadd.f32 v16, v32;
	v5 =	vsub.f32 v5, v6  }
0x1e1: {  	v25 =	vmin.f32 v31, v22;
	v60 =	vadd.f32 v16, v33;
	v7 =	vsub.f32 v61, v4  }
0x1e2: {  	v19 =	vmax.f32 v29, v11;
	v11 =	vmax.f32 v35, v11;
	v5 =	vmax.f32 v5, $9.999999930e-09  }
0x1e3: {  	v7 =	vmax.f32 v7, $9.999999930e-09;
	v14 =	vmin.f32 v30, v9;
	v5 =	vmul.f32 $5.000000000e-01, v5  }
0x1e4: {  	v63 =	vld [tilespmem:s6+$0xFFFFFF80];
	v15 =	vmax.f32 v28, v8;
	v20 =	vmin.f32 v36, v9;
	v7 =	vmul.f32 $5.000000000e-01, v7  }
0x1e5: {  	v8 =	vmax.f32 v34, v8;
	v9 =	vmin.f32 v37, v62;
	vm3 =	vgt.f32 v6, v5  }
0x1e6: {  	vm4 =	vgt.f32 v4, v7;
	v4 =	vld [tilespmem:s5+$0x13D0];
	v5 =	vsub.f32 v14, v15;
	v6 =	vsub.f32 v18, v19  }
0x1e7: {  	s8 =	sadd.s32 $0xFFFFFF20, s4;
	v12 =	vmin.f32 v37, v22;
	v7 =	vsub.f32 v20, v8;
	v8 =	vsub.f32 v9, v11;
	v11 =	vld [tilespmem:s5+$0xFFFFF580]  }
0x1e8: {  	v62 =	vor.u32 s8, v10;
	vm3 =	vmor vm3, vm4;
	v5 =	vmax.f32 v5, $0.0e+00  }
0x1e9: {  	v9 =	vld [tilespmem:s5+$0xFFFFEB60];
	v6 =	vmax.f32 v6, $0.0e+00;
	v38 =	vsel vm3, $0xBF800000, v63;
	v7 =	vmax.f32 v7, $0.0e+00  }
0x1ea: {  	v8 =	vmax.f32 v8, $0.0e+00;
	v5 =	vmul.f32 v6, v5;
	vm3 =	vgt.f32 v38, v2  }
0x1eb: {  	v7 =	vmul.f32 v8, v7;
	vm9 =	vgt.f32 v38, v0;
	vm3 =	vmneg vm3  }
0x1ec: {  	v61 =	vld [tilespmem:s5+$0x9D0];
	v21 =	vadd.f32 v4, v32;
	v26 =	vmax.f32 v29, v11;
	v11 =	vmax.f32 v35, v11  }
0x1ed: {  	v4 =	vadd.f32 v4, v33;
	vm4 =	vmand vm9, vm3;
	v41 =	vsub.f32 v12, v11;
	v11 =	vld [tilespmem:s5+$0xFFFFF590]  }
0x1ee: {  	v8 =	vld [tilespmem:s5+$0xFFFFFFA0];
	v24 =	vmax.f32 v28, v9;
	v9 =	vmax.f32 v34, v9;
	v6 =	vsub.f32 v21, v5  }
0x1ef: {  	v0 =	vsel vm4, v38, v0;
	v39 =	vsub.f32 v25, v26;
	v4 =	vsub.f32 v4, v7  }
0x1f0: {  	v3 =	vsel vm4, v23, v3;
	v0 =	vsel vm3, v0, v2;
	v6 =	vmax.f32 v6, $9.999999930e-09  }
0x1f1: {  	v21 =	vmin.f32 v31, v61;
	v4 =	vmax.f32 v4, $9.999999930e-09;
	v6 =	vmul.f32 $5.000000000e-01, v6  }
0x1f2: {  	v40 =	vld [tilespmem:s6+$0xFFFFFF90];
	v42 =	vmax.f32 v41, $0.0e+00;
	v4 =	vmul.f32 $5.000000000e-01, v4;
	v22 =	vmax.f32 v29, v11  }
0x1f3: {  	v11 =	vmax.f32 v35, v11;
	vm5 =	vgt.f32 v5, v6;
	v5 =	vmin.f32 v30, v8  }
0x1f4: {  	v8 =	vmin.f32 v36, v8;
	vm6 =	vgt.f32 v7, v4;
	v6 =	vmax.f32 v39, $0.0e+00  }
0x1f5: {  	v5 =	vsub.f32 v5, v24;
	v4 =	vsub.f32 v8, v9;
	vm5 =	vmor vm5, vm6  }
0x1f6: {  	v8 =	vsel vm3, v2, v38;
	v9 =	vld [tilespmem:s5+$0xFFFFEB70];
	v2 =	vsel vm3, v3, v1;
	v1 =	vsel vm3, v1, v23  }
0x1f7: {  	v23 =	vld [tilespmem:s5+$0x13F0];
	v39 =	vsel vm5, $0xBF800000, v40;
	v5 =	vmax.f32 v5, $0.0e+00;
	v4 =	vmax.f32 v4, $0.0e+00  }
0x1f8: {  	vm10 =	vgt.f32 v39, v8;
	v5 =	vmul.f32 v6, v5;
	v4 =	vmul.f32 v42, v4  }
0x1f9: {  	v24 =	vsub.f32 v21, v22;
	vm12 =	vgt.f32 v39, v0;
	vm11 =	vmneg vm10  }
0x1fa: {  	vm4 =	vmand vm12, vm11;
	v6 =	vsub.f32 v59, v5;
	v7 =	vsub.f32 v60, v4  }
0x1fb: {  	v0 =	vsel vm4, v39, v0;
	v2 =	vsel vm4, v62, v2;
	v20 =	vmax.f32 v28, v9  }
0x1fc: {  	s9 =	sadd.s32 $0xFFFFFF30, s4;
	s8 =	sadd.s32 $0xFFFFFF40, s4;
	v3 =	vld [tilespmem:s5+$0xFFFFFFB0];
	v25 =	vmax.f32 v34, v9;
	v9 =	vmin.f32 v37, v61;
	v42 =	vadd.f32 v23, v32  }
0x1fd: {  	v59 =	vadd.f32 v23, v33;
	v60 =	vor.u32 s9, v10;
	v61 =	vld [tilespmem:s5+$0x9E0];
	v23 =	vor.u32 s8, v10  }
0x1fe: {  	v26 =	vsub.f32 v9, v11;
	v9 =	vld [tilespmem:s5+$0xFFFFEB80];
	v6 =	vmax.f32 v6, $9.999999930e-09;
	v7 =	vmax.f32 v7, $9.999999930e-09  }
0x1ff: {  	v0 =	vsel vm11, v0, v8;
	v11 =	vld [tilespmem:s5+$0xFFFFF5A0];
	v6 =	vmul.f32 $5.000000000e-01, v6;
	v7 =	vmul.f32 $5.000000000e-01, v7  }
0x200: {  	v63 =	vld [tilespmem:s6+$0xFFFFFFA0];
	v2 =	vsel vm11, v2, v1;
	v1 =	vsel vm11, v1, v62;
	v41 =	vmax.f32 v26, $0.0e+00  }
0x201: {  	vm3 =	vgt.f32 v5, v6;
	vm13 =	vgt.f32 v4, v7;
	v4 =	vsel vm11, v8, v39  }
0x202: {  	v5 =	vmin.f32 v30, v3;
	v3 =	vmin.f32 v36, v3;
	v6 =	vmax.f32 v24, $0.0e+00  }
0x203: {  	v19 =	vmin.f32 v31, v61;
	vm3 =	vmor vm3, vm13;
	v5 =	vsub.f32 v5, v20  }
0x204: {  	v8 =	vld [tilespmem:s5+$0xFFFFFFC0];
	v3 =	vsub.f32 v3, v25;
	v17 =	vmax.f32 v28, v9;
	v20 =	vmax.f32 v29, v11  }
0x205: {  	v11 =	vmax.f32 v35, v11;
	v40 =	vsel vm3, $0xBF800000, v63;
	v5 =	vmax.f32 v5, $0.0e+00  }
0x206: {  	vm3 =	vgt.f32 v40, v4;
	v3 =	vmax.f32 v3, $0.0e+00;
	v5 =	vmul.f32 v6, v5  }
0x207: {  	v3 =	vmul.f32 v41, v3;
	vm14 =	vmneg vm3;
	vm3 =	vgt.f32 v40, v0  }
0x208: {  	vm3 =	vmand vm3, vm14;
	v14 =	vsel vm14, v4, v40;
	v6 =	vsub.f32 v42, v5  }
0x209: {  	v63 =	vmin.f32 v30, v8;
	v21 =	vmin.f32 v36, v8;
	v7 =	vsub.f32 v59, v3  }
0x20a: {  	v8 =	vmax.f32 v34, v9;
	v0 =	vsel vm3, v40, v0;
	v42 =	vld [tilespmem:s5+$0x1410];
	v6 =	vmax.f32 v6, $9.999999930e-09  }
0x20b: {  	v0 =	vsel vm14, v0, v4;
	v4 =	vld [tilespmem:s5+$0x9F0];
	v7 =	vmax.f32 v7, $9.999999930e-09;
	v6 =	vmul.f32 $5.000000000e-01, v6  }
0x20c: {  	v9 =	vmin.f32 v37, v61;
	v2 =	vsel vm3, v60, v2;
	v7 =	vmul.f32 $5.000000000e-01, v7  }
0x20d: {  	v62 =	vld [tilespmem:s6+$0xFFFFFFB0];
	v2 =	vsel vm14, v2, v1;
	vm3 =	vgt.f32 v5, v6;
	v5 =	vsub.f32 v63, v17  }
0x20e: {  	vm15 =	vgt.f32 v3, v7;
	v6 =	vsub.f32 v19, v20;
	v7 =	vsub.f32 v21, v8  }
0x20f: {  	s9 =	sadd.s32 $0xFFFFFF50, s4;
	v1 =	vsel vm14, v1, v60;
	v3 =	vld [tilespmem:s5+$0x1400];
	v8 =	vsub.f32 v9, v11;
	v61 =	vadd.f32 v42, v33  }
0x210: {  	v9 =	vld [tilespmem:s5+$0xFFFFEB90];
	v20 =	vor.u32 s9, v10;
	vm3 =	vmor vm3, vm15;
	v25 =	vmin.f32 v31, v4  }
0x211: {  	v11 =	vld [tilespmem:s5+$0xFFFFF5B0];
	v4 =	vmin.f32 v37, v4;
	v5 =	vmax.f32 v5, $0.0e+00;
	v6 =	vmax.f32 v6, $0.0e+00  }
0x212: {  	v41 =	vsel vm3, $0xBF800000, v62;
	v7 =	vmax.f32 v7, $0.0e+00;
	v8 =	vmax.f32 v8, $0.0e+00  }
0x213: {  	v5 =	vmul.f32 v6, v5;
	vm3 =	vgt.f32 v41, v14;
	v7 =	vmul.f32 v8, v7  }
0x214: {  	vm8 =	vgt.f32 v41, v0;
	vm3 =	vmneg vm3;
	v22 =	vadd.f32 v3, v32  }
0x215: {  	v3 =	vadd.f32 v3, v33;
	vm9 =	vmand vm8, vm3;
	v24 =	vmax.f32 v28, v9  }
0x216: {  	v8 =	vld [tilespmem:s5+$0xFFFFFFD0];
	v26 =	vmax.f32 v29, v11;
	v9 =	vmax.f32 v34, v9;
	v6 =	vsub.f32 v22, v5  }
0x217: {  	v11 =	vmax.f32 v35, v11;
	v62 =	vsel vm3, v14, v41;
	v0 =	vsel vm9, v41, v0  }
0x218: {  	v63 =	vld [tilespmem:s5+$0xA00];
	v59 =	vsub.f32 v25, v26;
	v3 =	vsub.f32 v3, v7;
	v6 =	vmax.f32 v6, $9.999999930e-09  }
0x219: {  	v4 =	vsub.f32 v4, v11;
	v2 =	vsel vm9, v23, v2;
	v6 =	vmul.f32 $5.000000000e-01, v6  }
0x21a: {  	v0 =	vsel vm3, v0, v14;
	v2 =	vsel vm3, v2, v1;
	v3 =	vmax.f32 v3, $9.999999930e-09  }
0x21b: {  	v60 =	vld [tilespmem:s6+$0xFFFFFFC0];
	v3 =	vmul.f32 $5.000000000e-01, v3;
	vm10 =	vgt.f32 v5, v6;
	v5 =	vmin.f32 v30, v8  }
0x21c: {  	v11 =	vld [tilespmem:s5+$0xFFFFFFE0];
	v1 =	vsel vm3, v1, v23;
	v8 =	vmin.f32 v36, v8;
	v5 =	vsub.f32 v5, v24  }
0x21d: {  	v22 =	vmin.f32 v31, v63;
	vm11 =	vgt.f32 v7, v3;
	v3 =	vsub.f32 v8, v9;
	v9 =	vld [tilespmem:s5+$0xFFFFF5C0]  }
0x21e: {  	v4 =	vmax.f32 v4, $0.0e+00;
	v6 =	vmax.f32 v59, $0.0e+00;
	v24 =	vld [tilespmem:s5+$0x1420];
	v5 =	vmax.f32 v5, $0.0e+00  }
0x21f: {  	vm5 =	vmor vm10, vm11;
	v3 =	vmax.f32 v3, $0.0e+00;
	v5 =	vmul.f32 v6, v5  }
0x220: {  	v3 =	vmul.f32 v4, v3;
	v4 =	vadd.f32 v42, v32;
	v42 =	vsel vm5, $0xBF800000, v60  }
0x221: {  	v25 =	vmin.f32 v36, v11;
	vm12 =	vgt.f32 v42, v62;
	vm14 =	vgt.f32 v42, v0  }
0x222: {  	v4 =	vsub.f32 v4, v5;
	v6 =	vsub.f32 v61, v3;
	vm13 =	vmneg vm12  }
0x223: {  	s8 =	sadd.s32 $0xFFFFFF60, s4;
	v23 =	vmax.f32 v29, v9;
	v9 =	vmax.f32 v35, v9;
	v59 =	vadd.f32 v24, v32  }
0x224: {  	v8 =	vld [tilespmem:s5+$0xFFFFEBA0];
	v61 =	vor.u32 s8, v10;
	vm4 =	vmand vm14, vm13;
	v4 =	vmax.f32 v4, $9.999999930e-09  }
0x225: {  	v12 =	vsel vm13, v1, v20;
	v6 =	vmax.f32 v6, $9.999999930e-09;
	v4 =	vmul.f32 $5.000000000e-01, v4  }
0x226: {  	v21 =	vld [tilespmem:s6+$0xFFFFFFD0];
	v0 =	vsel vm4, v42, v0;
	v2 =	vsel vm4, v20, v2;
	v6 =	vmul.f32 $5.000000000e-01, v6  }
0x227: {  	v60 =	vld [tilespmem:s5+$0xFFFFFFF0];
	v0 =	vsel vm13, v0, v62;
	v2 =	vsel vm13, v2, v1;
	vm3 =	vgt.f32 v5, v4  }
0x228: {  	vm15 =	vgt.f32 v3, v6;
	v3 =	vsel vm13, v62, v42;
	v4 =	vmin.f32 v30, v11  }
0x229: {  	v5 =	vmax.f32 v28, v8;
	v8 =	vmax.f32 v34, v8;
	v11 =	vmin.f32 v37, v63  }
0x22a: {  	vm3 =	vmor vm3, vm15;
	v4 =	vsub.f32 v4, v5;
	v5 =	vsub.f32 v22, v23  }
0x22b: {  	s9 =	sadd.s32 $0xFFFFFF70, s4;
	v6 =	vsub.f32 v25, v8;
	v8 =	vsub.f32 v11, v9;
	v17 =	vsel vm3, $0xBF800000, v21  }
0x22c: {  	v7 =	vmin.f32 v36, v60;
	v22 =	vor.u32 s9, v10;
	vm3 =	vgt.f32 v17, v3  }
0x22d: {  	v1 =	vld [tilespmem:s5+$0xA10];
	v4 =	vmax.f32 v4, $0.0e+00;
	v5 =	vmax.f32 v5, $0.0e+00;
	v26 =	vmax.f32 v8, $0.0e+00  }
0x22e: {  	v8 =	vadd.f32 v24, v33;
	v4 =	vmul.f32 v5, v4;
	v5 =	vmax.f32 v6, $0.0e+00  }
0x22f: {  	v9 =	vld [tilespmem:s5+$0xFFFFEBB0];
	s9 =	sadd.s32 $0xFFFFFF90, s4;
	vm8 =	vmneg vm3;
	vm3 =	vgt.f32 v17, v0;
	v5 =	vmul.f32 v26, v5  }
0x230: {  	v63 =	vmin.f32 v30, v60;
	v11 =	vld [tilespmem:s5+$0xFFFFF5D0];
	v13 =	vor.u32 s9, v10;
	vm3 =	vmand vm3, vm8  }
0x231: {  	v26 =	vld [tilespmem:s5+$0x1440];
	v6 =	vsub.f32 v59, v4;
	v0 =	vsel vm3, v17, v0;
	v8 =	vsub.f32 v8, v5  }
0x232: {  	v20 =	vmin.f32 v31, v1;
	v14 =	vsel vm8, v3, v17;
	v0 =	vsel vm8, v0, v3;
	v3 =	vld [tilespmem:s5+$0xA20]  }
0x233: {  	v1 =	vmin.f32 v37, v1;
	v6 =	vmax.f32 v6, $9.999999930e-09;
	v8 =	vmax.f32 v8, $9.999999930e-09  }
0x234: {  	v2 =	vsel vm3, v61, v2;
	v6 =	vmul.f32 $5.000000000e-01, v6;
	v8 =	vmul.f32 $5.000000000e-01, v8  }
0x235: {  	v62 =	vld [tilespmem:s6+$0xFFFFFFE0];
	v18 =	vmax.f32 v28, v9;
	v2 =	vsel vm8, v2, v12;
	v12 =	vsel vm8, v12, v61  }
0x236: {  	v61 =	vadd.f32 v26, v33;
	vm3 =	vgt.f32 v4, v6;
	vm9 =	vgt.f32 v5, v8  }
0x237: {  	v4 =	vld [tilespmem:s5+$0x1430];
	v5 =	vsub.f32 v63, v18;
	v8 =	vmax.f32 v29, v11;
	v24 =	vmin.f32 v31, v3  }
0x238: {  	v3 =	vmin.f32 v37, v3;
	vm3 =	vmor vm3, vm9;
	v6 =	vsub.f32 v20, v8  }
0x239: {  	v8 =	vmax.f32 v34, v9;
	v9 =	vmax.f32 v35, v11;
	v5 =	vmax.f32 v5, $0.0e+00  }
0x23a: {  	v11 =	vld [tilespmem:s5+$0xFFFFF5E0];
	v7 =	vsub.f32 v7, v8;
	v8 =	vsub.f32 v1, v9;
	v1 =	vsel vm3, $0xBF800000, v62  }
0x23b: {  	v9 =	vld [tilespmem:s5+$0xFFFFEBC0];
	v6 =	vmax.f32 v6, $0.0e+00;
	vm3 =	vgt.f32 v1, v14;
	vm10 =	vgt.f32 v1, v0  }
0x23c: {  	v5 =	vmul.f32 v6, v5;
	v21 =	vadd.f32 v4, v32;
	v7 =	vmax.f32 v7, $0.0e+00  }
0x23d: {  	v8 =	vmax.f32 v8, $0.0e+00;
	v4 =	vadd.f32 v4, v33;
	vm3 =	vmneg vm3  }
0x23e: {  	v7 =	vmul.f32 v8, v7;
	vm11 =	vmand vm10, vm3;
	v6 =	vsub.f32 v21, v5  }
0x23f: {  	v8 =	vld [tilespmem:s5+$0x0];
	v0 =	vsel vm11, v1, v0;
	v25 =	vmax.f32 v29, v11;
	v11 =	vmax.f32 v35, v11  }
0x240: {  	v62 =	vsel vm11, v22, v2;
	v21 =	vld [tilespmem:s5+$0xA30];
	v4 =	vsub.f32 v4, v7;
	v23 =	vmax.f32 v28, v9  }
0x241: {  	v59 =	vsub.f32 v24, v25;
	v3 =	vsub.f32 v3, v11;
	v6 =	vmax.f32 v6, $9.999999930e-09  }
0x242: {  	v9 =	vmax.f32 v34, v9;
	v6 =	vmul.f32 $5.000000000e-01, v6;
	v4 =	vmax.f32 v4, $9.999999930e-09  }
0x243: {  	v11 =	vld [tilespmem:s5+$0xFFFFF5F0];
	v0 =	vsel vm3, v0, v14;
	v3 =	vmax.f32 v3, $0.0e+00;
	v4 =	vmul.f32 $5.000000000e-01, v4  }
0x244: {  	v60 =	vld [tilespmem:s6+$0xFFFFFFF0];
	vm12 =	vgt.f32 v5, v6;
	v5 =	vmin.f32 v30, v8;
	v8 =	vmin.f32 v36, v8  }
0x245: {  	v6 =	vmax.f32 v59, $0.0e+00;
	v24 =	vmin.f32 v31, v21;
	v15 =	vmin.f32 v37, v21  }
0x246: {  	v5 =	vsub.f32 v5, v23;
	vm13 =	vgt.f32 v7, v4;
	v4 =	vsub.f32 v8, v9  }
0x247: {  	s8 =	sadd.s32 $0xFFFFFF80, s4;
	v8 =	vsel vm3, v14, v1;
	v7 =	vsel vm3, v62, v12;
	v12 =	vsel vm3, v12, v22  }
0x248: {  	v63 =	vld [tilespmem:s5+$0x10];
	v22 =	vor.u32 s8, v10;
	v25 =	vmax.f32 v29, v11;
	vm5 =	vmor vm12, vm13  }
0x249: {  	v5 =	vmax.f32 v5, $0.0e+00;
	v4 =	vmax.f32 v4, $0.0e+00;
	v2 =	vsel vm5, $0xBF800000, v60  }
0x24a: {  	v5 =	vmul.f32 v6, v5;
	v3 =	vmul.f32 v3, v4;
	v4 =	vadd.f32 v26, v32  }
0x24b: {  	v59 =	vld [tilespmem:s5+$0xFFFFEBE0];
	v11 =	vmax.f32 v35, v11;
	vm14 =	vgt.f32 v2, v8;
	vm8 =	vgt.f32 v2, v0  }
0x24c: {  	vm15 =	vmneg vm14;
	v4 =	vsub.f32 v4, v5;
	v6 =	vsub.f32 v61, v3  }
0x24d: {  	v9 =	vld [tilespmem:s5+$0xFFFFEBD0];
	v14 =	vmin.f32 v36, v63;
	v11 =	vsub.f32 v15, v11;
	vm4 =	vmand vm8, vm15  }
0x24e: {  	v0 =	vsel vm4, v2, v0;
	v4 =	vmax.f32 v4, $9.999999930e-09;
	v6 =	vmax.f32 v6, $9.999999930e-09  }
0x24f: {  	v23 =	vld [tilespmem:s6+$0x0];
	v7 =	vsel vm4, v22, v7;
	v4 =	vmul.f32 $5.000000000e-01, v4;
	v6 =	vmul.f32 $5.000000000e-01, v6  }
0x250: {  	v60 =	vld [tilespmem:s5+$0xFFFFF600];
	v21 =	vmax.f32 v28, v59;
	v0 =	vsel vm15, v0, v8;
	v7 =	vsel vm15, v7, v12  }
0x251: {  	v12 =	vsel vm15, v12, v22;
	vm3 =	vgt.f32 v5, v4;
	vm9 =	vgt.f32 v3, v6  }
0x252: {  	v19 =	vld [tilespmem:s5+$0x1450];
	v5 =	vsel vm15, v8, v2;
	v3 =	vmin.f32 v30, v63;
	v4 =	vmax.f32 v28, v9  }
0x253: {  	v6 =	vsub.f32 v24, v25;
	v9 =	vmax.f32 v34, v9;
	vm3 =	vmor vm3, vm9  }
0x254: {  	v8 =	vld [tilespmem:s5+$0x20];
	v4 =	vsub.f32 v3, v4;
	v9 =	vsub.f32 v14, v9;
	v3 =	vsel vm3, $0xBF800000, v23  }
0x255: {  	v22 =	vmax.f32 v35, v60;
	v63 =	vld [tilespmem:s5+$0x1460];
	v6 =	vmax.f32 v6, $0.0e+00;
	vm3 =	vgt.f32 v3, v5  }
0x256: {  	v25 =	vld [tilespmem:s5+$0xFFFFEBF0];
	v4 =	vmax.f32 v4, $0.0e+00;
	v26 =	vmax.f32 v9, $0.0e+00;
	v9 =	vmax.f32 v11, $0.0e+00  }
0x257: {  	v11 =	vadd.f32 v19, v33;
	v4 =	vmul.f32 v6, v4;
	v6 =	vmul.f32 v9, v26  }
0x258: {  	v9 =	vadd.f32 v19, v32;
	vm10 =	vmneg vm3;
	vm3 =	vgt.f32 v3, v0  }
0x259: {  	vm3 =	vmand vm3, vm10;
	v18 =	vsel vm10, v5, v3;
	v20 =	vmin.f32 v30, v8  }
0x25a: {  	v26 =	vld [tilespmem:s5+$0xFFFFF610];
	v8 =	vmin.f32 v36, v8;
	v24 =	vadd.f32 v63, v32;
	v9 =	vsub.f32 v9, v4  }
0x25b: {  	v61 =	vld [tilespmem:s5+$0xA40];
	v15 =	vmax.f32 v34, v25;
	v11 =	vsub.f32 v11, v6;
	v0 =	vsel vm3, v3, v0  }
0x25c: {  	v7 =	vsel vm3, v13, v7;
	v0 =	vsel vm10, v0, v5;
	v9 =	vmax.f32 v9, $9.999999930e-09  }
0x25d: {  	s8 =	sadd.s32 $0xFFFFFFA0, s4;
	v5 =	vsel vm10, v7, v12;
	v11 =	vmax.f32 v11, $9.999999930e-09;
	v9 =	vmul.f32 $5.000000000e-01, v9  }
0x25e: {  	v12 =	vsel vm10, v12, v13;
	v13 =	vor.u32 s8, v10;
	v11 =	vmul.f32 $5.000000000e-01, v11  }
0x25f: {  	v62 =	vld [tilespmem:s6+$0x10];
	v16 =	vmax.f32 v35, v26;
	vm3 =	vgt.f32 v4, v9;
	v4 =	vsub.f32 v20, v21  }
0x260: {  	vm11 =	vgt.f32 v6, v11;
	v9 =	vmin.f32 v31, v61;
	v11 =	vmax.f32 v29, v60  }
0x261: {  	v6 =	vadd.f32 v63, v33;
	v60 =	vld [tilespmem:s5+$0xA50];
	v20 =	vmax.f32 v4, $0.0e+00;
	v4 =	vsub.f32 v9, v11  }
0x262: {  	vm3 =	vmor vm3, vm11;
	v9 =	vmax.f32 v34, v59;
	v11 =	vmin.f32 v37, v61  }
0x263: {  	v59 =	vld [tilespmem:s5+$0x30];
	v8 =	vsub.f32 v8, v9;
	v9 =	vsub.f32 v11, v22;
	v23 =	vmax.f32 v4, $0.0e+00  }
0x264: {  	v4 =	vsel vm3, $0xBF800000, v62;
	v62 =	vmax.f32 v29, v26;
	v11 =	vmul.f32 v23, v20  }
0x265: {  	v26 =	vld [tilespmem:s5+$0xFFFFEC00];
	vm3 =	vgt.f32 v4, v18;
	v8 =	vmax.f32 v8, $0.0e+00;
	v9 =	vmax.f32 v9, $0.0e+00  }
0x266: {  	v61 =	vmin.f32 v31, v60;
	v7 =	vmin.f32 v37, v60;
	v60 =	vld [tilespmem:s5+$0x40];
	v8 =	vmul.f32 v9, v8  }
0x267: {  	vm12 =	vgt.f32 v4, v0;
	vm3 =	vmneg vm3;
	v9 =	vsub.f32 v24, v11  }
0x268: {  	vm13 =	vmand vm12, vm3;
	v14 =	vmin.f32 v36, v59;
	v6 =	vsub.f32 v6, v8  }
0x269: {  	v63 =	vld [tilespmem:s5+$0x1470];
	v0 =	vsel vm13, v4, v0;
	v24 =	vsub.f32 v14, v15;
	v14 =	vsel vm3, v18, v4  }
0x26a: {  	v9 =	vmax.f32 v9, $9.999999930e-09;
	v0 =	vsel vm3, v0, v18;
	v15 =	vmax.f32 v34, v26  }
0x26b: {  	v9 =	vmul.f32 $5.000000000e-01, v9;
	v6 =	vmax.f32 v6, $9.999999930e-09;
	v18 =	vmin.f32 v36, v60  }
0x26c: {  	v7 =	vsub.f32 v7, v16;
	v6 =	vmul.f32 $5.000000000e-01, v6;
	v15 =	vsub.f32 v18, v15  }
0x26d: {  	v23 =	vld [tilespmem:s6+$0x20];
	vm14 =	vgt.f32 v11, v9;
	v9 =	vmin.f32 v30, v59;
	v11 =	vmax.f32 v28, v25  }
0x26e: {  	v7 =	vmax.f32 v7, $0.0e+00;
	v25 =	vadd.f32 v63, v32;
	v9 =	vsub.f32 v9, v11  }
0x26f: {  	v11 =	vsub.f32 v61, v62;
	vm15 =	vgt.f32 v8, v6;
	v6 =	vmax.f32 v24, $0.0e+00  }
0x270: {  	v18 =	vld [tilespmem:s5+$0xFFFFF630];
	v24 =	vmax.f32 v28, v26;
	v15 =	vmax.f32 v15, $0.0e+00;
	vm5 =	vmor vm14, vm15  }
0x271: {  	v59 =	vld [tilespmem:s5+$0xFFFFF620];
	v6 =	vmul.f32 v7, v6;
	v8 =	vmax.f32 v9, $0.0e+00;
	v9 =	vmax.f32 v11, $0.0e+00  }
0x272: {  	v11 =	vsel vm13, v13, v5;
	v5 =	vsel vm5, $0xBF800000, v23;
	v23 =	vmin.f32 v30, v60  }
0x273: {  	v61 =	vld [tilespmem:s5+$0xA60];
	v8 =	vmul.f32 v9, v8;
	v9 =	vadd.f32 v63, v33;
	vm9 =	vgt.f32 v5, v14  }
0x274: {  	s9 =	sadd.s32 $0xFFFFFFB0, s4;
	v11 =	vsel vm3, v11, v12;
	vm5 =	vgt.f32 v5, v0;
	v12 =	vsel vm3, v12, v13  }
0x275: {  	v63 =	vor.u32 s9, v10;
	v22 =	vmax.f32 v29, v18;
	v18 =	vmax.f32 v35, v18  }
0x276: {  	vm4 =	vmneg vm9;
	v16 =	vmax.f32 v35, v59;
	v7 =	vsub.f32 v25, v8  }
0x277: {  	v9 =	vsub.f32 v9, v6;
	vm5 =	vmand vm5, vm4;
	v25 =	vmax.f32 v29, v59  }
0x278: {  	v60 =	vld [tilespmem:s5+$0xFFFFEC10];
	v26 =	vmin.f32 v37, v61;
	v0 =	vsel vm5, v5, v0;
	v7 =	vmax.f32 v7, $9.999999930e-09  }
0x279: {  	v62 =	vld [tilespmem:s6+$0x30];
	v11 =	vsel vm5, v63, v11;
	v9 =	vmax.f32 v9, $9.999999930e-09;
	v7 =	vmul.f32 $5.000000000e-01, v7  }
0x27a: {  	v0 =	vsel vm4, v0, v14;
	v14 =	vsel vm4, v14, v5;
	v9 =	vmul.f32 $5.000000000e-01, v9  }
0x27b: {  	v11 =	vsel vm4, v11, v12;
	v12 =	vsel vm4, v12, v63;
	v63 =	vld [tilespmem:s5+$0xA70];
	vm3 =	vgt.f32 v8, v7  }
0x27c: {  	vm10 =	vgt.f32 v6, v9;
	v8 =	vld [tilespmem:s5+$0x1480];
	v7 =	vsub.f32 v23, v24;
	v9 =	vmin.f32 v31, v61  }
0x27d: {  	s8 =	sadd.s32 $0xFFFFFFC0, s4;
	v13 =	vmax.f32 v34, v60;
	v61 =	vld [tilespmem:s5+$0x50];
	vm3 =	vmor vm3, vm10;
	v9 =	vsub.f32 v9, v25  }
0x27e: {  	v6 =	vsel vm3, $0xBF800000, v62;
	v7 =	vmax.f32 v7, $0.0e+00;
	v62 =	vor.u32 s8, v10  }
0x27f: {  	vm3 =	vgt.f32 v6, v14;
	v9 =	vmax.f32 v9, $0.0e+00;
	vm11 =	vgt.f32 v6, v0  }
0x280: {  	v21 =	vld [tilespmem:s5+$0xFFFFEC20];
	v7 =	vmul.f32 v9, v7;
	v9 =	vsub.f32 v26, v16;
	vm3 =	vmneg vm3  }
0x281: {  	v23 =	vld [tilespmem:s5+$0x60];
	v26 =	vmax.f32 v28, v60;
	v60 =	vmin.f32 v37, v63;
	v59 =	vadd.f32 v8, v32  }
0x282: {  	v8 =	vadd.f32 v8, v33;
	vm4 =	vmand vm11, vm3;
	v25 =	vmin.f32 v30, v61  }
0x283: {  	v9 =	vmax.f32 v9, $0.0e+00;
	v11 =	vsel vm4, v62, v11;
	v0 =	vsel vm4, v6, v0  }
0x284: {  	v16 =	vsub.f32 v59, v7;
	v9 =	vmul.f32 v9, v15;
	v11 =	vsel vm3, v11, v12  }
0x285: {  	v12 =	vsel vm3, v12, v62;
	v59 =	vmin.f32 v31, v63;
	v15 =	vmin.f32 v36, v61  }
0x286: {  	v62 =	vmin.f32 v30, v23;
	v63 =	vmax.f32 v28, v21;
	v21 =	vmax.f32 v34, v21  }
0x287: {  	v20 =	vld [tilespmem:s5+$0xA80];
	v0 =	vsel vm3, v0, v14;
	v19 =	vsub.f32 v59, v22;
	v13 =	vsub.f32 v15, v13  }
0x288: {  	v22 =	vld [tilespmem:s5+$0xFFFFF640];
	v15 =	vsub.f32 v60, v18;
	v16 =	vmax.f32 v16, $9.999999930e-09;
	v8 =	vsub.f32 v8, v9  }
0x289: {  	v14 =	vsel vm3, v14, v6;
	v60 =	vmin.f32 v36, v23;
	v16 =	vmul.f32 $5.000000000e-01, v16  }
0x28a: {  	v23 =	vld [tilespmem:s5+$0xA90];
	v61 =	vmax.f32 v15, $0.0e+00;
	v15 =	vsub.f32 v62, v63;
	v24 =	vmax.f32 v8, $9.999999930e-09  }
0x28b: {  	v19 =	vmax.f32 v19, $0.0e+00;
	vm12 =	vgt.f32 v7, v16;
	v7 =	vmul.f32 $5.000000000e-01, v24  }
0x28c: {  	v8 =	vld [tilespmem:s5+$0x1490];
	v16 =	vsub.f32 v25, v26;
	v26 =	vmin.f32 v31, v20;
	v15 =	vmax.f32 v15, $0.0e+00  }
0x28d: {  	v20 =	vmin.f32 v37, v20;
	v59 =	vmax.f32 v29, v22;
	v22 =	vmax.f32 v35, v22  }
0x28e: {  	v25 =	vld [tilespmem:s5+$0x14A0];
	v16 =	vmax.f32 v16, $0.0e+00;
	vm13 =	vgt.f32 v9, v7;
	v9 =	vmax.f32 v13, $0.0e+00  }
0x28f: {  	v62 =	vld [tilespmem:s5+$0x70];
	v18 =	vsub.f32 v26, v59;
	v20 =	vsub.f32 v20, v22;
	v59 =	vmin.f32 v31, v23  }
0x290: {  	v7 =	vmul.f32 v19, v16;
	v9 =	vmul.f32 v61, v9;
	v19 =	vsub.f32 v60, v21  }
0x291: {  	v22 =	vld [tilespmem:s5+$0xFFFFF650];
	vm4 =	vmor vm12, vm13;
	v24 =	vadd.f32 v8, v32;
	v18 =	vmax.f32 v18, $0.0e+00  }
0x292: {  	v8 =	vadd.f32 v8, v33;
	v20 =	vmax.f32 v20, $0.0e+00;
	v15 =	vmul.f32 v18, v15  }
0x293: {  	v18 =	vld [tilespmem:s5+$0xFFFFEC30];
	v19 =	vmax.f32 v19, $0.0e+00;
	v61 =	vadd.f32 v25, v32;
	v16 =	vadd.f32 v25, v33  }
0x294: {  	v25 =	vmin.f32 v30, v62;
	v13 =	vsub.f32 v24, v7;
	v8 =	vsub.f32 v8, v9  }
0x295: {  	v62 =	vmin.f32 v36, v62;
	v19 =	vmul.f32 v20, v19;
	v21 =	vsub.f32 v61, v15  }
0x296: {  	v63 =	vld [tilespmem:s6+$0x40];
	v60 =	vmax.f32 v29, v22;
	v13 =	vmax.f32 v13, $9.999999930e-09;
	v8 =	vmax.f32 v8, $9.999999930e-09  }
0x297: {  	s9 =	sadd.s32 $0xFFFFFFD0, s4;
	v16 =	vsub.f32 v16, v19;
	v13 =	vmul.f32 $5.000000000e-01, v13;
	v8 =	vmul.f32 $5.000000000e-01, v8  }
0x298: {  	v24 =	vmax.f32 v21, $9.999999930e-09;
	v21 =	vor.u32 s9, v10;
	v26 =	vmax.f32 v28, v18  }
0x299: {  	v18 =	vmax.f32 v34, v18;
	vm14 =	vgt.f32 v7, v13;
	vm7 =	vgt.f32 v9, v8  }
0x29a: {  	v61 =	vld [tilespmem:s6+$0x50];
	v8 =	vmul.f32 $5.000000000e-01, v24;
	v9 =	vmax.f32 v16, $9.999999930e-09;
	v13 =	vsub.f32 v25, v26  }
0x29b: {  	v7 =	vsel vm4, $0xBF800000, v63;
	v63 =	vsub.f32 v62, v18;
	v24 =	vmin.f32 v37, v23  }
0x29c: {  	v25 =	vmax.f32 v35, v22;
	v9 =	vmul.f32 $5.000000000e-01, v9;
	vm9 =	vgt.f32 v7, v14  }
0x29d: {  	vm6 =	vmor vm14, vm7;
	vm10 =	vgt.f32 v7, v0;
	v18 =	vsub.f32 v24, v25  }
0x29e: {  	vm3 =	vgt.f32 v15, v8;
	v8 =	vsub.f32 v59, v60;
	v13 =	vmax.f32 v13, $0.0e+00  }
0x29f: {  	vm5 =	vmneg vm9;
	v15 =	vsel vm6, $0xBF800000, v61;
	vm15 =	vgt.f32 v19, v9;
	v9 =	vld [tilespmem:s5+$0x14B0]  }
0x2a0: {  	vm7 =	vmand vm10, vm5;
	v18 =	vmax.f32 v18, $0.0e+00;
	v8 =	vmax.f32 v8, $0.0e+00  }
0x2a1: {  	v0 =	vsel vm7, v7, v0;
	v11 =	vsel vm7, v21, v11;
	vm3 =	vmor vm3, vm15  }
0x2a2: {  	v59 =	vld [tilespmem:s6+$0x60];
	v8 =	vmul.f32 v8, v13;
	v0 =	vsel vm5, v0, v14;
	v13 =	vmax.f32 v63, $0.0e+00  }
0x2a3: {  	v11 =	vsel vm5, v11, v12;
	v14 =	vsel vm5, v14, v7;
	v13 =	vmul.f32 v18, v13  }
0x2a4: {  	[tilespmem:s6+$0xFFFFFF80] =	vst v38;
	vm11 =	vgt.f32 v15, v14;
	v26 =	vadd.f32 v9, v32;
	v9 =	vadd.f32 v9, v33  }
0x2a5: {  	[tilespmem:s6+$0xFFFFFF90] =	vst v39;
	v12 =	vsel vm5, v12, v21;
	vm6 =	vgt.f32 v15, v0;
	vm5 =	vmneg vm11  }
0x2a6: {  	[tilespmem:s6+$0xFFFFFFA0] =	vst v40;
	vm6 =	vmand vm6, vm5;
	v19 =	vsub.f32 v26, v8;
	v9 =	vsub.f32 v9, v13  }
0x2a7: {  	[tilespmem:s6+$0xFFFFFFF0] =	vst v2;
	v2 =	vsel vm3, $0xBF800000, v59;
	v61 =	vsel vm5, v14, v15;
	v0 =	vsel vm6, v15, v0  }
0x2a8: {  	[tilespmem:s6+$0xFFFFFFE0] =	vst v1;
	v1 =	vld [tilespmem:s6+$0x70];
	vm3 =	vgt.f32 v2, v61;
	v19 =	vmax.f32 v19, $9.999999930e-09;
	v9 =	vmax.f32 v9, $9.999999930e-09  }
0x2a9: {  	[tilespmem:s6+$0xFFFFFFB0] =	vst v41;
	v0 =	vsel vm5, v0, v14;
	v60 =	vmul.f32 $5.000000000e-01, v19;
	v9 =	vmul.f32 $5.000000000e-01, v9  }
0x2aa: {  	[tilespmem:s6+$0xFFFFFFC0] =	vst v42;
	s8 =	sadd.s32 $0xFFFFFFE0, s4;
	vm3 =	vmneg vm3;
	vm14 =	vgt.f32 v2, v0  }
0x2ab: {  	[tilespmem:s6+$0xFFFFFFD0] =	vst v17;
	vm12 =	vgt.f32 v8, v60;
	v8 =	vor.u32 s8, v10;
	vm13 =	vgt.f32 v13, v9  }
0x2ac: {  	[tilespmem:s6+$0x0] =	vst v3;
	v3 =	vsel vm6, v8, v11;
	vm4 =	vmor vm12, vm13;
	vm6 =	vmand vm14, vm3  }
0x2ad: {  	s26 =	sadd.s32 $0x10, s26;
	[tilespmem:s6+$0x10] =	vst v4;
	s9 =	sadd.s32 $0xFFFFFFF0, s4;
	v4 =	vsel vm3, v61, v2;
	v0 =	vsel vm6, v2, v0;
	v1 =	vsel vm4, $0xBF800000, v1  }
0x2ae: {  	p2 =	slt.u32 s26, $0x90;
	[tilespmem:s6+$0x20] =	vst v5;
	v62 =	vor.u32 s9, v10;
	v0 =	vsel vm3, v0, v61;
	vm4 =	vgt.f32 v1, v4  }
.Ltmp6:
0x2af: {  	[tilespmem:s6+$0x30] =	vst v6;
	v3 =	vsel vm5, v3, v12;
	vm4 =	vmneg vm4;
	vm15 =	vgt.f32 v1, v0;
	(pc) =	sbr.rel @p2 .LBB2_11-.Ltmp6, $4  }
0x2b0: {  	[tilespmem:s6+$0x40] =	vst v7;
	v5 =	vsel vm5, v12, v8;
	v3 =	vsel vm6, v62, v3;
	vm5 =	vmand vm15, vm4  }
0x2b1: {  	v63 =	vor.u32 s4, v10;
	[tilespmem:s6+$0x60] =	vst v2;
	v2 =	vsel vm3, v3, v5;
	v0 =	vsel vm5, v1, v0  }
0x2b2: {  	s7 =	simm.s32 $0xA00;
	s9 =	simm.s32 $0x6F40;
	[tilespmem:s6+$0x50] =	vst v15;
	s5 =	sadd.s32 $0x100, s5;
	v5 =	vsel vm3, v5, v62;
	v2 =	vsel vm5, v63, v2;
	v0 =	vsel vm4, v0, v4  }
0x2b3: {  	s4 =	sadd.s32 $0x100, s4;
	s8 =	simm.s32 $0x8DA0;
	[tilespmem:s6+$0x70] =	vst v1;
	s6 =	sadd.s32 $0x100, s6;
	v3 =	vsel vm4, v2, v5;
	v2 =	vsel vm4, v4, v1;
	v1 =	vsel vm4, v5, v63  }
.LBB2_12:
0x2b4: {  	v4 =	vld [tilespmem:s9+$0xFFFFEBC0]  }
0x2b5: {  	v5 =	vld [tilespmem:s9+$0xFFFFF5E0]  }
0x2b6: {  	v6 =	vld [tilespmem:s9+$0x0]  }
0x2b7: {  	v7 =	vld [tilespmem:s9+$0xA20];
	_ =	sdelay $0x3  }
0x2b8: {  	v13 =	vld [tilespmem:s9+$0x1440];
	v8 =	vmin.f32 v30, v6  }
0x2b9: {  	v9 =	vmax.f32 v28, v4;
	v11 =	vmin.f32 v31, v7;
	v12 =	vmax.f32 v29, v5  }
0x2ba: {  	v6 =	vmin.f32 v36, v6;
	v4 =	vmax.f32 v34, v4;
	v7 =	vmin.f32 v37, v7  }
0x2bb: {  	v5 =	vmax.f32 v35, v5;
	v8 =	vsub.f32 v8, v9;
	v9 =	vsub.f32 v11, v12  }
0x2bc: {  	v4 =	vsub.f32 v6, v4;
	v5 =	vsub.f32 v7, v5  }
0x2bd: {  	v63 =	vadd.f32 v13, v33;
	v61 =	vmax.f32 v8, $0.0e+00  }
0x2be: {  	v62 =	vmax.f32 v9, $0.0e+00;
	v4 =	vmax.f32 v4, $0.0e+00;
	v5 =	vmax.f32 v5, $0.0e+00  }
0x2bf: {  	v6 =	vmul.f32 v62, v61;
	v4 =	vmul.f32 v5, v4;
	v5 =	vadd.f32 v13, v32;
	_ =	sdelay $0x1  }
0x2c0: {  	v5 =	vsub.f32 v5, v6;
	v7 =	vsub.f32 v63, v4;
	_ =	sdelay $0x1  }
0x2c1: {  	v8 =	vld [tilespmem:s8+$0x0];
	v5 =	vmax.f32 v5, $9.999999930e-09;
	v7 =	vmax.f32 v7, $9.999999930e-09  }
0x2c2: {  	v5 =	vmul.f32 $5.000000000e-01, v5;
	v7 =	vmul.f32 $5.000000000e-01, v7;
	_ =	sdelay $0x1  }
0x2c3: {  	vm3 =	vgt.f32 v6, v5;
	vm4 =	vgt.f32 v4, v7  }
0x2c4: {  	vm3 =	vmor vm3, vm4  }
0x2c5: {  	v4 =	vsel vm3, $0xBF800000, v8  }
0x2c6: {  	p2 =	sne.s32 s7, $0xA10;
	vm3 =	vgt.f32 v4, v2  }
.Ltmp7:
0x2c7: {  	vm15 =	vgt.f32 v4, v0;
	vm3 =	vmneg vm3;
	(pc) =	sbr.rel @p2 .LBB2_12-.Ltmp7, $4  }
0x2c8: {  	vm4 =	vmand vm15, vm3  }
0x2c9: {  	v5 =	vor.u32 s7, v10;
	v0 =	vsel vm4, v4, v0  }
0x2ca: {  	v3 =	vsel vm4, v5, v3;
	v0 =	vsel vm3, v0, v2  }
0x2cb: {  	s9 =	sadd.s32 $0x10, s9;
	s7 =	sadd.s32 $0x10, s7;
	[tilespmem:s8+$0x0] =	vst v4;
	s8 =	sadd.s32 $0x10, s8;
	v3 =	vsel vm3, v3, v1;
	v2 =	vsel vm3, v2, v4;
	v1 =	vsel vm3, v1, v5  }
0x2cc: {  	v4 =	vld [tilespmem:s14+$0x8DD0];
	_ =	sdelay $0x4  }
0x2cd: {  	(v2sf) =	vpush v4, $0x7;
	_ =	sdelay $0xd  }
0x2ce: {  	s4 =	simm.s32 $0x1  }
0x2cf: {  	s4 =	simm.s32 @!p1 $0x0;
	p1 =	slt.s32 s24, $0x12C;
	s5 =	spop (v2sf)  }
0x2d0: {  	s4 =	sadd.s32 s4, s24;
	p3 =	slt.f32 @!p1 s5, $3.000000000e+02  }
0x2d1: {  	p2 =	sgt.s32 s24, $0x12B;
	s4 =	sadd.s32 $0x1, s4  }
0x2d2: {  	s4 =	smov.u32 @p2 s24;
	p2 =	por p1, p3  }
.Ltmp8:
0x2d3: {  	_ = 	snop;
	(pc) =	sbr.rel @p2 .LBB2_10-.Ltmp8, $3  }
0x2d4: {  	_ =	sdelay $0x1  }
0x2d5: {  	s21 =	sadd.s32 $0x1, s21;
	v3 =	vpsel p1, v3, v3;
	s4 =	smov.u32 @p1 s4  }
0x2d6: {  	v1 =	vpsel p1, v1, v1;
	s21 =	smov.u32 @p1 s21;
	v4 =	vpsel p1, v0, v0;
	v0 =	vpsel p1, v2, v2;
	s24 =	smov.u32 s4  }
.Ltmp9:
0x2d7: {  	(pc) =	sbr.rel @p0 .LBB2_22-.Ltmp9, $1  }
0x2d8: {  	_ =	sdelay $0x3  }
0x2d9: {  	v0 =	vld [tilespmem:$0x8ED0]  }
0x2da: {  	v2 =	vld [tilespmem:$0x8EE0]  }
0x2db: {  	v1 =	vld [tilespmem:$0x8EF0]  }
0x2dc: {  	v3 =	vld [tilespmem:$0x8F00];
	_ =	sdelay $0x3  }
0x2dd: {  	v31 =	vperm.xlane v0, v57;
	v13 =	vperm.xlane v2, v57  }
0x2de: {  	v6 =	vimm.s32 $0x2;
	v32 =	vperm.xlane v1, v57;
	v14 =	vperm.xlane v3, v57  }
0x2df: {  	v36 =	vperm.xlane v0, v6;
	v29 =	vperm.xlane v2, v6  }
0x2e0: {  	v8 =	vimm.s32 $0x4;
	v37 =	vperm.xlane v1, v6;
	v38 =	vperm.xlane v3, v6  }
0x2e1: {  	v42 =	vperm.xlane v0, v8;
	v17 =	vperm.xlane v2, v8  }
0x2e2: {  	v6 =	vimm.s32 $0x3;
	v43 =	vperm.xlane v1, v8;
	v19 =	vperm.xlane v3, v8  }
0x2e3: {  	v39 =	vperm.xlane v0, v6;
	v4 =	vsub.f32 v32, v31;
	v5 =	vsub.f32 v14, v13  }
0x2e4: {  	v40 =	vperm.xlane v2, v6;
	v41 =	vperm.xlane v1, v6  }
0x2e5: {  	v26 =	vperm.xlane v3, v6;
	v4 =	vmax.f32 v4, $0.0e+00;
	v5 =	vmax.f32 v5, $0.0e+00  }
0x2e6: {  	v6 =	vsub.f32 v37, v36;
	v48 =	vmul.f32 v5, v4;
	v4 =	vimm.s32 $0x1  }
0x2e7: {  	v7 =	vsub.f32 v38, v29;
	v34 =	vperm.xlane v0, v4;
	v35 =	vperm.xlane v1, v4  }
0x2e8: {  	v11 =	vsub.f32 v43, v42;
	v15 =	vperm.xlane v2, v4;
	v16 =	vperm.xlane v3, v4  }
0x2e9: {  	v12 =	vsub.f32 v19, v17;
	v8 =	vsub.f32 v41, v39;
	v6 =	vmax.f32 v6, $0.0e+00  }
0x2ea: {  	v7 =	vmax.f32 v7, $0.0e+00;
	v4 =	vsub.f32 v35, v34;
	v5 =	vsub.f32 v16, v15  }
0x2eb: {  	v9 =	vsub.f32 v26, v40;
	v46 =	vmul.f32 v7, v6;
	v6 =	vmax.f32 v11, $0.0e+00  }
0x2ec: {  	v7 =	vmax.f32 v12, $0.0e+00;
	v4 =	vmax.f32 v4, $0.0e+00;
	v5 =	vmax.f32 v5, $0.0e+00  }
0x2ed: {  	v59 =	vmul.f32 v5, v4;
	v4 =	vmax.f32 v8, $0.0e+00;
	v5 =	vmax.f32 v9, $0.0e+00  }
0x2ee: {  	v9 =	vimm.s32 $0x7;
	v33 =	vmul.f32 v5, v4;
	v4 =	vmul.f32 v7, v6  }
0x2ef: {  	v5 =	vimm.s32 $0x6;
	v51 =	vperm.xlane v0, v9;
	v21 =	vperm.xlane v1, v9  }
0x2f0: {  	v24 =	vperm.xlane v0, v5;
	v25 =	vperm.xlane v1, v5  }
0x2f1: {  	v20 =	vperm.xlane v2, v5;
	v47 =	vperm.xlane v3, v5;
	[tilespmem:$0x1FF00] =	vst v4;
	v4 =	vimm.s32 $0x5  }
0x2f2: {  	v22 =	vperm.xlane v0, v4;
	v23 =	vperm.xlane v1, v4  }
0x2f3: {  	v11 =	vsub.f32 v21, v51;
	v18 =	vperm.xlane v2, v4;
	v12 =	vperm.xlane v3, v4  }
0x2f4: {  	v6 =	vsub.f32 v25, v24;
	v7 =	vsub.f32 v47, v20  }
0x2f5: {  	s4 =	simm.s32 $0x9170;
	v49 =	vperm.xlane v2, v9;
	v4 =	vsub.f32 v23, v22;
	v5 =	vsub.f32 v12, v18  }
0x2f6: {  	v8 =	vld [tilespmem:s4+$0xFFFFFED0];
	v28 =	vperm.xlane v3, v9;
	v30 =	vmax.f32 v11, $0.0e+00;
	v6 =	vmax.f32 v6, $0.0e+00  }
0x2f7: {  	v9 =	vld [tilespmem:s4+$0x130];
	v7 =	vmax.f32 v7, $0.0e+00;
	v4 =	vmax.f32 v4, $0.0e+00;
	v5 =	vmax.f32 v5, $0.0e+00  }
0x2f8: {  	v45 =	vmul.f32 v7, v6;
	v44 =	vmul.f32 v5, v4;
	v5 =	vimm.s32 $0x8  }
0x2f9: {  	v4 =	vsub.f32 v28, v49;
	v50 =	vperm.xlane v0, v5;
	v52 =	vperm.xlane v2, v5  }
0x2fa: {  	[tilespmem:$0x1FDA0] =	vst v13;
	v53 =	vperm.xlane v1, v5;
	v54 =	vperm.xlane v3, v5;
	v5 =	vimm.s32 $0x9  }
0x2fb: {  	[tilespmem:$0x1FDC0] =	vst v14;
	v6 =	vmax.f32 v4, $0.0e+00;
	v55 =	vperm.xlane v2, v5;
	v2 =	vmax.f32 v8, $0.0e+00  }
0x2fc: {  	[tilespmem:$0x1FDF0] =	vst v26;
	v4 =	vmax.f32 v9, $0.0e+00;
	v57 =	vperm.xlane v3, v5;
	v2 =	vmin.f32 v2, $1.000000000e+00  }
0x2fd: {  	[tilespmem:$0x1FDD0] =	vst v15;
	v7 =	vmin.f32 v4, $1.000000000e+00;
	v8 =	vmax.f32 v2, v17;
	v4 =	vmax.f32 v2, v55  }
0x2fe: {  	[tilespmem:$0x1FDB0] =	vst v12;
	v9 =	vmax.f32 v2, v13;
	v11 =	vmin.f32 v7, v12;
	v12 =	vmin.f32 v7, v14  }
0x2ff: {  	[tilespmem:$0x1FDE0] =	vst v16;
	v13 =	vmax.f32 v2, v15;
	v15 =	vmin.f32 v7, v57;
	v16 =	vmin.f32 v7, v16  }
0x300: {  	[tilespmem:$0x1FE10] =	vst v28;
	v3 =	vld [tilespmem:s4+$0x0];
	v26 =	vmin.f32 v7, v26;
	v27 =	vmax.f32 v2, v20;
	v28 =	vmin.f32 v7, v28  }
0x301: {  	[tilespmem:$0x1FE00] =	vst v20;
	v14 =	vld [tilespmem:s4+$0xFFFFFDA0];
	v20 =	vmul.f32 v6, v30;
	v6 =	vsub.f32 v53, v50;
	v4 =	vsub.f32 v15, v4  }
0x302: {  	[tilespmem:$0x1FE20] =	vst v40;
	v61 =	vsub.f32 v12, v9;
	v12 =	vmax.f32 v2, v40;
	v40 =	vsub.f32 v16, v13  }
0x303: {  	[tilespmem:$0x1FE40] =	vst v38;
	v15 =	vmax.f32 v2, v29;
	v16 =	vmin.f32 v7, v38;
	v38 =	vperm.xlane v0, v5  }
0x304: {  	v9 =	vsub.f32 v16, v15;
	v16 =	vmin.f32 v7, v19;
	v12 =	vsub.f32 v26, v12  }
0x305: {  	v26 =	vmin.f32 v7, v47;
	v3 =	vmax.f32 v3, $0.0e+00;
	v8 =	vsub.f32 v16, v8  }
0x306: {  	v16 =	vsub.f32 v57, v55;
	[tilespmem:$0x1FEC0] =	vst v9;
	v9 =	vsub.f32 v26, v27;
	v14 =	vmax.f32 v14, $0.0e+00  }
0x307: {  	[tilespmem:$0x1FE30] =	vst v29;
	v13 =	vmin.f32 v3, $1.000000000e+00;
	v29 =	vmin.f32 v14, $1.000000000e+00;
	v14 =	vmax.f32 v2, v18  }
0x308: {  	[tilespmem:$0x1FED0] =	vst v8;
	v3 =	vmin.f32 v13, v41;
	v8 =	vsub.f32 v11, v14;
	v11 =	vmax.f32 v2, v49  }
0x309: {  	v14 =	vsub.f32 v7, v2;
	v0 =	vmax.f32 v29, v36;
	v30 =	vmax.f32 v29, v50  }
0x30a: {  	[tilespmem:$0x1FEA0] =	vst v39;
	v26 =	vsub.f32 v28, v11;
	v11 =	vmax.f32 v29, v39;
	v39 =	vperm.xlane v1, v5  }
0x30b: {  	v11 =	vsub.f32 v3, v11;
	v3 =	vmax.f32 v2, v52;
	v2 =	vmin.f32 v7, v54  }
0x30c: {  	[tilespmem:$0x1FE90] =	vst v41;
	v7 =	vmax.f32 v6, $0.0e+00;
	v6 =	vmax.f32 v29, v31;
	v41 =	vsub.f32 v2, v3  }
0x30d: {  	[tilespmem:$0x1FEF0] =	vst v8;
	v2 =	vsub.f32 v54, v52;
	v3 =	vmin.f32 v13, v37;
	v8 =	vsub.f32 v39, v38  }
0x30e: {  	[tilespmem:$0x1FEE0] =	vst v9;
	v9 =	vsub.f32 v3, v0;
	v3 =	vmin.f32 v13, v32;
	v0 =	vmin.f32 v13, v53  }
0x30f: {  	v2 =	vmax.f32 v2, $0.0e+00;
	v28 =	vsub.f32 v0, v30;
	v30 =	vmax.f32 v29, v34  }
0x310: {  	v0 =	vmin.f32 v13, v25;
	v2 =	vmul.f32 v2, v7;
	v7 =	vsub.f32 v3, v6  }
0x311: {  	v3 =	vmax.f32 v8, $0.0e+00;
	v6 =	vmax.f32 v16, $0.0e+00;
	v16 =	vmin.f32 v13, v35  }
0x312: {  	v1 =	vld [tilespmem:$0x1FEC0];
	v8 =	vmax.f32 v29, v24;
	v3 =	vmul.f32 v6, v3;
	v30 =	vsub.f32 v16, v30  }
0x313: {  	v15 =	vsub.f32 v0, v8;
	v6 =	vmax.f32 v12, $0.0e+00;
	v8 =	vmax.f32 v11, $0.0e+00  }
0x314: {  	v11 =	vmin.f32 v13, v43;
	v12 =	vmin.f32 v13, v23;
	v0 =	vmax.f32 v29, v42  }
0x315: {  	v16 =	vmax.f32 v29, v22;
	v6 =	vmul.f32 v6, v8;
	v0 =	vsub.f32 v11, v0  }
0x316: {  	v8 =	vsub.f32 v12, v16;
	v11 =	vmax.f32 v61, $0.0e+00;
	v7 =	vmax.f32 v7, $0.0e+00  }
0x317: {  	v12 =	vsub.f32 v13, v29;
	v11 =	vmul.f32 v11, v7;
	v7 =	vmax.f32 v1, $0.0e+00;
	v1 =	vld [tilespmem:$0x1FED0]  }
0x318: {  	v9 =	vmax.f32 v9, $0.0e+00  }
0x319: {  	v16 =	vmul.f32 v7, v9;
	v7 =	vmax.f32 v14, $0.0e+00;
	v9 =	vmax.f32 v12, $0.0e+00  }
0x31a: {  	v5 =	vmul.f32 v7, v9;
	v7 =	vmax.f32 v29, v51;
	v9 =	vmin.f32 v13, v21  }
0x31b: {  	v12 =	vmax.f32 v30, $0.0e+00;
	v9 =	vsub.f32 v9, v7;
	v7 =	vmax.f32 v40, $0.0e+00  }
0x31c: {  	v0 =	vmax.f32 v0, $0.0e+00;
	v12 =	vmul.f32 v7, v12;
	v7 =	vmax.f32 v1, $0.0e+00  }
0x31d: {  	v14 =	vmul.f32 v7, v0;
	v0 =	vmax.f32 v41, $0.0e+00;
	v7 =	vmax.f32 v28, $0.0e+00  }
0x31e: {  	v7 =	vmul.f32 v0, v7;
	v0 =	vld [tilespmem:$0x1FEE0];
	_ =	sdelay $0x4  }
0x31f: {  	v28 =	vmax.f32 v0, $0.0e+00;
	v0 =	vld [tilespmem:$0x1FEF0];
	_ =	sdelay $0x3  }
0x320: {  	v15 =	vmax.f32 v15, $0.0e+00  }
0x321: {  	v8 =	vmax.f32 v8, $0.0e+00;
	v30 =	vadd.f32 v48, v5;
	v0 =	vmax.f32 v0, $0.0e+00  }
0x322: {  	v27 =	vmovc v54;
	v0 =	vmul.f32 v0, v8;
	v8 =	vmul.f32 v28, v15;
	v15 =	vadd.f32 v33, v5  }
0x323: {  	v54 =	vmovc v25;
	v25 =	vmovc v22;
	v22 =	vadd.f32 v59, v5;
	v9 =	vmax.f32 v9, $0.0e+00;
	v30 =	vsub.f32 v30, v11  }
0x324: {  	v28 =	vmax.f32 v26, $0.0e+00;
	v1 =	vsub.f32 v15, v6;
	v15 =	vadd.f32 v44, v5  }
0x325: {  	v9 =	vmul.f32 v28, v9;
	v28 =	vmax.f32 v30, $9.999999930e-09;
	v30 =	vsub.f32 v22, v12  }
0x326: {  	[tilespmem:$0x1FD90] =	vst v17;
	(erf) = vrcp.f32 v28;
	v15 =	vsub.f32 v15, v0;
	v28 =	vmax.f32 v1, $9.999999930e-09  }
0x327: {  	[tilespmem:$0x1FE50] =	vst v19;
	(erf) = vrcp.f32 v28;
	v28 =	vmax.f32 v30, $9.999999930e-09  }
0x328: {  	[tilespmem:$0x1FE80] =	vst v49;
	(erf) = vrcp.f32 v28;
	v15 =	vmax.f32 v15, $9.999999930e-09  }
0x329: {  	v56 =	vmovc v36;
	v58 =	vmov v37;
	[tilespmem:$0x1FE60] =	vst v47;
	(erf) = vrcp.f32 v15;
	v15 =	vmin.f32 v13, v39;
	v13 =	vld [tilespmem:$0x1FF00]  }
0x32a: {  	[tilespmem:$0x1FE70] =	vst v18;
	v63 =	vmovc v50;
	v62 =	vmovc v55;
	v60 =	vmov v57;
	v17 =	vmov v42;
	v30 =	vadd.f32 v46, v5  }
0x32b: {  	[tilespmem:$0x1FEB0] =	vst v52;
	v47 =	vmovc v31;
	v19 =	vmovc v43;
	v57 =	vmov v53;
	v55 =	vmov v51;
	v28 =	vadd.f32 v20, v5  }
0x32c: {  	v18 =	vmovc v23;
	v49 =	vmovc v32;
	v50 =	vmov v24;
	v31 =	vmax.f32 v29, v38;
	v29 =	vsub.f32 v30, v16  }
0x32d: {  	v61 =	vmovc v21;
	v21 =	vmovc v59;
	v59 =	vmov v44;
	v44 =	vsub.f32 v28, v9;
	v28 =	vadd.f32 v2, v5  }
0x32e: {  	v52 =	vmovc v34;
	v29 =	vmax.f32 v29, $9.999999930e-09;
	v24 =	vmovc v13;
	v30 =	vadd.f32 v13, v5;
	v13 =	vadd.f32 v45, v5  }
0x32f: {  	v53 =	vmovc v35;
	v22 =	vmovc v46;
	v31 =	vsub.f32 v15, v31;
	(erf) = vrcp.f32 v29;
	v46 =	vsub.f32 v28, v7  }
0x330: {  	s5 =	simm.s32 $0x0;
	v23 =	vmovc v33;
	v51 =	vmovc v48;
	v29 =	vsub.f32 v30, v14;
	v15 =	vsub.f32 v13, v8;
	v13 =	vmax.f32 v44, $9.999999930e-09  }
0x331: {  	s26 =	simm.s32 $0x9500;
	s7 =	simm.s32 $0x93D0;
	s8 =	simm.s32 $0x10;
	v48 =	vmovc v39;
	v26 =	vmovc v20;
	v28 =	vadd.f32 v3, v5;
	(erf) = vrcp.f32 v13;
	v13 =	vmax.f32 v31, $0.0e+00  }
0x332: {  	s24 =	simm.s32 $0x0;
	s6 =	simm.s32 $0x93D0;
	s21 =	simm.s32 $0x9500;
	v1 =	vmovc v38;
	v20 =	vmovc v45;
	v30 =	vmax.f32 v29, $9.999999930e-09;
	v29 =	vmax.f32 v15, $9.999999930e-09;
	v15 =	vmax.f32 v46, $9.999999930e-09  }
.LBB2_16:
0x333: {  	_ =	sdelay $0x1  }
0x334: {  	(erf) = vrcp.f32 v30  }
0x335: {  	v5 =	vpop (erf)  }
0x336: {  	v5 =	vmul.f32 v5, v11;
	v11 =	vpop (erf)  }
0x337: {  	v4 =	vmax.f32 v4, $0.0e+00;
	v30 =	vpop (erf)  }
0x338: {  	vm3 =	vgt.f32 v5, $-1.000000000e+00;
	v12 =	vmul.f32 v30, v12;
	v30 =	vpop (erf);
	(erf) = vrcp.f32 v29  }
0x339: {  	v4 =	vmul.f32 v4, v13;
	v5 =	vnsel vm3, $0xBF800000, v5;
	v13 =	vpop (erf)  }
0x33a: {  	vm3 =	vgt.f32 v12, v5;
	v13 =	vmul.f32 v13, v16  }
0x33b: {  	v6 =	vmul.f32 v11, v6;
	v11 =	vsub.f32 v28, v4;
	v5 =	vsel vm3, v12, v5  }
0x33c: {  	v16 =	vpop (erf);
	(erf) = vrcp.f32 v15;
	vm4 =	vgt.f32 v13, v5  }
0x33d: {  	v11 =	vmax.f32 v11, $9.999999930e-09;
	v12 =	vpop (erf);
	v5 =	vsel vm4, v13, v5  }
0x33e: {  	(erf) = vrcp.f32 v11;
	v12 =	vmul.f32 v12, v14;
	vm5 =	vgt.f32 v6, v5  }
0x33f: {  	v5 =	vsel vm5, v6, v5  }
0x340: {  	v0 =	vmul.f32 v30, v0;
	vm6 =	vgt.f32 v12, v5  }
0x341: {  	v5 =	vsel vm6, v12, v5;
	v6 =	vpop (erf)  }
0x342: {  	vm7 =	vgt.f32 v0, v5;
	v11 =	vmul.f32 v6, v8  }
0x343: {  	v0 =	vsel vm7, v0, v5  }
0x344: {  	v13 =	vimm.s32 $0x0;
	v5 =	vmul.f32 v16, v9;
	vm8 =	vgt.f32 v11, v0  }
0x345: {  	v12 =	vsel vm3, $0x1, v13;
	v6 =	vpop (erf);
	v0 =	vsel vm8, v11, v0  }
0x346: {  	v9 =	vsel vm4, $0x2, v12;
	v6 =	vmul.f32 v6, v7;
	vm3 =	vgt.f32 v5, v0  }
0x347: {  	v7 =	vsel vm5, $0x3, v9;
	v8 =	vpop (erf);
	v0 =	vsel vm3, v5, v0;
	v5 =	vmul.u32 $0xFFFFFFFF, v10  }
0x348: {  	v7 =	vsel vm6, $0x4, v7;
	v4 =	vmul.f32 v8, v4;
	vm14 =	vgt.f32 v6, v0  }
0x349: {  	v32 =	vld [tilespmem:$0x1FE10];
	v7 =	vsel vm7, $0x5, v7;
	v0 =	vsel vm14, v6, v0;
	v5 =	vadd.s32 $0x12C, v5  }
0x34a: {  	v28 =	vld [tilespmem:$0x1FDE0];
	v6 =	vsel vm8, $0x6, v7;
	v7 =	vmov s24;
	vm15 =	vgt.f32 v4, v0  }
0x34b: {  	v29 =	vld [tilespmem:$0x1FDF0];
	v6 =	vsel vm3, $0x7, v6;
	vm3 =	vlt.u32 v7, v5;
	v0 =	vsel vm15, v4, v0  }
0x34c: {  	v13 =	vld [tilespmem:$0x1FDC0];
	v4 =	vsel vm14, $0x8, v6;
	v0 =	vnsel vm3, $0xC0000000, v0  }
0x34d: {  	v12 =	vld [tilespmem:$0x1FEB0];
	v4 =	vsel vm15, $0x9, v4;
	[tilespmem:s6+$0x0] =	vst v0  }
0x34e: {  	s4 =	sadd.s32 $0x10, s4;
	v9 =	vld [tilespmem:$0x1FDA0];
	[tilespmem:s21+$0x0] =	vst v4  }
0x34f: {  	v0 =	vld [tilespmem:s4+$0xFFFFFED0]  }
0x350: {  	v4 =	vld [tilespmem:s4+$0x130]  }
0x351: {  	v16 =	vld [tilespmem:s4+$0xFFFFFDA0]  }
0x352: {  	v6 =	vld [tilespmem:s4+$0x0]  }
0x353: {  	v11 =	vld [tilespmem:$0x1FDB0]  }
0x354: {  	v14 =	vld [tilespmem:$0x1FDD0]  }
0x355: {  	v30 =	vld [tilespmem:$0x1FE00];
	v0 =	vmax.f32 v0, $0.0e+00;
	v4 =	vmax.f32 v4, $0.0e+00  }
0x356: {  	v16 =	vmax.f32 v16, $0.0e+00;
	v0 =	vmin.f32 v0, $1.000000000e+00;
	v7 =	vmin.f32 v4, $1.000000000e+00;
	v4 =	vld [tilespmem:$0x1FD90]  }
0x357: {  	v33 =	vld [tilespmem:$0x1FE70];
	v6 =	vmax.f32 v6, $0.0e+00;
	v16 =	vmin.f32 v16, $1.000000000e+00;
	v9 =	vmax.f32 v0, v9  }
0x358: {  	v39 =	vld [tilespmem:$0x1FEA0];
	v11 =	vmin.f32 v7, v11;
	v12 =	vmax.f32 v0, v12;
	v13 =	vmin.f32 v7, v13  }
0x359: {  	v14 =	vmax.f32 v0, v14;
	v15 =	vmin.f32 v7, v60;
	v28 =	vmin.f32 v7, v28  }
0x35a: {  	v29 =	vmin.f32 v7, v29;
	v30 =	vmax.f32 v0, v30;
	v31 =	vsub.f32 v7, v0  }
0x35b: {  	v14 =	vsub.f32 v28, v14;
	v28 =	vld [tilespmem:$0x1FE40];
	v8 =	vmax.f32 v0, v4;
	v4 =	vmax.f32 v0, v62  }
0x35c: {  	v32 =	vmin.f32 v7, v32;
	v33 =	vmax.f32 v0, v33;
	v4 =	vsub.f32 v15, v4;
	v15 =	vld [tilespmem:$0x1FE30]  }
0x35d: {  	v34 =	vmax.f32 v16, v63;
	v38 =	vmax.f32 v16, v52;
	v39 =	vmax.f32 v16, v39  }
0x35e: {  	v42 =	vmax.f32 v16, v47;
	v43 =	vmax.f32 v16, v25;
	v9 =	vsub.f32 v13, v9;
	v13 =	vld [tilespmem:$0x1FE20]  }
0x35f: {  	v11 =	vsub.f32 v11, v33;
	v33 =	vmin.f32 v6, $1.000000000e+00;
	v6 =	vld [tilespmem:$0x1FE90];
	v31 =	vmax.f32 v31, $0.0e+00  }
0x360: {  	v36 =	vmin.f32 v33, v53;
	v37 =	vmin.f32 v33, v48;
	v40 =	vmin.f32 v33, v19  }
0x361: {  	v41 =	vmin.f32 v33, v18;
	v28 =	vmin.f32 v7, v28;
	v15 =	vmax.f32 v0, v15  }
0x362: {  	v44 =	vmin.f32 v33, v58;
	v45 =	vmin.f32 v33, v61;
	v15 =	vsub.f32 v28, v15;
	v28 =	vld [tilespmem:$0x1FE50]  }
0x363: {  	v46 =	vmin.f32 v33, v57;
	v9 =	vmax.f32 v9, $0.0e+00;
	v13 =	vmax.f32 v0, v13  }
0x364: {  	v36 =	vsub.f32 v36, v38;
	v6 =	vmin.f32 v33, v6;
	v13 =	vsub.f32 v29, v13;
	v29 =	vld [tilespmem:$0x1FE60]  }
0x365: {  	v14 =	vmax.f32 v14, $0.0e+00;
	v35 =	vmax.f32 v11, $0.0e+00;
	v6 =	vsub.f32 v6, v39  }
0x366: {  	v11 =	vmax.f32 v16, v50;
	v36 =	vmax.f32 v36, $0.0e+00;
	v39 =	vmin.f32 v33, v49  }
0x367: {  	v13 =	vmax.f32 v13, $0.0e+00;
	v6 =	vmax.f32 v6, $0.0e+00;
	v28 =	vmin.f32 v7, v28  }
0x368: {  	v6 =	vmul.f32 v13, v6;
	v13 =	vsub.f32 v46, v34;
	v8 =	vsub.f32 v28, v8;
	v28 =	vld [tilespmem:$0x1FE80]  }
0x369: {  	v46 =	vsub.f32 v39, v42;
	v29 =	vmin.f32 v7, v29;
	v15 =	vmax.f32 v15, $0.0e+00  }
0x36a: {  	v29 =	vsub.f32 v29, v30;
	v30 =	vmax.f32 v16, v1;
	v7 =	vmin.f32 v7, v27  }
0x36b: {  	v7 =	vsub.f32 v7, v12;
	v12 =	vsub.f32 v33, v16;
	v33 =	vmin.f32 v33, v54  }
0x36c: {  	v29 =	vmax.f32 v29, $0.0e+00;
	v33 =	vsub.f32 v33, v11;
	v8 =	vmax.f32 v8, $0.0e+00  }
0x36d: {  	v7 =	vmax.f32 v7, $0.0e+00;
	v12 =	vmax.f32 v12, $0.0e+00;
	v0 =	vmax.f32 v0, v28  }
0x36e: {  	v33 =	vmax.f32 v33, $0.0e+00;
	v0 =	vsub.f32 v32, v0;
	v32 =	vmax.f32 v16, v56  }
0x36f: {  	v28 =	vmax.f32 v16, v55;
	v16 =	vmax.f32 v16, v17;
	v32 =	vsub.f32 v44, v32  }
0x370: {  	v28 =	vsub.f32 v45, v28;
	v42 =	vsub.f32 v40, v16;
	v44 =	vmax.f32 v0, $0.0e+00  }
0x371: {  	v0 =	vmax.f32 v46, $0.0e+00;
	v46 =	vsub.f32 v41, v43;
	v16 =	vmax.f32 v32, $0.0e+00  }
0x372: {  	v11 =	vmul.f32 v9, v0;
	v0 =	vsub.f32 v37, v30;
	v16 =	vmul.f32 v15, v16  }
0x373: {  	v9 =	vmax.f32 v42, $0.0e+00;
	v15 =	vmul.f32 v31, v12;
	v12 =	vmul.f32 v14, v36  }
0x374: {  	v14 =	vmul.f32 v8, v9;
	v8 =	vmax.f32 v13, $0.0e+00;
	v30 =	vmax.f32 v46, $0.0e+00  }
0x375: {  	v7 =	vmul.f32 v7, v8;
	v13 =	vmax.f32 v0, $0.0e+00;
	v9 =	vadd.f32 v51, v15  }
0x376: {  	v0 =	vmul.f32 v35, v30;
	v31 =	vadd.f32 v2, v15;
	v40 =	vadd.f32 v24, v15  }
0x377: {  	v8 =	vmul.f32 v29, v33;
	v41 =	vadd.f32 v59, v15;
	v29 =	vadd.f32 v26, v15  }
0x378: {  	v42 =	vadd.f32 v23, v15;
	v9 =	vsub.f32 v9, v11  }
0x379: {  	v43 =	vadd.f32 v22, v15;
	v34 =	vsub.f32 v41, v0  }
0x37a: {  	v33 =	vsub.f32 v42, v6;
	v30 =	vmax.f32 v9, $9.999999930e-09;
	v9 =	vadd.f32 v21, v15  }
0x37b: {  	v28 =	vmax.f32 v28, $0.0e+00;
	v32 =	vsub.f32 v40, v14;
	v31 =	vsub.f32 v31, v7  }
0x37c: {  	v34 =	vmax.f32 v34, $9.999999930e-09;
	v33 =	vmax.f32 v33, $9.999999930e-09;
	v36 =	vsub.f32 v9, v12  }
0x37d: {  	p1 =	sne.s32 s8, $0x120;
	(erf) = vrcp.f32 v30;
	v9 =	vmul.f32 v44, v28;
	v28 =	vsub.f32 v43, v16  }
.Ltmp10:
0x37e: {  	v44 =	vadd.f32 v20, v15;
	(erf) = vrcp.f32 v33;
	v36 =	vmax.f32 v36, $9.999999930e-09;
	(pc) =	sbr.rel @p1 .LBB2_16-.Ltmp10, $4  }
0x37f: {  	v45 =	vmax.f32 v28, $9.999999930e-09;
	v28 =	vsub.f32 v29, v9;
	(erf) = vrcp.f32 v36  }
0x380: {  	s26 =	sadd.s32 $0x10, s26;
	v30 =	vmax.f32 v32, $9.999999930e-09;
	v29 =	vsub.f32 v44, v8;
	(erf) = vrcp.f32 v34  }
0x381: {  	s7 =	sadd.s32 $0x10, s7;
	s9 =	smov.u32 s8;
	s8 =	sadd.s32 $0x10, s8;
	v46 =	vmax.f32 v28, $9.999999930e-09;
	v28 =	vadd.f32 v3, v15;
	(erf) = vrcp.f32 v45  }
0x382: {  	s24 =	smov.u32 s9;
	s6 =	smov.u32 s7;
	s21 =	smov.u32 s26;
	v29 =	vmax.f32 v29, $9.999999930e-09;
	v15 =	vmax.f32 v31, $9.999999930e-09;
	(erf) = vrcp.f32 v46  }
0x383: {  	_ =	sdelay $0x1  }
0x384: {  	(erf) = vrcp.f32 v30  }
0x385: {  	v1 =	vpop (erf)  }
0x386: {  	v1 =	vmul.f32 v1, v11;
	v2 =	vpop (erf)  }
0x387: {  	v3 =	vmax.f32 v4, $0.0e+00;
	v4 =	vpop (erf)  }
0x388: {  	(erf) = vrcp.f32 v29;
	vm3 =	vgt.f32 v1, $-1.000000000e+00;
	v4 =	vmul.f32 v4, v12;
	v11 =	vpop (erf)  }
0x389: {  	v3 =	vmul.f32 v3, v13;
	v1 =	vnsel vm3, $0xBF800000, v1;
	v56 =	vpop (erf)  }
0x38a: {  	vm3 =	vgt.f32 v4, v1;
	v12 =	vmul.f32 v56, v16  }
0x38b: {  	v1 =	vsel vm3, v4, v1;
	v4 =	vsub.f32 v28, v3  }
0x38c: {  	(erf) = vrcp.f32 v15;
	v2 =	vmul.f32 v2, v6;
	v57 =	vpop (erf);
	vm4 =	vgt.f32 v12, v1  }
0x38d: {  	v6 =	vpop (erf);
	v1 =	vsel vm4, v12, v1;
	v4 =	vmax.f32 v4, $9.999999930e-09  }
0x38e: {  	v6 =	vmul.f32 v6, v14;
	vm5 =	vgt.f32 v2, v1;
	(erf) = vrcp.f32 v4  }
0x38f: {  	v1 =	vsel vm5, v2, v1  }
0x390: {  	v43 =	vld [tilespmem:$0x1FF10];
	v0 =	vmul.f32 v11, v0;
	vm6 =	vgt.f32 v6, v1  }
0x391: {  	v44 =	vld [tilespmem:$0x1FF20];
	v58 =	vpop (erf);
	v1 =	vsel vm6, v6, v1  }
0x392: {  	v45 =	vld [tilespmem:$0x1FF30];
	v2 =	vmul.f32 v58, v8;
	vm7 =	vgt.f32 v0, v1  }
0x393: {  	v46 =	vld [tilespmem:$0x1FF40];
	v0 =	vsel vm7, v0, v1  }
0x394: {  	v47 =	vld [tilespmem:$0x1FF50];
	v59 =	vmul.f32 v57, v9;
	v4 =	vimm.s32 $0x0;
	vm8 =	vgt.f32 v2, v0  }
0x395: {  	v48 =	vld [tilespmem:$0x1FF60];
	v4 =	vsel vm3, $0x1, v4;
	v60 =	vpop (erf);
	v0 =	vsel vm8, v2, v0  }
0x396: {  	v49 =	vld [tilespmem:$0x1FF70];
	v4 =	vsel vm4, $0x2, v4;
	v2 =	vmul.f32 v60, v7;
	vm3 =	vgt.f32 v59, v0  }
0x397: {  	v50 =	vld [tilespmem:$0x1FF80];
	v4 =	vsel vm5, $0x3, v4;
	v0 =	vsel vm3, v59, v0;
	v61 =	vpop (erf)  }
0x398: {  	v51 =	vld [tilespmem:$0x1FF90];
	v4 =	vsel vm6, $0x4, v4;
	vm14 =	vgt.f32 v2, v0;
	v1 =	vmul.f32 v61, v3  }
0x399: {  	v52 =	vld [tilespmem:$0x1FFA0];
	v3 =	vsel vm7, $0x5, v4;
	v0 =	vsel vm14, v2, v0  }
0x39a: {  	v53 =	vld [tilespmem:$0x1FFB0];
	v62 =	vsel vm8, $0x6, v3;
	v3 =	vmov s24;
	vm15 =	vgt.f32 v1, v0  }
0x39b: {  	v54 =	vld [tilespmem:$0x1FFC0];
	v2 =	vsel vm3, $0x7, v62;
	vm3 =	vlt.u32 v3, v5;
	v0 =	vsel vm15, v1, v0  }
0x39c: {  	v55 =	vld [tilespmem:$0x1FFD0];
	v63 =	vsel vm14, $0x8, v2;
	v0 =	vnsel vm3, $0xC0000000, v0  }
0x39d: {  	v56 =	vld [tilespmem:$0x1FFE0];
	v1 =	vsel vm15, $0x9, v63;
	[tilespmem:s6+$0x0] =	vst v0  }
0x39e: {  	v57 =	vimm.s32 $0x0;
	v58 =	vimm.f32 $-1.000000000e+00;
	v59 =	vld [tilespmem:$0x1FFF0];
	v5 =	vimm.f32 $-3.000000000e+00;
	[tilespmem:s21+$0x0] =	vst v1  }
.LBB2_18:
0x39f: {  	s4 =	simm.s32 $0x93D0  }
0x3a0: {  	v1 =	vld [tilespmem:s4+$0x0];
	_ =	sdelay $0x3  }
0x3a1: {  	v2 =	vimm.f32 $-Inf;
	s6 =	simm.s32 $0x0  }
0x3a2: {  	v0 =	vimm.s32 $0x0;
	s4 =	simm.s32 $0x10;
	v3 =	vor.u32 s6, v10;
	s6 =	simm.s32 $0x93E0;
	vm3 =	vgt.f32 v1, v2  }
.LBB2_19:
0x3a3: {  	p1 =	sne.s32 s4, $0x120;
	v2 =	vsel vm3, v1, v2;
	v1 =	vld [tilespmem:s6+$0x0];
	v0 =	vsel vm3, v3, v0;
	s7 =	smov.u32 s4;
	s4 =	sadd.s32 $0x10, s4  }
.Ltmp11:
0x3a4: {  	(pc) =	sbr.rel @p1 .LBB2_19-.Ltmp11, $2  }
0x3a5: {  	_ =	sdelay $0x2  }
0x3a6: {  	s6 =	sadd.s32 $0x10, s6;
	v3 =	vor.u32 s7, v10;
	vm3 =	vgt.f32 v1, v2  }
0x3a7: {  	v1 =	vsel vm3, v1, v2  }
0x3a8: {  	v2 =	vperm.xlane v1, v52;
	_ =	sdelay $0x1  }
0x3a9: {  	v2 =	vmax.f32 v1, v2  }
0x3aa: {  	v4 =	vperm.xlane v2, v53;
	_ =	sdelay $0x1  }
0x3ab: {  	v2 =	vmax.f32 v2, v4  }
0x3ac: {  	v4 =	vperm.xlane v2, v54;
	_ =	sdelay $0x1  }
0x3ad: {  	v2 =	vmax.f32 v2, v4  }
0x3ae: {  	v4 =	vperm.xlane v2, v55;
	_ =	sdelay $0x1  }
0x3af: {  	v2 =	vmax.f32 v2, v4  }
0x3b0: {  	v0 =	vsel vm3, v3, v0;
	vm3 =	veq.f32 v1, v2  }
0x3b1: {  	v0 =	vnsel vm3, $0x40000000, v0  }
0x3b2: {  	v61 =	vperm.xlane v0, v52;
	_ =	sdelay $0x1  }
0x3b3: {  	vm3 =	vlt.s32 v0, v61  }
0x3b4: {  	v0 =	vsel vm3, v0, v61  }
0x3b5: {  	v1 =	vperm.xlane v0, v53;
	_ =	sdelay $0x1  }
0x3b6: {  	vm3 =	vlt.s32 v0, v1  }
0x3b7: {  	v0 =	vsel vm3, v0, v1  }
0x3b8: {  	v1 =	vperm.xlane v0, v54;
	_ =	sdelay $0x1  }
0x3b9: {  	vm3 =	vlt.s32 v0, v1  }
0x3ba: {  	v0 =	vsel vm3, v0, v1  }
0x3bb: {  	v1 =	vperm.xlane v0, v55;
	_ =	sdelay $0x1  }
0x3bc: {  	vm3 =	vlt.s32 v0, v1  }
0x3bd: {  	v0 =	vsel vm3, v0, v1  }
0x3be: {  	v1 =	vadd.s32 v59, v0;
	_ =	sdelay $0x4  }
0x3bf: {  	v1 =	vld.idx.msk [tilespmem:v1+s1+$0x0], $0xffff  }
0x3c0: {  	s4 =	sshll.u32 s5, $0x2  }
0x3c1: {  	v62 =	vadd.s32 s4, v10;
	_ =	sdelay $0x2  }
0x3c2: {  	v1 =	vmax.f32 v1, $0.0e+00  }
0x3c3: {  	v1 =	vmin.f32 v1, $1.000000000e+00  }
0x3c4: {  	[tilespmem:v62+s0+$0x0] =	vst.idx.msk $0xf, v1  }
0x3c5: {  	v63 =	vmov s5;
	s5 =	sadd.s32 $0x1, s5;
	v1 =	vld.idx.msk [tilespmem:v0+s15+$0x0], $0xffff  }
0x3c6: {  	p1 =	sne.s32 s5, $0x20  }
.Ltmp12:
0x3c7: {  	_ = 	snop;
	(pc) =	sbr.rel @p1 .LBB2_18-.Ltmp12, $3  }
0x3c8: {  	_ =	sdelay $0x1  }
0x3c9: {  	[tilespmem:v63+s16+$0x0] =	vst.idx.msk $0x1, v1  }
0x3ca: {  	[tilespmem:v0+s19+$0x0] =	vst.idx.msk $0x1, v5  }
0x3cb: {  	s4 =	rddreg [dreg:$0xb]  }
0x3cc: {  	[hbm4b:s4+s3] =	stream.linear.scatter [tilespmem:s0], [sflag:$0x1], $0x80, $0x38;
	[tilespmem:$0x96F0] =	vst v63  }
0x3cd: {  	_ =	swait.ge [sflag:s18], $0x80  }
0x3ce: {  	[sflag:s18] =	ssyncset.done $0x0  }
.Ltmp13:
0x3cf: {  	s26 =	rddreg [dreg:$0xc];
	[sflag:s18] =	ssyncadd.s32 $0xFFFFFF80;
	(pc) =	sbr.rel .LBB2_22-.Ltmp13, $4  }
0x3d0: {  	[hbm4b:s26+s3] =	stream.linear.scatter [tilespmem:s16], [sflag:$0x1], $0x20, $0x38;
	[tilespmem:$0x96F0] =	vst v63  }
0x3d1: {  	_ =	swait.ge [sflag:s18], $0x20  }
0x3d2: {  	[sflag:s18] =	ssyncset.done $0x0  }
0x3d3: {  	[sflag:s18] =	ssyncadd.s32 $0xFFFFFFE0  }
.LBB2_23:
0x3d4: {  	_ =	sfence.sel $0x180000  }
0x3d5: {  	[bflag:$0x0] =	sbarrier.arrive $0xFFFF  }
0x3d6: {  	_ =	strace $0x90000047  }
0x3d7: {  	s0 =	stileid.u32;
	[bflag:$0x2] =	sbarrier.arrive $0xFFFF  }
0x3d8: {  	p0 =	sne.s32 s0, $0x0;
	s0 =	rddreg [dreg:$0x4]  }
0x3d9: {  	s0 =	sadd.s32 @!p0 $0x100000, s0  }
0x3da: {  	[sflag:s0] =	ssyncadd.tile.s32 @!p0 $0x1;
	_ =	shalt  }
.Lfunc_end2:
_tile_overlayer_lowered:
.L_overlay_start_2:
0x3db: {  	(tag) =	ssettag $0x2  }
0x3dc: {  	s0 =	rddreg [dreg:$0x0];
	s2 =	stileid.u32  }
0x3dd: {  	s1 =	rddreg [dreg:$0x1];
	p0 =	sne.s32 s2, $0x0  }
0x3de: {  	s3 =	rddreg [dreg:$0x2];
	[bflag:$0x3] =	sbarrier.arrive $0xFFFF;
	s2 =	simm.s32 @!p0 $0x1C01  }
0x3df: {  	[timem:s3], [sflag:s2] =	dma.local @!p0 [hbm:s0], s1  }
0x3e0: {  	s0 =	simm.s32 @!p0 $0x1  }
0x3e1: {  	_ =	swait.ge @!p0 [sflag:s0], s1  }
0x3e2: {  	s1 =	ssub.s32 @!p0 $0x0, s1;
	[sflag:s0] =	ssyncset.done @!p0 $0x0  }
0x3e3: {  	[sflag:s0] =	ssyncadd.s32 @!p0 s1  }
0x3e4: {  	[bflag:$0x3] =	sbarrier.arrive $0xFFFF  }
0x3e5: {  	_ =	shalt  }

</sc_bundles>
